<compile_context>
chip_gen: v7x
topology: tpu7x:2x2x1
jax: 0.10.2.dev20260603
libtpu: 0.0.44.dev20260713+nightly
codegen_flags: <defaults>
</compile_context>

<pallas_src>
import jax
import jax.numpy as jnp
from jax import lax
from jax.experimental import pallas as pl
from jax.experimental.pallas import tpu as pltpu
from jax.experimental.pallas import tpu_sc as plsc

N = 10000
E = 160000
DIN = 256
DH = 512
DL = 128
HF = 128
NT = 16
EPT = E // NT
K = 80
NCH = EPT // K
NST = 5
GCH = NCH // NST
RSTRIDE = 624
RCOPY = 640

BM = 400
NBLK = N // BM

_sc_mesh = plsc.VectorSubcoreMesh(core_axis_name="c", subcore_axis_name="s")


def _seg_body(tab, sidx, dstr, zf, agg,
              src2, dst2, buf0, buf1, buf2, acc,
              gsem0, gsem1, gsem2, ssem0, ssem1, ssem2):
    cid = lax.axis_index("c")
    sid = lax.axis_index("s")
    rbase = sid * RSTRIDE

    def striped_copy(src_ref, dst_ref, dst_off=0):
        pltpu.sync_copy(src_ref.at[pl.ds(rbase, RCOPY)],
                        dst_ref.at[pl.ds(dst_off + rbase, RCOPY)])

    striped_copy(zf, acc)
    plsc.subcore_barrier()

    bufs = (buf0, buf1, buf2)
    gsems = (gsem0, gsem1, gsem2)
    ssems = (ssem0, ssem1, ssem2)

    def g_start(j, b):
        pltpu.async_copy(tab.at[src2.at[j]], bufs[b], gsems[b])

    def g_wait(b):
        pltpu.make_async_copy(tab.at[src2.at[0]], bufs[b], gsems[b]).wait()

    def s_start(j, b):
        pltpu.async_copy(bufs[b], acc.at[dst2.at[j]], ssems[b], add=True)

    def s_wait(b):
        pltpu.make_async_copy(bufs[b], acc.at[dst2.at[0]], ssems[b]).wait()

    def stage(st, carry):
        pltpu.sync_copy(sidx.at[(cid * NT + sid) * NST + st], src2)
        pltpu.sync_copy(dstr.at[sid * NST + st], dst2)
        g_start(0, 0)
        g_start(1, 1)
        g_wait(0); s_start(0, 0)
        g_start(2, 2)
        g_wait(1); s_start(1, 1)
        s_wait(0); g_start(3, 0)
        g_wait(2); s_start(2, 2)
        s_wait(1); g_start(4, 1)

        def triple(t, carry2):
            g_wait(0); s_start(3 * t, 0)
            s_wait(2); g_start(3 * t + 2, 2)
            g_wait(1); s_start(3 * t + 1, 1)
            s_wait(0); g_start(3 * t + 3, 0)
            g_wait(2); s_start(3 * t + 2, 2)
            s_wait(1); g_start(3 * t + 4, 1)
            return carry2

        lax.fori_loop(1, (GCH - 4) // 3, triple, 0)
        e = GCH - 4
        g_wait(0); s_start(e, 0)
        s_wait(2); g_start(e + 2, 2)
        g_wait(1); s_start(e + 1, 1)
        s_wait(0); g_start(e + 3, 0)
        g_wait(2); s_start(e + 2, 2)
        s_wait(1)
        g_wait(0); s_start(e + 3, 0)
        s_wait(2)
        s_wait(0)
        return carry

    lax.fori_loop(0, NST, stage, 0)
    plsc.subcore_barrier()

    striped_copy(acc, agg, dst_off=cid * N)


_seg = pl.kernel(
    _seg_body,
    mesh=_sc_mesh,
    out_type=[jax.ShapeDtypeStruct((2 * N, HF), jnp.float32)],
    scratch_types=[
        pltpu.VMEM((GCH, K), jnp.int32),
        pltpu.VMEM((GCH, K), jnp.int32),
        pltpu.VMEM((K, HF), jnp.float32),
        pltpu.VMEM((K, HF), jnp.float32),
        pltpu.VMEM((K, HF), jnp.float32),
        pltpu.VMEM_SHARED((N, HF), jnp.float32),
        pltpu.SemaphoreType.DMA,
        pltpu.SemaphoreType.DMA,
        pltpu.SemaphoreType.DMA,
        pltpu.SemaphoreType.DMA,
        pltpu.SemaphoreType.DMA,
        pltpu.SemaphoreType.DMA,
    ],
)

KD = 125
DCH = E // 2 // NT // KD


def _deg_body(dstr, ones_h, zf, deg, dst2, ones_v, dacc, gsem):
    cid = lax.axis_index("c")
    sid = lax.axis_index("s")
    rbase = sid * RSTRIDE

    def striped_copy(src_ref, dst_ref, dst_off=0):
        pltpu.sync_copy(src_ref.at[pl.ds(rbase, RCOPY)],
                        dst_ref.at[pl.ds(dst_off + rbase, RCOPY)])

    striped_copy(zf, dacc)
    pltpu.sync_copy(ones_h, ones_v)
    pltpu.sync_copy(dstr.at[cid * NT + sid], dst2)
    plsc.subcore_barrier()

    def s_start(j):
        pltpu.async_copy(ones_v, dacc.at[dst2.at[j]], gsem, add=True)

    def s_wait():
        pltpu.make_async_copy(ones_v, dacc.at[dst2.at[0]], gsem).wait()

    for j in range(4):
        s_start(j)

    def chunk(j, carry):
        s_start(j + 4)
        s_wait()
        return carry

    lax.fori_loop(0, DCH - 4, chunk, 0)
    for _ in range(4):
        s_wait()
    plsc.subcore_barrier()
    striped_copy(dacc, deg, dst_off=cid * N)


_deg_kernel = pl.kernel(
    _deg_body,
    mesh=_sc_mesh,
    out_type=[jax.ShapeDtypeStruct((2 * N, HF), jnp.float32)],
    scratch_types=[
        pltpu.VMEM((DCH, KD), jnp.int32),
        pltpu.VMEM((KD, HF), jnp.float32),
        pltpu.VMEM_SHARED((N, HF), jnp.float32),
        pltpu.SemaphoreType.DMA,
    ],
)


def _dot_t(a, w):
    return lax.dot_general(a, w, (((1,), (1,)), ((), ())),
                           preferred_element_type=jnp.float32)


def _tc1_body(x_r, al_r, ar_r, d0_r, d1_r, w1l_r, b1l_r, w1r_r, wmul_r,
              wlsl_r, h_r, p_r, deg_r):
    deg = d0_r[...][:, :1] + d1_r[...][:, :1]
    deg_r[...] = deg
    dinv = 1.0 / jnp.maximum(deg, 1.0)
    a = jnp.concatenate([al_r[...], ar_r[...]], axis=1) * dinv
    h = _dot_t(a, w1l_r[...]) + _dot_t(x_r[...], w1r_r[...]) + b1l_r[...]
    h = jnp.maximum(h, 0.0)
    h_r[...] = h
    p_r[...] = jnp.concatenate(
        [_dot_t(h, wmul_r[...]), _dot_t(h, wlsl_r[...])], axis=1)


def _tc1(x, agg, deg2, w1l, b1l, w1r, wmul, wlsl):
    return pl.pallas_call(
        _tc1_body,
        grid=(NBLK,),
        in_specs=[
            pl.BlockSpec((BM, DIN), lambda i: (i, 0)),
            pl.BlockSpec((BM, HF), lambda i: (i, 0)),
            pl.BlockSpec((BM, HF), lambda i: (i + NBLK, 0)),
            pl.BlockSpec((BM, HF), lambda i: (i, 0)),
            pl.BlockSpec((BM, HF), lambda i: (i + NBLK, 0)),
            pl.BlockSpec((DH, DIN), lambda i: (0, 0)),
            pl.BlockSpec((1, DH), lambda i: (0, 0)),
            pl.BlockSpec((DH, DIN), lambda i: (0, 0)),
            pl.BlockSpec((DL, DH), lambda i: (0, 0)),
            pl.BlockSpec((DL, DH), lambda i: (0, 0)),
        ],
        out_specs=[
            pl.BlockSpec((BM, DH), lambda i: (i, 0)),
            pl.BlockSpec((BM, DIN), lambda i: (i, 0)),
            pl.BlockSpec((BM, 1), lambda i: (i, 0)),
        ],
        out_shape=[
            jax.ShapeDtypeStruct((N, DH), jnp.float32),
            jax.ShapeDtypeStruct((N, DIN), jnp.float32),
            jax.ShapeDtypeStruct((N, 1), jnp.float32),
        ],
    )(x, agg, agg, deg2, deg2, w1l, b1l, w1r, wmul, wlsl)


def _tc2_body(h_r, am_r, as_r, deg_r, wmur_r, wlsr_r, bmu_r, bls_r, eps_r,
              z_r, klp_r):
    dinv = 1.0 / jnp.maximum(deg_r[...], 1.0)
    mu = am_r[...] * dinv + bmu_r[...] + _dot_t(h_r[...], wmur_r[...])
    ls = as_r[...] * dinv + bls_r[...] + _dot_t(h_r[...], wlsr_r[...])
    sigma = jnp.exp(ls)
    z_r[...] = mu + sigma * eps_r[...]
    part = jnp.sum(sigma * sigma + mu * mu - ls - 0.5)

    @pl.when(pl.program_id(0) == 0)
    def _():
        klp_r[0, 0] = 0.0

    klp_r[0, 0] += part


def _tc2(h, aggp, deg, wmur, wlsr, bmu, bls, eps):
    return pl.pallas_call(
        _tc2_body,
        grid=(NBLK,),
        in_specs=[
            pl.BlockSpec((BM, DH), lambda i: (i, 0)),
            pl.BlockSpec((BM, DL), lambda i: (i, 0)),
            pl.BlockSpec((BM, DL), lambda i: (i + NBLK, 0)),
            pl.BlockSpec((BM, 1), lambda i: (i, 0)),
            pl.BlockSpec((DL, DH), lambda i: (0, 0)),
            pl.BlockSpec((DL, DH), lambda i: (0, 0)),
            pl.BlockSpec((1, DL), lambda i: (0, 0)),
            pl.BlockSpec((1, DL), lambda i: (0, 0)),
            pl.BlockSpec((BM, DL), lambda i: (i, 0)),
        ],
        out_specs=[
            pl.BlockSpec((BM, DL), lambda i: (i, 0)),
            pl.BlockSpec(memory_space=pltpu.SMEM),
        ],
        out_shape=[
            jax.ShapeDtypeStruct((N, DL), jnp.float32),
            jax.ShapeDtypeStruct((1, 1), jnp.float32),
        ],
    )(h, aggp, aggp, deg, wmur, wlsr, bmu, bls, eps)


def kernel(x, edge_index, W1_l, b1_l, W1_r, Wmu_l, bmu_l, Wmu_r,
           Wls_l, bls_l, Wls_r, eps):
    src = edge_index[0].astype(jnp.int32)
    dst = edge_index[1].astype(jnp.int32).reshape(NT * NST, GCH, K)
    sidx = jnp.concatenate([2 * src, 2 * src + 1]).reshape(2 * NT * NST, GCH, K)
    xv = x.reshape(2 * N, HF)
    zf = jnp.zeros((N, HF), jnp.float32)
    ones_h = jnp.ones((KD, HF), jnp.float32)
    dstd = edge_index[1].astype(jnp.int32).reshape(2 * NT, DCH, KD)

    aggx, = _seg(xv, sidx, dst, zf)
    deg2, = _deg_kernel(dstd, ones_h, zf)

    h, p, deg = _tc1(x, aggx, deg2, W1_l, b1_l.reshape(1, DH), W1_r,
                     Wmu_l, Wls_l)

    aggp, = _seg(p.reshape(2 * N, HF), sidx, dst, zf)

    z, klp = _tc2(h, aggp, deg, Wmu_r, Wls_r, bmu_l.reshape(1, DL),
                  bls_l.reshape(1, DL), eps)
    return z, klp[0, 0]

# --- scband reference (transcript-rebuilt; emitter-appended) ---
"""Pipeline reference for scband-vsageencoder-48876727828949 (READ-ONLY COPY).

The authoritative reference and input builder live on the scoring server;
editing this copy changes nothing except your own understanding.
"""

import jax, jax.numpy as jnp
import numpy as np

N_NODES = 10000
N_EDGES = 160000
D_IN = 256
D_HID = 512
D_LAT = 128


def sage_conv(x, edge_index, W_l, b_l, W_r):
    # PyG SAGEConv (aggr='mean'): out = lin_l(mean_{j in N(i)} x_j) + lin_r(x_i)
    src = edge_index[0]
    dst = edge_index[1]
    n = x.shape[0]
    msgs = x[src]
    agg = jax.ops.segment_sum(msgs, dst, num_segments=n)
    deg = jax.ops.segment_sum(jnp.ones((src.shape[0],), x.dtype), dst, num_segments=n)
    agg = agg / jnp.maximum(deg, 1.0)[:, None]
    return agg @ W_l.T + b_l + x @ W_r.T


def setup_inputs(seed: int = 0) -> dict:
    key = jax.random.key(seed)
    ks = jax.random.split(key, 16)
    x = jax.random.normal(ks[0], (N_NODES, D_IN), dtype=jnp.float32)
    edge_index = jax.random.randint(ks[1], (2, N_EDGES), 0, N_NODES, dtype=jnp.int64)

    def lin(k, out_d, in_d):
        return jax.random.normal(k, (out_d, in_d), dtype=jnp.float32) * (1.0 / np.sqrt(in_d))

    inp = {
        "x": x,
        "edge_index": edge_index,
        "W1_l": lin(ks[2], D_HID, D_IN),
        "b1_l": jnp.zeros((D_HID,), jnp.float32),
        "W1_r": lin(ks[3], D_HID, D_IN),
        "Wmu_l": lin(ks[4], D_LAT, D_HID),
        "bmu_l": jnp.zeros((D_LAT,), jnp.float32),
        "Wmu_r": lin(ks[5], D_LAT, D_HID),
        "Wls_l": lin(ks[6], D_LAT, D_HID) * 0.1,
        "bls_l": jnp.zeros((D_LAT,), jnp.float32),
        "Wls_r": lin(ks[7], D_LAT, D_HID) * 0.1,
        "eps": jax.random.normal(ks[8], (N_NODES, D_LAT), dtype=jnp.float32),
    }
    return inp


def reference(x, edge_index, W1_l, b1_l, W1_r, Wmu_l, bmu_l, Wmu_r, Wls_l, bls_l, Wls_r, eps):
    # hidden SAGE layer + ReLU (Dropout p=0.2 is identity in eval mode)
    h = jax.nn.relu(sage_conv(x, edge_index, W1_l, b1_l, W1_r))
    mu = sage_conv(h, edge_index, Wmu_l, bmu_l, Wmu_r)
    sigma = jnp.exp(sage_conv(h, edge_index, Wls_l, bls_l, Wls_r))
    # reparameterization trick: N(0,1) noise materialized as `eps`
    z = mu + sigma * eps
    kl = (sigma ** 2 + mu ** 2 - jnp.log(sigma) - 0.5).sum()
    return (z, kl)

if __name__ == "__main__":
    import jax
    _d = setup_inputs()
    print(jax.jit(kernel)(*tuple(_d.values())))

</pallas_src>

<mosaic_0001>
#map = affine_map<(d0, d1) -> (0, 0, 0)>
#map1 = affine_map<(d0, d1) -> (0, 0)>
module attributes {stable_mosaic.version = 14 : i64} {
  func.func @_deg_body(%arg0: i32, %arg1: i32, %arg2: memref<32x40x125xi32, #tpu.memory_space<hbm>>, %arg3: memref<125x128xf32, #tpu.memory_space<hbm>>, %arg4: memref<10000x128xf32, #tpu.memory_space<hbm>>, %arg5: memref<20000x128xf32, #tpu.memory_space<hbm>>, %arg6: memref<40x125xi32, #tpu.memory_space<vmem>>, %arg7: memref<125x128xf32, #tpu.memory_space<vmem>>, %arg8: memref<10000x128xf32, #tpu.memory_space<vmem_shared>>, %arg9: memref<!tpu.dma_semaphore, #tpu.memory_space<semaphore_mem>>) attributes {dimension_semantics = [#tpu.dimension_semantics<core_parallel>, #tpu.dimension_semantics<subcore_parallel>], iteration_bounds = array<i64: 2, 16>, scalar_prefetch = 0 : i64, scratch_operands = 4 : i64, tpu.core_type = #tpu.core_type<sc_vector_subcore>, window_params = [{transform_indices = #map}, {transform_indices = #map1}, {transform_indices = #map1}, {transform_indices = #map1}]} {
    %mul3A = arith.constant 624 : i32
    %mul3A_0 = arith.muli %arg1, %mul3A : i32
    %add3A = arith.constant 0 : i32
    %add3A_1 = arith.addi %add3A, %mul3A_0 : i32
    "tpu.region"() ({
      %run_scoped3A = tpu.sem_alloc : memref<!tpu.dma_semaphore, #tpu.memory_space<semaphore_mem>>
      %dma_start3A_68 = arith.constant 0 : i32
      %dma_start3A_69 = tpu.memref_slice %arg8[%add3A_1, %dma_start3A_68] : memref<10000x128xf32, #tpu.memory_space<vmem_shared>> -> memref<640x128xf32, #tpu.memory_space<vmem_shared>>
      %dma_start3A_70 = arith.constant 0 : i32
      %dma_start3A_71 = tpu.memref_slice %arg4[%mul3A_0, %dma_start3A_70] : memref<10000x128xf32, #tpu.memory_space<hbm>> -> memref<640x128xf32, #tpu.memory_space<hbm>>
      tpu.enqueue_dma source(%dma_start3A_71 : memref<640x128xf32, #tpu.memory_space<hbm>>) target(%dma_start3A_69 : memref<640x128xf32, #tpu.memory_space<vmem_shared>>) target_semaphore(%run_scoped3A : memref<!tpu.dma_semaphore, #tpu.memory_space<semaphore_mem>>)
      %dma_wait3A_72 = arith.constant 0 : i32
      %dma_wait3A_73 = tpu.memref_slice %arg8[%add3A_1, %dma_wait3A_72] : memref<10000x128xf32, #tpu.memory_space<vmem_shared>> -> memref<640x128xf32, #tpu.memory_space<vmem_shared>>
      %dma_wait3A_74 = arith.constant 0 : i32
      %dma_wait3A_75 = tpu.memref_slice %arg4[%mul3A_0, %dma_wait3A_74] : memref<10000x128xf32, #tpu.memory_space<hbm>> -> memref<640x128xf32, #tpu.memory_space<hbm>>
      tpu.wait_dma2 semaphore(%run_scoped3A : memref<!tpu.dma_semaphore, #tpu.memory_space<semaphore_mem>>) src(%dma_wait3A_75 : memref<640x128xf32, #tpu.memory_space<hbm>>) dst(%dma_wait3A_73 : memref<640x128xf32, #tpu.memory_space<vmem_shared>>)
      tpu.yield
    }) : () -> ()
    "tpu.region"() ({
      %run_scoped3A = tpu.sem_alloc : memref<!tpu.dma_semaphore, #tpu.memory_space<semaphore_mem>>
      tpu.enqueue_dma source(%arg3 : memref<125x128xf32, #tpu.memory_space<hbm>>) target(%arg7 : memref<125x128xf32, #tpu.memory_space<vmem>>) target_semaphore(%run_scoped3A : memref<!tpu.dma_semaphore, #tpu.memory_space<semaphore_mem>>)
      tpu.wait_dma2 semaphore(%run_scoped3A : memref<!tpu.dma_semaphore, #tpu.memory_space<semaphore_mem>>) src(%arg3 : memref<125x128xf32, #tpu.memory_space<hbm>>) dst(%arg7 : memref<125x128xf32, #tpu.memory_space<vmem>>)
      tpu.yield
    }) : () -> ()
    %mul3A_2 = arith.constant 16 : i32
    %mul3A_3 = arith.muli %arg0, %mul3A_2 : i32
    %add3A_4 = arith.addi %mul3A_3, %arg1 : i32
    "tpu.region"() ({
      %run_scoped3A = tpu.sem_alloc : memref<!tpu.dma_semaphore, #tpu.memory_space<semaphore_mem>>
      %dma_start3A_68 = arith.constant 0 : i32
      %dma_start3A_69 = arith.constant 0 : i32
      %dma_start3A_70 = tpu.memref_slice %arg2[%add3A_4, %dma_start3A_68, %dma_start3A_69] : memref<32x40x125xi32, #tpu.memory_space<hbm>> -> memref<1x40x125xi32, #tpu.memory_space<hbm>>
      %dma_start3A_71 = tpu.memref_squeeze %dma_start3A_70 : memref<1x40x125xi32, #tpu.memory_space<hbm>> -> memref<40x125xi32, #tpu.memory_space<hbm>>
      %dma_start3A_72 = arith.constant 0 : i32
      %dma_start3A_73 = arith.constant 0 : i32
      %dma_start3A_74 = tpu.memref_slice %arg2[%add3A_4, %dma_start3A_72, %dma_start3A_73] : memref<32x40x125xi32, #tpu.memory_space<hbm>> -> memref<1x40x125xi32, #tpu.memory_space<hbm>>
      %dma_start3A_75 = tpu.memref_squeeze %dma_start3A_74 : memref<1x40x125xi32, #tpu.memory_space<hbm>> -> memref<40x125xi32, #tpu.memory_space<hbm>>
      tpu.enqueue_dma source(%dma_start3A_75 : memref<40x125xi32, #tpu.memory_space<hbm>>) target(%arg6 : memref<40x125xi32, #tpu.memory_space<vmem>>) target_semaphore(%run_scoped3A : memref<!tpu.dma_semaphore, #tpu.memory_space<semaphore_mem>>)
      %dma_wait3A_76 = arith.constant 0 : i32
      %dma_wait3A_77 = arith.constant 0 : i32
      %dma_wait3A_78 = tpu.memref_slice %arg2[%add3A_4, %dma_wait3A_76, %dma_wait3A_77] : memref<32x40x125xi32, #tpu.memory_space<hbm>> -> memref<1x40x125xi32, #tpu.memory_space<hbm>>
      %dma_wait3A_79 = tpu.memref_squeeze %dma_wait3A_78 : memref<1x40x125xi32, #tpu.memory_space<hbm>> -> memref<40x125xi32, #tpu.memory_space<hbm>>
      %dma_wait3A_80 = arith.constant 0 : i32
      %dma_wait3A_81 = arith.constant 0 : i32
      %dma_wait3A_82 = tpu.memref_slice %arg2[%add3A_4, %dma_wait3A_80, %dma_wait3A_81] : memref<32x40x125xi32, #tpu.memory_space<hbm>> -> memref<1x40x125xi32, #tpu.memory_space<hbm>>
      %dma_wait3A_83 = tpu.memref_squeeze %dma_wait3A_82 : memref<1x40x125xi32, #tpu.memory_space<hbm>> -> memref<40x125xi32, #tpu.memory_space<hbm>>
      tpu.wait_dma2 semaphore(%run_scoped3A : memref<!tpu.dma_semaphore, #tpu.memory_space<semaphore_mem>>) src(%dma_wait3A_83 : memref<40x125xi32, #tpu.memory_space<hbm>>) dst(%arg6 : memref<40x125xi32, #tpu.memory_space<vmem>>)
      tpu.yield
    }) : () -> ()
    %barrier3A = arith.constant 0 : index
    tpu.barrier barrier_id(%barrier3A)
    %dma_start3A = arith.constant 0 : i32
    %dma_start3A_5 = arith.constant 0 : i32
    %dma_start3A_6 = tpu.memref_slice %arg6[%dma_start3A, %dma_start3A_5] : memref<40x125xi32, #tpu.memory_space<vmem>> -> memref<1x125xi32, #tpu.memory_space<vmem>>
    %dma_start3A_7 = tpu.memref_squeeze %dma_start3A_6 : memref<1x125xi32, #tpu.memory_space<vmem>> -> memref<125xi32, #tpu.memory_space<vmem>>
    %dma_start3A_8 = arith.constant 0 : i32
    %dma_start3A_9 = arith.constant 0 : i32
    %dma_start3A_10 = tpu.memref_slice %arg8[%dma_start3A_8, %dma_start3A_9] : memref<10000x128xf32, #tpu.memory_space<vmem_shared>> -> memref<10000x128xf32, #tpu.memory_space<vmem_shared>>
    tpu.enqueue_indirect_dma source(%arg7 : memref<125x128xf32, #tpu.memory_space<vmem>>) target(%dma_start3A_10 : memref<10000x128xf32, #tpu.memory_space<vmem_shared>>) offsets(%dma_start3A_7 : memref<125xi32, #tpu.memory_space<vmem>>) semaphore(%arg9 : memref<!tpu.dma_semaphore, #tpu.memory_space<semaphore_mem>>) {add = true}
    %dma_start3A_11 = arith.constant 1 : i32
    %dma_start3A_12 = arith.constant 0 : i32
    %dma_start3A_13 = tpu.memref_slice %arg6[%dma_start3A_11, %dma_start3A_12] : memref<40x125xi32, #tpu.memory_space<vmem>> -> memref<1x125xi32, #tpu.memory_space<vmem>>
    %dma_start3A_14 = tpu.memref_squeeze %dma_start3A_13 : memref<1x125xi32, #tpu.memory_space<vmem>> -> memref<125xi32, #tpu.memory_space<vmem>>
    %dma_start3A_15 = arith.constant 0 : i32
    %dma_start3A_16 = arith.constant 0 : i32
    %dma_start3A_17 = tpu.memref_slice %arg8[%dma_start3A_15, %dma_start3A_16] : memref<10000x128xf32, #tpu.memory_space<vmem_shared>> -> memref<10000x128xf32, #tpu.memory_space<vmem_shared>>
    tpu.enqueue_indirect_dma source(%arg7 : memref<125x128xf32, #tpu.memory_space<vmem>>) target(%dma_start3A_17 : memref<10000x128xf32, #tpu.memory_space<vmem_shared>>) offsets(%dma_start3A_14 : memref<125xi32, #tpu.memory_space<vmem>>) semaphore(%arg9 : memref<!tpu.dma_semaphore, #tpu.memory_space<semaphore_mem>>) {add = true}
    %dma_start3A_18 = arith.constant 2 : i32
    %dma_start3A_19 = arith.constant 0 : i32
    %dma_start3A_20 = tpu.memref_slice %arg6[%dma_start3A_18, %dma_start3A_19] : memref<40x125xi32, #tpu.memory_space<vmem>> -> memref<1x125xi32, #tpu.memory_space<vmem>>
    %dma_start3A_21 = tpu.memref_squeeze %dma_start3A_20 : memref<1x125xi32, #tpu.memory_space<vmem>> -> memref<125xi32, #tpu.memory_space<vmem>>
    %dma_start3A_22 = arith.constant 0 : i32
    %dma_start3A_23 = arith.constant 0 : i32
    %dma_start3A_24 = tpu.memref_slice %arg8[%dma_start3A_22, %dma_start3A_23] : memref<10000x128xf32, #tpu.memory_space<vmem_shared>> -> memref<10000x128xf32, #tpu.memory_space<vmem_shared>>
    tpu.enqueue_indirect_dma source(%arg7 : memref<125x128xf32, #tpu.memory_space<vmem>>) target(%dma_start3A_24 : memref<10000x128xf32, #tpu.memory_space<vmem_shared>>) offsets(%dma_start3A_21 : memref<125xi32, #tpu.memory_space<vmem>>) semaphore(%arg9 : memref<!tpu.dma_semaphore, #tpu.memory_space<semaphore_mem>>) {add = true}
    %dma_start3A_25 = arith.constant 3 : i32
    %dma_start3A_26 = arith.constant 0 : i32
    %dma_start3A_27 = tpu.memref_slice %arg6[%dma_start3A_25, %dma_start3A_26] : memref<40x125xi32, #tpu.memory_space<vmem>> -> memref<1x125xi32, #tpu.memory_space<vmem>>
    %dma_start3A_28 = tpu.memref_squeeze %dma_start3A_27 : memref<1x125xi32, #tpu.memory_space<vmem>> -> memref<125xi32, #tpu.memory_space<vmem>>
    %dma_start3A_29 = arith.constant 0 : i32
    %dma_start3A_30 = arith.constant 0 : i32
    %dma_start3A_31 = tpu.memref_slice %arg8[%dma_start3A_29, %dma_start3A_30] : memref<10000x128xf32, #tpu.memory_space<vmem_shared>> -> memref<10000x128xf32, #tpu.memory_space<vmem_shared>>
    tpu.enqueue_indirect_dma source(%arg7 : memref<125x128xf32, #tpu.memory_space<vmem>>) target(%dma_start3A_31 : memref<10000x128xf32, #tpu.memory_space<vmem_shared>>) offsets(%dma_start3A_28 : memref<125xi32, #tpu.memory_space<vmem>>) semaphore(%arg9 : memref<!tpu.dma_semaphore, #tpu.memory_space<semaphore_mem>>) {add = true}
    %scan3A = arith.constant 0 : i32
    %scan3A_32 = arith.constant 0 : i32
    %scan3A_33 = arith.constant 36 : i32
    %scan3A_34 = arith.addi %scan3A_32, %scan3A_33 : i32
    %scan3A_35 = arith.constant 1 : i32
    scf.for %scan3A_68 = %scan3A_32 to %scan3A_34 step %scan3A_35  : i32 {
      %add3A_69 = arith.constant 4 : i32
      %add3A_70 = arith.addi %scan3A_68, %add3A_69 : i32
      %dma_start3A_71 = arith.constant 0 : i32
      %dma_start3A_72 = tpu.memref_slice %arg6[%add3A_70, %dma_start3A_71] : memref<40x125xi32, #tpu.memory_space<vmem>> -> memref<1x125xi32, #tpu.memory_space<vmem>>
      %dma_start3A_73 = tpu.memref_squeeze %dma_start3A_72 : memref<1x125xi32, #tpu.memory_space<vmem>> -> memref<125xi32, #tpu.memory_space<vmem>>
      %dma_start3A_74 = arith.constant 0 : i32
      %dma_start3A_75 = arith.constant 0 : i32
      %dma_start3A_76 = tpu.memref_slice %arg8[%dma_start3A_74, %dma_start3A_75] : memref<10000x128xf32, #tpu.memory_space<vmem_shared>> -> memref<10000x128xf32, #tpu.memory_space<vmem_shared>>
      tpu.enqueue_indirect_dma source(%arg7 : memref<125x128xf32, #tpu.memory_space<vmem>>) target(%dma_start3A_76 : memref<10000x128xf32, #tpu.memory_space<vmem_shared>>) offsets(%dma_start3A_73 : memref<125xi32, #tpu.memory_space<vmem>>) semaphore(%arg9 : memref<!tpu.dma_semaphore, #tpu.memory_space<semaphore_mem>>) {add = true}
      %dma_wait3A_77 = arith.constant 0 : i32
      %dma_wait3A_78 = arith.constant 0 : i32
      %dma_wait3A_79 = tpu.memref_slice %arg6[%dma_wait3A_77, %dma_wait3A_78] : memref<40x125xi32, #tpu.memory_space<vmem>> -> memref<1x125xi32, #tpu.memory_space<vmem>>
      %dma_wait3A_80 = tpu.memref_squeeze %dma_wait3A_79 : memref<1x125xi32, #tpu.memory_space<vmem>> -> memref<125xi32, #tpu.memory_space<vmem>>
      %dma_wait3A_81 = arith.constant 0 : i32
      %dma_wait3A_82 = arith.constant 0 : i32
      %dma_wait3A_83 = tpu.memref_slice %arg8[%dma_wait3A_81, %dma_wait3A_82] : memref<10000x128xf32, #tpu.memory_space<vmem_shared>> -> memref<10000x128xf32, #tpu.memory_space<vmem_shared>>
      tpu.wait_indirect_dma semaphore(%arg9 : memref<!tpu.dma_semaphore, #tpu.memory_space<semaphore_mem>>) src(%arg7 : memref<125x128xf32, #tpu.memory_space<vmem>>) dst(%dma_wait3A_83 : memref<10000x128xf32, #tpu.memory_space<vmem_shared>>)
    }
    %scan3A_36 = arith.constant 36 : i32
    %dma_wait3A = arith.constant 0 : i32
    %dma_wait3A_37 = arith.constant 0 : i32
    %dma_wait3A_38 = tpu.memref_slice %arg6[%dma_wait3A, %dma_wait3A_37] : memref<40x125xi32, #tpu.memory_space<vmem>> -> memref<1x125xi32, #tpu.memory_space<vmem>>
    %dma_wait3A_39 = tpu.memref_squeeze %dma_wait3A_38 : memref<1x125xi32, #tpu.memory_space<vmem>> -> memref<125xi32, #tpu.memory_space<vmem>>
    %dma_wait3A_40 = arith.constant 0 : i32
    %dma_wait3A_41 = arith.constant 0 : i32
    %dma_wait3A_42 = tpu.memref_slice %arg8[%dma_wait3A_40, %dma_wait3A_41] : memref<10000x128xf32, #tpu.memory_space<vmem_shared>> -> memref<10000x128xf32, #tpu.memory_space<vmem_shared>>
    tpu.wait_indirect_dma semaphore(%arg9 : memref<!tpu.dma_semaphore, #tpu.memory_space<semaphore_mem>>) src(%arg7 : memref<125x128xf32, #tpu.memory_space<vmem>>) dst(%dma_wait3A_42 : memref<10000x128xf32, #tpu.memory_space<vmem_shared>>)
    %dma_wait3A_43 = arith.constant 0 : i32
    %dma_wait3A_44 = arith.constant 0 : i32
    %dma_wait3A_45 = tpu.memref_slice %arg6[%dma_wait3A_43, %dma_wait3A_44] : memref<40x125xi32, #tpu.memory_space<vmem>> -> memref<1x125xi32, #tpu.memory_space<vmem>>
    %dma_wait3A_46 = tpu.memref_squeeze %dma_wait3A_45 : memref<1x125xi32, #tpu.memory_space<vmem>> -> memref<125xi32, #tpu.memory_space<vmem>>
    %dma_wait3A_47 = arith.constant 0 : i32
    %dma_wait3A_48 = arith.constant 0 : i32
    %dma_wait3A_49 = tpu.memref_slice %arg8[%dma_wait3A_47, %dma_wait3A_48] : memref<10000x128xf32, #tpu.memory_space<vmem_shared>> -> memref<10000x128xf32, #tpu.memory_space<vmem_shared>>
    tpu.wait_indirect_dma semaphore(%arg9 : memref<!tpu.dma_semaphore, #tpu.memory_space<semaphore_mem>>) src(%arg7 : memref<125x128xf32, #tpu.memory_space<vmem>>) dst(%dma_wait3A_49 : memref<10000x128xf32, #tpu.memory_space<vmem_shared>>)
    %dma_wait3A_50 = arith.constant 0 : i32
    %dma_wait3A_51 = arith.constant 0 : i32
    %dma_wait3A_52 = tpu.memref_slice %arg6[%dma_wait3A_50, %dma_wait3A_51] : memref<40x125xi32, #tpu.memory_space<vmem>> -> memref<1x125xi32, #tpu.memory_space<vmem>>
    %dma_wait3A_53 = tpu.memref_squeeze %dma_wait3A_52 : memref<1x125xi32, #tpu.memory_space<vmem>> -> memref<125xi32, #tpu.memory_space<vmem>>
    %dma_wait3A_54 = arith.constant 0 : i32
    %dma_wait3A_55 = arith.constant 0 : i32
    %dma_wait3A_56 = tpu.memref_slice %arg8[%dma_wait3A_54, %dma_wait3A_55] : memref<10000x128xf32, #tpu.memory_space<vmem_shared>> -> memref<10000x128xf32, #tpu.memory_space<vmem_shared>>
    tpu.wait_indirect_dma semaphore(%arg9 : memref<!tpu.dma_semaphore, #tpu.memory_space<semaphore_mem>>) src(%arg7 : memref<125x128xf32, #tpu.memory_space<vmem>>) dst(%dma_wait3A_56 : memref<10000x128xf32, #tpu.memory_space<vmem_shared>>)
    %dma_wait3A_57 = arith.constant 0 : i32
    %dma_wait3A_58 = arith.constant 0 : i32
    %dma_wait3A_59 = tpu.memref_slice %arg6[%dma_wait3A_57, %dma_wait3A_58] : memref<40x125xi32, #tpu.memory_space<vmem>> -> memref<1x125xi32, #tpu.memory_space<vmem>>
    %dma_wait3A_60 = tpu.memref_squeeze %dma_wait3A_59 : memref<1x125xi32, #tpu.memory_space<vmem>> -> memref<125xi32, #tpu.memory_space<vmem>>
    %dma_wait3A_61 = arith.constant 0 : i32
    %dma_wait3A_62 = arith.constant 0 : i32
    %dma_wait3A_63 = tpu.memref_slice %arg8[%dma_wait3A_61, %dma_wait3A_62] : memref<10000x128xf32, #tpu.memory_space<vmem_shared>> -> memref<10000x128xf32, #tpu.memory_space<vmem_shared>>
    tpu.wait_indirect_dma semaphore(%arg9 : memref<!tpu.dma_semaphore, #tpu.memory_space<semaphore_mem>>) src(%arg7 : memref<125x128xf32, #tpu.memory_space<vmem>>) dst(%dma_wait3A_63 : memref<10000x128xf32, #tpu.memory_space<vmem_shared>>)
    %barrier3A_64 = arith.constant 0 : index
    tpu.barrier barrier_id(%barrier3A_64)
    %mul3A_65 = arith.constant 10000 : i32
    %mul3A_66 = arith.muli %arg0, %mul3A_65 : i32
    %add3A_67 = arith.addi %mul3A_66, %mul3A_0 : i32
    "tpu.region"() ({
      %run_scoped3A = tpu.sem_alloc : memref<!tpu.dma_semaphore, #tpu.memory_space<semaphore_mem>>
      %dma_start3A_68 = arith.constant 0 : i32
      %dma_start3A_69 = tpu.memref_slice %arg5[%add3A_67, %dma_start3A_68] : memref<20000x128xf32, #tpu.memory_space<hbm>> -> memref<640x128xf32, #tpu.memory_space<hbm>>
      %dma_start3A_70 = arith.constant 0 : i32
      %dma_start3A_71 = tpu.memref_slice %arg8[%mul3A_0, %dma_start3A_70] : memref<10000x128xf32, #tpu.memory_space<vmem_shared>> -> memref<640x128xf32, #tpu.memory_space<vmem_shared>>
      tpu.enqueue_dma source(%dma_start3A_71 : memref<640x128xf32, #tpu.memory_space<vmem_shared>>) target(%dma_start3A_69 : memref<640x128xf32, #tpu.memory_space<hbm>>) target_semaphore(%run_scoped3A : memref<!tpu.dma_semaphore, #tpu.memory_space<semaphore_mem>>)
      %dma_wait3A_72 = arith.constant 0 : i32
      %dma_wait3A_73 = tpu.memref_slice %arg5[%add3A_67, %dma_wait3A_72] : memref<20000x128xf32, #tpu.memory_space<hbm>> -> memref<640x128xf32, #tpu.memory_space<hbm>>
      %dma_wait3A_74 = arith.constant 0 : i32
      %dma_wait3A_75 = tpu.memref_slice %arg8[%mul3A_0, %dma_wait3A_74] : memref<10000x128xf32, #tpu.memory_space<vmem_shared>> -> memref<640x128xf32, #tpu.memory_space<vmem_shared>>
      tpu.wait_dma2 semaphore(%run_scoped3A : memref<!tpu.dma_semaphore, #tpu.memory_space<semaphore_mem>>) src(%dma_wait3A_75 : memref<640x128xf32, #tpu.memory_space<vmem_shared>>) dst(%dma_wait3A_73 : memref<640x128xf32, #tpu.memory_space<hbm>>)
      tpu.yield
    }) : () -> ()
    return
  }
}

#map = affine_map<(d0, d1) -> (0, 0)>
#map1 = affine_map<(d0, d1) -> (0, 0, 0)>
module attributes {stable_mosaic.version = 14 : i64} {
  func.func @_seg_body(%arg0: i32, %arg1: i32, %arg2: memref<20000x128xf32, #tpu.memory_space<hbm>>, %arg3: memref<160x25x80xi32, #tpu.memory_space<hbm>>, %arg4: memref<80x25x80xi32, #tpu.memory_space<hbm>>, %arg5: memref<10000x128xf32, #tpu.memory_space<hbm>>, %arg6: memref<20000x128xf32, #tpu.memory_space<hbm>>, %arg7: memref<25x80xi32, #tpu.memory_space<vmem>>, %arg8: memref<25x80xi32, #tpu.memory_space<vmem>>, %arg9: memref<80x128xf32, #tpu.memory_space<vmem>>, %arg10: memref<80x128xf32, #tpu.memory_space<vmem>>, %arg11: memref<80x128xf32, #tpu.memory_space<vmem>>, %arg12: memref<10000x128xf32, #tpu.memory_space<vmem_shared>>, %arg13: memref<!tpu.dma_semaphore, #tpu.memory_space<semaphore_mem>>, %arg14: memref<!tpu.dma_semaphore, #tpu.memory_space<semaphore_mem>>, %arg15: memref<!tpu.dma_semaphore, #tpu.memory_space<semaphore_mem>>, %arg16: memref<!tpu.dma_semaphore, #tpu.memory_space<semaphore_mem>>, %arg17: memref<!tpu.dma_semaphore, #tpu.memory_space<semaphore_mem>>, %arg18: memref<!tpu.dma_semaphore, #tpu.memory_space<semaphore_mem>>) attributes {dimension_semantics = [#tpu.dimension_semantics<core_parallel>, #tpu.dimension_semantics<subcore_parallel>], iteration_bounds = array<i64: 2, 16>, scalar_prefetch = 0 : i64, scratch_operands = 12 : i64, tpu.core_type = #tpu.core_type<sc_vector_subcore>, window_params = [{transform_indices = #map}, {transform_indices = #map1}, {transform_indices = #map1}, {transform_indices = #map}, {transform_indices = #map}]} {
    %mul3A = arith.constant 624 : i32
    %mul3A_0 = arith.muli %arg1, %mul3A : i32
    %add3A = arith.constant 0 : i32
    %add3A_1 = arith.addi %add3A, %mul3A_0 : i32
    "tpu.region"() ({
      %run_scoped3A = tpu.sem_alloc : memref<!tpu.dma_semaphore, #tpu.memory_space<semaphore_mem>>
      %dma_start3A = arith.constant 0 : i32
      %dma_start3A_11 = tpu.memref_slice %arg12[%add3A_1, %dma_start3A] : memref<10000x128xf32, #tpu.memory_space<vmem_shared>> -> memref<640x128xf32, #tpu.memory_space<vmem_shared>>
      %dma_start3A_12 = arith.constant 0 : i32
      %dma_start3A_13 = tpu.memref_slice %arg5[%mul3A_0, %dma_start3A_12] : memref<10000x128xf32, #tpu.memory_space<hbm>> -> memref<640x128xf32, #tpu.memory_space<hbm>>
      tpu.enqueue_dma source(%dma_start3A_13 : memref<640x128xf32, #tpu.memory_space<hbm>>) target(%dma_start3A_11 : memref<640x128xf32, #tpu.memory_space<vmem_shared>>) target_semaphore(%run_scoped3A : memref<!tpu.dma_semaphore, #tpu.memory_space<semaphore_mem>>)
      %dma_wait3A = arith.constant 0 : i32
      %dma_wait3A_14 = tpu.memref_slice %arg12[%add3A_1, %dma_wait3A] : memref<10000x128xf32, #tpu.memory_space<vmem_shared>> -> memref<640x128xf32, #tpu.memory_space<vmem_shared>>
      %dma_wait3A_15 = arith.constant 0 : i32
      %dma_wait3A_16 = tpu.memref_slice %arg5[%mul3A_0, %dma_wait3A_15] : memref<10000x128xf32, #tpu.memory_space<hbm>> -> memref<640x128xf32, #tpu.memory_space<hbm>>
      tpu.wait_dma2 semaphore(%run_scoped3A : memref<!tpu.dma_semaphore, #tpu.memory_space<semaphore_mem>>) src(%dma_wait3A_16 : memref<640x128xf32, #tpu.memory_space<hbm>>) dst(%dma_wait3A_14 : memref<640x128xf32, #tpu.memory_space<vmem_shared>>)
      tpu.yield
    }) : () -> ()
    %barrier3A = arith.constant 0 : index
    tpu.barrier barrier_id(%barrier3A)
    %scan3A = arith.constant 0 : i32
    %scan3A_2 = arith.constant 0 : i32
    %scan3A_3 = arith.constant 5 : i32
    %scan3A_4 = arith.addi %scan3A_2, %scan3A_3 : i32
    %scan3A_5 = arith.constant 1 : i32
    scf.for %scan3A_11 = %scan3A_2 to %scan3A_4 step %scan3A_5  : i32 {
      %mul3A_12 = arith.constant 16 : i32
      %mul3A_13 = arith.muli %arg0, %mul3A_12 : i32
      %add3A_14 = arith.addi %mul3A_13, %arg1 : i32
      %mul3A_15 = arith.constant 5 : i32
      %mul3A_16 = arith.muli %add3A_14, %mul3A_15 : i32
      %add3A_17 = arith.addi %mul3A_16, %scan3A_11 : i32
      "tpu.region"() ({
        %run_scoped3A = tpu.sem_alloc : memref<!tpu.dma_semaphore, #tpu.memory_space<semaphore_mem>>
        %dma_start3A_221 = arith.constant 0 : i32
        %dma_start3A_222 = arith.constant 0 : i32
        %dma_start3A_223 = tpu.memref_slice %arg3[%add3A_17, %dma_start3A_221, %dma_start3A_222] : memref<160x25x80xi32, #tpu.memory_space<hbm>> -> memref<1x25x80xi32, #tpu.memory_space<hbm>>
        %dma_start3A_224 = tpu.memref_squeeze %dma_start3A_223 : memref<1x25x80xi32, #tpu.memory_space<hbm>> -> memref<25x80xi32, #tpu.memory_space<hbm>>
        %dma_start3A_225 = arith.constant 0 : i32
        %dma_start3A_226 = arith.constant 0 : i32
        %dma_start3A_227 = tpu.memref_slice %arg3[%add3A_17, %dma_start3A_225, %dma_start3A_226] : memref<160x25x80xi32, #tpu.memory_space<hbm>> -> memref<1x25x80xi32, #tpu.memory_space<hbm>>
        %dma_start3A_228 = tpu.memref_squeeze %dma_start3A_227 : memref<1x25x80xi32, #tpu.memory_space<hbm>> -> memref<25x80xi32, #tpu.memory_space<hbm>>
        tpu.enqueue_dma source(%dma_start3A_228 : memref<25x80xi32, #tpu.memory_space<hbm>>) target(%arg7 : memref<25x80xi32, #tpu.memory_space<vmem>>) target_semaphore(%run_scoped3A : memref<!tpu.dma_semaphore, #tpu.memory_space<semaphore_mem>>)
        %dma_wait3A_229 = arith.constant 0 : i32
        %dma_wait3A_230 = arith.constant 0 : i32
        %dma_wait3A_231 = tpu.memref_slice %arg3[%add3A_17, %dma_wait3A_229, %dma_wait3A_230] : memref<160x25x80xi32, #tpu.memory_space<hbm>> -> memref<1x25x80xi32, #tpu.memory_space<hbm>>
        %dma_wait3A_232 = tpu.memref_squeeze %dma_wait3A_231 : memref<1x25x80xi32, #tpu.memory_space<hbm>> -> memref<25x80xi32, #tpu.memory_space<hbm>>
        %dma_wait3A_233 = arith.constant 0 : i32
        %dma_wait3A_234 = arith.constant 0 : i32
        %dma_wait3A_235 = tpu.memref_slice %arg3[%add3A_17, %dma_wait3A_233, %dma_wait3A_234] : memref<160x25x80xi32, #tpu.memory_space<hbm>> -> memref<1x25x80xi32, #tpu.memory_space<hbm>>
        %dma_wait3A_236 = tpu.memref_squeeze %dma_wait3A_235 : memref<1x25x80xi32, #tpu.memory_space<hbm>> -> memref<25x80xi32, #tpu.memory_space<hbm>>
        tpu.wait_dma2 semaphore(%run_scoped3A : memref<!tpu.dma_semaphore, #tpu.memory_space<semaphore_mem>>) src(%dma_wait3A_236 : memref<25x80xi32, #tpu.memory_space<hbm>>) dst(%arg7 : memref<25x80xi32, #tpu.memory_space<vmem>>)
        tpu.yield
      }) : () -> ()
      %mul3A_18 = arith.constant 5 : i32
      %mul3A_19 = arith.muli %arg1, %mul3A_18 : i32
      %add3A_20 = arith.addi %mul3A_19, %scan3A_11 : i32
      "tpu.region"() ({
        %run_scoped3A = tpu.sem_alloc : memref<!tpu.dma_semaphore, #tpu.memory_space<semaphore_mem>>
        %dma_start3A_221 = arith.constant 0 : i32
        %dma_start3A_222 = arith.constant 0 : i32
        %dma_start3A_223 = tpu.memref_slice %arg4[%add3A_20, %dma_start3A_221, %dma_start3A_222] : memref<80x25x80xi32, #tpu.memory_space<hbm>> -> memref<1x25x80xi32, #tpu.memory_space<hbm>>
        %dma_start3A_224 = tpu.memref_squeeze %dma_start3A_223 : memref<1x25x80xi32, #tpu.memory_space<hbm>> -> memref<25x80xi32, #tpu.memory_space<hbm>>
        %dma_start3A_225 = arith.constant 0 : i32
        %dma_start3A_226 = arith.constant 0 : i32
        %dma_start3A_227 = tpu.memref_slice %arg4[%add3A_20, %dma_start3A_225, %dma_start3A_226] : memref<80x25x80xi32, #tpu.memory_space<hbm>> -> memref<1x25x80xi32, #tpu.memory_space<hbm>>
        %dma_start3A_228 = tpu.memref_squeeze %dma_start3A_227 : memref<1x25x80xi32, #tpu.memory_space<hbm>> -> memref<25x80xi32, #tpu.memory_space<hbm>>
        tpu.enqueue_dma source(%dma_start3A_228 : memref<25x80xi32, #tpu.memory_space<hbm>>) target(%arg8 : memref<25x80xi32, #tpu.memory_space<vmem>>) target_semaphore(%run_scoped3A : memref<!tpu.dma_semaphore, #tpu.memory_space<semaphore_mem>>)
        %dma_wait3A_229 = arith.constant 0 : i32
        %dma_wait3A_230 = arith.constant 0 : i32
        %dma_wait3A_231 = tpu.memref_slice %arg4[%add3A_20, %dma_wait3A_229, %dma_wait3A_230] : memref<80x25x80xi32, #tpu.memory_space<hbm>> -> memref<1x25x80xi32, #tpu.memory_space<hbm>>
        %dma_wait3A_232 = tpu.memref_squeeze %dma_wait3A_231 : memref<1x25x80xi32, #tpu.memory_space<hbm>> -> memref<25x80xi32, #tpu.memory_space<hbm>>
        %dma_wait3A_233 = arith.constant 0 : i32
        %dma_wait3A_234 = arith.constant 0 : i32
        %dma_wait3A_235 = tpu.memref_slice %arg4[%add3A_20, %dma_wait3A_233, %dma_wait3A_234] : memref<80x25x80xi32, #tpu.memory_space<hbm>> -> memref<1x25x80xi32, #tpu.memory_space<hbm>>
        %dma_wait3A_236 = tpu.memref_squeeze %dma_wait3A_235 : memref<1x25x80xi32, #tpu.memory_space<hbm>> -> memref<25x80xi32, #tpu.memory_space<hbm>>
        tpu.wait_dma2 semaphore(%run_scoped3A : memref<!tpu.dma_semaphore, #tpu.memory_space<semaphore_mem>>) src(%dma_wait3A_236 : memref<25x80xi32, #tpu.memory_space<hbm>>) dst(%arg8 : memref<25x80xi32, #tpu.memory_space<vmem>>)
        tpu.yield
      }) : () -> ()
      %dma_start3A = arith.constant 0 : i32
      %dma_start3A_21 = arith.constant 0 : i32
      %dma_start3A_22 = tpu.memref_slice %arg7[%dma_start3A, %dma_start3A_21] : memref<25x80xi32, #tpu.memory_space<vmem>> -> memref<1x80xi32, #tpu.memory_space<vmem>>
      %dma_start3A_23 = tpu.memref_squeeze %dma_start3A_22 : memref<1x80xi32, #tpu.memory_space<vmem>> -> memref<80xi32, #tpu.memory_space<vmem>>
      %dma_start3A_24 = arith.constant 0 : i32
      %dma_start3A_25 = arith.constant 0 : i32
      %dma_start3A_26 = tpu.memref_slice %arg2[%dma_start3A_24, %dma_start3A_25] : memref<20000x128xf32, #tpu.memory_space<hbm>> -> memref<20000x128xf32, #tpu.memory_space<hbm>>
      tpu.enqueue_indirect_dma source(%dma_start3A_26 : memref<20000x128xf32, #tpu.memory_space<hbm>>) target(%arg9 : memref<80x128xf32, #tpu.memory_space<vmem>>) offsets(%dma_start3A_23 : memref<80xi32, #tpu.memory_space<vmem>>) semaphore(%arg13 : memref<!tpu.dma_semaphore, #tpu.memory_space<semaphore_mem>>)
      %dma_start3A_27 = arith.constant 1 : i32
      %dma_start3A_28 = arith.constant 0 : i32
      %dma_start3A_29 = tpu.memref_slice %arg7[%dma_start3A_27, %dma_start3A_28] : memref<25x80xi32, #tpu.memory_space<vmem>> -> memref<1x80xi32, #tpu.memory_space<vmem>>
      %dma_start3A_30 = tpu.memref_squeeze %dma_start3A_29 : memref<1x80xi32, #tpu.memory_space<vmem>> -> memref<80xi32, #tpu.memory_space<vmem>>
      %dma_start3A_31 = arith.constant 0 : i32
      %dma_start3A_32 = arith.constant 0 : i32
      %dma_start3A_33 = tpu.memref_slice %arg2[%dma_start3A_31, %dma_start3A_32] : memref<20000x128xf32, #tpu.memory_space<hbm>> -> memref<20000x128xf32, #tpu.memory_space<hbm>>
      tpu.enqueue_indirect_dma source(%dma_start3A_33 : memref<20000x128xf32, #tpu.memory_space<hbm>>) target(%arg10 : memref<80x128xf32, #tpu.memory_space<vmem>>) offsets(%dma_start3A_30 : memref<80xi32, #tpu.memory_space<vmem>>) semaphore(%arg14 : memref<!tpu.dma_semaphore, #tpu.memory_space<semaphore_mem>>)
      %dma_wait3A = arith.constant 0 : i32
      %dma_wait3A_34 = arith.constant 0 : i32
      %dma_wait3A_35 = tpu.memref_slice %arg7[%dma_wait3A, %dma_wait3A_34] : memref<25x80xi32, #tpu.memory_space<vmem>> -> memref<1x80xi32, #tpu.memory_space<vmem>>
      %dma_wait3A_36 = tpu.memref_squeeze %dma_wait3A_35 : memref<1x80xi32, #tpu.memory_space<vmem>> -> memref<80xi32, #tpu.memory_space<vmem>>
      %dma_wait3A_37 = arith.constant 0 : i32
      %dma_wait3A_38 = arith.constant 0 : i32
      %dma_wait3A_39 = tpu.memref_slice %arg2[%dma_wait3A_37, %dma_wait3A_38] : memref<20000x128xf32, #tpu.memory_space<hbm>> -> memref<20000x128xf32, #tpu.memory_space<hbm>>
      tpu.wait_indirect_dma semaphore(%arg13 : memref<!tpu.dma_semaphore, #tpu.memory_space<semaphore_mem>>) src(%dma_wait3A_39 : memref<20000x128xf32, #tpu.memory_space<hbm>>) dst(%arg9 : memref<80x128xf32, #tpu.memory_space<vmem>>)
      %dma_start3A_40 = arith.constant 0 : i32
      %dma_start3A_41 = arith.constant 0 : i32
      %dma_start3A_42 = tpu.memref_slice %arg8[%dma_start3A_40, %dma_start3A_41] : memref<25x80xi32, #tpu.memory_space<vmem>> -> memref<1x80xi32, #tpu.memory_space<vmem>>
      %dma_start3A_43 = tpu.memref_squeeze %dma_start3A_42 : memref<1x80xi32, #tpu.memory_space<vmem>> -> memref<80xi32, #tpu.memory_space<vmem>>
      %dma_start3A_44 = arith.constant 0 : i32
      %dma_start3A_45 = arith.constant 0 : i32
      %dma_start3A_46 = tpu.memref_slice %arg12[%dma_start3A_44, %dma_start3A_45] : memref<10000x128xf32, #tpu.memory_space<vmem_shared>> -> memref<10000x128xf32, #tpu.memory_space<vmem_shared>>
      tpu.enqueue_indirect_dma source(%arg9 : memref<80x128xf32, #tpu.memory_space<vmem>>) target(%dma_start3A_46 : memref<10000x128xf32, #tpu.memory_space<vmem_shared>>) offsets(%dma_start3A_43 : memref<80xi32, #tpu.memory_space<vmem>>) semaphore(%arg16 : memref<!tpu.dma_semaphore, #tpu.memory_space<semaphore_mem>>) {add = true}
      %dma_start3A_47 = arith.constant 2 : i32
      %dma_start3A_48 = arith.constant 0 : i32
      %dma_start3A_49 = tpu.memref_slice %arg7[%dma_start3A_47, %dma_start3A_48] : memref<25x80xi32, #tpu.memory_space<vmem>> -> memref<1x80xi32, #tpu.memory_space<vmem>>
      %dma_start3A_50 = tpu.memref_squeeze %dma_start3A_49 : memref<1x80xi32, #tpu.memory_space<vmem>> -> memref<80xi32, #tpu.memory_space<vmem>>
      %dma_start3A_51 = arith.constant 0 : i32
      %dma_start3A_52 = arith.constant 0 : i32
      %dma_start3A_53 = tpu.memref_slice %arg2[%dma_start3A_51, %dma_start3A_52] : memref<20000x128xf32, #tpu.memory_space<hbm>> -> memref<20000x128xf32, #tpu.memory_space<hbm>>
      tpu.enqueue_indirect_dma source(%dma_start3A_53 : memref<20000x128xf32, #tpu.memory_space<hbm>>) target(%arg11 : memref<80x128xf32, #tpu.memory_space<vmem>>) offsets(%dma_start3A_50 : memref<80xi32, #tpu.memory_space<vmem>>) semaphore(%arg15 : memref<!tpu.dma_semaphore, #tpu.memory_space<semaphore_mem>>)
      %dma_wait3A_54 = arith.constant 0 : i32
      %dma_wait3A_55 = arith.constant 0 : i32
      %dma_wait3A_56 = tpu.memref_slice %arg7[%dma_wait3A_54, %dma_wait3A_55] : memref<25x80xi32, #tpu.memory_space<vmem>> -> memref<1x80xi32, #tpu.memory_space<vmem>>
      %dma_wait3A_57 = tpu.memref_squeeze %dma_wait3A_56 : memref<1x80xi32, #tpu.memory_space<vmem>> -> memref<80xi32, #tpu.memory_space<vmem>>
      %dma_wait3A_58 = arith.constant 0 : i32
      %dma_wait3A_59 = arith.constant 0 : i32
      %dma_wait3A_60 = tpu.memref_slice %arg2[%dma_wait3A_58, %dma_wait3A_59] : memref<20000x128xf32, #tpu.memory_space<hbm>> -> memref<20000x128xf32, #tpu.memory_space<hbm>>
      tpu.wait_indirect_dma semaphore(%arg14 : memref<!tpu.dma_semaphore, #tpu.memory_space<semaphore_mem>>) src(%dma_wait3A_60 : memref<20000x128xf32, #tpu.memory_space<hbm>>) dst(%arg10 : memref<80x128xf32, #tpu.memory_space<vmem>>)
      %dma_start3A_61 = arith.constant 1 : i32
      %dma_start3A_62 = arith.constant 0 : i32
      %dma_start3A_63 = tpu.memref_slice %arg8[%dma_start3A_61, %dma_start3A_62] : memref<25x80xi32, #tpu.memory_space<vmem>> -> memref<1x80xi32, #tpu.memory_space<vmem>>
      %dma_start3A_64 = tpu.memref_squeeze %dma_start3A_63 : memref<1x80xi32, #tpu.memory_space<vmem>> -> memref<80xi32, #tpu.memory_space<vmem>>
      %dma_start3A_65 = arith.constant 0 : i32
      %dma_start3A_66 = arith.constant 0 : i32
      %dma_start3A_67 = tpu.memref_slice %arg12[%dma_start3A_65, %dma_start3A_66] : memref<10000x128xf32, #tpu.memory_space<vmem_shared>> -> memref<10000x128xf32, #tpu.memory_space<vmem_shared>>
      tpu.enqueue_indirect_dma source(%arg10 : memref<80x128xf32, #tpu.memory_space<vmem>>) target(%dma_start3A_67 : memref<10000x128xf32, #tpu.memory_space<vmem_shared>>) offsets(%dma_start3A_64 : memref<80xi32, #tpu.memory_space<vmem>>) semaphore(%arg17 : memref<!tpu.dma_semaphore, #tpu.memory_space<semaphore_mem>>) {add = true}
      %dma_wait3A_68 = arith.constant 0 : i32
      %dma_wait3A_69 = arith.constant 0 : i32
      %dma_wait3A_70 = tpu.memref_slice %arg8[%dma_wait3A_68, %dma_wait3A_69] : memref<25x80xi32, #tpu.memory_space<vmem>> -> memref<1x80xi32, #tpu.memory_space<vmem>>
      %dma_wait3A_71 = tpu.memref_squeeze %dma_wait3A_70 : memref<1x80xi32, #tpu.memory_space<vmem>> -> memref<80xi32, #tpu.memory_space<vmem>>
      %dma_wait3A_72 = arith.constant 0 : i32
      %dma_wait3A_73 = arith.constant 0 : i32
      %dma_wait3A_74 = tpu.memref_slice %arg12[%dma_wait3A_72, %dma_wait3A_73] : memref<10000x128xf32, #tpu.memory_space<vmem_shared>> -> memref<10000x128xf32, #tpu.memory_space<vmem_shared>>
      tpu.wait_indirect_dma semaphore(%arg16 : memref<!tpu.dma_semaphore, #tpu.memory_space<semaphore_mem>>) src(%arg9 : memref<80x128xf32, #tpu.memory_space<vmem>>) dst(%dma_wait3A_74 : memref<10000x128xf32, #tpu.memory_space<vmem_shared>>)
      %dma_start3A_75 = arith.constant 3 : i32
      %dma_start3A_76 = arith.constant 0 : i32
      %dma_start3A_77 = tpu.memref_slice %arg7[%dma_start3A_75, %dma_start3A_76] : memref<25x80xi32, #tpu.memory_space<vmem>> -> memref<1x80xi32, #tpu.memory_space<vmem>>
      %dma_start3A_78 = tpu.memref_squeeze %dma_start3A_77 : memref<1x80xi32, #tpu.memory_space<vmem>> -> memref<80xi32, #tpu.memory_space<vmem>>
      %dma_start3A_79 = arith.constant 0 : i32
      %dma_start3A_80 = arith.constant 0 : i32
      %dma_start3A_81 = tpu.memref_slice %arg2[%dma_start3A_79, %dma_start3A_80] : memref<20000x128xf32, #tpu.memory_space<hbm>> -> memref<20000x128xf32, #tpu.memory_space<hbm>>
      tpu.enqueue_indirect_dma source(%dma_start3A_81 : memref<20000x128xf32, #tpu.memory_space<hbm>>) target(%arg9 : memref<80x128xf32, #tpu.memory_space<vmem>>) offsets(%dma_start3A_78 : memref<80xi32, #tpu.memory_space<vmem>>) semaphore(%arg13 : memref<!tpu.dma_semaphore, #tpu.memory_space<semaphore_mem>>)
      %dma_wait3A_82 = arith.constant 0 : i32
      %dma_wait3A_83 = arith.constant 0 : i32
      %dma_wait3A_84 = tpu.memref_slice %arg7[%dma_wait3A_82, %dma_wait3A_83] : memref<25x80xi32, #tpu.memory_space<vmem>> -> memref<1x80xi32, #tpu.memory_space<vmem>>
      %dma_wait3A_85 = tpu.memref_squeeze %dma_wait3A_84 : memref<1x80xi32, #tpu.memory_space<vmem>> -> memref<80xi32, #tpu.memory_space<vmem>>
      %dma_wait3A_86 = arith.constant 0 : i32
      %dma_wait3A_87 = arith.constant 0 : i32
      %dma_wait3A_88 = tpu.memref_slice %arg2[%dma_wait3A_86, %dma_wait3A_87] : memref<20000x128xf32, #tpu.memory_space<hbm>> -> memref<20000x128xf32, #tpu.memory_space<hbm>>
      tpu.wait_indirect_dma semaphore(%arg15 : memref<!tpu.dma_semaphore, #tpu.memory_space<semaphore_mem>>) src(%dma_wait3A_88 : memref<20000x128xf32, #tpu.memory_space<hbm>>) dst(%arg11 : memref<80x128xf32, #tpu.memory_space<vmem>>)
      %dma_start3A_89 = arith.constant 2 : i32
      %dma_start3A_90 = arith.constant 0 : i32
      %dma_start3A_91 = tpu.memref_slice %arg8[%dma_start3A_89, %dma_start3A_90] : memref<25x80xi32, #tpu.memory_space<vmem>> -> memref<1x80xi32, #tpu.memory_space<vmem>>
      %dma_start3A_92 = tpu.memref_squeeze %dma_start3A_91 : memref<1x80xi32, #tpu.memory_space<vmem>> -> memref<80xi32, #tpu.memory_space<vmem>>
      %dma_start3A_93 = arith.constant 0 : i32
      %dma_start3A_94 = arith.constant 0 : i32
      %dma_start3A_95 = tpu.memref_slice %arg12[%dma_start3A_93, %dma_start3A_94] : memref<10000x128xf32, #tpu.memory_space<vmem_shared>> -> memref<10000x128xf32, #tpu.memory_space<vmem_shared>>
      tpu.enqueue_indirect_dma source(%arg11 : memref<80x128xf32, #tpu.memory_space<vmem>>) target(%dma_start3A_95 : memref<10000x128xf32, #tpu.memory_space<vmem_shared>>) offsets(%dma_start3A_92 : memref<80xi32, #tpu.memory_space<vmem>>) semaphore(%arg18 : memref<!tpu.dma_semaphore, #tpu.memory_space<semaphore_mem>>) {add = true}
      %dma_wait3A_96 = arith.constant 0 : i32
      %dma_wait3A_97 = arith.constant 0 : i32
      %dma_wait3A_98 = tpu.memref_slice %arg8[%dma_wait3A_96, %dma_wait3A_97] : memref<25x80xi32, #tpu.memory_space<vmem>> -> memref<1x80xi32, #tpu.memory_space<vmem>>
      %dma_wait3A_99 = tpu.memref_squeeze %dma_wait3A_98 : memref<1x80xi32, #tpu.memory_space<vmem>> -> memref<80xi32, #tpu.memory_space<vmem>>
      %dma_wait3A_100 = arith.constant 0 : i32
      %dma_wait3A_101 = arith.constant 0 : i32
      %dma_wait3A_102 = tpu.memref_slice %arg12[%dma_wait3A_100, %dma_wait3A_101] : memref<10000x128xf32, #tpu.memory_space<vmem_shared>> -> memref<10000x128xf32, #tpu.memory_space<vmem_shared>>
      tpu.wait_indirect_dma semaphore(%arg17 : memref<!tpu.dma_semaphore, #tpu.memory_space<semaphore_mem>>) src(%arg10 : memref<80x128xf32, #tpu.memory_space<vmem>>) dst(%dma_wait3A_102 : memref<10000x128xf32, #tpu.memory_space<vmem_shared>>)
      %dma_start3A_103 = arith.constant 4 : i32
      %dma_start3A_104 = arith.constant 0 : i32
      %dma_start3A_105 = tpu.memref_slice %arg7[%dma_start3A_103, %dma_start3A_104] : memref<25x80xi32, #tpu.memory_space<vmem>> -> memref<1x80xi32, #tpu.memory_space<vmem>>
      %dma_start3A_106 = tpu.memref_squeeze %dma_start3A_105 : memref<1x80xi32, #tpu.memory_space<vmem>> -> memref<80xi32, #tpu.memory_space<vmem>>
      %dma_start3A_107 = arith.constant 0 : i32
      %dma_start3A_108 = arith.constant 0 : i32
      %dma_start3A_109 = tpu.memref_slice %arg2[%dma_start3A_107, %dma_start3A_108] : memref<20000x128xf32, #tpu.memory_space<hbm>> -> memref<20000x128xf32, #tpu.memory_space<hbm>>
      tpu.enqueue_indirect_dma source(%dma_start3A_109 : memref<20000x128xf32, #tpu.memory_space<hbm>>) target(%arg10 : memref<80x128xf32, #tpu.memory_space<vmem>>) offsets(%dma_start3A_106 : memref<80xi32, #tpu.memory_space<vmem>>) semaphore(%arg14 : memref<!tpu.dma_semaphore, #tpu.memory_space<semaphore_mem>>)
      %scan3A_110 = arith.constant 0 : i32
      %scan3A_111 = arith.constant 1 : i32
      %scan3A_112 = arith.constant 6 : i32
      %scan3A_113 = arith.addi %scan3A_111, %scan3A_112 : i32
      %scan3A_114 = arith.constant 1 : i32
      scf.for %scan3A_221 = %scan3A_111 to %scan3A_113 step %scan3A_114  : i32 {
        %dma_wait3A_222 = arith.constant 0 : i32
        %dma_wait3A_223 = arith.constant 0 : i32
        %dma_wait3A_224 = tpu.memref_slice %arg7[%dma_wait3A_222, %dma_wait3A_223] : memref<25x80xi32, #tpu.memory_space<vmem>> -> memref<1x80xi32, #tpu.memory_space<vmem>>
        %dma_wait3A_225 = tpu.memref_squeeze %dma_wait3A_224 : memref<1x80xi32, #tpu.memory_space<vmem>> -> memref<80xi32, #tpu.memory_space<vmem>>
        %dma_wait3A_226 = arith.constant 0 : i32
        %dma_wait3A_227 = arith.constant 0 : i32
        %dma_wait3A_228 = tpu.memref_slice %arg2[%dma_wait3A_226, %dma_wait3A_227] : memref<20000x128xf32, #tpu.memory_space<hbm>> -> memref<20000x128xf32, #tpu.memory_space<hbm>>
        tpu.wait_indirect_dma semaphore(%arg13 : memref<!tpu.dma_semaphore, #tpu.memory_space<semaphore_mem>>) src(%dma_wait3A_228 : memref<20000x128xf32, #tpu.memory_space<hbm>>) dst(%arg9 : memref<80x128xf32, #tpu.memory_space<vmem>>)
        %mul3A_229 = arith.constant 3 : i32
        %mul3A_230 = arith.muli %mul3A_229, %scan3A_221 : i32
        %dma_start3A_231 = arith.constant 0 : i32
        %dma_start3A_232 = tpu.memref_slice %arg8[%mul3A_230, %dma_start3A_231] : memref<25x80xi32, #tpu.memory_space<vmem>> -> memref<1x80xi32, #tpu.memory_space<vmem>>
        %dma_start3A_233 = tpu.memref_squeeze %dma_start3A_232 : memref<1x80xi32, #tpu.memory_space<vmem>> -> memref<80xi32, #tpu.memory_space<vmem>>
        %dma_start3A_234 = arith.constant 0 : i32
        %dma_start3A_235 = arith.constant 0 : i32
        %dma_start3A_236 = tpu.memref_slice %arg12[%dma_start3A_234, %dma_start3A_235] : memref<10000x128xf32, #tpu.memory_space<vmem_shared>> -> memref<10000x128xf32, #tpu.memory_space<vmem_shared>>
        tpu.enqueue_indirect_dma source(%arg9 : memref<80x128xf32, #tpu.memory_space<vmem>>) target(%dma_start3A_236 : memref<10000x128xf32, #tpu.memory_space<vmem_shared>>) offsets(%dma_start3A_233 : memref<80xi32, #tpu.memory_space<vmem>>) semaphore(%arg16 : memref<!tpu.dma_semaphore, #tpu.memory_space<semaphore_mem>>) {add = true}
        %dma_wait3A_237 = arith.constant 0 : i32
        %dma_wait3A_238 = arith.constant 0 : i32
        %dma_wait3A_239 = tpu.memref_slice %arg8[%dma_wait3A_237, %dma_wait3A_238] : memref<25x80xi32, #tpu.memory_space<vmem>> -> memref<1x80xi32, #tpu.memory_space<vmem>>
        %dma_wait3A_240 = tpu.memref_squeeze %dma_wait3A_239 : memref<1x80xi32, #tpu.memory_space<vmem>> -> memref<80xi32, #tpu.memory_space<vmem>>
        %dma_wait3A_241 = arith.constant 0 : i32
        %dma_wait3A_242 = arith.constant 0 : i32
        %dma_wait3A_243 = tpu.memref_slice %arg12[%dma_wait3A_241, %dma_wait3A_242] : memref<10000x128xf32, #tpu.memory_space<vmem_shared>> -> memref<10000x128xf32, #tpu.memory_space<vmem_shared>>
        tpu.wait_indirect_dma semaphore(%arg18 : memref<!tpu.dma_semaphore, #tpu.memory_space<semaphore_mem>>) src(%arg11 : memref<80x128xf32, #tpu.memory_space<vmem>>) dst(%dma_wait3A_243 : memref<10000x128xf32, #tpu.memory_space<vmem_shared>>)
        %mul3A_244 = arith.constant 3 : i32
        %mul3A_245 = arith.muli %mul3A_244, %scan3A_221 : i32
        %add3A_246 = arith.constant 2 : i32
        %add3A_247 = arith.addi %mul3A_245, %add3A_246 : i32
        %dma_start3A_248 = arith.constant 0 : i32
        %dma_start3A_249 = tpu.memref_slice %arg7[%add3A_247, %dma_start3A_248] : memref<25x80xi32, #tpu.memory_space<vmem>> -> memref<1x80xi32, #tpu.memory_space<vmem>>
        %dma_start3A_250 = tpu.memref_squeeze %dma_start3A_249 : memref<1x80xi32, #tpu.memory_space<vmem>> -> memref<80xi32, #tpu.memory_space<vmem>>
        %dma_start3A_251 = arith.constant 0 : i32
        %dma_start3A_252 = arith.constant 0 : i32
        %dma_start3A_253 = tpu.memref_slice %arg2[%dma_start3A_251, %dma_start3A_252] : memref<20000x128xf32, #tpu.memory_space<hbm>> -> memref<20000x128xf32, #tpu.memory_space<hbm>>
        tpu.enqueue_indirect_dma source(%dma_start3A_253 : memref<20000x128xf32, #tpu.memory_space<hbm>>) target(%arg11 : memref<80x128xf32, #tpu.memory_space<vmem>>) offsets(%dma_start3A_250 : memref<80xi32, #tpu.memory_space<vmem>>) semaphore(%arg15 : memref<!tpu.dma_semaphore, #tpu.memory_space<semaphore_mem>>)
        %dma_wait3A_254 = arith.constant 0 : i32
        %dma_wait3A_255 = arith.constant 0 : i32
        %dma_wait3A_256 = tpu.memref_slice %arg7[%dma_wait3A_254, %dma_wait3A_255] : memref<25x80xi32, #tpu.memory_space<vmem>> -> memref<1x80xi32, #tpu.memory_space<vmem>>
        %dma_wait3A_257 = tpu.memref_squeeze %dma_wait3A_256 : memref<1x80xi32, #tpu.memory_space<vmem>> -> memref<80xi32, #tpu.memory_space<vmem>>
        %dma_wait3A_258 = arith.constant 0 : i32
        %dma_wait3A_259 = arith.constant 0 : i32
        %dma_wait3A_260 = tpu.memref_slice %arg2[%dma_wait3A_258, %dma_wait3A_259] : memref<20000x128xf32, #tpu.memory_space<hbm>> -> memref<20000x128xf32, #tpu.memory_space<hbm>>
        tpu.wait_indirect_dma semaphore(%arg14 : memref<!tpu.dma_semaphore, #tpu.memory_space<semaphore_mem>>) src(%dma_wait3A_260 : memref<20000x128xf32, #tpu.memory_space<hbm>>) dst(%arg10 : memref<80x128xf32, #tpu.memory_space<vmem>>)
        %mul3A_261 = arith.constant 3 : i32
        %mul3A_262 = arith.muli %mul3A_261, %scan3A_221 : i32
        %add3A_263 = arith.constant 1 : i32
        %add3A_264 = arith.addi %mul3A_262, %add3A_263 : i32
        %dma_start3A_265 = arith.constant 0 : i32
        %dma_start3A_266 = tpu.memref_slice %arg8[%add3A_264, %dma_start3A_265] : memref<25x80xi32, #tpu.memory_space<vmem>> -> memref<1x80xi32, #tpu.memory_space<vmem>>
        %dma_start3A_267 = tpu.memref_squeeze %dma_start3A_266 : memref<1x80xi32, #tpu.memory_space<vmem>> -> memref<80xi32, #tpu.memory_space<vmem>>
        %dma_start3A_268 = arith.constant 0 : i32
        %dma_start3A_269 = arith.constant 0 : i32
        %dma_start3A_270 = tpu.memref_slice %arg12[%dma_start3A_268, %dma_start3A_269] : memref<10000x128xf32, #tpu.memory_space<vmem_shared>> -> memref<10000x128xf32, #tpu.memory_space<vmem_shared>>
        tpu.enqueue_indirect_dma source(%arg10 : memref<80x128xf32, #tpu.memory_space<vmem>>) target(%dma_start3A_270 : memref<10000x128xf32, #tpu.memory_space<vmem_shared>>) offsets(%dma_start3A_267 : memref<80xi32, #tpu.memory_space<vmem>>) semaphore(%arg17 : memref<!tpu.dma_semaphore, #tpu.memory_space<semaphore_mem>>) {add = true}
        %dma_wait3A_271 = arith.constant 0 : i32
        %dma_wait3A_272 = arith.constant 0 : i32
        %dma_wait3A_273 = tpu.memref_slice %arg8[%dma_wait3A_271, %dma_wait3A_272] : memref<25x80xi32, #tpu.memory_space<vmem>> -> memref<1x80xi32, #tpu.memory_space<vmem>>
        %dma_wait3A_274 = tpu.memref_squeeze %dma_wait3A_273 : memref<1x80xi32, #tpu.memory_space<vmem>> -> memref<80xi32, #tpu.memory_space<vmem>>
        %dma_wait3A_275 = arith.constant 0 : i32
        %dma_wait3A_276 = arith.constant 0 : i32
        %dma_wait3A_277 = tpu.memref_slice %arg12[%dma_wait3A_275, %dma_wait3A_276] : memref<10000x128xf32, #tpu.memory_space<vmem_shared>> -> memref<10000x128xf32, #tpu.memory_space<vmem_shared>>
        tpu.wait_indirect_dma semaphore(%arg16 : memref<!tpu.dma_semaphore, #tpu.memory_space<semaphore_mem>>) src(%arg9 : memref<80x128xf32, #tpu.memory_space<vmem>>) dst(%dma_wait3A_277 : memref<10000x128xf32, #tpu.memory_space<vmem_shared>>)
        %mul3A_278 = arith.constant 3 : i32
        %mul3A_279 = arith.muli %mul3A_278, %scan3A_221 : i32
        %add3A_280 = arith.constant 3 : i32
        %add3A_281 = arith.addi %mul3A_279, %add3A_280 : i32
        %dma_start3A_282 = arith.constant 0 : i32
        %dma_start3A_283 = tpu.memref_slice %arg7[%add3A_281, %dma_start3A_282] : memref<25x80xi32, #tpu.memory_space<vmem>> -> memref<1x80xi32, #tpu.memory_space<vmem>>
        %dma_start3A_284 = tpu.memref_squeeze %dma_start3A_283 : memref<1x80xi32, #tpu.memory_space<vmem>> -> memref<80xi32, #tpu.memory_space<vmem>>
        %dma_start3A_285 = arith.constant 0 : i32
        %dma_start3A_286 = arith.constant 0 : i32
        %dma_start3A_287 = tpu.memref_slice %arg2[%dma_start3A_285, %dma_start3A_286] : memref<20000x128xf32, #tpu.memory_space<hbm>> -> memref<20000x128xf32, #tpu.memory_space<hbm>>
        tpu.enqueue_indirect_dma source(%dma_start3A_287 : memref<20000x128xf32, #tpu.memory_space<hbm>>) target(%arg9 : memref<80x128xf32, #tpu.memory_space<vmem>>) offsets(%dma_start3A_284 : memref<80xi32, #tpu.memory_space<vmem>>) semaphore(%arg13 : memref<!tpu.dma_semaphore, #tpu.memory_space<semaphore_mem>>)
        %dma_wait3A_288 = arith.constant 0 : i32
        %dma_wait3A_289 = arith.constant 0 : i32
        %dma_wait3A_290 = tpu.memref_slice %arg7[%dma_wait3A_288, %dma_wait3A_289] : memref<25x80xi32, #tpu.memory_space<vmem>> -> memref<1x80xi32, #tpu.memory_space<vmem>>
        %dma_wait3A_291 = tpu.memref_squeeze %dma_wait3A_290 : memref<1x80xi32, #tpu.memory_space<vmem>> -> memref<80xi32, #tpu.memory_space<vmem>>
        %dma_wait3A_292 = arith.constant 0 : i32
        %dma_wait3A_293 = arith.constant 0 : i32
        %dma_wait3A_294 = tpu.memref_slice %arg2[%dma_wait3A_292, %dma_wait3A_293] : memref<20000x128xf32, #tpu.memory_space<hbm>> -> memref<20000x128xf32, #tpu.memory_space<hbm>>
        tpu.wait_indirect_dma semaphore(%arg15 : memref<!tpu.dma_semaphore, #tpu.memory_space<semaphore_mem>>) src(%dma_wait3A_294 : memref<20000x128xf32, #tpu.memory_space<hbm>>) dst(%arg11 : memref<80x128xf32, #tpu.memory_space<vmem>>)
        %mul3A_295 = arith.constant 3 : i32
        %mul3A_296 = arith.muli %mul3A_295, %scan3A_221 : i32
        %add3A_297 = arith.constant 2 : i32
        %add3A_298 = arith.addi %mul3A_296, %add3A_297 : i32
        %dma_start3A_299 = arith.constant 0 : i32
        %dma_start3A_300 = tpu.memref_slice %arg8[%add3A_298, %dma_start3A_299] : memref<25x80xi32, #tpu.memory_space<vmem>> -> memref<1x80xi32, #tpu.memory_space<vmem>>
        %dma_start3A_301 = tpu.memref_squeeze %dma_start3A_300 : memref<1x80xi32, #tpu.memory_space<vmem>> -> memref<80xi32, #tpu.memory_space<vmem>>
        %dma_start3A_302 = arith.constant 0 : i32
        %dma_start3A_303 = arith.constant 0 : i32
        %dma_start3A_304 = tpu.memref_slice %arg12[%dma_start3A_302, %dma_start3A_303] : memref<10000x128xf32, #tpu.memory_space<vmem_shared>> -> memref<10000x128xf32, #tpu.memory_space<vmem_shared>>
        tpu.enqueue_indirect_dma source(%arg11 : memref<80x128xf32, #tpu.memory_space<vmem>>) target(%dma_start3A_304 : memref<10000x128xf32, #tpu.memory_space<vmem_shared>>) offsets(%dma_start3A_301 : memref<80xi32, #tpu.memory_space<vmem>>) semaphore(%arg18 : memref<!tpu.dma_semaphore, #tpu.memory_space<semaphore_mem>>) {add = true}
        %dma_wait3A_305 = arith.constant 0 : i32
        %dma_wait3A_306 = arith.constant 0 : i32
        %dma_wait3A_307 = tpu.memref_slice %arg8[%dma_wait3A_305, %dma_wait3A_306] : memref<25x80xi32, #tpu.memory_space<vmem>> -> memref<1x80xi32, #tpu.memory_space<vmem>>
        %dma_wait3A_308 = tpu.memref_squeeze %dma_wait3A_307 : memref<1x80xi32, #tpu.memory_space<vmem>> -> memref<80xi32, #tpu.memory_space<vmem>>
        %dma_wait3A_309 = arith.constant 0 : i32
        %dma_wait3A_310 = arith.constant 0 : i32
        %dma_wait3A_311 = tpu.memref_slice %arg12[%dma_wait3A_309, %dma_wait3A_310] : memref<10000x128xf32, #tpu.memory_space<vmem_shared>> -> memref<10000x128xf32, #tpu.memory_space<vmem_shared>>
        tpu.wait_indirect_dma semaphore(%arg17 : memref<!tpu.dma_semaphore, #tpu.memory_space<semaphore_mem>>) src(%arg10 : memref<80x128xf32, #tpu.memory_space<vmem>>) dst(%dma_wait3A_311 : memref<10000x128xf32, #tpu.memory_space<vmem_shared>>)
        %mul3A_312 = arith.constant 3 : i32
        %mul3A_313 = arith.muli %mul3A_312, %scan3A_221 : i32
        %add3A_314 = arith.constant 4 : i32
        %add3A_315 = arith.addi %mul3A_313, %add3A_314 : i32
        %dma_start3A_316 = arith.constant 0 : i32
        %dma_start3A_317 = tpu.memref_slice %arg7[%add3A_315, %dma_start3A_316] : memref<25x80xi32, #tpu.memory_space<vmem>> -> memref<1x80xi32, #tpu.memory_space<vmem>>
        %dma_start3A_318 = tpu.memref_squeeze %dma_start3A_317 : memref<1x80xi32, #tpu.memory_space<vmem>> -> memref<80xi32, #tpu.memory_space<vmem>>
        %dma_start3A_319 = arith.constant 0 : i32
        %dma_start3A_320 = arith.constant 0 : i32
        %dma_start3A_321 = tpu.memref_slice %arg2[%dma_start3A_319, %dma_start3A_320] : memref<20000x128xf32, #tpu.memory_space<hbm>> -> memref<20000x128xf32, #tpu.memory_space<hbm>>
        tpu.enqueue_indirect_dma source(%dma_start3A_321 : memref<20000x128xf32, #tpu.memory_space<hbm>>) target(%arg10 : memref<80x128xf32, #tpu.memory_space<vmem>>) offsets(%dma_start3A_318 : memref<80xi32, #tpu.memory_space<vmem>>) semaphore(%arg14 : memref<!tpu.dma_semaphore, #tpu.memory_space<semaphore_mem>>)
      }
      %scan3A_115 = arith.constant 6 : i32
      %dma_wait3A_116 = arith.constant 0 : i32
      %dma_wait3A_117 = arith.constant 0 : i32
      %dma_wait3A_118 = tpu.memref_slice %arg7[%dma_wait3A_116, %dma_wait3A_117] : memref<25x80xi32, #tpu.memory_space<vmem>> -> memref<1x80xi32, #tpu.memory_space<vmem>>
      %dma_wait3A_119 = tpu.memref_squeeze %dma_wait3A_118 : memref<1x80xi32, #tpu.memory_space<vmem>> -> memref<80xi32, #tpu.memory_space<vmem>>
      %dma_wait3A_120 = arith.constant 0 : i32
      %dma_wait3A_121 = arith.constant 0 : i32
      %dma_wait3A_122 = tpu.memref_slice %arg2[%dma_wait3A_120, %dma_wait3A_121] : memref<20000x128xf32, #tpu.memory_space<hbm>> -> memref<20000x128xf32, #tpu.memory_space<hbm>>
      tpu.wait_indirect_dma semaphore(%arg13 : memref<!tpu.dma_semaphore, #tpu.memory_space<semaphore_mem>>) src(%dma_wait3A_122 : memref<20000x128xf32, #tpu.memory_space<hbm>>) dst(%arg9 : memref<80x128xf32, #tpu.memory_space<vmem>>)
      %dma_start3A_123 = arith.constant 21 : i32
      %dma_start3A_124 = arith.constant 0 : i32
      %dma_start3A_125 = tpu.memref_slice %arg8[%dma_start3A_123, %dma_start3A_124] : memref<25x80xi32, #tpu.memory_space<vmem>> -> memref<1x80xi32, #tpu.memory_space<vmem>>
      %dma_start3A_126 = tpu.memref_squeeze %dma_start3A_125 : memref<1x80xi32, #tpu.memory_space<vmem>> -> memref<80xi32, #tpu.memory_space<vmem>>
      %dma_start3A_127 = arith.constant 0 : i32
      %dma_start3A_128 = arith.constant 0 : i32
      %dma_start3A_129 = tpu.memref_slice %arg12[%dma_start3A_127, %dma_start3A_128] : memref<10000x128xf32, #tpu.memory_space<vmem_shared>> -> memref<10000x128xf32, #tpu.memory_space<vmem_shared>>
      tpu.enqueue_indirect_dma source(%arg9 : memref<80x128xf32, #tpu.memory_space<vmem>>) target(%dma_start3A_129 : memref<10000x128xf32, #tpu.memory_space<vmem_shared>>) offsets(%dma_start3A_126 : memref<80xi32, #tpu.memory_space<vmem>>) semaphore(%arg16 : memref<!tpu.dma_semaphore, #tpu.memory_space<semaphore_mem>>) {add = true}
      %dma_wait3A_130 = arith.constant 0 : i32
      %dma_wait3A_131 = arith.constant 0 : i32
      %dma_wait3A_132 = tpu.memref_slice %arg8[%dma_wait3A_130, %dma_wait3A_131] : memref<25x80xi32, #tpu.memory_space<vmem>> -> memref<1x80xi32, #tpu.memory_space<vmem>>
      %dma_wait3A_133 = tpu.memref_squeeze %dma_wait3A_132 : memref<1x80xi32, #tpu.memory_space<vmem>> -> memref<80xi32, #tpu.memory_space<vmem>>
      %dma_wait3A_134 = arith.constant 0 : i32
      %dma_wait3A_135 = arith.constant 0 : i32
      %dma_wait3A_136 = tpu.memref_slice %arg12[%dma_wait3A_134, %dma_wait3A_135] : memref<10000x128xf32, #tpu.memory_space<vmem_shared>> -> memref<10000x128xf32, #tpu.memory_space<vmem_shared>>
      tpu.wait_indirect_dma semaphore(%arg18 : memref<!tpu.dma_semaphore, #tpu.memory_space<semaphore_mem>>) src(%arg11 : memref<80x128xf32, #tpu.memory_space<vmem>>) dst(%dma_wait3A_136 : memref<10000x128xf32, #tpu.memory_space<vmem_shared>>)
      %dma_start3A_137 = arith.constant 23 : i32
      %dma_start3A_138 = arith.constant 0 : i32
      %dma_start3A_139 = tpu.memref_slice %arg7[%dma_start3A_137, %dma_start3A_138] : memref<25x80xi32, #tpu.memory_space<vmem>> -> memref<1x80xi32, #tpu.memory_space<vmem>>
      %dma_start3A_140 = tpu.memref_squeeze %dma_start3A_139 : memref<1x80xi32, #tpu.memory_space<vmem>> -> memref<80xi32, #tpu.memory_space<vmem>>
      %dma_start3A_141 = arith.constant 0 : i32
      %dma_start3A_142 = arith.constant 0 : i32
      %dma_start3A_143 = tpu.memref_slice %arg2[%dma_start3A_141, %dma_start3A_142] : memref<20000x128xf32, #tpu.memory_space<hbm>> -> memref<20000x128xf32, #tpu.memory_space<hbm>>
      tpu.enqueue_indirect_dma source(%dma_start3A_143 : memref<20000x128xf32, #tpu.memory_space<hbm>>) target(%arg11 : memref<80x128xf32, #tpu.memory_space<vmem>>) offsets(%dma_start3A_140 : memref<80xi32, #tpu.memory_space<vmem>>) semaphore(%arg15 : memref<!tpu.dma_semaphore, #tpu.memory_space<semaphore_mem>>)
      %dma_wait3A_144 = arith.constant 0 : i32
      %dma_wait3A_145 = arith.constant 0 : i32
      %dma_wait3A_146 = tpu.memref_slice %arg7[%dma_wait3A_144, %dma_wait3A_145] : memref<25x80xi32, #tpu.memory_space<vmem>> -> memref<1x80xi32, #tpu.memory_space<vmem>>
      %dma_wait3A_147 = tpu.memref_squeeze %dma_wait3A_146 : memref<1x80xi32, #tpu.memory_space<vmem>> -> memref<80xi32, #tpu.memory_space<vmem>>
      %dma_wait3A_148 = arith.constant 0 : i32
      %dma_wait3A_149 = arith.constant 0 : i32
      %dma_wait3A_150 = tpu.memref_slice %arg2[%dma_wait3A_148, %dma_wait3A_149] : memref<20000x128xf32, #tpu.memory_space<hbm>> -> memref<20000x128xf32, #tpu.memory_space<hbm>>
      tpu.wait_indirect_dma semaphore(%arg14 : memref<!tpu.dma_semaphore, #tpu.memory_space<semaphore_mem>>) src(%dma_wait3A_150 : memref<20000x128xf32, #tpu.memory_space<hbm>>) dst(%arg10 : memref<80x128xf32, #tpu.memory_space<vmem>>)
      %dma_start3A_151 = arith.constant 22 : i32
      %dma_start3A_152 = arith.constant 0 : i32
      %dma_start3A_153 = tpu.memref_slice %arg8[%dma_start3A_151, %dma_start3A_152] : memref<25x80xi32, #tpu.memory_space<vmem>> -> memref<1x80xi32, #tpu.memory_space<vmem>>
      %dma_start3A_154 = tpu.memref_squeeze %dma_start3A_153 : memref<1x80xi32, #tpu.memory_space<vmem>> -> memref<80xi32, #tpu.memory_space<vmem>>
      %dma_start3A_155 = arith.constant 0 : i32
      %dma_start3A_156 = arith.constant 0 : i32
      %dma_start3A_157 = tpu.memref_slice %arg12[%dma_start3A_155, %dma_start3A_156] : memref<10000x128xf32, #tpu.memory_space<vmem_shared>> -> memref<10000x128xf32, #tpu.memory_space<vmem_shared>>
      tpu.enqueue_indirect_dma source(%arg10 : memref<80x128xf32, #tpu.memory_space<vmem>>) target(%dma_start3A_157 : memref<10000x128xf32, #tpu.memory_space<vmem_shared>>) offsets(%dma_start3A_154 : memref<80xi32, #tpu.memory_space<vmem>>) semaphore(%arg17 : memref<!tpu.dma_semaphore, #tpu.memory_space<semaphore_mem>>) {add = true}
      %dma_wait3A_158 = arith.constant 0 : i32
      %dma_wait3A_159 = arith.constant 0 : i32
      %dma_wait3A_160 = tpu.memref_slice %arg8[%dma_wait3A_158, %dma_wait3A_159] : memref<25x80xi32, #tpu.memory_space<vmem>> -> memref<1x80xi32, #tpu.memory_space<vmem>>
      %dma_wait3A_161 = tpu.memref_squeeze %dma_wait3A_160 : memref<1x80xi32, #tpu.memory_space<vmem>> -> memref<80xi32, #tpu.memory_space<vmem>>
      %dma_wait3A_162 = arith.constant 0 : i32
      %dma_wait3A_163 = arith.constant 0 : i32
      %dma_wait3A_164 = tpu.memref_slice %arg12[%dma_wait3A_162, %dma_wait3A_163] : memref<10000x128xf32, #tpu.memory_space<vmem_shared>> -> memref<10000x128xf32, #tpu.memory_space<vmem_shared>>
      tpu.wait_indirect_dma semaphore(%arg16 : memref<!tpu.dma_semaphore, #tpu.memory_space<semaphore_mem>>) src(%arg9 : memref<80x128xf32, #tpu.memory_space<vmem>>) dst(%dma_wait3A_164 : memref<10000x128xf32, #tpu.memory_space<vmem_shared>>)
      %dma_start3A_165 = arith.constant 24 : i32
      %dma_start3A_166 = arith.constant 0 : i32
      %dma_start3A_167 = tpu.memref_slice %arg7[%dma_start3A_165, %dma_start3A_166] : memref<25x80xi32, #tpu.memory_space<vmem>> -> memref<1x80xi32, #tpu.memory_space<vmem>>
      %dma_start3A_168 = tpu.memref_squeeze %dma_start3A_167 : memref<1x80xi32, #tpu.memory_space<vmem>> -> memref<80xi32, #tpu.memory_space<vmem>>
      %dma_start3A_169 = arith.constant 0 : i32
      %dma_start3A_170 = arith.constant 0 : i32
      %dma_start3A_171 = tpu.memref_slice %arg2[%dma_start3A_169, %dma_start3A_170] : memref<20000x128xf32, #tpu.memory_space<hbm>> -> memref<20000x128xf32, #tpu.memory_space<hbm>>
      tpu.enqueue_indirect_dma source(%dma_start3A_171 : memref<20000x128xf32, #tpu.memory_space<hbm>>) target(%arg9 : memref<80x128xf32, #tpu.memory_space<vmem>>) offsets(%dma_start3A_168 : memref<80xi32, #tpu.memory_space<vmem>>) semaphore(%arg13 : memref<!tpu.dma_semaphore, #tpu.memory_space<semaphore_mem>>)
      %dma_wait3A_172 = arith.constant 0 : i32
      %dma_wait3A_173 = arith.constant 0 : i32
      %dma_wait3A_174 = tpu.memref_slice %arg7[%dma_wait3A_172, %dma_wait3A_173] : memref<25x80xi32, #tpu.memory_space<vmem>> -> memref<1x80xi32, #tpu.memory_space<vmem>>
      %dma_wait3A_175 = tpu.memref_squeeze %dma_wait3A_174 : memref<1x80xi32, #tpu.memory_space<vmem>> -> memref<80xi32, #tpu.memory_space<vmem>>
      %dma_wait3A_176 = arith.constant 0 : i32
      %dma_wait3A_177 = arith.constant 0 : i32
      %dma_wait3A_178 = tpu.memref_slice %arg2[%dma_wait3A_176, %dma_wait3A_177] : memref<20000x128xf32, #tpu.memory_space<hbm>> -> memref<20000x128xf32, #tpu.memory_space<hbm>>
      tpu.wait_indirect_dma semaphore(%arg15 : memref<!tpu.dma_semaphore, #tpu.memory_space<semaphore_mem>>) src(%dma_wait3A_178 : memref<20000x128xf32, #tpu.memory_space<hbm>>) dst(%arg11 : memref<80x128xf32, #tpu.memory_space<vmem>>)
      %dma_start3A_179 = arith.constant 23 : i32
      %dma_start3A_180 = arith.constant 0 : i32
      %dma_start3A_181 = tpu.memref_slice %arg8[%dma_start3A_179, %dma_start3A_180] : memref<25x80xi32, #tpu.memory_space<vmem>> -> memref<1x80xi32, #tpu.memory_space<vmem>>
      %dma_start3A_182 = tpu.memref_squeeze %dma_start3A_181 : memref<1x80xi32, #tpu.memory_space<vmem>> -> memref<80xi32, #tpu.memory_space<vmem>>
      %dma_start3A_183 = arith.constant 0 : i32
      %dma_start3A_184 = arith.constant 0 : i32
      %dma_start3A_185 = tpu.memref_slice %arg12[%dma_start3A_183, %dma_start3A_184] : memref<10000x128xf32, #tpu.memory_space<vmem_shared>> -> memref<10000x128xf32, #tpu.memory_space<vmem_shared>>
      tpu.enqueue_indirect_dma source(%arg11 : memref<80x128xf32, #tpu.memory_space<vmem>>) target(%dma_start3A_185 : memref<10000x128xf32, #tpu.memory_space<vmem_shared>>) offsets(%dma_start3A_182 : memref<80xi32, #tpu.memory_space<vmem>>) semaphore(%arg18 : memref<!tpu.dma_semaphore, #tpu.memory_space<semaphore_mem>>) {add = true}
      %dma_wait3A_186 = arith.constant 0 : i32
      %dma_wait3A_187 = arith.constant 0 : i32
      %dma_wait3A_188 = tpu.memref_slice %arg8[%dma_wait3A_186, %dma_wait3A_187] : memref<25x80xi32, #tpu.memory_space<vmem>> -> memref<1x80xi32, #tpu.memory_space<vmem>>
      %dma_wait3A_189 = tpu.memref_squeeze %dma_wait3A_188 : memref<1x80xi32, #tpu.memory_space<vmem>> -> memref<80xi32, #tpu.memory_space<vmem>>
      %dma_wait3A_190 = arith.constant 0 : i32
      %dma_wait3A_191 = arith.constant 0 : i32
      %dma_wait3A_192 = tpu.memref_slice %arg12[%dma_wait3A_190, %dma_wait3A_191] : memref<10000x128xf32, #tpu.memory_space<vmem_shared>> -> memref<10000x128xf32, #tpu.memory_space<vmem_shared>>
      tpu.wait_indirect_dma semaphore(%arg17 : memref<!tpu.dma_semaphore, #tpu.memory_space<semaphore_mem>>) src(%arg10 : memref<80x128xf32, #tpu.memory_space<vmem>>) dst(%dma_wait3A_192 : memref<10000x128xf32, #tpu.memory_space<vmem_shared>>)
      %dma_wait3A_193 = arith.constant 0 : i32
      %dma_wait3A_194 = arith.constant 0 : i32
      %dma_wait3A_195 = tpu.memref_slice %arg7[%dma_wait3A_193, %dma_wait3A_194] : memref<25x80xi32, #tpu.memory_space<vmem>> -> memref<1x80xi32, #tpu.memory_space<vmem>>
      %dma_wait3A_196 = tpu.memref_squeeze %dma_wait3A_195 : memref<1x80xi32, #tpu.memory_space<vmem>> -> memref<80xi32, #tpu.memory_space<vmem>>
      %dma_wait3A_197 = arith.constant 0 : i32
      %dma_wait3A_198 = arith.constant 0 : i32
      %dma_wait3A_199 = tpu.memref_slice %arg2[%dma_wait3A_197, %dma_wait3A_198] : memref<20000x128xf32, #tpu.memory_space<hbm>> -> memref<20000x128xf32, #tpu.memory_space<hbm>>
      tpu.wait_indirect_dma semaphore(%arg13 : memref<!tpu.dma_semaphore, #tpu.memory_space<semaphore_mem>>) src(%dma_wait3A_199 : memref<20000x128xf32, #tpu.memory_space<hbm>>) dst(%arg9 : memref<80x128xf32, #tpu.memory_space<vmem>>)
      %dma_start3A_200 = arith.constant 24 : i32
      %dma_start3A_201 = arith.constant 0 : i32
      %dma_start3A_202 = tpu.memref_slice %arg8[%dma_start3A_200, %dma_start3A_201] : memref<25x80xi32, #tpu.memory_space<vmem>> -> memref<1x80xi32, #tpu.memory_space<vmem>>
      %dma_start3A_203 = tpu.memref_squeeze %dma_start3A_202 : memref<1x80xi32, #tpu.memory_space<vmem>> -> memref<80xi32, #tpu.memory_space<vmem>>
      %dma_start3A_204 = arith.constant 0 : i32
      %dma_start3A_205 = arith.constant 0 : i32
      %dma_start3A_206 = tpu.memref_slice %arg12[%dma_start3A_204, %dma_start3A_205] : memref<10000x128xf32, #tpu.memory_space<vmem_shared>> -> memref<10000x128xf32, #tpu.memory_space<vmem_shared>>
      tpu.enqueue_indirect_dma source(%arg9 : memref<80x128xf32, #tpu.memory_space<vmem>>) target(%dma_start3A_206 : memref<10000x128xf32, #tpu.memory_space<vmem_shared>>) offsets(%dma_start3A_203 : memref<80xi32, #tpu.memory_space<vmem>>) semaphore(%arg16 : memref<!tpu.dma_semaphore, #tpu.memory_space<semaphore_mem>>) {add = true}
      %dma_wait3A_207 = arith.constant 0 : i32
      %dma_wait3A_208 = arith.constant 0 : i32
      %dma_wait3A_209 = tpu.memref_slice %arg8[%dma_wait3A_207, %dma_wait3A_208] : memref<25x80xi32, #tpu.memory_space<vmem>> -> memref<1x80xi32, #tpu.memory_space<vmem>>
      %dma_wait3A_210 = tpu.memref_squeeze %dma_wait3A_209 : memref<1x80xi32, #tpu.memory_space<vmem>> -> memref<80xi32, #tpu.memory_space<vmem>>
      %dma_wait3A_211 = arith.constant 0 : i32
      %dma_wait3A_212 = arith.constant 0 : i32
      %dma_wait3A_213 = tpu.memref_slice %arg12[%dma_wait3A_211, %dma_wait3A_212] : memref<10000x128xf32, #tpu.memory_space<vmem_shared>> -> memref<10000x128xf32, #tpu.memory_space<vmem_shared>>
      tpu.wait_indirect_dma semaphore(%arg18 : memref<!tpu.dma_semaphore, #tpu.memory_space<semaphore_mem>>) src(%arg11 : memref<80x128xf32, #tpu.memory_space<vmem>>) dst(%dma_wait3A_213 : memref<10000x128xf32, #tpu.memory_space<vmem_shared>>)
      %dma_wait3A_214 = arith.constant 0 : i32
      %dma_wait3A_215 = arith.constant 0 : i32
      %dma_wait3A_216 = tpu.memref_slice %arg8[%dma_wait3A_214, %dma_wait3A_215] : memref<25x80xi32, #tpu.memory_space<vmem>> -> memref<1x80xi32, #tpu.memory_space<vmem>>
      %dma_wait3A_217 = tpu.memref_squeeze %dma_wait3A_216 : memref<1x80xi32, #tpu.memory_space<vmem>> -> memref<80xi32, #tpu.memory_space<vmem>>
      %dma_wait3A_218 = arith.constant 0 : i32
      %dma_wait3A_219 = arith.constant 0 : i32
      %dma_wait3A_220 = tpu.memref_slice %arg12[%dma_wait3A_218, %dma_wait3A_219] : memref<10000x128xf32, #tpu.memory_space<vmem_shared>> -> memref<10000x128xf32, #tpu.memory_space<vmem_shared>>
      tpu.wait_indirect_dma semaphore(%arg16 : memref<!tpu.dma_semaphore, #tpu.memory_space<semaphore_mem>>) src(%arg9 : memref<80x128xf32, #tpu.memory_space<vmem>>) dst(%dma_wait3A_220 : memref<10000x128xf32, #tpu.memory_space<vmem_shared>>)
    }
    %scan3A_6 = arith.constant 5 : i32
    %barrier3A_7 = arith.constant 0 : index
    tpu.barrier barrier_id(%barrier3A_7)
    %mul3A_8 = arith.constant 10000 : i32
    %mul3A_9 = arith.muli %arg0, %mul3A_8 : i32
    %add3A_10 = arith.addi %mul3A_9, %mul3A_0 : i32
    "tpu.region"() ({
      %run_scoped3A = tpu.sem_alloc : memref<!tpu.dma_semaphore, #tpu.memory_space<semaphore_mem>>
      %dma_start3A = arith.constant 0 : i32
      %dma_start3A_11 = tpu.memref_slice %arg6[%add3A_10, %dma_start3A] : memref<20000x128xf32, #tpu.memory_space<hbm>> -> memref<640x128xf32, #tpu.memory_space<hbm>>
      %dma_start3A_12 = arith.constant 0 : i32
      %dma_start3A_13 = tpu.memref_slice %arg12[%mul3A_0, %dma_start3A_12] : memref<10000x128xf32, #tpu.memory_space<vmem_shared>> -> memref<640x128xf32, #tpu.memory_space<vmem_shared>>
      tpu.enqueue_dma source(%dma_start3A_13 : memref<640x128xf32, #tpu.memory_space<vmem_shared>>) target(%dma_start3A_11 : memref<640x128xf32, #tpu.memory_space<hbm>>) target_semaphore(%run_scoped3A : memref<!tpu.dma_semaphore, #tpu.memory_space<semaphore_mem>>)
      %dma_wait3A = arith.constant 0 : i32
      %dma_wait3A_14 = tpu.memref_slice %arg6[%add3A_10, %dma_wait3A] : memref<20000x128xf32, #tpu.memory_space<hbm>> -> memref<640x128xf32, #tpu.memory_space<hbm>>
      %dma_wait3A_15 = arith.constant 0 : i32
      %dma_wait3A_16 = tpu.memref_slice %arg12[%mul3A_0, %dma_wait3A_15] : memref<10000x128xf32, #tpu.memory_space<vmem_shared>> -> memref<640x128xf32, #tpu.memory_space<vmem_shared>>
      tpu.wait_dma2 semaphore(%run_scoped3A : memref<!tpu.dma_semaphore, #tpu.memory_space<semaphore_mem>>) src(%dma_wait3A_16 : memref<640x128xf32, #tpu.memory_space<vmem_shared>>) dst(%dma_wait3A_14 : memref<640x128xf32, #tpu.memory_space<hbm>>)
      tpu.yield
    }) : () -> ()
    return
  }
}

#map = affine_map<(d0, d1) -> (0, 0)>
#map1 = affine_map<(d0, d1) -> (0, 0, 0)>
module attributes {stable_mosaic.version = 14 : i64} {
  func.func @_seg_body(%arg0: i32, %arg1: i32, %arg2: memref<20000x128xf32, #tpu.memory_space<hbm>>, %arg3: memref<160x25x80xi32, #tpu.memory_space<hbm>>, %arg4: memref<80x25x80xi32, #tpu.memory_space<hbm>>, %arg5: memref<10000x128xf32, #tpu.memory_space<hbm>>, %arg6: memref<20000x128xf32, #tpu.memory_space<hbm>>, %arg7: memref<25x80xi32, #tpu.memory_space<vmem>>, %arg8: memref<25x80xi32, #tpu.memory_space<vmem>>, %arg9: memref<80x128xf32, #tpu.memory_space<vmem>>, %arg10: memref<80x128xf32, #tpu.memory_space<vmem>>, %arg11: memref<80x128xf32, #tpu.memory_space<vmem>>, %arg12: memref<10000x128xf32, #tpu.memory_space<vmem_shared>>, %arg13: memref<!tpu.dma_semaphore, #tpu.memory_space<semaphore_mem>>, %arg14: memref<!tpu.dma_semaphore, #tpu.memory_space<semaphore_mem>>, %arg15: memref<!tpu.dma_semaphore, #tpu.memory_space<semaphore_mem>>, %arg16: memref<!tpu.dma_semaphore, #tpu.memory_space<semaphore_mem>>, %arg17: memref<!tpu.dma_semaphore, #tpu.memory_space<semaphore_mem>>, %arg18: memref<!tpu.dma_semaphore, #tpu.memory_space<semaphore_mem>>) attributes {dimension_semantics = [#tpu.dimension_semantics<core_parallel>, #tpu.dimension_semantics<subcore_parallel>], iteration_bounds = array<i64: 2, 16>, scalar_prefetch = 0 : i64, scratch_operands = 12 : i64, tpu.core_type = #tpu.core_type<sc_vector_subcore>, window_params = [{transform_indices = #map}, {transform_indices = #map1}, {transform_indices = #map1}, {transform_indices = #map}, {transform_indices = #map}]} {
    %mul3A = arith.constant 624 : i32
    %mul3A_0 = arith.muli %arg1, %mul3A : i32
    %add3A = arith.constant 0 : i32
    %add3A_1 = arith.addi %add3A, %mul3A_0 : i32
    "tpu.region"() ({
      %run_scoped3A = tpu.sem_alloc : memref<!tpu.dma_semaphore, #tpu.memory_space<semaphore_mem>>
      %dma_start3A = arith.constant 0 : i32
      %dma_start3A_11 = tpu.memref_slice %arg12[%add3A_1, %dma_start3A] : memref<10000x128xf32, #tpu.memory_space<vmem_shared>> -> memref<640x128xf32, #tpu.memory_space<vmem_shared>>
      %dma_start3A_12 = arith.constant 0 : i32
      %dma_start3A_13 = tpu.memref_slice %arg5[%mul3A_0, %dma_start3A_12] : memref<10000x128xf32, #tpu.memory_space<hbm>> -> memref<640x128xf32, #tpu.memory_space<hbm>>
      tpu.enqueue_dma source(%dma_start3A_13 : memref<640x128xf32, #tpu.memory_space<hbm>>) target(%dma_start3A_11 : memref<640x128xf32, #tpu.memory_space<vmem_shared>>) target_semaphore(%run_scoped3A : memref<!tpu.dma_semaphore, #tpu.memory_space<semaphore_mem>>)
      %dma_wait3A = arith.constant 0 : i32
      %dma_wait3A_14 = tpu.memref_slice %arg12[%add3A_1, %dma_wait3A] : memref<10000x128xf32, #tpu.memory_space<vmem_shared>> -> memref<640x128xf32, #tpu.memory_space<vmem_shared>>
      %dma_wait3A_15 = arith.constant 0 : i32
      %dma_wait3A_16 = tpu.memref_slice %arg5[%mul3A_0, %dma_wait3A_15] : memref<10000x128xf32, #tpu.memory_space<hbm>> -> memref<640x128xf32, #tpu.memory_space<hbm>>
      tpu.wait_dma2 semaphore(%run_scoped3A : memref<!tpu.dma_semaphore, #tpu.memory_space<semaphore_mem>>) src(%dma_wait3A_16 : memref<640x128xf32, #tpu.memory_space<hbm>>) dst(%dma_wait3A_14 : memref<640x128xf32, #tpu.memory_space<vmem_shared>>)
      tpu.yield
    }) : () -> ()
    %barrier3A = arith.constant 0 : index
    tpu.barrier barrier_id(%barrier3A)
    %scan3A = arith.constant 0 : i32
    %scan3A_2 = arith.constant 0 : i32
    %scan3A_3 = arith.constant 5 : i32
    %scan3A_4 = arith.addi %scan3A_2, %scan3A_3 : i32
    %scan3A_5 = arith.constant 1 : i32
    scf.for %scan3A_11 = %scan3A_2 to %scan3A_4 step %scan3A_5  : i32 {
      %mul3A_12 = arith.constant 16 : i32
      %mul3A_13 = arith.muli %arg0, %mul3A_12 : i32
      %add3A_14 = arith.addi %mul3A_13, %arg1 : i32
      %mul3A_15 = arith.constant 5 : i32
      %mul3A_16 = arith.muli %add3A_14, %mul3A_15 : i32
      %add3A_17 = arith.addi %mul3A_16, %scan3A_11 : i32
      "tpu.region"() ({
        %run_scoped3A = tpu.sem_alloc : memref<!tpu.dma_semaphore, #tpu.memory_space<semaphore_mem>>
        %dma_start3A_221 = arith.constant 0 : i32
        %dma_start3A_222 = arith.constant 0 : i32
        %dma_start3A_223 = tpu.memref_slice %arg3[%add3A_17, %dma_start3A_221, %dma_start3A_222] : memref<160x25x80xi32, #tpu.memory_space<hbm>> -> memref<1x25x80xi32, #tpu.memory_space<hbm>>
        %dma_start3A_224 = tpu.memref_squeeze %dma_start3A_223 : memref<1x25x80xi32, #tpu.memory_space<hbm>> -> memref<25x80xi32, #tpu.memory_space<hbm>>
        %dma_start3A_225 = arith.constant 0 : i32
        %dma_start3A_226 = arith.constant 0 : i32
        %dma_start3A_227 = tpu.memref_slice %arg3[%add3A_17, %dma_start3A_225, %dma_start3A_226] : memref<160x25x80xi32, #tpu.memory_space<hbm>> -> memref<1x25x80xi32, #tpu.memory_space<hbm>>
        %dma_start3A_228 = tpu.memref_squeeze %dma_start3A_227 : memref<1x25x80xi32, #tpu.memory_space<hbm>> -> memref<25x80xi32, #tpu.memory_space<hbm>>
        tpu.enqueue_dma source(%dma_start3A_228 : memref<25x80xi32, #tpu.memory_space<hbm>>) target(%arg7 : memref<25x80xi32, #tpu.memory_space<vmem>>) target_semaphore(%run_scoped3A : memref<!tpu.dma_semaphore, #tpu.memory_space<semaphore_mem>>)
        %dma_wait3A_229 = arith.constant 0 : i32
        %dma_wait3A_230 = arith.constant 0 : i32
        %dma_wait3A_231 = tpu.memref_slice %arg3[%add3A_17, %dma_wait3A_229, %dma_wait3A_230] : memref<160x25x80xi32, #tpu.memory_space<hbm>> -> memref<1x25x80xi32, #tpu.memory_space<hbm>>
        %dma_wait3A_232 = tpu.memref_squeeze %dma_wait3A_231 : memref<1x25x80xi32, #tpu.memory_space<hbm>> -> memref<25x80xi32, #tpu.memory_space<hbm>>
        %dma_wait3A_233 = arith.constant 0 : i32
        %dma_wait3A_234 = arith.constant 0 : i32
        %dma_wait3A_235 = tpu.memref_slice %arg3[%add3A_17, %dma_wait3A_233, %dma_wait3A_234] : memref<160x25x80xi32, #tpu.memory_space<hbm>> -> memref<1x25x80xi32, #tpu.memory_space<hbm>>
        %dma_wait3A_236 = tpu.memref_squeeze %dma_wait3A_235 : memref<1x25x80xi32, #tpu.memory_space<hbm>> -> memref<25x80xi32, #tpu.memory_space<hbm>>
        tpu.wait_dma2 semaphore(%run_scoped3A : memref<!tpu.dma_semaphore, #tpu.memory_space<semaphore_mem>>) src(%dma_wait3A_236 : memref<25x80xi32, #tpu.memory_space<hbm>>) dst(%arg7 : memref<25x80xi32, #tpu.memory_space<vmem>>)
        tpu.yield
      }) : () -> ()
      %mul3A_18 = arith.constant 5 : i32
      %mul3A_19 = arith.muli %arg1, %mul3A_18 : i32
      %add3A_20 = arith.addi %mul3A_19, %scan3A_11 : i32
      "tpu.region"() ({
        %run_scoped3A = tpu.sem_alloc : memref<!tpu.dma_semaphore, #tpu.memory_space<semaphore_mem>>
        %dma_start3A_221 = arith.constant 0 : i32
        %dma_start3A_222 = arith.constant 0 : i32
        %dma_start3A_223 = tpu.memref_slice %arg4[%add3A_20, %dma_start3A_221, %dma_start3A_222] : memref<80x25x80xi32, #tpu.memory_space<hbm>> -> memref<1x25x80xi32, #tpu.memory_space<hbm>>
        %dma_start3A_224 = tpu.memref_squeeze %dma_start3A_223 : memref<1x25x80xi32, #tpu.memory_space<hbm>> -> memref<25x80xi32, #tpu.memory_space<hbm>>
        %dma_start3A_225 = arith.constant 0 : i32
        %dma_start3A_226 = arith.constant 0 : i32
        %dma_start3A_227 = tpu.memref_slice %arg4[%add3A_20, %dma_start3A_225, %dma_start3A_226] : memref<80x25x80xi32, #tpu.memory_space<hbm>> -> memref<1x25x80xi32, #tpu.memory_space<hbm>>
        %dma_start3A_228 = tpu.memref_squeeze %dma_start3A_227 : memref<1x25x80xi32, #tpu.memory_space<hbm>> -> memref<25x80xi32, #tpu.memory_space<hbm>>
        tpu.enqueue_dma source(%dma_start3A_228 : memref<25x80xi32, #tpu.memory_space<hbm>>) target(%arg8 : memref<25x80xi32, #tpu.memory_space<vmem>>) target_semaphore(%run_scoped3A : memref<!tpu.dma_semaphore, #tpu.memory_space<semaphore_mem>>)
        %dma_wait3A_229 = arith.constant 0 : i32
        %dma_wait3A_230 = arith.constant 0 : i32
        %dma_wait3A_231 = tpu.memref_slice %arg4[%add3A_20, %dma_wait3A_229, %dma_wait3A_230] : memref<80x25x80xi32, #tpu.memory_space<hbm>> -> memref<1x25x80xi32, #tpu.memory_space<hbm>>
        %dma_wait3A_232 = tpu.memref_squeeze %dma_wait3A_231 : memref<1x25x80xi32, #tpu.memory_space<hbm>> -> memref<25x80xi32, #tpu.memory_space<hbm>>
        %dma_wait3A_233 = arith.constant 0 : i32
        %dma_wait3A_234 = arith.constant 0 : i32
        %dma_wait3A_235 = tpu.memref_slice %arg4[%add3A_20, %dma_wait3A_233, %dma_wait3A_234] : memref<80x25x80xi32, #tpu.memory_space<hbm>> -> memref<1x25x80xi32, #tpu.memory_space<hbm>>
        %dma_wait3A_236 = tpu.memref_squeeze %dma_wait3A_235 : memref<1x25x80xi32, #tpu.memory_space<hbm>> -> memref<25x80xi32, #tpu.memory_space<hbm>>
        tpu.wait_dma2 semaphore(%run_scoped3A : memref<!tpu.dma_semaphore, #tpu.memory_space<semaphore_mem>>) src(%dma_wait3A_236 : memref<25x80xi32, #tpu.memory_space<hbm>>) dst(%arg8 : memref<25x80xi32, #tpu.memory_space<vmem>>)
        tpu.yield
      }) : () -> ()
      %dma_start3A = arith.constant 0 : i32
      %dma_start3A_21 = arith.constant 0 : i32
      %dma_start3A_22 = tpu.memref_slice %arg7[%dma_start3A, %dma_start3A_21] : memref<25x80xi32, #tpu.memory_space<vmem>> -> memref<1x80xi32, #tpu.memory_space<vmem>>
      %dma_start3A_23 = tpu.memref_squeeze %dma_start3A_22 : memref<1x80xi32, #tpu.memory_space<vmem>> -> memref<80xi32, #tpu.memory_space<vmem>>
      %dma_start3A_24 = arith.constant 0 : i32
      %dma_start3A_25 = arith.constant 0 : i32
      %dma_start3A_26 = tpu.memref_slice %arg2[%dma_start3A_24, %dma_start3A_25] : memref<20000x128xf32, #tpu.memory_space<hbm>> -> memref<20000x128xf32, #tpu.memory_space<hbm>>
      tpu.enqueue_indirect_dma source(%dma_start3A_26 : memref<20000x128xf32, #tpu.memory_space<hbm>>) target(%arg9 : memref<80x128xf32, #tpu.memory_space<vmem>>) offsets(%dma_start3A_23 : memref<80xi32, #tpu.memory_space<vmem>>) semaphore(%arg13 : memref<!tpu.dma_semaphore, #tpu.memory_space<semaphore_mem>>)
      %dma_start3A_27 = arith.constant 1 : i32
      %dma_start3A_28 = arith.constant 0 : i32
      %dma_start3A_29 = tpu.memref_slice %arg7[%dma_start3A_27, %dma_start3A_28] : memref<25x80xi32, #tpu.memory_space<vmem>> -> memref<1x80xi32, #tpu.memory_space<vmem>>
      %dma_start3A_30 = tpu.memref_squeeze %dma_start3A_29 : memref<1x80xi32, #tpu.memory_space<vmem>> -> memref<80xi32, #tpu.memory_space<vmem>>
      %dma_start3A_31 = arith.constant 0 : i32
      %dma_start3A_32 = arith.constant 0 : i32
      %dma_start3A_33 = tpu.memref_slice %arg2[%dma_start3A_31, %dma_start3A_32] : memref<20000x128xf32, #tpu.memory_space<hbm>> -> memref<20000x128xf32, #tpu.memory_space<hbm>>
      tpu.enqueue_indirect_dma source(%dma_start3A_33 : memref<20000x128xf32, #tpu.memory_space<hbm>>) target(%arg10 : memref<80x128xf32, #tpu.memory_space<vmem>>) offsets(%dma_start3A_30 : memref<80xi32, #tpu.memory_space<vmem>>) semaphore(%arg14 : memref<!tpu.dma_semaphore, #tpu.memory_space<semaphore_mem>>)
      %dma_wait3A = arith.constant 0 : i32
      %dma_wait3A_34 = arith.constant 0 : i32
      %dma_wait3A_35 = tpu.memref_slice %arg7[%dma_wait3A, %dma_wait3A_34] : memref<25x80xi32, #tpu.memory_space<vmem>> -> memref<1x80xi32, #tpu.memory_space<vmem>>
      %dma_wait3A_36 = tpu.memref_squeeze %dma_wait3A_35 : memref<1x80xi32, #tpu.memory_space<vmem>> -> memref<80xi32, #tpu.memory_space<vmem>>
      %dma_wait3A_37 = arith.constant 0 : i32
      %dma_wait3A_38 = arith.constant 0 : i32
      %dma_wait3A_39 = tpu.memref_slice %arg2[%dma_wait3A_37, %dma_wait3A_38] : memref<20000x128xf32, #tpu.memory_space<hbm>> -> memref<20000x128xf32, #tpu.memory_space<hbm>>
      tpu.wait_indirect_dma semaphore(%arg13 : memref<!tpu.dma_semaphore, #tpu.memory_space<semaphore_mem>>) src(%dma_wait3A_39 : memref<20000x128xf32, #tpu.memory_space<hbm>>) dst(%arg9 : memref<80x128xf32, #tpu.memory_space<vmem>>)
      %dma_start3A_40 = arith.constant 0 : i32
      %dma_start3A_41 = arith.constant 0 : i32
      %dma_start3A_42 = tpu.memref_slice %arg8[%dma_start3A_40, %dma_start3A_41] : memref<25x80xi32, #tpu.memory_space<vmem>> -> memref<1x80xi32, #tpu.memory_space<vmem>>
      %dma_start3A_43 = tpu.memref_squeeze %dma_start3A_42 : memref<1x80xi32, #tpu.memory_space<vmem>> -> memref<80xi32, #tpu.memory_space<vmem>>
      %dma_start3A_44 = arith.constant 0 : i32
      %dma_start3A_45 = arith.constant 0 : i32
      %dma_start3A_46 = tpu.memref_slice %arg12[%dma_start3A_44, %dma_start3A_45] : memref<10000x128xf32, #tpu.memory_space<vmem_shared>> -> memref<10000x128xf32, #tpu.memory_space<vmem_shared>>
      tpu.enqueue_indirect_dma source(%arg9 : memref<80x128xf32, #tpu.memory_space<vmem>>) target(%dma_start3A_46 : memref<10000x128xf32, #tpu.memory_space<vmem_shared>>) offsets(%dma_start3A_43 : memref<80xi32, #tpu.memory_space<vmem>>) semaphore(%arg16 : memref<!tpu.dma_semaphore, #tpu.memory_space<semaphore_mem>>) {add = true}
      %dma_start3A_47 = arith.constant 2 : i32
      %dma_start3A_48 = arith.constant 0 : i32
      %dma_start3A_49 = tpu.memref_slice %arg7[%dma_start3A_47, %dma_start3A_48] : memref<25x80xi32, #tpu.memory_space<vmem>> -> memref<1x80xi32, #tpu.memory_space<vmem>>
      %dma_start3A_50 = tpu.memref_squeeze %dma_start3A_49 : memref<1x80xi32, #tpu.memory_space<vmem>> -> memref<80xi32, #tpu.memory_space<vmem>>
      %dma_start3A_51 = arith.constant 0 : i32
      %dma_start3A_52 = arith.constant 0 : i32
      %dma_start3A_53 = tpu.memref_slice %arg2[%dma_start3A_51, %dma_start3A_52] : memref<20000x128xf32, #tpu.memory_space<hbm>> -> memref<20000x128xf32, #tpu.memory_space<hbm>>
      tpu.enqueue_indirect_dma source(%dma_start3A_53 : memref<20000x128xf32, #tpu.memory_space<hbm>>) target(%arg11 : memref<80x128xf32, #tpu.memory_space<vmem>>) offsets(%dma_start3A_50 : memref<80xi32, #tpu.memory_space<vmem>>) semaphore(%arg15 : memref<!tpu.dma_semaphore, #tpu.memory_space<semaphore_mem>>)
      %dma_wait3A_54 = arith.constant 0 : i32
      %dma_wait3A_55 = arith.constant 0 : i32
      %dma_wait3A_56 = tpu.memref_slice %arg7[%dma_wait3A_54, %dma_wait3A_55] : memref<25x80xi32, #tpu.memory_space<vmem>> -> memref<1x80xi32, #tpu.memory_space<vmem>>
      %dma_wait3A_57 = tpu.memref_squeeze %dma_wait3A_56 : memref<1x80xi32, #tpu.memory_space<vmem>> -> memref<80xi32, #tpu.memory_space<vmem>>
      %dma_wait3A_58 = arith.constant 0 : i32
      %dma_wait3A_59 = arith.constant 0 : i32
      %dma_wait3A_60 = tpu.memref_slice %arg2[%dma_wait3A_58, %dma_wait3A_59] : memref<20000x128xf32, #tpu.memory_space<hbm>> -> memref<20000x128xf32, #tpu.memory_space<hbm>>
      tpu.wait_indirect_dma semaphore(%arg14 : memref<!tpu.dma_semaphore, #tpu.memory_space<semaphore_mem>>) src(%dma_wait3A_60 : memref<20000x128xf32, #tpu.memory_space<hbm>>) dst(%arg10 : memref<80x128xf32, #tpu.memory_space<vmem>>)
      %dma_start3A_61 = arith.constant 1 : i32
      %dma_start3A_62 = arith.constant 0 : i32
      %dma_start3A_63 = tpu.memref_slice %arg8[%dma_start3A_61, %dma_start3A_62] : memref<25x80xi32, #tpu.memory_space<vmem>> -> memref<1x80xi32, #tpu.memory_space<vmem>>
      %dma_start3A_64 = tpu.memref_squeeze %dma_start3A_63 : memref<1x80xi32, #tpu.memory_space<vmem>> -> memref<80xi32, #tpu.memory_space<vmem>>
      %dma_start3A_65 = arith.constant 0 : i32
      %dma_start3A_66 = arith.constant 0 : i32
      %dma_start3A_67 = tpu.memref_slice %arg12[%dma_start3A_65, %dma_start3A_66] : memref<10000x128xf32, #tpu.memory_space<vmem_shared>> -> memref<10000x128xf32, #tpu.memory_space<vmem_shared>>
      tpu.enqueue_indirect_dma source(%arg10 : memref<80x128xf32, #tpu.memory_space<vmem>>) target(%dma_start3A_67 : memref<10000x128xf32, #tpu.memory_space<vmem_shared>>) offsets(%dma_start3A_64 : memref<80xi32, #tpu.memory_space<vmem>>) semaphore(%arg17 : memref<!tpu.dma_semaphore, #tpu.memory_space<semaphore_mem>>) {add = true}
      %dma_wait3A_68 = arith.constant 0 : i32
      %dma_wait3A_69 = arith.constant 0 : i32
      %dma_wait3A_70 = tpu.memref_slice %arg8[%dma_wait3A_68, %dma_wait3A_69] : memref<25x80xi32, #tpu.memory_space<vmem>> -> memref<1x80xi32, #tpu.memory_space<vmem>>
      %dma_wait3A_71 = tpu.memref_squeeze %dma_wait3A_70 : memref<1x80xi32, #tpu.memory_space<vmem>> -> memref<80xi32, #tpu.memory_space<vmem>>
      %dma_wait3A_72 = arith.constant 0 : i32
      %dma_wait3A_73 = arith.constant 0 : i32
      %dma_wait3A_74 = tpu.memref_slice %arg12[%dma_wait3A_72, %dma_wait3A_73] : memref<10000x128xf32, #tpu.memory_space<vmem_shared>> -> memref<10000x128xf32, #tpu.memory_space<vmem_shared>>
      tpu.wait_indirect_dma semaphore(%arg16 : memref<!tpu.dma_semaphore, #tpu.memory_space<semaphore_mem>>) src(%arg9 : memref<80x128xf32, #tpu.memory_space<vmem>>) dst(%dma_wait3A_74 : memref<10000x128xf32, #tpu.memory_space<vmem_shared>>)
      %dma_start3A_75 = arith.constant 3 : i32
      %dma_start3A_76 = arith.constant 0 : i32
      %dma_start3A_77 = tpu.memref_slice %arg7[%dma_start3A_75, %dma_start3A_76] : memref<25x80xi32, #tpu.memory_space<vmem>> -> memref<1x80xi32, #tpu.memory_space<vmem>>
      %dma_start3A_78 = tpu.memref_squeeze %dma_start3A_77 : memref<1x80xi32, #tpu.memory_space<vmem>> -> memref<80xi32, #tpu.memory_space<vmem>>
      %dma_start3A_79 = arith.constant 0 : i32
      %dma_start3A_80 = arith.constant 0 : i32
      %dma_start3A_81 = tpu.memref_slice %arg2[%dma_start3A_79, %dma_start3A_80] : memref<20000x128xf32, #tpu.memory_space<hbm>> -> memref<20000x128xf32, #tpu.memory_space<hbm>>
      tpu.enqueue_indirect_dma source(%dma_start3A_81 : memref<20000x128xf32, #tpu.memory_space<hbm>>) target(%arg9 : memref<80x128xf32, #tpu.memory_space<vmem>>) offsets(%dma_start3A_78 : memref<80xi32, #tpu.memory_space<vmem>>) semaphore(%arg13 : memref<!tpu.dma_semaphore, #tpu.memory_space<semaphore_mem>>)
      %dma_wait3A_82 = arith.constant 0 : i32
      %dma_wait3A_83 = arith.constant 0 : i32
      %dma_wait3A_84 = tpu.memref_slice %arg7[%dma_wait3A_82, %dma_wait3A_83] : memref<25x80xi32, #tpu.memory_space<vmem>> -> memref<1x80xi32, #tpu.memory_space<vmem>>
      %dma_wait3A_85 = tpu.memref_squeeze %dma_wait3A_84 : memref<1x80xi32, #tpu.memory_space<vmem>> -> memref<80xi32, #tpu.memory_space<vmem>>
      %dma_wait3A_86 = arith.constant 0 : i32
      %dma_wait3A_87 = arith.constant 0 : i32
      %dma_wait3A_88 = tpu.memref_slice %arg2[%dma_wait3A_86, %dma_wait3A_87] : memref<20000x128xf32, #tpu.memory_space<hbm>> -> memref<20000x128xf32, #tpu.memory_space<hbm>>
      tpu.wait_indirect_dma semaphore(%arg15 : memref<!tpu.dma_semaphore, #tpu.memory_space<semaphore_mem>>) src(%dma_wait3A_88 : memref<20000x128xf32, #tpu.memory_space<hbm>>) dst(%arg11 : memref<80x128xf32, #tpu.memory_space<vmem>>)
      %dma_start3A_89 = arith.constant 2 : i32
      %dma_start3A_90 = arith.constant 0 : i32
      %dma_start3A_91 = tpu.memref_slice %arg8[%dma_start3A_89, %dma_start3A_90] : memref<25x80xi32, #tpu.memory_space<vmem>> -> memref<1x80xi32, #tpu.memory_space<vmem>>
      %dma_start3A_92 = tpu.memref_squeeze %dma_start3A_91 : memref<1x80xi32, #tpu.memory_space<vmem>> -> memref<80xi32, #tpu.memory_space<vmem>>
      %dma_start3A_93 = arith.constant 0 : i32
      %dma_start3A_94 = arith.constant 0 : i32
      %dma_start3A_95 = tpu.memref_slice %arg12[%dma_start3A_93, %dma_start3A_94] : memref<10000x128xf32, #tpu.memory_space<vmem_shared>> -> memref<10000x128xf32, #tpu.memory_space<vmem_shared>>
      tpu.enqueue_indirect_dma source(%arg11 : memref<80x128xf32, #tpu.memory_space<vmem>>) target(%dma_start3A_95 : memref<10000x128xf32, #tpu.memory_space<vmem_shared>>) offsets(%dma_start3A_92 : memref<80xi32, #tpu.memory_space<vmem>>) semaphore(%arg18 : memref<!tpu.dma_semaphore, #tpu.memory_space<semaphore_mem>>) {add = true}
      %dma_wait3A_96 = arith.constant 0 : i32
      %dma_wait3A_97 = arith.constant 0 : i32
      %dma_wait3A_98 = tpu.memref_slice %arg8[%dma_wait3A_96, %dma_wait3A_97] : memref<25x80xi32, #tpu.memory_space<vmem>> -> memref<1x80xi32, #tpu.memory_space<vmem>>
      %dma_wait3A_99 = tpu.memref_squeeze %dma_wait3A_98 : memref<1x80xi32, #tpu.memory_space<vmem>> -> memref<80xi32, #tpu.memory_space<vmem>>
      %dma_wait3A_100 = arith.constant 0 : i32
      %dma_wait3A_101 = arith.constant 0 : i32
      %dma_wait3A_102 = tpu.memref_slice %arg12[%dma_wait3A_100, %dma_wait3A_101] : memref<10000x128xf32, #tpu.memory_space<vmem_shared>> -> memref<10000x128xf32, #tpu.memory_space<vmem_shared>>
      tpu.wait_indirect_dma semaphore(%arg17 : memref<!tpu.dma_semaphore, #tpu.memory_space<semaphore_mem>>) src(%arg10 : memref<80x128xf32, #tpu.memory_space<vmem>>) dst(%dma_wait3A_102 : memref<10000x128xf32, #tpu.memory_space<vmem_shared>>)
      %dma_start3A_103 = arith.constant 4 : i32
      %dma_start3A_104 = arith.constant 0 : i32
      %dma_start3A_105 = tpu.memref_slice %arg7[%dma_start3A_103, %dma_start3A_104] : memref<25x80xi32, #tpu.memory_space<vmem>> -> memref<1x80xi32, #tpu.memory_space<vmem>>
      %dma_start3A_106 = tpu.memref_squeeze %dma_start3A_105 : memref<1x80xi32, #tpu.memory_space<vmem>> -> memref<80xi32, #tpu.memory_space<vmem>>
      %dma_start3A_107 = arith.constant 0 : i32
      %dma_start3A_108 = arith.constant 0 : i32
      %dma_start3A_109 = tpu.memref_slice %arg2[%dma_start3A_107, %dma_start3A_108] : memref<20000x128xf32, #tpu.memory_space<hbm>> -> memref<20000x128xf32, #tpu.memory_space<hbm>>
      tpu.enqueue_indirect_dma source(%dma_start3A_109 : memref<20000x128xf32, #tpu.memory_space<hbm>>) target(%arg10 : memref<80x128xf32, #tpu.memory_space<vmem>>) offsets(%dma_start3A_106 : memref<80xi32, #tpu.memory_space<vmem>>) semaphore(%arg14 : memref<!tpu.dma_semaphore, #tpu.memory_space<semaphore_mem>>)
      %scan3A_110 = arith.constant 0 : i32
      %scan3A_111 = arith.constant 1 : i32
      %scan3A_112 = arith.constant 6 : i32
      %scan3A_113 = arith.addi %scan3A_111, %scan3A_112 : i32
      %scan3A_114 = arith.constant 1 : i32
      scf.for %scan3A_221 = %scan3A_111 to %scan3A_113 step %scan3A_114  : i32 {
        %dma_wait3A_222 = arith.constant 0 : i32
        %dma_wait3A_223 = arith.constant 0 : i32
        %dma_wait3A_224 = tpu.memref_slice %arg7[%dma_wait3A_222, %dma_wait3A_223] : memref<25x80xi32, #tpu.memory_space<vmem>> -> memref<1x80xi32, #tpu.memory_space<vmem>>
        %dma_wait3A_225 = tpu.memref_squeeze %dma_wait3A_224 : memref<1x80xi32, #tpu.memory_space<vmem>> -> memref<80xi32, #tpu.memory_space<vmem>>
        %dma_wait3A_226 = arith.constant 0 : i32
        %dma_wait3A_227 = arith.constant 0 : i32
        %dma_wait3A_228 = tpu.memref_slice %arg2[%dma_wait3A_226, %dma_wait3A_227] : memref<20000x128xf32, #tpu.memory_space<hbm>> -> memref<20000x128xf32, #tpu.memory_space<hbm>>
        tpu.wait_indirect_dma semaphore(%arg13 : memref<!tpu.dma_semaphore, #tpu.memory_space<semaphore_mem>>) src(%dma_wait3A_228 : memref<20000x128xf32, #tpu.memory_space<hbm>>) dst(%arg9 : memref<80x128xf32, #tpu.memory_space<vmem>>)
        %mul3A_229 = arith.constant 3 : i32
        %mul3A_230 = arith.muli %mul3A_229, %scan3A_221 : i32
        %dma_start3A_231 = arith.constant 0 : i32
        %dma_start3A_232 = tpu.memref_slice %arg8[%mul3A_230, %dma_start3A_231] : memref<25x80xi32, #tpu.memory_space<vmem>> -> memref<1x80xi32, #tpu.memory_space<vmem>>
        %dma_start3A_233 = tpu.memref_squeeze %dma_start3A_232 : memref<1x80xi32, #tpu.memory_space<vmem>> -> memref<80xi32, #tpu.memory_space<vmem>>
        %dma_start3A_234 = arith.constant 0 : i32
        %dma_start3A_235 = arith.constant 0 : i32
        %dma_start3A_236 = tpu.memref_slice %arg12[%dma_start3A_234, %dma_start3A_235] : memref<10000x128xf32, #tpu.memory_space<vmem_shared>> -> memref<10000x128xf32, #tpu.memory_space<vmem_shared>>
        tpu.enqueue_indirect_dma source(%arg9 : memref<80x128xf32, #tpu.memory_space<vmem>>) target(%dma_start3A_236 : memref<10000x128xf32, #tpu.memory_space<vmem_shared>>) offsets(%dma_start3A_233 : memref<80xi32, #tpu.memory_space<vmem>>) semaphore(%arg16 : memref<!tpu.dma_semaphore, #tpu.memory_space<semaphore_mem>>) {add = true}
        %dma_wait3A_237 = arith.constant 0 : i32
        %dma_wait3A_238 = arith.constant 0 : i32
        %dma_wait3A_239 = tpu.memref_slice %arg8[%dma_wait3A_237, %dma_wait3A_238] : memref<25x80xi32, #tpu.memory_space<vmem>> -> memref<1x80xi32, #tpu.memory_space<vmem>>
        %dma_wait3A_240 = tpu.memref_squeeze %dma_wait3A_239 : memref<1x80xi32, #tpu.memory_space<vmem>> -> memref<80xi32, #tpu.memory_space<vmem>>
        %dma_wait3A_241 = arith.constant 0 : i32
        %dma_wait3A_242 = arith.constant 0 : i32
        %dma_wait3A_243 = tpu.memref_slice %arg12[%dma_wait3A_241, %dma_wait3A_242] : memref<10000x128xf32, #tpu.memory_space<vmem_shared>> -> memref<10000x128xf32, #tpu.memory_space<vmem_shared>>
        tpu.wait_indirect_dma semaphore(%arg18 : memref<!tpu.dma_semaphore, #tpu.memory_space<semaphore_mem>>) src(%arg11 : memref<80x128xf32, #tpu.memory_space<vmem>>) dst(%dma_wait3A_243 : memref<10000x128xf32, #tpu.memory_space<vmem_shared>>)
        %mul3A_244 = arith.constant 3 : i32
        %mul3A_245 = arith.muli %mul3A_244, %scan3A_221 : i32
        %add3A_246 = arith.constant 2 : i32
        %add3A_247 = arith.addi %mul3A_245, %add3A_246 : i32
        %dma_start3A_248 = arith.constant 0 : i32
        %dma_start3A_249 = tpu.memref_slice %arg7[%add3A_247, %dma_start3A_248] : memref<25x80xi32, #tpu.memory_space<vmem>> -> memref<1x80xi32, #tpu.memory_space<vmem>>
        %dma_start3A_250 = tpu.memref_squeeze %dma_start3A_249 : memref<1x80xi32, #tpu.memory_space<vmem>> -> memref<80xi32, #tpu.memory_space<vmem>>
        %dma_start3A_251 = arith.constant 0 : i32
        %dma_start3A_252 = arith.constant 0 : i32
        %dma_start3A_253 = tpu.memref_slice %arg2[%dma_start3A_251, %dma_start3A_252] : memref<20000x128xf32, #tpu.memory_space<hbm>> -> memref<20000x128xf32, #tpu.memory_space<hbm>>
        tpu.enqueue_indirect_dma source(%dma_start3A_253 : memref<20000x128xf32, #tpu.memory_space<hbm>>) target(%arg11 : memref<80x128xf32, #tpu.memory_space<vmem>>) offsets(%dma_start3A_250 : memref<80xi32, #tpu.memory_space<vmem>>) semaphore(%arg15 : memref<!tpu.dma_semaphore, #tpu.memory_space<semaphore_mem>>)
        %dma_wait3A_254 = arith.constant 0 : i32
        %dma_wait3A_255 = arith.constant 0 : i32
        %dma_wait3A_256 = tpu.memref_slice %arg7[%dma_wait3A_254, %dma_wait3A_255] : memref<25x80xi32, #tpu.memory_space<vmem>> -> memref<1x80xi32, #tpu.memory_space<vmem>>
        %dma_wait3A_257 = tpu.memref_squeeze %dma_wait3A_256 : memref<1x80xi32, #tpu.memory_space<vmem>> -> memref<80xi32, #tpu.memory_space<vmem>>
        %dma_wait3A_258 = arith.constant 0 : i32
        %dma_wait3A_259 = arith.constant 0 : i32
        %dma_wait3A_260 = tpu.memref_slice %arg2[%dma_wait3A_258, %dma_wait3A_259] : memref<20000x128xf32, #tpu.memory_space<hbm>> -> memref<20000x128xf32, #tpu.memory_space<hbm>>
        tpu.wait_indirect_dma semaphore(%arg14 : memref<!tpu.dma_semaphore, #tpu.memory_space<semaphore_mem>>) src(%dma_wait3A_260 : memref<20000x128xf32, #tpu.memory_space<hbm>>) dst(%arg10 : memref<80x128xf32, #tpu.memory_space<vmem>>)
        %mul3A_261 = arith.constant 3 : i32
        %mul3A_262 = arith.muli %mul3A_261, %scan3A_221 : i32
        %add3A_263 = arith.constant 1 : i32
        %add3A_264 = arith.addi %mul3A_262, %add3A_263 : i32
        %dma_start3A_265 = arith.constant 0 : i32
        %dma_start3A_266 = tpu.memref_slice %arg8[%add3A_264, %dma_start3A_265] : memref<25x80xi32, #tpu.memory_space<vmem>> -> memref<1x80xi32, #tpu.memory_space<vmem>>
        %dma_start3A_267 = tpu.memref_squeeze %dma_start3A_266 : memref<1x80xi32, #tpu.memory_space<vmem>> -> memref<80xi32, #tpu.memory_space<vmem>>
        %dma_start3A_268 = arith.constant 0 : i32
        %dma_start3A_269 = arith.constant 0 : i32
        %dma_start3A_270 = tpu.memref_slice %arg12[%dma_start3A_268, %dma_start3A_269] : memref<10000x128xf32, #tpu.memory_space<vmem_shared>> -> memref<10000x128xf32, #tpu.memory_space<vmem_shared>>
        tpu.enqueue_indirect_dma source(%arg10 : memref<80x128xf32, #tpu.memory_space<vmem>>) target(%dma_start3A_270 : memref<10000x128xf32, #tpu.memory_space<vmem_shared>>) offsets(%dma_start3A_267 : memref<80xi32, #tpu.memory_space<vmem>>) semaphore(%arg17 : memref<!tpu.dma_semaphore, #tpu.memory_space<semaphore_mem>>) {add = true}
        %dma_wait3A_271 = arith.constant 0 : i32
        %dma_wait3A_272 = arith.constant 0 : i32
        %dma_wait3A_273 = tpu.memref_slice %arg8[%dma_wait3A_271, %dma_wait3A_272] : memref<25x80xi32, #tpu.memory_space<vmem>> -> memref<1x80xi32, #tpu.memory_space<vmem>>
        %dma_wait3A_274 = tpu.memref_squeeze %dma_wait3A_273 : memref<1x80xi32, #tpu.memory_space<vmem>> -> memref<80xi32, #tpu.memory_space<vmem>>
        %dma_wait3A_275 = arith.constant 0 : i32
        %dma_wait3A_276 = arith.constant 0 : i32
        %dma_wait3A_277 = tpu.memref_slice %arg12[%dma_wait3A_275, %dma_wait3A_276] : memref<10000x128xf32, #tpu.memory_space<vmem_shared>> -> memref<10000x128xf32, #tpu.memory_space<vmem_shared>>
        tpu.wait_indirect_dma semaphore(%arg16 : memref<!tpu.dma_semaphore, #tpu.memory_space<semaphore_mem>>) src(%arg9 : memref<80x128xf32, #tpu.memory_space<vmem>>) dst(%dma_wait3A_277 : memref<10000x128xf32, #tpu.memory_space<vmem_shared>>)
        %mul3A_278 = arith.constant 3 : i32
        %mul3A_279 = arith.muli %mul3A_278, %scan3A_221 : i32
        %add3A_280 = arith.constant 3 : i32
        %add3A_281 = arith.addi %mul3A_279, %add3A_280 : i32
        %dma_start3A_282 = arith.constant 0 : i32
        %dma_start3A_283 = tpu.memref_slice %arg7[%add3A_281, %dma_start3A_282] : memref<25x80xi32, #tpu.memory_space<vmem>> -> memref<1x80xi32, #tpu.memory_space<vmem>>
        %dma_start3A_284 = tpu.memref_squeeze %dma_start3A_283 : memref<1x80xi32, #tpu.memory_space<vmem>> -> memref<80xi32, #tpu.memory_space<vmem>>
        %dma_start3A_285 = arith.constant 0 : i32
        %dma_start3A_286 = arith.constant 0 : i32
        %dma_start3A_287 = tpu.memref_slice %arg2[%dma_start3A_285, %dma_start3A_286] : memref<20000x128xf32, #tpu.memory_space<hbm>> -> memref<20000x128xf32, #tpu.memory_space<hbm>>
        tpu.enqueue_indirect_dma source(%dma_start3A_287 : memref<20000x128xf32, #tpu.memory_space<hbm>>) target(%arg9 : memref<80x128xf32, #tpu.memory_space<vmem>>) offsets(%dma_start3A_284 : memref<80xi32, #tpu.memory_space<vmem>>) semaphore(%arg13 : memref<!tpu.dma_semaphore, #tpu.memory_space<semaphore_mem>>)
        %dma_wait3A_288 = arith.constant 0 : i32
        %dma_wait3A_289 = arith.constant 0 : i32
        %dma_wait3A_290 = tpu.memref_slice %arg7[%dma_wait3A_288, %dma_wait3A_289] : memref<25x80xi32, #tpu.memory_space<vmem>> -> memref<1x80xi32, #tpu.memory_space<vmem>>
        %dma_wait3A_291 = tpu.memref_squeeze %dma_wait3A_290 : memref<1x80xi32, #tpu.memory_space<vmem>> -> memref<80xi32, #tpu.memory_space<vmem>>
        %dma_wait3A_292 = arith.constant 0 : i32
        %dma_wait3A_293 = arith.constant 0 : i32
        %dma_wait3A_294 = tpu.memref_slice %arg2[%dma_wait3A_292, %dma_wait3A_293] : memref<20000x128xf32, #tpu.memory_space<hbm>> -> memref<20000x128xf32, #tpu.memory_space<hbm>>
        tpu.wait_indirect_dma semaphore(%arg15 : memref<!tpu.dma_semaphore, #tpu.memory_space<semaphore_mem>>) src(%dma_wait3A_294 : memref<20000x128xf32, #tpu.memory_space<hbm>>) dst(%arg11 : memref<80x128xf32, #tpu.memory_space<vmem>>)
        %mul3A_295 = arith.constant 3 : i32
        %mul3A_296 = arith.muli %mul3A_295, %scan3A_221 : i32
        %add3A_297 = arith.constant 2 : i32
        %add3A_298 = arith.addi %mul3A_296, %add3A_297 : i32
        %dma_start3A_299 = arith.constant 0 : i32
        %dma_start3A_300 = tpu.memref_slice %arg8[%add3A_298, %dma_start3A_299] : memref<25x80xi32, #tpu.memory_space<vmem>> -> memref<1x80xi32, #tpu.memory_space<vmem>>
        %dma_start3A_301 = tpu.memref_squeeze %dma_start3A_300 : memref<1x80xi32, #tpu.memory_space<vmem>> -> memref<80xi32, #tpu.memory_space<vmem>>
        %dma_start3A_302 = arith.constant 0 : i32
        %dma_start3A_303 = arith.constant 0 : i32
        %dma_start3A_304 = tpu.memref_slice %arg12[%dma_start3A_302, %dma_start3A_303] : memref<10000x128xf32, #tpu.memory_space<vmem_shared>> -> memref<10000x128xf32, #tpu.memory_space<vmem_shared>>
        tpu.enqueue_indirect_dma source(%arg11 : memref<80x128xf32, #tpu.memory_space<vmem>>) target(%dma_start3A_304 : memref<10000x128xf32, #tpu.memory_space<vmem_shared>>) offsets(%dma_start3A_301 : memref<80xi32, #tpu.memory_space<vmem>>) semaphore(%arg18 : memref<!tpu.dma_semaphore, #tpu.memory_space<semaphore_mem>>) {add = true}
        %dma_wait3A_305 = arith.constant 0 : i32
        %dma_wait3A_306 = arith.constant 0 : i32
        %dma_wait3A_307 = tpu.memref_slice %arg8[%dma_wait3A_305, %dma_wait3A_306] : memref<25x80xi32, #tpu.memory_space<vmem>> -> memref<1x80xi32, #tpu.memory_space<vmem>>
        %dma_wait3A_308 = tpu.memref_squeeze %dma_wait3A_307 : memref<1x80xi32, #tpu.memory_space<vmem>> -> memref<80xi32, #tpu.memory_space<vmem>>
        %dma_wait3A_309 = arith.constant 0 : i32
        %dma_wait3A_310 = arith.constant 0 : i32
        %dma_wait3A_311 = tpu.memref_slice %arg12[%dma_wait3A_309, %dma_wait3A_310] : memref<10000x128xf32, #tpu.memory_space<vmem_shared>> -> memref<10000x128xf32, #tpu.memory_space<vmem_shared>>
        tpu.wait_indirect_dma semaphore(%arg17 : memref<!tpu.dma_semaphore, #tpu.memory_space<semaphore_mem>>) src(%arg10 : memref<80x128xf32, #tpu.memory_space<vmem>>) dst(%dma_wait3A_311 : memref<10000x128xf32, #tpu.memory_space<vmem_shared>>)
        %mul3A_312 = arith.constant 3 : i32
        %mul3A_313 = arith.muli %mul3A_312, %scan3A_221 : i32
        %add3A_314 = arith.constant 4 : i32
        %add3A_315 = arith.addi %mul3A_313, %add3A_314 : i32
        %dma_start3A_316 = arith.constant 0 : i32
        %dma_start3A_317 = tpu.memref_slice %arg7[%add3A_315, %dma_start3A_316] : memref<25x80xi32, #tpu.memory_space<vmem>> -> memref<1x80xi32, #tpu.memory_space<vmem>>
        %dma_start3A_318 = tpu.memref_squeeze %dma_start3A_317 : memref<1x80xi32, #tpu.memory_space<vmem>> -> memref<80xi32, #tpu.memory_space<vmem>>
        %dma_start3A_319 = arith.constant 0 : i32
        %dma_start3A_320 = arith.constant 0 : i32
        %dma_start3A_321 = tpu.memref_slice %arg2[%dma_start3A_319, %dma_start3A_320] : memref<20000x128xf32, #tpu.memory_space<hbm>> -> memref<20000x128xf32, #tpu.memory_space<hbm>>
        tpu.enqueue_indirect_dma source(%dma_start3A_321 : memref<20000x128xf32, #tpu.memory_space<hbm>>) target(%arg10 : memref<80x128xf32, #tpu.memory_space<vmem>>) offsets(%dma_start3A_318 : memref<80xi32, #tpu.memory_space<vmem>>) semaphore(%arg14 : memref<!tpu.dma_semaphore, #tpu.memory_space<semaphore_mem>>)
      }
      %scan3A_115 = arith.constant 6 : i32
      %dma_wait3A_116 = arith.constant 0 : i32
      %dma_wait3A_117 = arith.constant 0 : i32
      %dma_wait3A_118 = tpu.memref_slice %arg7[%dma_wait3A_116, %dma_wait3A_117] : memref<25x80xi32, #tpu.memory_space<vmem>> -> memref<1x80xi32, #tpu.memory_space<vmem>>
      %dma_wait3A_119 = tpu.memref_squeeze %dma_wait3A_118 : memref<1x80xi32, #tpu.memory_space<vmem>> -> memref<80xi32, #tpu.memory_space<vmem>>
      %dma_wait3A_120 = arith.constant 0 : i32
      %dma_wait3A_121 = arith.constant 0 : i32
      %dma_wait3A_122 = tpu.memref_slice %arg2[%dma_wait3A_120, %dma_wait3A_121] : memref<20000x128xf32, #tpu.memory_space<hbm>> -> memref<20000x128xf32, #tpu.memory_space<hbm>>
      tpu.wait_indirect_dma semaphore(%arg13 : memref<!tpu.dma_semaphore, #tpu.memory_space<semaphore_mem>>) src(%dma_wait3A_122 : memref<20000x128xf32, #tpu.memory_space<hbm>>) dst(%arg9 : memref<80x128xf32, #tpu.memory_space<vmem>>)
      %dma_start3A_123 = arith.constant 21 : i32
      %dma_start3A_124 = arith.constant 0 : i32
      %dma_start3A_125 = tpu.memref_slice %arg8[%dma_start3A_123, %dma_start3A_124] : memref<25x80xi32, #tpu.memory_space<vmem>> -> memref<1x80xi32, #tpu.memory_space<vmem>>
      %dma_start3A_126 = tpu.memref_squeeze %dma_start3A_125 : memref<1x80xi32, #tpu.memory_space<vmem>> -> memref<80xi32, #tpu.memory_space<vmem>>
      %dma_start3A_127 = arith.constant 0 : i32
      %dma_start3A_128 = arith.constant 0 : i32
      %dma_start3A_129 = tpu.memref_slice %arg12[%dma_start3A_127, %dma_start3A_128] : memref<10000x128xf32, #tpu.memory_space<vmem_shared>> -> memref<10000x128xf32, #tpu.memory_space<vmem_shared>>
      tpu.enqueue_indirect_dma source(%arg9 : memref<80x128xf32, #tpu.memory_space<vmem>>) target(%dma_start3A_129 : memref<10000x128xf32, #tpu.memory_space<vmem_shared>>) offsets(%dma_start3A_126 : memref<80xi32, #tpu.memory_space<vmem>>) semaphore(%arg16 : memref<!tpu.dma_semaphore, #tpu.memory_space<semaphore_mem>>) {add = true}
      %dma_wait3A_130 = arith.constant 0 : i32
      %dma_wait3A_131 = arith.constant 0 : i32
      %dma_wait3A_132 = tpu.memref_slice %arg8[%dma_wait3A_130, %dma_wait3A_131] : memref<25x80xi32, #tpu.memory_space<vmem>> -> memref<1x80xi32, #tpu.memory_space<vmem>>
      %dma_wait3A_133 = tpu.memref_squeeze %dma_wait3A_132 : memref<1x80xi32, #tpu.memory_space<vmem>> -> memref<80xi32, #tpu.memory_space<vmem>>
      %dma_wait3A_134 = arith.constant 0 : i32
      %dma_wait3A_135 = arith.constant 0 : i32
      %dma_wait3A_136 = tpu.memref_slice %arg12[%dma_wait3A_134, %dma_wait3A_135] : memref<10000x128xf32, #tpu.memory_space<vmem_shared>> -> memref<10000x128xf32, #tpu.memory_space<vmem_shared>>
      tpu.wait_indirect_dma semaphore(%arg18 : memref<!tpu.dma_semaphore, #tpu.memory_space<semaphore_mem>>) src(%arg11 : memref<80x128xf32, #tpu.memory_space<vmem>>) dst(%dma_wait3A_136 : memref<10000x128xf32, #tpu.memory_space<vmem_shared>>)
      %dma_start3A_137 = arith.constant 23 : i32
      %dma_start3A_138 = arith.constant 0 : i32
      %dma_start3A_139 = tpu.memref_slice %arg7[%dma_start3A_137, %dma_start3A_138] : memref<25x80xi32, #tpu.memory_space<vmem>> -> memref<1x80xi32, #tpu.memory_space<vmem>>
      %dma_start3A_140 = tpu.memref_squeeze %dma_start3A_139 : memref<1x80xi32, #tpu.memory_space<vmem>> -> memref<80xi32, #tpu.memory_space<vmem>>
      %dma_start3A_141 = arith.constant 0 : i32
      %dma_start3A_142 = arith.constant 0 : i32
      %dma_start3A_143 = tpu.memref_slice %arg2[%dma_start3A_141, %dma_start3A_142] : memref<20000x128xf32, #tpu.memory_space<hbm>> -> memref<20000x128xf32, #tpu.memory_space<hbm>>
      tpu.enqueue_indirect_dma source(%dma_start3A_143 : memref<20000x128xf32, #tpu.memory_space<hbm>>) target(%arg11 : memref<80x128xf32, #tpu.memory_space<vmem>>) offsets(%dma_start3A_140 : memref<80xi32, #tpu.memory_space<vmem>>) semaphore(%arg15 : memref<!tpu.dma_semaphore, #tpu.memory_space<semaphore_mem>>)
      %dma_wait3A_144 = arith.constant 0 : i32
      %dma_wait3A_145 = arith.constant 0 : i32
      %dma_wait3A_146 = tpu.memref_slice %arg7[%dma_wait3A_144, %dma_wait3A_145] : memref<25x80xi32, #tpu.memory_space<vmem>> -> memref<1x80xi32, #tpu.memory_space<vmem>>
      %dma_wait3A_147 = tpu.memref_squeeze %dma_wait3A_146 : memref<1x80xi32, #tpu.memory_space<vmem>> -> memref<80xi32, #tpu.memory_space<vmem>>
      %dma_wait3A_148 = arith.constant 0 : i32
      %dma_wait3A_149 = arith.constant 0 : i32
      %dma_wait3A_150 = tpu.memref_slice %arg2[%dma_wait3A_148, %dma_wait3A_149] : memref<20000x128xf32, #tpu.memory_space<hbm>> -> memref<20000x128xf32, #tpu.memory_space<hbm>>
      tpu.wait_indirect_dma semaphore(%arg14 : memref<!tpu.dma_semaphore, #tpu.memory_space<semaphore_mem>>) src(%dma_wait3A_150 : memref<20000x128xf32, #tpu.memory_space<hbm>>) dst(%arg10 : memref<80x128xf32, #tpu.memory_space<vmem>>)
      %dma_start3A_151 = arith.constant 22 : i32
      %dma_start3A_152 = arith.constant 0 : i32
      %dma_start3A_153 = tpu.memref_slice %arg8[%dma_start3A_151, %dma_start3A_152] : memref<25x80xi32, #tpu.memory_space<vmem>> -> memref<1x80xi32, #tpu.memory_space<vmem>>
      %dma_start3A_154 = tpu.memref_squeeze %dma_start3A_153 : memref<1x80xi32, #tpu.memory_space<vmem>> -> memref<80xi32, #tpu.memory_space<vmem>>
      %dma_start3A_155 = arith.constant 0 : i32
      %dma_start3A_156 = arith.constant 0 : i32
      %dma_start3A_157 = tpu.memref_slice %arg12[%dma_start3A_155, %dma_start3A_156] : memref<10000x128xf32, #tpu.memory_space<vmem_shared>> -> memref<10000x128xf32, #tpu.memory_space<vmem_shared>>
      tpu.enqueue_indirect_dma source(%arg10 : memref<80x128xf32, #tpu.memory_space<vmem>>) target(%dma_start3A_157 : memref<10000x128xf32, #tpu.memory_space<vmem_shared>>) offsets(%dma_start3A_154 : memref<80xi32, #tpu.memory_space<vmem>>) semaphore(%arg17 : memref<!tpu.dma_semaphore, #tpu.memory_space<semaphore_mem>>) {add = true}
      %dma_wait3A_158 = arith.constant 0 : i32
      %dma_wait3A_159 = arith.constant 0 : i32
      %dma_wait3A_160 = tpu.memref_slice %arg8[%dma_wait3A_158, %dma_wait3A_159] : memref<25x80xi32, #tpu.memory_space<vmem>> -> memref<1x80xi32, #tpu.memory_space<vmem>>
      %dma_wait3A_161 = tpu.memref_squeeze %dma_wait3A_160 : memref<1x80xi32, #tpu.memory_space<vmem>> -> memref<80xi32, #tpu.memory_space<vmem>>
      %dma_wait3A_162 = arith.constant 0 : i32
      %dma_wait3A_163 = arith.constant 0 : i32
      %dma_wait3A_164 = tpu.memref_slice %arg12[%dma_wait3A_162, %dma_wait3A_163] : memref<10000x128xf32, #tpu.memory_space<vmem_shared>> -> memref<10000x128xf32, #tpu.memory_space<vmem_shared>>
      tpu.wait_indirect_dma semaphore(%arg16 : memref<!tpu.dma_semaphore, #tpu.memory_space<semaphore_mem>>) src(%arg9 : memref<80x128xf32, #tpu.memory_space<vmem>>) dst(%dma_wait3A_164 : memref<10000x128xf32, #tpu.memory_space<vmem_shared>>)
      %dma_start3A_165 = arith.constant 24 : i32
      %dma_start3A_166 = arith.constant 0 : i32
      %dma_start3A_167 = tpu.memref_slice %arg7[%dma_start3A_165, %dma_start3A_166] : memref<25x80xi32, #tpu.memory_space<vmem>> -> memref<1x80xi32, #tpu.memory_space<vmem>>
      %dma_start3A_168 = tpu.memref_squeeze %dma_start3A_167 : memref<1x80xi32, #tpu.memory_space<vmem>> -> memref<80xi32, #tpu.memory_space<vmem>>
      %dma_start3A_169 = arith.constant 0 : i32
      %dma_start3A_170 = arith.constant 0 : i32
      %dma_start3A_171 = tpu.memref_slice %arg2[%dma_start3A_169, %dma_start3A_170] : memref<20000x128xf32, #tpu.memory_space<hbm>> -> memref<20000x128xf32, #tpu.memory_space<hbm>>
      tpu.enqueue_indirect_dma source(%dma_start3A_171 : memref<20000x128xf32, #tpu.memory_space<hbm>>) target(%arg9 : memref<80x128xf32, #tpu.memory_space<vmem>>) offsets(%dma_start3A_168 : memref<80xi32, #tpu.memory_space<vmem>>) semaphore(%arg13 : memref<!tpu.dma_semaphore, #tpu.memory_space<semaphore_mem>>)
      %dma_wait3A_172 = arith.constant 0 : i32
      %dma_wait3A_173 = arith.constant 0 : i32
      %dma_wait3A_174 = tpu.memref_slice %arg7[%dma_wait3A_172, %dma_wait3A_173] : memref<25x80xi32, #tpu.memory_space<vmem>> -> memref<1x80xi32, #tpu.memory_space<vmem>>
      %dma_wait3A_175 = tpu.memref_squeeze %dma_wait3A_174 : memref<1x80xi32, #tpu.memory_space<vmem>> -> memref<80xi32, #tpu.memory_space<vmem>>
      %dma_wait3A_176 = arith.constant 0 : i32
      %dma_wait3A_177 = arith.constant 0 : i32
      %dma_wait3A_178 = tpu.memref_slice %arg2[%dma_wait3A_176, %dma_wait3A_177] : memref<20000x128xf32, #tpu.memory_space<hbm>> -> memref<20000x128xf32, #tpu.memory_space<hbm>>
      tpu.wait_indirect_dma semaphore(%arg15 : memref<!tpu.dma_semaphore, #tpu.memory_space<semaphore_mem>>) src(%dma_wait3A_178 : memref<20000x128xf32, #tpu.memory_space<hbm>>) dst(%arg11 : memref<80x128xf32, #tpu.memory_space<vmem>>)
      %dma_start3A_179 = arith.constant 23 : i32
      %dma_start3A_180 = arith.constant 0 : i32
      %dma_start3A_181 = tpu.memref_slice %arg8[%dma_start3A_179, %dma_start3A_180] : memref<25x80xi32, #tpu.memory_space<vmem>> -> memref<1x80xi32, #tpu.memory_space<vmem>>
      %dma_start3A_182 = tpu.memref_squeeze %dma_start3A_181 : memref<1x80xi32, #tpu.memory_space<vmem>> -> memref<80xi32, #tpu.memory_space<vmem>>
      %dma_start3A_183 = arith.constant 0 : i32
      %dma_start3A_184 = arith.constant 0 : i32
      %dma_start3A_185 = tpu.memref_slice %arg12[%dma_start3A_183, %dma_start3A_184] : memref<10000x128xf32, #tpu.memory_space<vmem_shared>> -> memref<10000x128xf32, #tpu.memory_space<vmem_shared>>
      tpu.enqueue_indirect_dma source(%arg11 : memref<80x128xf32, #tpu.memory_space<vmem>>) target(%dma_start3A_185 : memref<10000x128xf32, #tpu.memory_space<vmem_shared>>) offsets(%dma_start3A_182 : memref<80xi32, #tpu.memory_space<vmem>>) semaphore(%arg18 : memref<!tpu.dma_semaphore, #tpu.memory_space<semaphore_mem>>) {add = true}
      %dma_wait3A_186 = arith.constant 0 : i32
      %dma_wait3A_187 = arith.constant 0 : i32
      %dma_wait3A_188 = tpu.memref_slice %arg8[%dma_wait3A_186, %dma_wait3A_187] : memref<25x80xi32, #tpu.memory_space<vmem>> -> memref<1x80xi32, #tpu.memory_space<vmem>>
      %dma_wait3A_189 = tpu.memref_squeeze %dma_wait3A_188 : memref<1x80xi32, #tpu.memory_space<vmem>> -> memref<80xi32, #tpu.memory_space<vmem>>
      %dma_wait3A_190 = arith.constant 0 : i32
      %dma_wait3A_191 = arith.constant 0 : i32
      %dma_wait3A_192 = tpu.memref_slice %arg12[%dma_wait3A_190, %dma_wait3A_191] : memref<10000x128xf32, #tpu.memory_space<vmem_shared>> -> memref<10000x128xf32, #tpu.memory_space<vmem_shared>>
      tpu.wait_indirect_dma semaphore(%arg17 : memref<!tpu.dma_semaphore, #tpu.memory_space<semaphore_mem>>) src(%arg10 : memref<80x128xf32, #tpu.memory_space<vmem>>) dst(%dma_wait3A_192 : memref<10000x128xf32, #tpu.memory_space<vmem_shared>>)
      %dma_wait3A_193 = arith.constant 0 : i32
      %dma_wait3A_194 = arith.constant 0 : i32
      %dma_wait3A_195 = tpu.memref_slice %arg7[%dma_wait3A_193, %dma_wait3A_194] : memref<25x80xi32, #tpu.memory_space<vmem>> -> memref<1x80xi32, #tpu.memory_space<vmem>>
      %dma_wait3A_196 = tpu.memref_squeeze %dma_wait3A_195 : memref<1x80xi32, #tpu.memory_space<vmem>> -> memref<80xi32, #tpu.memory_space<vmem>>
      %dma_wait3A_197 = arith.constant 0 : i32
      %dma_wait3A_198 = arith.constant 0 : i32
      %dma_wait3A_199 = tpu.memref_slice %arg2[%dma_wait3A_197, %dma_wait3A_198] : memref<20000x128xf32, #tpu.memory_space<hbm>> -> memref<20000x128xf32, #tpu.memory_space<hbm>>
      tpu.wait_indirect_dma semaphore(%arg13 : memref<!tpu.dma_semaphore, #tpu.memory_space<semaphore_mem>>) src(%dma_wait3A_199 : memref<20000x128xf32, #tpu.memory_space<hbm>>) dst(%arg9 : memref<80x128xf32, #tpu.memory_space<vmem>>)
      %dma_start3A_200 = arith.constant 24 : i32
      %dma_start3A_201 = arith.constant 0 : i32
      %dma_start3A_202 = tpu.memref_slice %arg8[%dma_start3A_200, %dma_start3A_201] : memref<25x80xi32, #tpu.memory_space<vmem>> -> memref<1x80xi32, #tpu.memory_space<vmem>>
      %dma_start3A_203 = tpu.memref_squeeze %dma_start3A_202 : memref<1x80xi32, #tpu.memory_space<vmem>> -> memref<80xi32, #tpu.memory_space<vmem>>
      %dma_start3A_204 = arith.constant 0 : i32
      %dma_start3A_205 = arith.constant 0 : i32
      %dma_start3A_206 = tpu.memref_slice %arg12[%dma_start3A_204, %dma_start3A_205] : memref<10000x128xf32, #tpu.memory_space<vmem_shared>> -> memref<10000x128xf32, #tpu.memory_space<vmem_shared>>
      tpu.enqueue_indirect_dma source(%arg9 : memref<80x128xf32, #tpu.memory_space<vmem>>) target(%dma_start3A_206 : memref<10000x128xf32, #tpu.memory_space<vmem_shared>>) offsets(%dma_start3A_203 : memref<80xi32, #tpu.memory_space<vmem>>) semaphore(%arg16 : memref<!tpu.dma_semaphore, #tpu.memory_space<semaphore_mem>>) {add = true}
      %dma_wait3A_207 = arith.constant 0 : i32
      %dma_wait3A_208 = arith.constant 0 : i32
      %dma_wait3A_209 = tpu.memref_slice %arg8[%dma_wait3A_207, %dma_wait3A_208] : memref<25x80xi32, #tpu.memory_space<vmem>> -> memref<1x80xi32, #tpu.memory_space<vmem>>
      %dma_wait3A_210 = tpu.memref_squeeze %dma_wait3A_209 : memref<1x80xi32, #tpu.memory_space<vmem>> -> memref<80xi32, #tpu.memory_space<vmem>>
      %dma_wait3A_211 = arith.constant 0 : i32
      %dma_wait3A_212 = arith.constant 0 : i32
      %dma_wait3A_213 = tpu.memref_slice %arg12[%dma_wait3A_211, %dma_wait3A_212] : memref<10000x128xf32, #tpu.memory_space<vmem_shared>> -> memref<10000x128xf32, #tpu.memory_space<vmem_shared>>
      tpu.wait_indirect_dma semaphore(%arg18 : memref<!tpu.dma_semaphore, #tpu.memory_space<semaphore_mem>>) src(%arg11 : memref<80x128xf32, #tpu.memory_space<vmem>>) dst(%dma_wait3A_213 : memref<10000x128xf32, #tpu.memory_space<vmem_shared>>)
      %dma_wait3A_214 = arith.constant 0 : i32
      %dma_wait3A_215 = arith.constant 0 : i32
      %dma_wait3A_216 = tpu.memref_slice %arg8[%dma_wait3A_214, %dma_wait3A_215] : memref<25x80xi32, #tpu.memory_space<vmem>> -> memref<1x80xi32, #tpu.memory_space<vmem>>
      %dma_wait3A_217 = tpu.memref_squeeze %dma_wait3A_216 : memref<1x80xi32, #tpu.memory_space<vmem>> -> memref<80xi32, #tpu.memory_space<vmem>>
      %dma_wait3A_218 = arith.constant 0 : i32
      %dma_wait3A_219 = arith.constant 0 : i32
      %dma_wait3A_220 = tpu.memref_slice %arg12[%dma_wait3A_218, %dma_wait3A_219] : memref<10000x128xf32, #tpu.memory_space<vmem_shared>> -> memref<10000x128xf32, #tpu.memory_space<vmem_shared>>
      tpu.wait_indirect_dma semaphore(%arg16 : memref<!tpu.dma_semaphore, #tpu.memory_space<semaphore_mem>>) src(%arg9 : memref<80x128xf32, #tpu.memory_space<vmem>>) dst(%dma_wait3A_220 : memref<10000x128xf32, #tpu.memory_space<vmem_shared>>)
    }
    %scan3A_6 = arith.constant 5 : i32
    %barrier3A_7 = arith.constant 0 : index
    tpu.barrier barrier_id(%barrier3A_7)
    %mul3A_8 = arith.constant 10000 : i32
    %mul3A_9 = arith.muli %arg0, %mul3A_8 : i32
    %add3A_10 = arith.addi %mul3A_9, %mul3A_0 : i32
    "tpu.region"() ({
      %run_scoped3A = tpu.sem_alloc : memref<!tpu.dma_semaphore, #tpu.memory_space<semaphore_mem>>
      %dma_start3A = arith.constant 0 : i32
      %dma_start3A_11 = tpu.memref_slice %arg6[%add3A_10, %dma_start3A] : memref<20000x128xf32, #tpu.memory_space<hbm>> -> memref<640x128xf32, #tpu.memory_space<hbm>>
      %dma_start3A_12 = arith.constant 0 : i32
      %dma_start3A_13 = tpu.memref_slice %arg12[%mul3A_0, %dma_start3A_12] : memref<10000x128xf32, #tpu.memory_space<vmem_shared>> -> memref<640x128xf32, #tpu.memory_space<vmem_shared>>
      tpu.enqueue_dma source(%dma_start3A_13 : memref<640x128xf32, #tpu.memory_space<vmem_shared>>) target(%dma_start3A_11 : memref<640x128xf32, #tpu.memory_space<hbm>>) target_semaphore(%run_scoped3A : memref<!tpu.dma_semaphore, #tpu.memory_space<semaphore_mem>>)
      %dma_wait3A = arith.constant 0 : i32
      %dma_wait3A_14 = tpu.memref_slice %arg6[%add3A_10, %dma_wait3A] : memref<20000x128xf32, #tpu.memory_space<hbm>> -> memref<640x128xf32, #tpu.memory_space<hbm>>
      %dma_wait3A_15 = arith.constant 0 : i32
      %dma_wait3A_16 = tpu.memref_slice %arg12[%mul3A_0, %dma_wait3A_15] : memref<10000x128xf32, #tpu.memory_space<vmem_shared>> -> memref<640x128xf32, #tpu.memory_space<vmem_shared>>
      tpu.wait_dma2 semaphore(%run_scoped3A : memref<!tpu.dma_semaphore, #tpu.memory_space<semaphore_mem>>) src(%dma_wait3A_16 : memref<640x128xf32, #tpu.memory_space<vmem_shared>>) dst(%dma_wait3A_14 : memref<640x128xf32, #tpu.memory_space<hbm>>)
      tpu.yield
    }) : () -> ()
    return
  }
}

module attributes {stable_mosaic.version = 14 : i64} {
  func.func @_tc1_body(%arg0: i32, %arg1: memref<400x256xf32, #tpu.memory_space<vmem>>, %arg2: memref<400x128xf32, #tpu.memory_space<vmem>>, %arg3: memref<400x128xf32, #tpu.memory_space<vmem>>, %arg4: memref<400x128xf32, #tpu.memory_space<vmem>>, %arg5: memref<400x128xf32, #tpu.memory_space<vmem>>, %arg6: memref<512x256xf32, #tpu.memory_space<vmem>>, %arg7: memref<1x512xf32, #tpu.memory_space<vmem>>, %arg8: memref<512x256xf32, #tpu.memory_space<vmem>>, %arg9: memref<128x512xf32, #tpu.memory_space<vmem>>, %arg10: memref<128x512xf32, #tpu.memory_space<vmem>>, %arg11: memref<400x512xf32, #tpu.memory_space<vmem>>, %arg12: memref<400x256xf32, #tpu.memory_space<vmem>>, %arg13: memref<400x1xf32, #tpu.memory_space<vmem>>) attributes {dimension_semantics = [#tpu.dimension_semantics<arbitrary>], iteration_bounds = array<i64: 25>, scalar_prefetch = 0 : i64, scratch_operands = 0 : i64, tpu.core_type = #tpu.core_type<tc>, window_params = [{transform_indices = @transform_0, window_bounds = array<i64: 400, 256>}, {transform_indices = @transform_1, window_bounds = array<i64: 400, 128>}, {transform_indices = @transform_2, window_bounds = array<i64: 400, 128>}, {transform_indices = @transform_3, window_bounds = array<i64: 400, 128>}, {transform_indices = @transform_4, window_bounds = array<i64: 400, 128>}, {pipeline_mode = #tpu.pipeline_mode<synchronous>, transform_indices = @transform_5, window_bounds = array<i64: 512, 256>}, {pipeline_mode = #tpu.pipeline_mode<synchronous>, transform_indices = @transform_6, window_bounds = array<i64: 1, 512>}, {pipeline_mode = #tpu.pipeline_mode<synchronous>, transform_indices = @transform_7, window_bounds = array<i64: 512, 256>}, {pipeline_mode = #tpu.pipeline_mode<synchronous>, transform_indices = @transform_8, window_bounds = array<i64: 128, 512>}, {pipeline_mode = #tpu.pipeline_mode<synchronous>, transform_indices = @transform_9, window_bounds = array<i64: 128, 512>}, {transform_indices = @transform_10, window_bounds = array<i64: 400, 512>}, {transform_indices = @transform_11, window_bounds = array<i64: 400, 256>}, {transform_indices = @transform_12, window_bounds = array<i64: 400, 1>}]} {
    %get3A = arith.constant 0 : index
    %get3A_0 = arith.constant 0 : index
    %get3A_1 = vector.load %arg4[%get3A, %get3A_0] : memref<400x128xf32, #tpu.memory_space<vmem>>, vector<400x128xf32>
    %slice3A = vector.extract_strided_slice %get3A_1 {offsets = [0, 0], sizes = [400, 1], strides = [1, 1]} : vector<400x128xf32> to vector<400x1xf32>
    %get3A_2 = arith.constant 0 : index
    %get3A_3 = arith.constant 0 : index
    %get3A_4 = vector.load %arg5[%get3A_2, %get3A_3] : memref<400x128xf32, #tpu.memory_space<vmem>>, vector<400x128xf32>
    %slice3A_5 = vector.extract_strided_slice %get3A_4 {offsets = [0, 0], sizes = [400, 1], strides = [1, 1]} : vector<400x128xf32> to vector<400x1xf32>
    %add3A = arith.addf %slice3A, %slice3A_5 : vector<400x1xf32>
    %swap3A = arith.constant 0 : index
    %swap3A_6 = arith.constant 0 : index
    %swap3A_7 = vector.load %arg13[%swap3A, %swap3A_6] : memref<400x1xf32, #tpu.memory_space<vmem>>, vector<400x1xf32>
    tpu.vector_store %arg13[%swap3A, %swap3A_6], %add3A {strides = array<i32>} : memref<400x1xf32, #tpu.memory_space<vmem>>, vector<400x1xf32>,
    %max3A = arith.constant 1.000000e+00 : f32
    %max3A_8 = vector.broadcast %max3A : f32 to vector<400x1xf32>
    %max3A_9 = arith.maximumf %add3A, %max3A_8 : vector<400x1xf32>
    %div3A = arith.constant 1.000000e+00 : f32
    %div3A_10 = vector.broadcast %div3A : f32 to vector<400x1xf32>
    %div3A_11 = arith.divf %div3A_10, %max3A_9 : vector<400x1xf32>
    %get3A_12 = arith.constant 0 : index
    %get3A_13 = arith.constant 0 : index
    %get3A_14 = vector.load %arg2[%get3A_12, %get3A_13] : memref<400x128xf32, #tpu.memory_space<vmem>>, vector<400x128xf32>
    %get3A_15 = arith.constant 0 : index
    %get3A_16 = arith.constant 0 : index
    %get3A_17 = vector.load %arg3[%get3A_15, %get3A_16] : memref<400x128xf32, #tpu.memory_space<vmem>>, vector<400x128xf32>
    %concatenate3A = tpu.concatenate %get3A_14, %get3A_17 in 1 : vector<400x128xf32>, vector<400x128xf32> -> vector<400x256xf32>
    %mul3A = vector.broadcast %div3A_11 : vector<400x1xf32> to vector<400x256xf32>
    %mul3A_18 = arith.mulf %concatenate3A, %mul3A : vector<400x256xf32>
    %get3A_19 = arith.constant 0 : index
    %get3A_20 = arith.constant 0 : index
    %get3A_21 = vector.load %arg6[%get3A_19, %get3A_20] : memref<512x256xf32, #tpu.memory_space<vmem>>, vector<512x256xf32>
    %dot_general3A = arith.constant dense<0.000000e+00> : vector<400x512xf32>
    %dot_general3A_22 = tpu.matmul %mul3A_18, %get3A_21, %dot_general3A {dimension_numbers = #tpu.dot_dimension_numbers<[1], [1], [0], [0], [0, 0, 1, 0], [], []>, transpose_lhs_hint = false} : vector<400x256xf32>, vector<512x256xf32>, vector<400x512xf32> -> vector<400x512xf32>
    %get3A_23 = arith.constant 0 : index
    %get3A_24 = arith.constant 0 : index
    %get3A_25 = vector.load %arg1[%get3A_23, %get3A_24] : memref<400x256xf32, #tpu.memory_space<vmem>>, vector<400x256xf32>
    %get3A_26 = arith.constant 0 : index
    %get3A_27 = arith.constant 0 : index
    %get3A_28 = vector.load %arg8[%get3A_26, %get3A_27] : memref<512x256xf32, #tpu.memory_space<vmem>>, vector<512x256xf32>
    %dot_general3A_29 = arith.constant dense<0.000000e+00> : vector<400x512xf32>
    %dot_general3A_30 = tpu.matmul %get3A_25, %get3A_28, %dot_general3A_29 {dimension_numbers = #tpu.dot_dimension_numbers<[1], [1], [0], [0], [0, 0, 1, 0], [], []>, transpose_lhs_hint = false} : vector<400x256xf32>, vector<512x256xf32>, vector<400x512xf32> -> vector<400x512xf32>
    %add3A_31 = arith.addf %dot_general3A_22, %dot_general3A_30 : vector<400x512xf32>
    %get3A_32 = arith.constant 0 : index
    %get3A_33 = arith.constant 0 : index
    %get3A_34 = vector.load %arg7[%get3A_32, %get3A_33] : memref<1x512xf32, #tpu.memory_space<vmem>>, vector<1x512xf32>
    %add3A_35 = vector.broadcast %get3A_34 : vector<1x512xf32> to vector<400x512xf32>
    %add3A_36 = arith.addf %add3A_31, %add3A_35 : vector<400x512xf32>
    %max3A_37 = arith.constant 0.000000e+00 : f32
    %max3A_38 = vector.broadcast %max3A_37 : f32 to vector<400x512xf32>
    %max3A_39 = arith.maximumf %add3A_36, %max3A_38 : vector<400x512xf32>
    %swap3A_40 = arith.constant 0 : index
    %swap3A_41 = arith.constant 0 : index
    %swap3A_42 = vector.load %arg11[%swap3A_40, %swap3A_41] : memref<400x512xf32, #tpu.memory_space<vmem>>, vector<400x512xf32>
    tpu.vector_store %arg11[%swap3A_40, %swap3A_41], %max3A_39 {strides = array<i32>} : memref<400x512xf32, #tpu.memory_space<vmem>>, vector<400x512xf32>,
    %get3A_43 = arith.constant 0 : index
    %get3A_44 = arith.constant 0 : index
    %get3A_45 = vector.load %arg9[%get3A_43, %get3A_44] : memref<128x512xf32, #tpu.memory_space<vmem>>, vector<128x512xf32>
    %dot_general3A_46 = arith.constant dense<0.000000e+00> : vector<400x128xf32>
    %dot_general3A_47 = tpu.matmul %max3A_39, %get3A_45, %dot_general3A_46 {dimension_numbers = #tpu.dot_dimension_numbers<[1], [1], [0], [0], [0, 0, 1, 0], [], []>, transpose_lhs_hint = false} : vector<400x512xf32>, vector<128x512xf32>, vector<400x128xf32> -> vector<400x128xf32>
    %get3A_48 = arith.constant 0 : index
    %get3A_49 = arith.constant 0 : index
    %get3A_50 = vector.load %arg10[%get3A_48, %get3A_49] : memref<128x512xf32, #tpu.memory_space<vmem>>, vector<128x512xf32>
    %dot_general3A_51 = arith.constant dense<0.000000e+00> : vector<400x128xf32>
    %dot_general3A_52 = tpu.matmul %max3A_39, %get3A_50, %dot_general3A_51 {dimension_numbers = #tpu.dot_dimension_numbers<[1], [1], [0], [0], [0, 0, 1, 0], [], []>, transpose_lhs_hint = false} : vector<400x512xf32>, vector<128x512xf32>, vector<400x128xf32> -> vector<400x128xf32>
    %concatenate3A_53 = tpu.concatenate %dot_general3A_47, %dot_general3A_52 in 1 : vector<400x128xf32>, vector<400x128xf32> -> vector<400x256xf32>
    %swap3A_54 = arith.constant 0 : index
    %swap3A_55 = arith.constant 0 : index
    %swap3A_56 = vector.load %arg12[%swap3A_54, %swap3A_55] : memref<400x256xf32, #tpu.memory_space<vmem>>, vector<400x256xf32>
    tpu.vector_store %arg12[%swap3A_54, %swap3A_55], %concatenate3A_53 {strides = array<i32>} : memref<400x256xf32, #tpu.memory_space<vmem>>, vector<400x256xf32>,
    return
  }
  func.func @transform_0(%arg0: i32) -> (i32, i32) {
    %c0_i32 = arith.constant 0 : i32
    %c0_i32_0 = arith.constant 0 : i32
    return %arg0, %c0_i32 : i32, i32
  }
  func.func @transform_1(%arg0: i32) -> (i32, i32) {
    %c0_i32 = arith.constant 0 : i32
    %c0_i32_0 = arith.constant 0 : i32
    return %arg0, %c0_i32 : i32, i32
  }
  func.func @transform_2(%arg0: i32) -> (i32, i32) {
    %add3A = arith.constant 25 : i32
    %add3A_0 = arith.addi %arg0, %add3A : i32
    %c0_i32 = arith.constant 0 : i32
    %c0_i32_1 = arith.constant 0 : i32
    return %add3A_0, %c0_i32 : i32, i32
  }
  func.func @transform_3(%arg0: i32) -> (i32, i32) {
    %c0_i32 = arith.constant 0 : i32
    %c0_i32_0 = arith.constant 0 : i32
    return %arg0, %c0_i32 : i32, i32
  }
  func.func @transform_4(%arg0: i32) -> (i32, i32) {
    %add3A = arith.constant 25 : i32
    %add3A_0 = arith.addi %arg0, %add3A : i32
    %c0_i32 = arith.constant 0 : i32
    %c0_i32_1 = arith.constant 0 : i32
    return %add3A_0, %c0_i32 : i32, i32
  }
  func.func @transform_5(%arg0: i32) -> (i32, i32) {
    %c0_i32 = arith.constant 0 : i32
    %c0_i32_0 = arith.constant 0 : i32
    %c0_i32_1 = arith.constant 0 : i32
    return %c0_i32, %c0_i32_0 : i32, i32
  }
  func.func @transform_6(%arg0: i32) -> (i32, i32) {
    %c0_i32 = arith.constant 0 : i32
    %c0_i32_0 = arith.constant 0 : i32
    %c0_i32_1 = arith.constant 0 : i32
    return %c0_i32, %c0_i32_0 : i32, i32
  }
  func.func @transform_7(%arg0: i32) -> (i32, i32) {
    %c0_i32 = arith.constant 0 : i32
    %c0_i32_0 = arith.constant 0 : i32
    %c0_i32_1 = arith.constant 0 : i32
    return %c0_i32, %c0_i32_0 : i32, i32
  }
  func.func @transform_8(%arg0: i32) -> (i32, i32) {
    %c0_i32 = arith.constant 0 : i32
    %c0_i32_0 = arith.constant 0 : i32
    %c0_i32_1 = arith.constant 0 : i32
    return %c0_i32, %c0_i32_0 : i32, i32
  }
  func.func @transform_9(%arg0: i32) -> (i32, i32) {
    %c0_i32 = arith.constant 0 : i32
    %c0_i32_0 = arith.constant 0 : i32
    %c0_i32_1 = arith.constant 0 : i32
    return %c0_i32, %c0_i32_0 : i32, i32
  }
  func.func @transform_10(%arg0: i32) -> (i32, i32) {
    %c0_i32 = arith.constant 0 : i32
    %c0_i32_0 = arith.constant 0 : i32
    return %arg0, %c0_i32 : i32, i32
  }
  func.func @transform_11(%arg0: i32) -> (i32, i32) {
    %c0_i32 = arith.constant 0 : i32
    %c0_i32_0 = arith.constant 0 : i32
    return %arg0, %c0_i32 : i32, i32
  }
  func.func @transform_12(%arg0: i32) -> (i32, i32) {
    %c0_i32 = arith.constant 0 : i32
    %c0_i32_0 = arith.constant 0 : i32
    return %arg0, %c0_i32 : i32, i32
  }
}

module attributes {stable_mosaic.version = 14 : i64} {
  func.func @_tc2_body(%arg0: i32, %arg1: memref<400x512xf32, #tpu.memory_space<vmem>>, %arg2: memref<400x128xf32, #tpu.memory_space<vmem>>, %arg3: memref<400x128xf32, #tpu.memory_space<vmem>>, %arg4: memref<400x1xf32, #tpu.memory_space<vmem>>, %arg5: memref<128x512xf32, #tpu.memory_space<vmem>>, %arg6: memref<128x512xf32, #tpu.memory_space<vmem>>, %arg7: memref<1x128xf32, #tpu.memory_space<vmem>>, %arg8: memref<1x128xf32, #tpu.memory_space<vmem>>, %arg9: memref<400x128xf32, #tpu.memory_space<vmem>>, %arg10: memref<400x128xf32, #tpu.memory_space<vmem>>, %arg11: memref<1x1xf32, #tpu.memory_space<smem>>) attributes {dimension_semantics = [#tpu.dimension_semantics<arbitrary>], iteration_bounds = array<i64: 25>, scalar_prefetch = 0 : i64, scratch_operands = 0 : i64, tpu.core_type = #tpu.core_type<tc>, window_params = [{transform_indices = @transform_0, window_bounds = array<i64: 400, 512>}, {transform_indices = @transform_1, window_bounds = array<i64: 400, 128>}, {transform_indices = @transform_2, window_bounds = array<i64: 400, 128>}, {transform_indices = @transform_3, window_bounds = array<i64: 400, 1>}, {pipeline_mode = #tpu.pipeline_mode<synchronous>, transform_indices = @transform_4, window_bounds = array<i64: 128, 512>}, {pipeline_mode = #tpu.pipeline_mode<synchronous>, transform_indices = @transform_5, window_bounds = array<i64: 128, 512>}, {pipeline_mode = #tpu.pipeline_mode<synchronous>, transform_indices = @transform_6, window_bounds = array<i64: 1, 128>}, {pipeline_mode = #tpu.pipeline_mode<synchronous>, transform_indices = @transform_7, window_bounds = array<i64: 1, 128>}, {transform_indices = @transform_8, window_bounds = array<i64: 400, 128>}, {transform_indices = @transform_9, window_bounds = array<i64: 400, 128>}, {transform_indices = @transform_10, window_bounds = array<i64: 1, 1>}]} {
    %get3A = arith.constant 0 : index
    %get3A_0 = arith.constant 0 : index
    %get3A_1 = vector.load %arg4[%get3A, %get3A_0] : memref<400x1xf32, #tpu.memory_space<vmem>>, vector<400x1xf32>
    %max3A = arith.constant 1.000000e+00 : f32
    %max3A_2 = vector.broadcast %max3A : f32 to vector<400x1xf32>
    %max3A_3 = arith.maximumf %get3A_1, %max3A_2 : vector<400x1xf32>
    %div3A = arith.constant 1.000000e+00 : f32
    %div3A_4 = vector.broadcast %div3A : f32 to vector<400x1xf32>
    %div3A_5 = arith.divf %div3A_4, %max3A_3 : vector<400x1xf32>
    %get3A_6 = arith.constant 0 : index
    %get3A_7 = arith.constant 0 : index
    %get3A_8 = vector.load %arg2[%get3A_6, %get3A_7] : memref<400x128xf32, #tpu.memory_space<vmem>>, vector<400x128xf32>
    %mul3A = vector.broadcast %div3A_5 : vector<400x1xf32> to vector<400x128xf32>
    %mul3A_9 = arith.mulf %get3A_8, %mul3A : vector<400x128xf32>
    %get3A_10 = arith.constant 0 : index
    %get3A_11 = arith.constant 0 : index
    %get3A_12 = vector.load %arg7[%get3A_10, %get3A_11] : memref<1x128xf32, #tpu.memory_space<vmem>>, vector<1x128xf32>
    %add3A = vector.broadcast %get3A_12 : vector<1x128xf32> to vector<400x128xf32>
    %add3A_13 = arith.addf %mul3A_9, %add3A : vector<400x128xf32>
    %get3A_14 = arith.constant 0 : index
    %get3A_15 = arith.constant 0 : index
    %get3A_16 = vector.load %arg1[%get3A_14, %get3A_15] : memref<400x512xf32, #tpu.memory_space<vmem>>, vector<400x512xf32>
    %get3A_17 = arith.constant 0 : index
    %get3A_18 = arith.constant 0 : index
    %get3A_19 = vector.load %arg5[%get3A_17, %get3A_18] : memref<128x512xf32, #tpu.memory_space<vmem>>, vector<128x512xf32>
    %dot_general3A = arith.constant dense<0.000000e+00> : vector<400x128xf32>
    %dot_general3A_20 = tpu.matmul %get3A_16, %get3A_19, %dot_general3A {dimension_numbers = #tpu.dot_dimension_numbers<[1], [1], [0], [0], [0, 0, 1, 0], [], []>, transpose_lhs_hint = false} : vector<400x512xf32>, vector<128x512xf32>, vector<400x128xf32> -> vector<400x128xf32>
    %add3A_21 = arith.addf %add3A_13, %dot_general3A_20 : vector<400x128xf32>
    %get3A_22 = arith.constant 0 : index
    %get3A_23 = arith.constant 0 : index
    %get3A_24 = vector.load %arg3[%get3A_22, %get3A_23] : memref<400x128xf32, #tpu.memory_space<vmem>>, vector<400x128xf32>
    %mul3A_25 = vector.broadcast %div3A_5 : vector<400x1xf32> to vector<400x128xf32>
    %mul3A_26 = arith.mulf %get3A_24, %mul3A_25 : vector<400x128xf32>
    %get3A_27 = arith.constant 0 : index
    %get3A_28 = arith.constant 0 : index
    %get3A_29 = vector.load %arg8[%get3A_27, %get3A_28] : memref<1x128xf32, #tpu.memory_space<vmem>>, vector<1x128xf32>
    %add3A_30 = vector.broadcast %get3A_29 : vector<1x128xf32> to vector<400x128xf32>
    %add3A_31 = arith.addf %mul3A_26, %add3A_30 : vector<400x128xf32>
    %get3A_32 = arith.constant 0 : index
    %get3A_33 = arith.constant 0 : index
    %get3A_34 = vector.load %arg1[%get3A_32, %get3A_33] : memref<400x512xf32, #tpu.memory_space<vmem>>, vector<400x512xf32>
    %get3A_35 = arith.constant 0 : index
    %get3A_36 = arith.constant 0 : index
    %get3A_37 = vector.load %arg6[%get3A_35, %get3A_36] : memref<128x512xf32, #tpu.memory_space<vmem>>, vector<128x512xf32>
    %dot_general3A_38 = arith.constant dense<0.000000e+00> : vector<400x128xf32>
    %dot_general3A_39 = tpu.matmul %get3A_34, %get3A_37, %dot_general3A_38 {dimension_numbers = #tpu.dot_dimension_numbers<[1], [1], [0], [0], [0, 0, 1, 0], [], []>, transpose_lhs_hint = false} : vector<400x512xf32>, vector<128x512xf32>, vector<400x128xf32> -> vector<400x128xf32>
    %add3A_40 = arith.addf %add3A_31, %dot_general3A_39 : vector<400x128xf32>
    %exp3A = math.exp %add3A_40 : vector<400x128xf32>
    %get3A_41 = arith.constant 0 : index
    %get3A_42 = arith.constant 0 : index
    %get3A_43 = vector.load %arg9[%get3A_41, %get3A_42] : memref<400x128xf32, #tpu.memory_space<vmem>>, vector<400x128xf32>
    %mul3A_44 = arith.mulf %exp3A, %get3A_43 : vector<400x128xf32>
    %add3A_45 = arith.addf %add3A_21, %mul3A_44 : vector<400x128xf32>
    %swap3A = arith.constant 0 : index
    %swap3A_46 = arith.constant 0 : index
    %swap3A_47 = vector.load %arg10[%swap3A, %swap3A_46] : memref<400x128xf32, #tpu.memory_space<vmem>>, vector<400x128xf32>
    tpu.vector_store %arg10[%swap3A, %swap3A_46], %add3A_45 {strides = array<i32>} : memref<400x128xf32, #tpu.memory_space<vmem>>, vector<400x128xf32>,
    %mul3A_48 = arith.mulf %exp3A, %exp3A : vector<400x128xf32>
    %mul3A_49 = arith.mulf %add3A_21, %add3A_21 : vector<400x128xf32>
    %add3A_50 = arith.addf %mul3A_48, %mul3A_49 : vector<400x128xf32>
    %sub3A = arith.subf %add3A_50, %add3A_40 : vector<400x128xf32>
    %sub3A_51 = arith.constant 5.000000e-01 : f32
    %sub3A_52 = vector.broadcast %sub3A_51 : f32 to vector<400x128xf32>
    %sub3A_53 = arith.subf %sub3A, %sub3A_52 : vector<400x128xf32>
    %reduce_sum3A = vector.shape_cast %sub3A_53 : vector<400x128xf32> to vector<1x400x128xf32>
    %reduce_sum3A_54 = arith.constant dense<0.000000e+00> : vector<1xf32>
    %reduce_sum3A_55 = vector.multi_reduction <add>, %reduce_sum3A, %reduce_sum3A_54 [1, 2] : vector<1x400x128xf32> to vector<1xf32>
    %reduce_sum3A_56 = vector.shape_cast %reduce_sum3A_55 : vector<1xf32> to vector<1x1x1xf32>
    %reduce_sum3A_57 = vector.extract %reduce_sum3A_56[0, 0, 0] : f32 from vector<1x1x1xf32>
    %eq3A = arith.constant 0 : i32
    %eq3A_58 = arith.cmpi eq, %arg0, %eq3A : i32
    %convert_element_type3A = arith.extui %eq3A_58 : i1 to i32
    %cond3A = arith.constant 0 : i32
    %cond3A_59 = arith.cmpi ne, %convert_element_type3A, %cond3A : i32
    scf.if %cond3A_59 {
      %swap3A_67 = arith.constant 0.000000e+00 : f32
      %swap3A_68 = arith.constant 0 : index
      %swap3A_69 = arith.constant 0 : index
      %swap3A_70 = memref.load %arg11[%swap3A_68, %swap3A_69] : memref<1x1xf32, #tpu.memory_space<smem>>
      memref.store %swap3A_67, %arg11[%swap3A_68, %swap3A_69] : memref<1x1xf32, #tpu.memory_space<smem>>
    } else {
    }
    %get3A_60 = arith.constant 0 : index
    %get3A_61 = arith.constant 0 : index
    %get3A_62 = memref.load %arg11[%get3A_60, %get3A_61] : memref<1x1xf32, #tpu.memory_space<smem>>
    %add3A_63 = arith.addf %get3A_62, %reduce_sum3A_57 : f32
    %swap3A_64 = arith.constant 0 : index
    %swap3A_65 = arith.constant 0 : index
    %swap3A_66 = memref.load %arg11[%swap3A_64, %swap3A_65] : memref<1x1xf32, #tpu.memory_space<smem>>
    memref.store %add3A_63, %arg11[%swap3A_64, %swap3A_65] : memref<1x1xf32, #tpu.memory_space<smem>>
    return
  }
  func.func @transform_0(%arg0: i32) -> (i32, i32) {
    %c0_i32 = arith.constant 0 : i32
    %c0_i32_0 = arith.constant 0 : i32
    return %arg0, %c0_i32 : i32, i32
  }
  func.func @transform_1(%arg0: i32) -> (i32, i32) {
    %c0_i32 = arith.constant 0 : i32
    %c0_i32_0 = arith.constant 0 : i32
    return %arg0, %c0_i32 : i32, i32
  }
  func.func @transform_2(%arg0: i32) -> (i32, i32) {
    %add3A = arith.constant 25 : i32
    %add3A_0 = arith.addi %arg0, %add3A : i32
    %c0_i32 = arith.constant 0 : i32
    %c0_i32_1 = arith.constant 0 : i32
    return %add3A_0, %c0_i32 : i32, i32
  }
  func.func @transform_3(%arg0: i32) -> (i32, i32) {
    %c0_i32 = arith.constant 0 : i32
    %c0_i32_0 = arith.constant 0 : i32
    return %arg0, %c0_i32 : i32, i32
  }
  func.func @transform_4(%arg0: i32) -> (i32, i32) {
    %c0_i32 = arith.constant 0 : i32
    %c0_i32_0 = arith.constant 0 : i32
    %c0_i32_1 = arith.constant 0 : i32
    return %c0_i32, %c0_i32_0 : i32, i32
  }
  func.func @transform_5(%arg0: i32) -> (i32, i32) {
    %c0_i32 = arith.constant 0 : i32
    %c0_i32_0 = arith.constant 0 : i32
    %c0_i32_1 = arith.constant 0 : i32
    return %c0_i32, %c0_i32_0 : i32, i32
  }
  func.func @transform_6(%arg0: i32) -> (i32, i32) {
    %c0_i32 = arith.constant 0 : i32
    %c0_i32_0 = arith.constant 0 : i32
    %c0_i32_1 = arith.constant 0 : i32
    return %c0_i32, %c0_i32_0 : i32, i32
  }
  func.func @transform_7(%arg0: i32) -> (i32, i32) {
    %c0_i32 = arith.constant 0 : i32
    %c0_i32_0 = arith.constant 0 : i32
    %c0_i32_1 = arith.constant 0 : i32
    return %c0_i32, %c0_i32_0 : i32, i32
  }
  func.func @transform_8(%arg0: i32) -> (i32, i32) {
    %c0_i32 = arith.constant 0 : i32
    %c0_i32_0 = arith.constant 0 : i32
    return %arg0, %c0_i32 : i32, i32
  }
  func.func @transform_9(%arg0: i32) -> (i32, i32) {
    %c0_i32 = arith.constant 0 : i32
    %c0_i32_0 = arith.constant 0 : i32
    return %arg0, %c0_i32 : i32, i32
  }
  func.func @transform_10(%arg0: i32) -> (i32, i32) {
    %c0_i32 = arith.constant 0 : i32
    %c0_i32_0 = arith.constant 0 : i32
    %c0_i32_1 = arith.constant 0 : i32
    return %c0_i32, %c0_i32_0 : i32, i32
  }
}

</mosaic_0001>

<sc_bundles>
// kernel: kernel.10.cloned.1.call-start
scs
__scs_entry_jumppad:
0x0: {  	(pc) =	sbr.rel $0x88, $3  }
0x1: {  	(tag) =	ssettag $0x0;
	lr =	simm.s32 $0x1  }
0x2: {  	[smem:$0x3F95] =	sst lr;
	_ =	strace $0xD0000000  }
0x3: {  	_ = 	snop  }
0x4: {  	_ = 	snop  }
0x5: {  	_ = 	snop  }
0x6: {  	_ = 	snop  }
0x7: {  	_ = 	snop  }
__scs_overlays_trampoline_lowered:
0x8: {  	[smem:$0x3FA4] =	sst s0  }
0x9: {  	[smem:$0x3FA5] =	sst s1  }
0xa: {  	[smem:$0x3FA6] =	sst s2  }
0xb: {  	[smem:$0x3FA7] =	sst s3  }
0xc: {  	[smem:$0x3FA8] =	sst s4  }
0xd: {  	[smem:$0x3FA9] =	sst s5  }
0xe: {  	[smem:$0x3FAA] =	sst s6  }
0xf: {  	[smem:$0x3FAB] =	sst s7  }
0x10: {  	[smem:$0x3FAC] =	sst s8  }
0x11: {  	[smem:$0x3FAD] =	sst s9;
	s0 =	simm.s32 @!p0 $0x0  }
0x12: {  	s1 =	sld [smem:$0x3F93];
	s0 =	simm.s32 @p0 $0x1  }
0x13: {  	[smem:$0x3FAE] =	sst s0;
	s0 =	simm.s32 @!p1 $0x0  }
0x14: {  	s2 =	sld [smem:$0x3F92];
	s0 =	simm.s32 @p1 $0x1  }
0x15: {  	[smem:$0x3FAF] =	sst s0;
	s0 =	simm.s32 @!p2 $0x0  }
0x16: {  	s3 =	sld [smem:$0x3FDB];
	s0 =	simm.s32 @p2 $0x1  }
0x17: {  	s4 =	simm.s32 $0x1BF5;
	[smem:$0x3FB1] =	sst s0  }
0x18: {  	s0 =	sld [smem:$0x3F94];
	_ =	swait.ge [sflag:s4], $0x0  }
0x19: {  	s7 =	sld [smem:$0x3F95]  }
0x1a: {  	s8 =	sadd.s32 $0xFFFFE003, lr  }
0x1b: {  	s9 =	sadd.s32 $0xFFFFFEF7, lr;
	s5 =	simm.s32 $0xFFFFFFFF;
	p2 =	slt.u32 s8, $0xFFFFF086  }
0x1c: {  	p1 =	slt.u32 s9, $0xF7A;
	s5 =	simm.s32 @!p2 $0x0  }
0x1d: {  	s5 =	simm.s32 @p1 $0x1;
	p0 =	seq.s32 s7, s2  }
0x1e: {  	s7 =	smul.u32 @!p0 $0xF7A, s2;
	p2 =	seq.s32 @!p0 s5, $0x0  }
0x1f: {  	s9 =	smul.u32 $0xF7A, s1;
	s8 =	simm.s32 @!p0 $0x1BF5;
	p2 =	por !p2, p0  }
0x20: {  	[sflag:s8] =	ssyncset.s32 @!p0 $0xFFFFF086;
	s6 =	sadd.s32 @!p0 s3, s7;
	s7 =	simm.s32 @!p0 $0x108  }
0x21: {  	s3 =	sadd.s32 s3, s9;
	s6 =	sadd.s32 @!p0 $0x88, s6;
	s7 =	simm.s32 @p2 $0x1082  }
0x22: {  	[simem:s7], [sflag:s8] =	dma.local @!p0 [hbm:s6], $0xF7A  }
0x23: {  	s9 =	sor.u32 $0xD0000000, s2;
	s6 =	simm.s32 $0x108;
	_ =	swait.ge @!p0 [sflag:s8], $0x0  }
0x24: {  	s3 =	sadd.s32 $0x88, s3;
	s6 =	simm.s32 @!p1 $0x1082;
	[sflag:s4] =	ssyncset.s32 $0xFFFFF086  }
0x25: {  	[simem:s6], [sflag:s4] =	dma.local [hbm:s3], $0xF7A  }
0x26: {  	[smem:$0x3F95] =	sst s1;
	(tag) =	ssettag s2;
	_ =	strace s9  }
0x27: {  	s1 =	sld [smem:$0x3FA5]  }
0x28: {  	s2 =	sld [smem:$0x3FA6]  }
0x29: {  	s4 =	sld [smem:$0x3FA8]  }
0x2a: {  	p0 =	seq.s32 s5, $0x0;
	s5 =	sld [smem:$0x3FA9]  }
0x2b: {  	s6 =	sld [smem:$0x3FAA]  }
0x2c: {  	s7 =	sld [smem:$0x3FAB]  }
0x2d: {  	s3 =	simm.s32 $0x108;
	s8 =	sld [smem:$0x3FAC]  }
0x2e: {  	s3 =	simm.s32 @!p0 $0x1082;
	s9 =	sld [smem:$0x3FAD]  }
0x2f: {  	lr =	sadd.s32 s0, s3;
	s0 =	sld [smem:$0x3FA4]  }
0x30: {  	s3 =	sld [smem:$0x3FA7]  }
0x31: {  	[smem:$0x3FB0] =	sst s10  }
0x32: {  	s10 =	sld [smem:$0x3FAE];
	_ =	sdelay $0x3  }
0x33: {  	p0 =	seq.s32 s10, $0x1;
	s10 =	sld [smem:$0x3FB0];
	_ =	sdelay $0x3  }
0x34: {  	[smem:$0x3FB0] =	sst s10  }
0x35: {  	s10 =	sld [smem:$0x3FAF];
	_ =	sdelay $0x3  }
0x36: {  	p1 =	seq.s32 s10, $0x1;
	s10 =	sld [smem:$0x3FB0];
	_ =	sdelay $0x3  }
0x37: {  	[smem:$0x3FB0] =	sst s10  }
0x38: {  	s10 =	sld [smem:$0x3FB1]  }
0x39: {  	_ = 	snop;
	(pc) =	sbr.ind lr, $3  }
0x3a: {  	_ = 	snop  }
0x3b: {  	_ = 	snop  }
0x3c: {  	p2 =	seq.s32 s10, $0x1;
	s10 =	sld [smem:$0x3FB0]  }
0x3d: {  	_ =	shalt  }
0x3e: {  	_ =	shalt  }
0x3f: {  	_ =	shalt  }
0x40: {  	_ =	shalt  }
0x41: {  	_ =	shalt  }
0x42: {  	_ =	shalt  }
0x43: {  	_ =	shalt  }
0x44: {  	_ =	shalt  }
0x45: {  	_ =	shalt  }
0x46: {  	_ =	shalt  }
0x47: {  	_ =	shalt  }
0x48: {  	_ =	shalt  }
0x49: {  	_ =	shalt  }
0x4a: {  	_ =	shalt  }
0x4b: {  	_ =	shalt  }
0x4c: {  	_ =	shalt  }
0x4d: {  	_ =	shalt  }
0x4e: {  	_ =	shalt  }
0x4f: {  	_ =	shalt  }
0x50: {  	_ =	shalt  }
0x51: {  	_ =	shalt  }
0x52: {  	_ =	shalt  }
0x53: {  	_ =	shalt  }
0x54: {  	_ =	shalt  }
0x55: {  	_ =	shalt  }
0x56: {  	_ =	shalt  }
0x57: {  	_ =	shalt  }
0x58: {  	_ =	shalt  }
0x59: {  	_ =	shalt  }
0x5a: {  	_ =	shalt  }
0x5b: {  	_ =	shalt  }
0x5c: {  	_ =	shalt  }
0x5d: {  	_ =	shalt  }
0x5e: {  	_ =	shalt  }
0x5f: {  	_ =	shalt  }
0x60: {  	_ =	shalt  }
0x61: {  	_ =	shalt  }
0x62: {  	_ =	shalt  }
0x63: {  	_ =	shalt  }
0x64: {  	_ =	shalt  }
0x65: {  	_ =	shalt  }
0x66: {  	_ =	shalt  }
0x67: {  	_ =	shalt  }
0x68: {  	_ =	shalt  }
0x69: {  	_ =	shalt  }
0x6a: {  	_ =	shalt  }
0x6b: {  	_ =	shalt  }
0x6c: {  	_ =	shalt  }
0x6d: {  	_ =	shalt  }
0x6e: {  	_ =	shalt  }
0x6f: {  	_ =	shalt  }
0x70: {  	_ =	shalt  }
0x71: {  	_ =	shalt  }
0x72: {  	_ =	shalt  }
0x73: {  	_ =	shalt  }
0x74: {  	_ =	shalt  }
0x75: {  	_ =	shalt  }
0x76: {  	_ =	shalt  }
0x77: {  	_ =	shalt  }
0x78: {  	_ =	shalt  }
0x79: {  	_ =	shalt  }
0x7a: {  	_ =	shalt  }
0x7b: {  	_ =	shalt  }
0x7c: {  	_ =	shalt  }
0x7d: {  	_ =	shalt  }
0x7e: {  	_ =	shalt  }
0x7f: {  	_ =	shalt  }
0x80: {  	_ =	shalt  }
0x81: {  	_ =	shalt  }
0x82: {  	_ =	shalt  }
0x83: {  	_ =	shalt  }
0x84: {  	_ =	shalt  }
0x85: {  	_ =	shalt  }
0x86: {  	_ =	shalt  }
0x87: {  	_ =	shalt  }
.Lfunc_end0:
.L_simem_size_0:
called_computation.1_lowered:
.L_overlay_start_0:
0x88: {  	s2 =	sld [smem:$0x3FD9]  }
0x89: {  	s3 =	sld [smem:$0x3FFE];
	_ =	sdelay $0x1  }
0x8a: {  	s1 =	srdreg.scid  }
0x8b: {  	s0 =	sand.u32 $0x1, s1  }
0x8c: {  	s15 =	sshll.u32 s0, $0xA;
	s2 =	sadd.s32 s3, s2  }
0x8d: {  	s2 =	sadd.s32 s2, s15  }
0x8e: {  	[smem:$0x3FBC] =	sst s2  }
0x8f: {  	_ = 	snop  }
0x90: {  	s2 =	sld [smem:$0x3FD0];
	_ =	sdelay $0x2  }
0x91: {  	s16 =	simm.s32 $0xB;
	s4 =	simm.s32 $0x10  }
0x92: {  	[smem:s4], [sflag:s16] =	dma.local [hbm:s2], $0x1  }
0x93: {  	_ =	swait.eq [sflag:s16], $0x1  }
0x94: {  	[sflag:s16] =	ssyncset.done $0x0  }
0x95: {  	[sflag:s16] =	ssyncadd.s32 $0xFFFFFFFF  }
0x96: {  	s17 =	sld [smem:$0x10];
	(tm) =	ssettm $0x1  }
0x97: {  	s18 =	sld [smem:$0x3FFB];
	_ =	sdelay $0x3  }
0x98: {  	_ =	strace s18  }
0x99: {  	s2 =	sld [smem:$0x3FFC];
	_ =	sdelay $0x3  }
0x9a: {  	_ =	strace s2  }
0x9b: {  	s2 =	sld [smem:$0x3FFD];
	_ =	sdelay $0x3  }
0x9c: {  	_ =	strace s2  }
0x9d: {  	_ =	strace $0x8FFFFFFF  }
0x9e: {  	s19 =	sld [smem:$0x3FDB];
	_ =	sdelay $0x1  }
0x9f: {  	s20 =	simm.s32 $_scs_section_size  }
0xa0: {  	s5 =	simm.s32 $_size__tile_overlayer_lowered;
	s6 =	simm.s32 $_tile_overlayer_lowered  }
0xa1: {  	s7 =	simm.s32 $0x1BFF;
	s21 =	sshll.u32 s6, $0x1;
	s4 =	sadd.s32 s20, s19  }
0xa2: {  	s22 =	simm.s32 $0x0;
	s5 =	sshll.u32 s5, $0x1;
	s6 =	sadd.s32 s21, s4  }
0xa3: {  	[timem:s22], [sflag:s7] =	dma.local [hbm:s6], s5  }
0xa4: {  	_ =	swait.ge [sflag:s7], s5  }
0xa5: {  	s5 =	ssub.s32 $0x0, s5;
	[sflag:s7] =	ssyncset.done $0x0  }
0xa6: {  	[sflag:s7] =	ssyncadd.s32 s5;
	_ =	sdelay $0x1  }
0xa7: {  	s23 =	simm.s32 $0x1B8B  }
0xa8: {  	_ =	swait.ge [sflag:s23], $0x1  }
0xa9: {  	[sflag:s23] =	ssyncset.done $0x0  }
0xaa: {  	[sflag:s23] =	ssyncadd.s32 $0xFFFFFFFF  }
0xab: {  	s5 =	sld [smem:$0x0]  }
0xac: {  	s6 =	sand.u32 $0xFFFFFFFE, s1  }
0xad: {  	p0 =	sne.s32 s1, s6  }
0xae: {  	s6 =	sshll.u32 @p0 s6, $0xE  }
0xaf: {  	s6 =	sadd.s32 @p0 $0x11B8D, s6;
	s7 =	sshll.u32 @p0 s5, $0x11  }
0xb0: {  	s6 =	sor.u32 @p0 s7, s6  }
0xb1: {  	[sflag:s6] =	ssyncadd.remote.s32 @p0 $0x1;
	_ =	sdelay $0x1  }
0xb2: {  	s6 =	simm.s32 @p0 $0x1B8D  }
0xb3: {  	_ =	swait.eq @p0 [sflag:s6], $0x1  }
0xb4: {  	[sflag:s6] =	ssyncadd.s32 @p0 $0xFFFFFFFF  }
0xb5: {  	s7 =	sshll.u32 @!p0 s1, $0xE  }
0xb6: {  	s7 =	sor.u32 @!p0 $0x4000, s7;
	s6 =	simm.s32 @!p0 $0x1B8D  }
0xb7: {  	s5 =	sshll.u32 @!p0 s5, $0x11;
	s7 =	sadd.s32 @!p0 $0x11B8D, s7;
	_ =	swait.eq @!p0 [sflag:s6], $0x1  }
0xb8: {  	s5 =	sor.u32 @!p0 s5, s7;
	[sflag:s6] =	ssyncadd.s32 @!p0 $0xFFFFFFFF  }
0xb9: {  	s25 =	simm.s32 $0x1B8E;
	s24 =	sld [smem:$0x3FFE];
	[sflag:s5] =	ssyncadd.remote.s32 @!p0 $0x1  }
0xba: {  	s26 =	simm.s32 $execute0_lowered;
	[smem:$0x3FD2] =	sst s25  }
0xbb: {  	s6 =	sshll.u32 s26, $0x1;
	_ =	strace $0x80000049;
	[dreg:$0x1] =	wrdreg $0xFFFFFFFF  }
0xbc: {  	s28 =	simm.s32 $_size_execute0_lowered;
	s4 =	sadd.s32 s4, s6;
	[dreg:$0x0] =	wrdreg $0x0  }
0xbd: {  	s6 =	sshll.u32 s28, $0x1;
	[dreg:$0x2] =	wrdreg s4  }
0xbe: {  	[dreg:$0x3] =	wrdreg s6  }
0xbf: {  	[dreg:$0x4] =	wrdreg $0xC0  }
0xc0: {  	_ =	task [dreg:s22], $0x5FFFF  }
0xc1: {  	[dreg:$0x1] =	wrdreg $0xFFFFFFFF  }
0xc2: {  	[dreg:$0x0] =	wrdreg $0x60  }
0xc3: {  	[dreg:$0x2] =	wrdreg s24  }
0xc4: {  	[dreg:$0x3] =	wrdreg s17  }
0xc5: {  	[dreg:$0x4] =	wrdreg $0x54000  }
0xc6: {  	[dreg:$0x5] =	wrdreg $0xA  }
0xc7: {  	_ =	task.clear_ibuf [dreg:s22], $0x6FFFF;
	_ =	strace $0x90000049  }
0xc8: {  	s29 =	simm.s32 $0xA;
	_ =	strace $0x8000004B  }
0xc9: {  	_ =	swait.ge [sflag:s29], $0x1  }
0xca: {  	[sflag:s29] =	ssyncadd.s32 $0xFFFFFFFF  }
0xcb: {  	_ =	strace $0x9000004B  }
0xcc: {  	_ =	sfence  }
0xcd: {  	s30 =	sld [smem:$0x0];
	_ =	sdelay $0x2  }
0xce: {  	s31 =	sshll.u32 s1, $0xD;
	s1 =	sshrl.u32 s1, $0x2  }
0xcf: {  	s4 =	sand.u32 $0x4000, s31;
	s1 =	sadd.s32 s1, s30  }
0xd0: {  	s0 =	sor.u32 s4, s0;
	s1 =	sshll.u32 s1, $0x11  }
0xd1: {  	s0 =	sor.u32 s1, s0  }
0xd2: {  	s0 =	sadd.s32 $0x8F2B, s0  }
0xd3: {  	[sflag:s0] =	ssyncadd.remote.s32 $0x1  }
0xd4: {  	_ =	sfence.sel $0xFFFF  }
0xd5: {  	[dreg:$0x0] =	wrdreg $0xFFFFFFFF;
	(pc) =	sbr.abs _section_cstart, $3  }
0xd6: {  	[dreg:$0x1] =	wrdreg $0xFFFFFFFF  }
0xd7: {  	_ =	task.clear_ibuf [dreg:s22], $0x2FFFF;
	_ =	strace $0x9FFFFFFF  }
0xd8: {  	(tm) =	ssettm $0x7FFFFFFF  }
0xd9: {  	_ =	shalt  }
tec
execute0_lowered:
.L_overlay_start_1:
0x0: {  	(tag) =	ssettag $0x1  }
0x1: {  	s5 =	rddreg [dreg:$0x0]  }
0x2: {  	s6 =	rddreg [dreg:$0x1]  }
0x3: {  	s0 =	srdreg.scid;
	s2 =	rddreg [dreg:$0x2]  }
0x4: {  	s3 =	simm.s32 $0x0;
	s13 =	simm.s32 $0x7D;
	s14 =	simm.s32 $0x80  }
0x5: {  	s15 =	simm.s32 $0x100;
	s4 =	sand.u32 $0x1, s0;
	s0 =	stileid.u32  }
0x6: {  	s16 =	simm.s32 $0x180;
	s17 =	simm.s32 $0x1;
	s8 =	smul.u32 $0x2700, s0  }
0x7: {  	s18 =	simm.s32 $0x0;
	[smem:$0x7FF] =	sst s3;
	s9 =	smul.u32 $0x27100, s4  }
0x8: {  	s1 =	sshll.u32 s4, $0x4;
	s10 =	ssub.s32 $0x2, s4;
	s11 =	smul.u32 $0x4E000, s0  }
0x9: {  	s4 =	sadd.s32 $0xC1A00, s5;
	s31 =	sshll.u32 s0, $0x6;
	s1 =	sor.u32 s0, s1  }
0xa: {  	s29 =	sshrl.u32 s10, $0x1;
	s7 =	smul.u32 $0x280, s1;
	s1 =	rddreg [dreg:$0x3]  }
0xb: {  	_ =	strace $0x8000004A;
	s9 =	sadd.s32 s8, s9;
	s10 =	ssub.s32 s10, s29  }
0xc: {  	s30 =	sshrl.u32 s11, $0x2;
	s11 =	simm.s32 $0x2;
	s9 =	sadd.s32 s9, s5  }
0xd: {  	s12 =	sadd.s32 s30, s2;
	s7 =	sadd.s32 s7, s5;
	s5 =	sadd.s32 s6, s8  }
0xe: {  	s6 =	sor.u32 $0x1C02, s31;
	s8 =	sadd.s32 $0xC2200, s9;
	s9 =	smax.u32 s10, $0x1  }
0xf: {  	s10 =	sshrl.u32 s12, $0x3;
	s12 =	simm.s32 $0x1400;
	s7 =	sadd.s32 $0xBCA00, s7  }
.LBB2_1:
0x10: {  	[spmem:s10], [sflag:s6] =	dma.local [hbm:s5], $0x2800  }
0x11: {  	_ =	swait.ge [sflag:s11], $0x2800  }
0x12: {  	[sflag:s11] =	ssyncset.done $0x0  }
0x13: {  	[sflag:s11] =	ssyncadd.s32 $0xFFFFD800  }
0x14: {  	[tilespmem:s12], [sflag:$0x2] =	stream.linear.gather [hbm4b:s4+s3], $0x3E80, $0x38;
	[tilespmem:$0x18C80] =	vst v63  }
0x15: {  	_ =	swait.ge [sflag:s11], $0x3E80  }
0x16: {  	[sflag:s11] =	ssyncset.done $0x0  }
0x17: {  	[sflag:s11] =	ssyncadd.s32 $0xFFFFC180  }
0x18: {  	[tilespmem:s3], [sflag:$0x2] =	stream.linear.gather [hbm4b:s7+s3], $0x1400, $0x38;
	[tilespmem:$0x18C80] =	vst v63  }
0x19: {  	_ =	swait.ge [sflag:s11], $0x1400  }
0x1a: {  	[sflag:s11] =	ssyncset.done $0x0  }
0x1b: {  	[sflag:s11] =	ssyncadd.s32 $0xFFFFEC00  }
0x1c: {  	[bflag:$0x0] =	sbarrier.arrive $0xFFFF  }
0x1d: {  	[spmem:s2] =	stream.indirect.scatter.add.f32 [tilespmem:s12], [sflag:$0x1], $0x80, s3, s13, $0xb8;
	[tilespmem:$0x18C80] =	vst v63  }
0x1e: {  	_ = 	snop  }
0x1f: {  	[spmem:s2] =	stream.indirect.scatter.add.f32 [tilespmem:s12], [sflag:$0x1], $0x80, s14, s13, $0xb8;
	[tilespmem:$0x18C80] =	vst v63  }
0x20: {  	_ = 	snop  }
0x21: {  	[spmem:s2] =	stream.indirect.scatter.add.f32 [tilespmem:s12], [sflag:$0x1], $0x80, s15, s13, $0xb8;
	[tilespmem:$0x18C80] =	vst v63  }
0x22: {  	_ = 	snop  }
0x23: {  	[spmem:s2] =	stream.indirect.scatter.add.f32 [tilespmem:s12], [sflag:$0x1], $0x80, s16, s13, $0xb8;
	[tilespmem:$0x18C80] =	vst v63  }
0x24: {  	s19 =	simm.s32 $0x200  }
0x25: {  	[spmem:s2] =	stream.indirect.scatter.add.f32 [tilespmem:s12], [sflag:$0x1], $0x80, s19, s13, $0xb8;
	[tilespmem:$0x18C80] =	vst v63  }
0x26: {  	_ =	swait.ge [sflag:s17], $0x3E80  }
0x27: {  	s19 =	simm.s32 $0xA00;
	[sflag:s17] =	ssyncset.done $0x0  }
.LBB2_2:
0x28: {  	s20 =	sshra.s32 s19, $0x2;
	[sflag:s17] =	ssyncadd.s32 $0xFFFFC180;
	p0 =	sne.s32 s19, $0x4E00  }
0x29: {  	[spmem:s2] =	stream.indirect.scatter.add.f32 [tilespmem:s12], [sflag:$0x1], $0x80, s20, s13, $0xb8;
	[tilespmem:$0x18C80] =	vst v63  }
.Ltmp0:
0x2a: {  	_ = 	snop;
	(pc) =	sbr.rel @p0 .LBB2_2-.Ltmp0, $4  }
0x2b: {  	_ = 	snop  }
0x2c: {  	s19 =	sadd.s32 $0x200, s19  }
0x2d: {  	_ =	swait.ge [sflag:s17], $0x3E80  }
0x2e: {  	[sflag:s17] =	ssyncset.done $0x0  }
0x2f: {  	[sflag:s17] =	ssyncadd.s32 $0xFFFFC180  }
0x30: {  	_ =	swait.ge [sflag:s17], $0x3E80  }
0x31: {  	[sflag:s17] =	ssyncset.done $0x0  }
0x32: {  	[sflag:s17] =	ssyncadd.s32 $0xFFFFC180  }
0x33: {  	_ =	swait.ge [sflag:s17], $0x3E80  }
0x34: {  	[sflag:s17] =	ssyncset.done $0x0  }
0x35: {  	[sflag:s17] =	ssyncadd.s32 $0xFFFFC180  }
0x36: {  	_ =	swait.ge [sflag:s17], $0x3E80  }
0x37: {  	[sflag:s17] =	ssyncset.done $0x0  }
0x38: {  	[sflag:s17] =	ssyncadd.s32 $0xFFFFC180  }
0x39: {  	_ =	swait.ge [sflag:s17], $0x3E80  }
0x3a: {  	s18 =	sadd.s32 $0x1, s18;
	[sflag:s17] =	ssyncset.done $0x0  }
0x3b: {  	p0 =	sne.s32 s18, s9;
	[sflag:s17] =	ssyncadd.s32 $0xFFFFC180  }
.Ltmp1:
0x3c: {  	[bflag:$0x0] =	sbarrier.arrive $0xFFFF;
	(pc) =	sbr.rel @p0 .LBB2_1-.Ltmp1, $4  }
0x3d: {  	[hbm:s8], [sflag:s6] =	dma.local [spmem:s10], $0x2800  }
0x3e: {  	_ =	swait.ge [sflag:s11], $0x2800  }
0x3f: {  	[sflag:s11] =	ssyncset.done $0x0  }
0x40: {  	[sflag:s11] =	ssyncadd.s32 $0xFFFFD800  }
0x41: {  	_ =	sfence.sel $0x180000  }
0x42: {  	[bflag:$0x0] =	sbarrier.arrive $0xFFFF  }
0x43: {  	p0 =	sne.s32 s0, $0x0;
	_ =	strace $0x9000004A  }
0x44: {  	s0 =	sadd.s32 @!p0 $0x100000, s1;
	[bflag:$0x2] =	sbarrier.arrive $0xFFFF  }
0x45: {  	[sflag:s0] =	ssyncadd.tile.s32 @!p0 $0x1;
	_ =	shalt  }
.Lfunc_end2:
_tile_overlayer_lowered:
.L_overlay_start_2:
0x46: {  	(tag) =	ssettag $0x2  }
0x47: {  	s0 =	rddreg [dreg:$0x0];
	s2 =	stileid.u32  }
0x48: {  	s1 =	rddreg [dreg:$0x1];
	p0 =	sne.s32 s2, $0x0  }
0x49: {  	s3 =	rddreg [dreg:$0x2];
	[bflag:$0x3] =	sbarrier.arrive $0xFFFF;
	s2 =	simm.s32 @!p0 $0x1C02  }
0x4a: {  	[timem:s3], [sflag:s2] =	dma.local @!p0 [hbm:s0], s1  }
0x4b: {  	s0 =	simm.s32 @!p0 $0x2  }
0x4c: {  	_ =	swait.ge @!p0 [sflag:s0], s1  }
0x4d: {  	s1 =	ssub.s32 @!p0 $0x0, s1;
	[sflag:s0] =	ssyncset.done @!p0 $0x0  }
0x4e: {  	[sflag:s0] =	ssyncadd.s32 @!p0 s1  }
0x4f: {  	[bflag:$0x3] =	sbarrier.arrive $0xFFFF  }
0x50: {  	_ =	shalt  }

// kernel: kernel.13.cloned.1.call-start
scs
__scs_entry_jumppad:
0x0: {  	(pc) =	sbr.rel $0x88, $3  }
0x1: {  	(tag) =	ssettag $0x0;
	lr =	simm.s32 $0x1  }
0x2: {  	[smem:$0x3F95] =	sst lr;
	_ =	strace $0xD0000000  }
0x3: {  	_ = 	snop  }
0x4: {  	_ = 	snop  }
0x5: {  	_ = 	snop  }
0x6: {  	_ = 	snop  }
0x7: {  	_ = 	snop  }
__scs_overlays_trampoline_lowered:
0x8: {  	[smem:$0x3FA4] =	sst s0  }
0x9: {  	[smem:$0x3FA5] =	sst s1  }
0xa: {  	[smem:$0x3FA6] =	sst s2  }
0xb: {  	[smem:$0x3FA7] =	sst s3  }
0xc: {  	[smem:$0x3FA8] =	sst s4  }
0xd: {  	[smem:$0x3FA9] =	sst s5  }
0xe: {  	[smem:$0x3FAA] =	sst s6  }
0xf: {  	[smem:$0x3FAB] =	sst s7  }
0x10: {  	[smem:$0x3FAC] =	sst s8  }
0x11: {  	[smem:$0x3FAD] =	sst s9;
	s0 =	simm.s32 @!p0 $0x0  }
0x12: {  	s1 =	sld [smem:$0x3F93];
	s0 =	simm.s32 @p0 $0x1  }
0x13: {  	[smem:$0x3FAE] =	sst s0;
	s0 =	simm.s32 @!p1 $0x0  }
0x14: {  	s2 =	sld [smem:$0x3F92];
	s0 =	simm.s32 @p1 $0x1  }
0x15: {  	[smem:$0x3FAF] =	sst s0;
	s0 =	simm.s32 @!p2 $0x0  }
0x16: {  	s3 =	sld [smem:$0x3FDB];
	s0 =	simm.s32 @p2 $0x1  }
0x17: {  	s4 =	simm.s32 $0x1BF5;
	[smem:$0x3FB1] =	sst s0  }
0x18: {  	s0 =	sld [smem:$0x3F94];
	_ =	swait.ge [sflag:s4], $0x0  }
0x19: {  	s7 =	sld [smem:$0x3F95]  }
0x1a: {  	s8 =	sadd.s32 $0xFFFFE003, lr  }
0x1b: {  	s9 =	sadd.s32 $0xFFFFFEF7, lr;
	s5 =	simm.s32 $0xFFFFFFFF;
	p2 =	slt.u32 s8, $0xFFFFF086  }
0x1c: {  	p1 =	slt.u32 s9, $0xF7A;
	s5 =	simm.s32 @!p2 $0x0  }
0x1d: {  	s5 =	simm.s32 @p1 $0x1;
	p0 =	seq.s32 s7, s2  }
0x1e: {  	s7 =	smul.u32 @!p0 $0xF7A, s2;
	p2 =	seq.s32 @!p0 s5, $0x0  }
0x1f: {  	s9 =	smul.u32 $0xF7A, s1;
	s8 =	simm.s32 @!p0 $0x1BF5;
	p2 =	por !p2, p0  }
0x20: {  	[sflag:s8] =	ssyncset.s32 @!p0 $0xFFFFF086;
	s6 =	sadd.s32 @!p0 s3, s7;
	s7 =	simm.s32 @!p0 $0x108  }
0x21: {  	s3 =	sadd.s32 s3, s9;
	s6 =	sadd.s32 @!p0 $0x88, s6;
	s7 =	simm.s32 @p2 $0x1082  }
0x22: {  	[simem:s7], [sflag:s8] =	dma.local @!p0 [hbm:s6], $0xF7A  }
0x23: {  	s9 =	sor.u32 $0xD0000000, s2;
	s6 =	simm.s32 $0x108;
	_ =	swait.ge @!p0 [sflag:s8], $0x0  }
0x24: {  	s3 =	sadd.s32 $0x88, s3;
	s6 =	simm.s32 @!p1 $0x1082;
	[sflag:s4] =	ssyncset.s32 $0xFFFFF086  }
0x25: {  	[simem:s6], [sflag:s4] =	dma.local [hbm:s3], $0xF7A  }
0x26: {  	[smem:$0x3F95] =	sst s1;
	(tag) =	ssettag s2;
	_ =	strace s9  }
0x27: {  	s1 =	sld [smem:$0x3FA5]  }
0x28: {  	s2 =	sld [smem:$0x3FA6]  }
0x29: {  	s4 =	sld [smem:$0x3FA8]  }
0x2a: {  	p0 =	seq.s32 s5, $0x0;
	s5 =	sld [smem:$0x3FA9]  }
0x2b: {  	s6 =	sld [smem:$0x3FAA]  }
0x2c: {  	s7 =	sld [smem:$0x3FAB]  }
0x2d: {  	s3 =	simm.s32 $0x108;
	s8 =	sld [smem:$0x3FAC]  }
0x2e: {  	s3 =	simm.s32 @!p0 $0x1082;
	s9 =	sld [smem:$0x3FAD]  }
0x2f: {  	lr =	sadd.s32 s0, s3;
	s0 =	sld [smem:$0x3FA4]  }
0x30: {  	s3 =	sld [smem:$0x3FA7]  }
0x31: {  	[smem:$0x3FB0] =	sst s10  }
0x32: {  	s10 =	sld [smem:$0x3FAE];
	_ =	sdelay $0x3  }
0x33: {  	p0 =	seq.s32 s10, $0x1;
	s10 =	sld [smem:$0x3FB0];
	_ =	sdelay $0x3  }
0x34: {  	[smem:$0x3FB0] =	sst s10  }
0x35: {  	s10 =	sld [smem:$0x3FAF];
	_ =	sdelay $0x3  }
0x36: {  	p1 =	seq.s32 s10, $0x1;
	s10 =	sld [smem:$0x3FB0];
	_ =	sdelay $0x3  }
0x37: {  	[smem:$0x3FB0] =	sst s10  }
0x38: {  	s10 =	sld [smem:$0x3FB1]  }
0x39: {  	_ = 	snop;
	(pc) =	sbr.ind lr, $3  }
0x3a: {  	_ = 	snop  }
0x3b: {  	_ = 	snop  }
0x3c: {  	p2 =	seq.s32 s10, $0x1;
	s10 =	sld [smem:$0x3FB0]  }
0x3d: {  	_ =	shalt  }
0x3e: {  	_ =	shalt  }
0x3f: {  	_ =	shalt  }
0x40: {  	_ =	shalt  }
0x41: {  	_ =	shalt  }
0x42: {  	_ =	shalt  }
0x43: {  	_ =	shalt  }
0x44: {  	_ =	shalt  }
0x45: {  	_ =	shalt  }
0x46: {  	_ =	shalt  }
0x47: {  	_ =	shalt  }
0x48: {  	_ =	shalt  }
0x49: {  	_ =	shalt  }
0x4a: {  	_ =	shalt  }
0x4b: {  	_ =	shalt  }
0x4c: {  	_ =	shalt  }
0x4d: {  	_ =	shalt  }
0x4e: {  	_ =	shalt  }
0x4f: {  	_ =	shalt  }
0x50: {  	_ =	shalt  }
0x51: {  	_ =	shalt  }
0x52: {  	_ =	shalt  }
0x53: {  	_ =	shalt  }
0x54: {  	_ =	shalt  }
0x55: {  	_ =	shalt  }
0x56: {  	_ =	shalt  }
0x57: {  	_ =	shalt  }
0x58: {  	_ =	shalt  }
0x59: {  	_ =	shalt  }
0x5a: {  	_ =	shalt  }
0x5b: {  	_ =	shalt  }
0x5c: {  	_ =	shalt  }
0x5d: {  	_ =	shalt  }
0x5e: {  	_ =	shalt  }
0x5f: {  	_ =	shalt  }
0x60: {  	_ =	shalt  }
0x61: {  	_ =	shalt  }
0x62: {  	_ =	shalt  }
0x63: {  	_ =	shalt  }
0x64: {  	_ =	shalt  }
0x65: {  	_ =	shalt  }
0x66: {  	_ =	shalt  }
0x67: {  	_ =	shalt  }
0x68: {  	_ =	shalt  }
0x69: {  	_ =	shalt  }
0x6a: {  	_ =	shalt  }
0x6b: {  	_ =	shalt  }
0x6c: {  	_ =	shalt  }
0x6d: {  	_ =	shalt  }
0x6e: {  	_ =	shalt  }
0x6f: {  	_ =	shalt  }
0x70: {  	_ =	shalt  }
0x71: {  	_ =	shalt  }
0x72: {  	_ =	shalt  }
0x73: {  	_ =	shalt  }
0x74: {  	_ =	shalt  }
0x75: {  	_ =	shalt  }
0x76: {  	_ =	shalt  }
0x77: {  	_ =	shalt  }
0x78: {  	_ =	shalt  }
0x79: {  	_ =	shalt  }
0x7a: {  	_ =	shalt  }
0x7b: {  	_ =	shalt  }
0x7c: {  	_ =	shalt  }
0x7d: {  	_ =	shalt  }
0x7e: {  	_ =	shalt  }
0x7f: {  	_ =	shalt  }
0x80: {  	_ =	shalt  }
0x81: {  	_ =	shalt  }
0x82: {  	_ =	shalt  }
0x83: {  	_ =	shalt  }
0x84: {  	_ =	shalt  }
0x85: {  	_ =	shalt  }
0x86: {  	_ =	shalt  }
0x87: {  	_ =	shalt  }
.Lfunc_end0:
.L_simem_size_0:
called_computation.2_lowered:
.L_overlay_start_0:
0x88: {  	s2 =	sld [smem:$0x3FD9]  }
0x89: {  	s3 =	sld [smem:$0x3FFE];
	_ =	sdelay $0x1  }
0x8a: {  	s1 =	srdreg.scid  }
0x8b: {  	s0 =	sand.u32 $0x1, s1  }
0x8c: {  	s14 =	sshll.u32 s0, $0xA;
	s2 =	sadd.s32 s3, s2  }
0x8d: {  	s2 =	sadd.s32 s2, s14  }
0x8e: {  	[smem:$0x3FBC] =	sst s2  }
0x8f: {  	_ = 	snop  }
0x90: {  	s2 =	sld [smem:$0x3FD0];
	_ =	sdelay $0x2  }
0x91: {  	s15 =	simm.s32 $0xB;
	s4 =	simm.s32 $0x10  }
0x92: {  	[smem:s4], [sflag:s15] =	dma.local [hbm:s2], $0x1  }
0x93: {  	_ =	swait.eq [sflag:s15], $0x1  }
0x94: {  	[sflag:s15] =	ssyncset.done $0x0  }
0x95: {  	[sflag:s15] =	ssyncadd.s32 $0xFFFFFFFF  }
0x96: {  	s16 =	sld [smem:$0x10];
	(tm) =	ssettm $0x1  }
0x97: {  	s17 =	sld [smem:$0x3FFB];
	_ =	sdelay $0x3  }
0x98: {  	_ =	strace s17  }
0x99: {  	s3 =	sld [smem:$0x3FFC];
	_ =	sdelay $0x3  }
0x9a: {  	_ =	strace s3  }
0x9b: {  	s3 =	sld [smem:$0x3FFD];
	_ =	sdelay $0x3  }
0x9c: {  	_ =	strace s3  }
0x9d: {  	_ =	strace $0x8FFFFFFF  }
0x9e: {  	s18 =	sld [smem:$0x3FDB];
	_ =	sdelay $0x1  }
0x9f: {  	s19 =	simm.s32 $_scs_section_size  }
0xa0: {  	s5 =	simm.s32 $_size__tile_overlayer_lowered;
	s6 =	simm.s32 $_tile_overlayer_lowered  }
0xa1: {  	s22 =	simm.s32 $0x1BFF;
	s21 =	sshll.u32 s6, $0x1;
	s3 =	sadd.s32 s19, s18  }
0xa2: {  	s7 =	simm.s32 $0x0;
	s20 =	sshll.u32 s5, $0x1;
	s5 =	sadd.s32 s21, s3  }
0xa3: {  	[timem:s7], [sflag:s22] =	dma.local [hbm:s5], s20  }
0xa4: {  	_ =	swait.ge [sflag:s22], s20  }
0xa5: {  	s4 =	ssub.s32 $0x0, s20;
	[sflag:s22] =	ssyncset.done $0x0  }
0xa6: {  	[sflag:s22] =	ssyncadd.s32 s4;
	_ =	sdelay $0x1  }
0xa7: {  	s23 =	simm.s32 $0x1B8B  }
0xa8: {  	_ =	swait.ge [sflag:s23], $0x1  }
0xa9: {  	[sflag:s23] =	ssyncset.done $0x0  }
0xaa: {  	s25 =	simm.s32 $0x1B8E;
	s24 =	sld [smem:$0x3FFE];
	[sflag:s23] =	ssyncadd.s32 $0xFFFFFFFF  }
0xab: {  	s26 =	simm.s32 $execute0_lowered;
	[smem:$0x3FD2] =	sst s25  }
0xac: {  	s5 =	sshll.u32 s26, $0x1;
	_ =	strace $0x8000004C;
	[dreg:$0x1] =	wrdreg $0xFFFFFFFF  }
0xad: {  	s28 =	simm.s32 $_size_execute0_lowered;
	s3 =	sadd.s32 s3, s5;
	[dreg:$0x0] =	wrdreg $0x0  }
0xae: {  	s5 =	sshll.u32 s28, $0x1;
	[dreg:$0x2] =	wrdreg s3  }
0xaf: {  	[dreg:$0x3] =	wrdreg s5  }
0xb0: {  	[dreg:$0x4] =	wrdreg $0xC0  }
0xb1: {  	_ =	task [dreg:s7], $0x5FFFF  }
0xb2: {  	[dreg:$0x1] =	wrdreg $0xFFFFFFFF  }
0xb3: {  	[dreg:$0x0] =	wrdreg $0x60  }
0xb4: {  	[dreg:$0x2] =	wrdreg s24  }
0xb5: {  	[dreg:$0x3] =	wrdreg s16  }
0xb6: {  	[dreg:$0x4] =	wrdreg $0x98000  }
0xb7: {  	[dreg:$0x5] =	wrdreg $0x9  }
0xb8: {  	_ =	task.clear_ibuf [dreg:s7], $0x6FFFF;
	_ =	strace $0x9000004C  }
0xb9: {  	s29 =	simm.s32 $0x9;
	_ =	strace $0x8000004E  }
0xba: {  	_ =	swait.ge [sflag:s29], $0x1  }
0xbb: {  	[sflag:s29] =	ssyncadd.s32 $0xFFFFFFFF  }
0xbc: {  	_ =	strace $0x9000004E  }
0xbd: {  	_ =	sfence  }
0xbe: {  	s30 =	sld [smem:$0x0];
	_ =	sdelay $0x2  }
0xbf: {  	s31 =	sshll.u32 s1, $0xD;
	s1 =	sshrl.u32 s1, $0x2  }
0xc0: {  	s3 =	sand.u32 $0x4000, s31;
	s1 =	sadd.s32 s1, s30  }
0xc1: {  	s0 =	sor.u32 s3, s0;
	s1 =	sshll.u32 s1, $0x11  }
0xc2: {  	s0 =	sor.u32 s1, s0  }
0xc3: {  	s0 =	sadd.s32 $0x8F2B, s0  }
0xc4: {  	[sflag:s0] =	ssyncadd.remote.s32 $0x1  }
0xc5: {  	_ =	sfence.sel $0xFFFF  }
0xc6: {  	[dreg:$0x0] =	wrdreg $0xFFFFFFFF;
	(pc) =	sbr.abs _section_cstart, $3  }
0xc7: {  	[dreg:$0x1] =	wrdreg $0xFFFFFFFF  }
0xc8: {  	_ =	task.clear_ibuf [dreg:s7], $0x2FFFF;
	_ =	strace $0x9FFFFFFF  }
0xc9: {  	(tm) =	ssettm $0x7FFFFFFF  }
tec
execute0_lowered:
.L_overlay_start_1:
0x0: {  	(tag) =	ssettag $0x1  }
0x1: {  	s1 =	rddreg [dreg:$0x0]  }
0x2: {  	s0 =	rddreg [dreg:$0x1];
	s3 =	srdreg.scid  }
0x3: {  	s2 =	rddreg [dreg:$0x2];
	s5 =	sand.u32 $0x1, s3;
	s3 =	simm.s32 $0x0  }
0x4: {  	s25 =	simm.s32 $0x80;
	[smem:$0x7FF] =	sst s3  }
0x5: {  	s26 =	simm.s32 $0x100;
	_ =	strace $0x8000004D;
	[dreg:$0x6] =	wrdreg s25  }
0x6: {  	s8 =	simm.s32 $0x1100;
	[dreg:$0x7] =	wrdreg s26  }
0x7: {  	s9 =	simm.s32 $0x200;
	[dreg:$0xa] =	wrdreg s8  }
0x8: {  	s11 =	simm.s32 $0x1180;
	[dreg:$0xb] =	wrdreg s9  }
0x9: {  	s12 =	simm.s32 $0x280;
	[dreg:$0xc] =	wrdreg s11  }
0xa: {  	s10 =	stileid.u32;
	s14 =	simm.s32 $0x1200;
	[dreg:$0xd] =	wrdreg s12  }
0xb: {  	s16 =	simm.s32 $0x1280;
	s17 =	simm.s32 $0x380;
	[dreg:$0xe] =	wrdreg s14  }
0xc: {  	s18 =	simm.s32 $0x1300;
	s19 =	simm.s32 $0x400;
	[dreg:$0x10] =	wrdreg s16  }
0xd: {  	s21 =	simm.s32 $0x1380;
	s22 =	simm.s32 $0x480;
	[dreg:$0x11] =	wrdreg s17  }
0xe: {  	s23 =	simm.s32 $0x1400;
	s28 =	simm.s32 $0xB00;
	[dreg:$0x12] =	wrdreg s18  }
0xf: {  	s29 =	simm.s32 $0x1A80;
	s4 =	smul.u32 $0xA00, s10;
	[dreg:$0x13] =	wrdreg s19  }
0x10: {  	s30 =	simm.s32 $0xB80;
	s13 =	smul.u32 $0x2700, s10;
	[dreg:$0x14] =	wrdreg s21  }
0x11: {  	s31 =	simm.s32 $0x1B00;
	s6 =	smul.u32 $0xA000, s5;
	[dreg:$0x15] =	wrdreg s22  }
0x12: {  	s15 =	smul.u32 $0x27100, s5;
	s8 =	simm.s32 $0x300;
	[dreg:$0x16] =	wrdreg s23  }
0x13: {  	s5 =	ssub.s32 $0x2, s5;
	s25 =	simm.s32 $0x500;
	[dreg:$0xf] =	wrdreg s8  }
0x14: {  	s4 =	sadd.s32 s4, s1;
	s0 =	sadd.s32 s0, s13;
	[dreg:$0x17] =	wrdreg s25  }
0x15: {  	s20 =	sshrl.u32 s5, $0x1;
	s26 =	simm.s32 $0x1480;
	[smem:$0x7EF] =	sst s0  }
0x16: {  	s9 =	smul.u32 $0x4E000, s10;
	s11 =	simm.s32 $0x600;
	[dreg:$0x18] =	wrdreg s26  }
0x17: {  	s12 =	simm.s32 $0x1580;
	s14 =	simm.s32 $0x680;
	[dreg:$0x1b] =	wrdreg s11  }
0x18: {  	s16 =	simm.s32 $0x700;
	s17 =	simm.s32 $0x1680;
	[dreg:$0x1c] =	wrdreg s12  }
0x19: {  	s18 =	simm.s32 $0x780;
	s19 =	simm.s32 $0x1700;
	[dreg:$0x1d] =	wrdreg s14  }
0x1a: {  	s21 =	simm.s32 $0x1780;
	s22 =	simm.s32 $0x880;
	[dreg:$0x1f] =	wrdreg s16  }
0x1b: {  	s23 =	simm.s32 $0x1800;
	s7 =	sadd.s32 $0x2600, s4;
	[smem:$0x7F2] =	sst s17  }
0x1c: {  	s4 =	sadd.s32 s6, s4;
	s6 =	simm.s32 $0x1080;
	[smem:$0x7F3] =	sst s18  }
0x1d: {  	s5 =	ssub.s32 s5, s20;
	s11 =	simm.s32 $0x1000;
	[smem:$0x7F4] =	sst s19  }
0x1e: {  	s12 =	simm.s32 $0x50;
	s14 =	simm.s32 $0x4800;
	[smem:$0x7F6] =	sst s21  }
0x1f: {  	s20 =	simm.s32 $0x800;
	s16 =	simm.s32 $0x7000;
	[smem:$0x7F7] =	sst s22  }
0x20: {  	s17 =	simm.s32 $0x2;
	s18 =	simm.s32 $0x4;
	[smem:$0x7F8] =	sst s23  }
0x21: {  	s19 =	simm.s32 $0x3;
	s25 =	simm.s32 $0x1880;
	s26 =	simm.s32 $0x980  }
0x22: {  	s21 =	simm.s32 $0x6;
	s22 =	simm.s32 $0x1900;
	[dreg:$0x4] =	wrdreg s7  }
0x23: {  	s23 =	simm.s32 $0xA00;
	s0 =	simm.s32 $0x1B80;
	[dreg:$0x8] =	wrdreg s6  }
0x24: {  	s4 =	sadd.s32 $0xC600, s4;
	s7 =	simm.s32 $0x180;
	[smem:$0x7F5] =	sst s20  }
0x25: {  	s24 =	sshrl.u32 s9, $0x2;
	s9 =	sshll.u32 s10, $0x6;
	[smem:$0x7FA] =	sst s25  }
0x26: {  	s10 =	simm.s32 $0x1500;
	s20 =	simm.s32 $0x5;
	[smem:$0x7FB] =	sst s26  }
0x27: {  	s25 =	simm.s32 $0xA80;
	s26 =	simm.s32 $0x1A00;
	[dreg:$0x5] =	wrdreg s4  }
0x28: {  	[dreg:$0x9] =	wrdreg s7;
	s4 =	sadd.s32 $0x20600, s1;
	s7 =	sadd.s32 s13, s15  }
0x29: {  	s8 =	sadd.s32 s24, s2;
	[dreg:$0x1a] =	wrdreg s10;
	s13 =	smax.u32 s5, $0x1  }
0x2a: {  	s15 =	simm.s32 $0x1600;
	s10 =	simm.s32 $0x7;
	[smem:$0x7F1] =	sst s13  }
0x2b: {  	s24 =	simm.s32 $0x900;
	s5 =	simm.s32 $0x1C00;
	[dreg:$0x1e] =	wrdreg s15  }
0x2c: {  	s1 =	sadd.s32 s7, s1;
	s7 =	simm.s32 $0x580;
	[smem:$0x7F9] =	sst s24  }
0x2d: {  	s8 =	sshrl.u32 s8, $0x3;
	s13 =	simm.s32 $0x2000;
	[dreg:$0x19] =	wrdreg s7  }
0x2e: {  	s15 =	simm.s32 $0x1;
	s1 =	sadd.s32 $0x6E800, s1;
	[smem:$0x7FD] =	sst s8  }
0x2f: {  	s24 =	simm.s32 $0x1980;
	s7 =	sor.u32 $0x1C07, s9;
	[smem:$0x7F0] =	sst s1  }
0x30: {  	s9 =	simm.s32 $0x0;
	s1 =	simm.s32 $0xC00;
	[smem:$0x7FC] =	sst s7  }
.LBB2_1:
0x31: {  	s6 =	sld [smem:$0x7EF];
	_ =	sdelay $0x1  }
0x32: {  	[smem:$0x7EE] =	sst s9  }
0x33: {  	[spmem:s8], [sflag:s7] =	dma.local [hbm:s6], $0x2800  }
0x34: {  	_ =	swait.ge [sflag:s10], $0x2800  }
0x35: {  	[sflag:s10] =	ssyncset.done $0x0  }
0x36: {  	[sflag:s10] =	ssyncadd.s32 $0xFFFFD800  }
0x37: {  	[bflag:$0x0] =	sbarrier.arrive $0xFFFF  }
0x38: {  	s8 =	rddreg [dreg:$0x5]  }
0x39: {  	s6 =	sadd.s32 $0x0, s8  }
0x3a: {  	[tilespmem:s3], [sflag:$0x7] =	stream.linear.gather [hbm4b:s6+s3], $0xC80, $0x38;
	[tilespmem:$0x1D080] =	vst v63  }
0x3b: {  	_ =	swait.ge [sflag:s10], $0xC80  }
0x3c: {  	s9 =	rddreg [dreg:$0x4];
	[sflag:s10] =	ssyncset.done $0x0  }
0x3d: {  	[sflag:s10] =	ssyncadd.s32 $0xFFFFF380;
	s6 =	sadd.s32 $0x0, s9  }
0x3e: {  	[tilespmem:s11], [sflag:$0x7] =	stream.linear.gather [hbm4b:s6+s3], $0xC80, $0x38;
	[tilespmem:$0x1D080] =	vst v63  }
0x3f: {  	_ =	swait.ge [sflag:s10], $0xC80  }
0x40: {  	[sflag:s10] =	ssyncset.done $0x0  }
0x41: {  	[sflag:s10] =	ssyncadd.s32 $0xFFFFF380  }
0x42: {  	[tilespmem:s13], [sflag:$0x1] =	stream.indirect.gather [hbm4b:s4+s12], $0x80, s3, s12, $0xb8;
	[tilespmem:$0x1D080] =	vst v63  }
0x43: {  	s7 =	rddreg [dreg:$0x6]  }
0x44: {  	[tilespmem:s14], [sflag:$0x2] =	stream.indirect.gather [hbm4b:s4+s12], $0x80, s7, s12, $0xb8;
	[tilespmem:$0x1D080] =	vst v63  }
0x45: {  	_ =	swait.ge [sflag:s15], $0x2800  }
0x46: {  	[sflag:s15] =	ssyncset.done $0x0  }
0x47: {  	[sflag:s15] =	ssyncadd.s32 $0xFFFFD800  }
0x48: {  	[spmem:s2] =	stream.indirect.scatter.add.f32 [tilespmem:s13], [sflag:$0x4], $0x80, s11, s12, $0xb8;
	[tilespmem:$0x1D080] =	vst v63  }
0x49: {  	s8 =	rddreg [dreg:$0x7]  }
0x4a: {  	[tilespmem:s16], [sflag:$0x3] =	stream.indirect.gather [hbm4b:s4+s12], $0x80, s8, s12, $0xb8;
	[tilespmem:$0x1D080] =	vst v63  }
0x4b: {  	_ =	swait.ge [sflag:s17], $0x2800  }
0x4c: {  	[sflag:s17] =	ssyncset.done $0x0  }
0x4d: {  	s9 =	rddreg [dreg:$0x8];
	[sflag:s17] =	ssyncadd.s32 $0xFFFFD800  }
0x4e: {  	[spmem:s2] =	stream.indirect.scatter.add.f32 [tilespmem:s14], [sflag:$0x5], $0x80, s9, s12, $0xb8;
	[tilespmem:$0x1D080] =	vst v63  }
0x4f: {  	_ =	swait.ge [sflag:s18], $0x2800  }
0x50: {  	[sflag:s18] =	ssyncset.done $0x0  }
0x51: {  	s7 =	rddreg [dreg:$0x9];
	[sflag:s18] =	ssyncadd.s32 $0xFFFFD800  }
0x52: {  	[tilespmem:s13], [sflag:$0x1] =	stream.indirect.gather [hbm4b:s4+s12], $0x80, s7, s12, $0xb8;
	[tilespmem:$0x1D080] =	vst v63  }
0x53: {  	_ =	swait.ge [sflag:s19], $0x2800  }
0x54: {  	[sflag:s19] =	ssyncset.done $0x0  }
0x55: {  	s8 =	rddreg [dreg:$0xa];
	[sflag:s19] =	ssyncadd.s32 $0xFFFFD800  }
0x56: {  	[spmem:s2] =	stream.indirect.scatter.add.f32 [tilespmem:s16], [sflag:$0x6], $0x80, s8, s12, $0xb8;
	[tilespmem:$0x1D080] =	vst v63  }
0x57: {  	_ =	swait.ge [sflag:s20], $0x2800  }
0x58: {  	[sflag:s20] =	ssyncset.done $0x0  }
0x59: {  	s9 =	rddreg [dreg:$0xb];
	[sflag:s20] =	ssyncadd.s32 $0xFFFFD800  }
0x5a: {  	[tilespmem:s14], [sflag:$0x2] =	stream.indirect.gather [hbm4b:s4+s12], $0x80, s9, s12, $0xb8;
	[tilespmem:$0x1D080] =	vst v63  }
0x5b: {  	_ =	swait.ge [sflag:s15], $0x2800  }
0x5c: {  	[sflag:s15] =	ssyncset.done $0x0  }
0x5d: {  	s7 =	rddreg [dreg:$0xc];
	[sflag:s15] =	ssyncadd.s32 $0xFFFFD800  }
0x5e: {  	[spmem:s2] =	stream.indirect.scatter.add.f32 [tilespmem:s13], [sflag:$0x4], $0x80, s7, s12, $0xb8;
	[tilespmem:$0x1D080] =	vst v63  }
0x5f: {  	_ =	swait.ge [sflag:s21], $0x2800  }
0x60: {  	[sflag:s21] =	ssyncset.done $0x0  }
0x61: {  	s8 =	rddreg [dreg:$0xd];
	[sflag:s21] =	ssyncadd.s32 $0xFFFFD800  }
0x62: {  	[tilespmem:s16], [sflag:$0x3] =	stream.indirect.gather [hbm4b:s4+s12], $0x80, s8, s12, $0xb8;
	[tilespmem:$0x1D080] =	vst v63  }
0x63: {  	_ =	swait.ge [sflag:s17], $0x2800  }
0x64: {  	[sflag:s17] =	ssyncset.done $0x0  }
0x65: {  	s9 =	rddreg [dreg:$0xe];
	[sflag:s17] =	ssyncadd.s32 $0xFFFFD800  }
0x66: {  	[spmem:s2] =	stream.indirect.scatter.add.f32 [tilespmem:s14], [sflag:$0x5], $0x80, s9, s12, $0xb8;
	[tilespmem:$0x1D080] =	vst v63  }
0x67: {  	_ =	swait.ge [sflag:s18], $0x2800  }
0x68: {  	[sflag:s18] =	ssyncset.done $0x0  }
0x69: {  	s7 =	rddreg [dreg:$0xf];
	[sflag:s18] =	ssyncadd.s32 $0xFFFFD800  }
0x6a: {  	[tilespmem:s13], [sflag:$0x1] =	stream.indirect.gather [hbm4b:s4+s12], $0x80, s7, s12, $0xb8;
	[tilespmem:$0x1D080] =	vst v63  }
0x6b: {  	_ =	swait.ge [sflag:s19], $0x2800  }
0x6c: {  	[sflag:s19] =	ssyncset.done $0x0  }
0x6d: {  	s8 =	rddreg [dreg:$0x10];
	[sflag:s19] =	ssyncadd.s32 $0xFFFFD800  }
0x6e: {  	[spmem:s2] =	stream.indirect.scatter.add.f32 [tilespmem:s16], [sflag:$0x6], $0x80, s8, s12, $0xb8;
	[tilespmem:$0x1D080] =	vst v63  }
0x6f: {  	_ =	swait.ge [sflag:s20], $0x2800  }
0x70: {  	[sflag:s20] =	ssyncset.done $0x0  }
0x71: {  	s9 =	rddreg [dreg:$0x11];
	[sflag:s20] =	ssyncadd.s32 $0xFFFFD800  }
0x72: {  	[tilespmem:s14], [sflag:$0x2] =	stream.indirect.gather [hbm4b:s4+s12], $0x80, s9, s12, $0xb8;
	[tilespmem:$0x1D080] =	vst v63  }
0x73: {  	_ =	swait.ge [sflag:s15], $0x2800  }
0x74: {  	[sflag:s15] =	ssyncset.done $0x0  }
0x75: {  	s7 =	rddreg [dreg:$0x12];
	[sflag:s15] =	ssyncadd.s32 $0xFFFFD800  }
0x76: {  	[spmem:s2] =	stream.indirect.scatter.add.f32 [tilespmem:s13], [sflag:$0x4], $0x80, s7, s12, $0xb8;
	[tilespmem:$0x1D080] =	vst v63  }
0x77: {  	_ =	swait.ge [sflag:s21], $0x2800  }
0x78: {  	[sflag:s21] =	ssyncset.done $0x0  }
0x79: {  	s8 =	rddreg [dreg:$0x13];
	[sflag:s21] =	ssyncadd.s32 $0xFFFFD800  }
0x7a: {  	[tilespmem:s16], [sflag:$0x3] =	stream.indirect.gather [hbm4b:s4+s12], $0x80, s8, s12, $0xb8;
	[tilespmem:$0x1D080] =	vst v63  }
0x7b: {  	_ =	swait.ge [sflag:s17], $0x2800  }
0x7c: {  	[sflag:s17] =	ssyncset.done $0x0  }
0x7d: {  	s9 =	rddreg [dreg:$0x14];
	[sflag:s17] =	ssyncadd.s32 $0xFFFFD800  }
0x7e: {  	[spmem:s2] =	stream.indirect.scatter.add.f32 [tilespmem:s14], [sflag:$0x5], $0x80, s9, s12, $0xb8;
	[tilespmem:$0x1D080] =	vst v63  }
0x7f: {  	_ =	swait.ge [sflag:s18], $0x2800  }
0x80: {  	[sflag:s18] =	ssyncset.done $0x0  }
0x81: {  	s7 =	rddreg [dreg:$0x15];
	[sflag:s18] =	ssyncadd.s32 $0xFFFFD800  }
0x82: {  	[tilespmem:s13], [sflag:$0x1] =	stream.indirect.gather [hbm4b:s4+s12], $0x80, s7, s12, $0xb8;
	[tilespmem:$0x1D080] =	vst v63  }
0x83: {  	_ =	swait.ge [sflag:s19], $0x2800  }
0x84: {  	[sflag:s19] =	ssyncset.done $0x0  }
0x85: {  	s8 =	rddreg [dreg:$0x16];
	[sflag:s19] =	ssyncadd.s32 $0xFFFFD800  }
0x86: {  	[spmem:s2] =	stream.indirect.scatter.add.f32 [tilespmem:s16], [sflag:$0x6], $0x80, s8, s12, $0xb8;
	[tilespmem:$0x1D080] =	vst v63  }
0x87: {  	_ =	swait.ge [sflag:s20], $0x2800  }
0x88: {  	[sflag:s20] =	ssyncset.done $0x0  }
0x89: {  	s9 =	rddreg [dreg:$0x17];
	[sflag:s20] =	ssyncadd.s32 $0xFFFFD800  }
0x8a: {  	[tilespmem:s14], [sflag:$0x2] =	stream.indirect.gather [hbm4b:s4+s12], $0x80, s9, s12, $0xb8;
	[tilespmem:$0x1D080] =	vst v63  }
0x8b: {  	_ =	swait.ge [sflag:s15], $0x2800  }
0x8c: {  	[sflag:s15] =	ssyncset.done $0x0  }
0x8d: {  	s7 =	rddreg [dreg:$0x18];
	[sflag:s15] =	ssyncadd.s32 $0xFFFFD800  }
0x8e: {  	[spmem:s2] =	stream.indirect.scatter.add.f32 [tilespmem:s13], [sflag:$0x4], $0x80, s7, s12, $0xb8;
	[tilespmem:$0x1D080] =	vst v63  }
0x8f: {  	_ =	swait.ge [sflag:s21], $0x2800  }
0x90: {  	[sflag:s21] =	ssyncset.done $0x0  }
0x91: {  	s8 =	rddreg [dreg:$0x19];
	[sflag:s21] =	ssyncadd.s32 $0xFFFFD800  }
0x92: {  	[tilespmem:s16], [sflag:$0x3] =	stream.indirect.gather [hbm4b:s4+s12], $0x80, s8, s12, $0xb8;
	[tilespmem:$0x1D080] =	vst v63  }
0x93: {  	_ =	swait.ge [sflag:s17], $0x2800  }
0x94: {  	[sflag:s17] =	ssyncset.done $0x0  }
0x95: {  	s9 =	rddreg [dreg:$0x1a];
	[sflag:s17] =	ssyncadd.s32 $0xFFFFD800  }
0x96: {  	[spmem:s2] =	stream.indirect.scatter.add.f32 [tilespmem:s14], [sflag:$0x5], $0x80, s9, s12, $0xb8;
	[tilespmem:$0x1D080] =	vst v63  }
0x97: {  	_ =	swait.ge [sflag:s18], $0x2800  }
0x98: {  	[sflag:s18] =	ssyncset.done $0x0  }
0x99: {  	s7 =	rddreg [dreg:$0x1b];
	[sflag:s18] =	ssyncadd.s32 $0xFFFFD800  }
0x9a: {  	[tilespmem:s13], [sflag:$0x1] =	stream.indirect.gather [hbm4b:s4+s12], $0x80, s7, s12, $0xb8;
	[tilespmem:$0x1D080] =	vst v63  }
0x9b: {  	_ =	swait.ge [sflag:s19], $0x2800  }
0x9c: {  	[sflag:s19] =	ssyncset.done $0x0  }
0x9d: {  	s8 =	rddreg [dreg:$0x1c];
	[sflag:s19] =	ssyncadd.s32 $0xFFFFD800  }
0x9e: {  	[spmem:s2] =	stream.indirect.scatter.add.f32 [tilespmem:s16], [sflag:$0x6], $0x80, s8, s12, $0xb8;
	[tilespmem:$0x1D080] =	vst v63  }
0x9f: {  	_ =	swait.ge [sflag:s20], $0x2800  }
0xa0: {  	[sflag:s20] =	ssyncset.done $0x0  }
0xa1: {  	s9 =	rddreg [dreg:$0x1d];
	[sflag:s20] =	ssyncadd.s32 $0xFFFFD800  }
0xa2: {  	[tilespmem:s14], [sflag:$0x2] =	stream.indirect.gather [hbm4b:s4+s12], $0x80, s9, s12, $0xb8;
	[tilespmem:$0x1D080] =	vst v63  }
0xa3: {  	_ =	swait.ge [sflag:s15], $0x2800  }
0xa4: {  	[sflag:s15] =	ssyncset.done $0x0  }
0xa5: {  	s7 =	rddreg [dreg:$0x1e];
	[sflag:s15] =	ssyncadd.s32 $0xFFFFD800  }
0xa6: {  	[spmem:s2] =	stream.indirect.scatter.add.f32 [tilespmem:s13], [sflag:$0x4], $0x80, s7, s12, $0xb8;
	[tilespmem:$0x1D080] =	vst v63  }
0xa7: {  	_ =	swait.ge [sflag:s21], $0x2800  }
0xa8: {  	[sflag:s21] =	ssyncset.done $0x0  }
0xa9: {  	s8 =	rddreg [dreg:$0x1f];
	[sflag:s21] =	ssyncadd.s32 $0xFFFFD800  }
0xaa: {  	[tilespmem:s16], [sflag:$0x3] =	stream.indirect.gather [hbm4b:s4+s12], $0x80, s8, s12, $0xb8;
	[tilespmem:$0x1D080] =	vst v63  }
0xab: {  	_ =	swait.ge [sflag:s17], $0x2800  }
0xac: {  	s9 =	sld [smem:$0x7F2]  }
0xad: {  	[sflag:s17] =	ssyncset.done $0x0  }
0xae: {  	[sflag:s17] =	ssyncadd.s32 $0xFFFFD800  }
0xaf: {  	[spmem:s2] =	stream.indirect.scatter.add.f32 [tilespmem:s14], [sflag:$0x5], $0x80, s9, s12, $0xb8;
	[tilespmem:$0x1D080] =	vst v63  }
0xb0: {  	_ =	swait.ge [sflag:s18], $0x2800  }
0xb1: {  	s7 =	sld [smem:$0x7F3]  }
0xb2: {  	[sflag:s18] =	ssyncset.done $0x0  }
0xb3: {  	[sflag:s18] =	ssyncadd.s32 $0xFFFFD800  }
0xb4: {  	[tilespmem:s13], [sflag:$0x1] =	stream.indirect.gather [hbm4b:s4+s12], $0x80, s7, s12, $0xb8;
	[tilespmem:$0x1D080] =	vst v63  }
0xb5: {  	_ =	swait.ge [sflag:s19], $0x2800  }
0xb6: {  	s8 =	sld [smem:$0x7F4]  }
0xb7: {  	[sflag:s19] =	ssyncset.done $0x0  }
0xb8: {  	[sflag:s19] =	ssyncadd.s32 $0xFFFFD800  }
0xb9: {  	[spmem:s2] =	stream.indirect.scatter.add.f32 [tilespmem:s16], [sflag:$0x6], $0x80, s8, s12, $0xb8;
	[tilespmem:$0x1D080] =	vst v63  }
0xba: {  	_ =	swait.ge [sflag:s20], $0x2800  }
0xbb: {  	s9 =	sld [smem:$0x7F5]  }
0xbc: {  	[sflag:s20] =	ssyncset.done $0x0  }
0xbd: {  	[sflag:s20] =	ssyncadd.s32 $0xFFFFD800  }
0xbe: {  	[tilespmem:s14], [sflag:$0x2] =	stream.indirect.gather [hbm4b:s4+s12], $0x80, s9, s12, $0xb8;
	[tilespmem:$0x1D080] =	vst v63  }
0xbf: {  	_ =	swait.ge [sflag:s15], $0x2800  }
0xc0: {  	s7 =	sld [smem:$0x7F6]  }
0xc1: {  	[sflag:s15] =	ssyncset.done $0x0  }
0xc2: {  	[sflag:s15] =	ssyncadd.s32 $0xFFFFD800  }
0xc3: {  	[spmem:s2] =	stream.indirect.scatter.add.f32 [tilespmem:s13], [sflag:$0x4], $0x80, s7, s12, $0xb8;
	[tilespmem:$0x1D080] =	vst v63  }
0xc4: {  	_ =	swait.ge [sflag:s21], $0x2800  }
0xc5: {  	s8 =	sld [smem:$0x7F7]  }
0xc6: {  	[sflag:s21] =	ssyncset.done $0x0  }
0xc7: {  	[sflag:s21] =	ssyncadd.s32 $0xFFFFD800  }
0xc8: {  	[tilespmem:s16], [sflag:$0x3] =	stream.indirect.gather [hbm4b:s4+s12], $0x80, s8, s12, $0xb8;
	[tilespmem:$0x1D080] =	vst v63  }
0xc9: {  	_ =	swait.ge [sflag:s17], $0x2800  }
0xca: {  	s9 =	sld [smem:$0x7F8]  }
0xcb: {  	[sflag:s17] =	ssyncset.done $0x0  }
0xcc: {  	[sflag:s17] =	ssyncadd.s32 $0xFFFFD800  }
0xcd: {  	[spmem:s2] =	stream.indirect.scatter.add.f32 [tilespmem:s14], [sflag:$0x5], $0x80, s9, s12, $0xb8;
	[tilespmem:$0x1D080] =	vst v63  }
0xce: {  	_ =	swait.ge [sflag:s18], $0x2800  }
0xcf: {  	s7 =	sld [smem:$0x7F9]  }
0xd0: {  	[sflag:s18] =	ssyncset.done $0x0  }
0xd1: {  	[sflag:s18] =	ssyncadd.s32 $0xFFFFD800  }
0xd2: {  	[tilespmem:s13], [sflag:$0x1] =	stream.indirect.gather [hbm4b:s4+s12], $0x80, s7, s12, $0xb8;
	[tilespmem:$0x1D080] =	vst v63  }
0xd3: {  	_ =	swait.ge [sflag:s19], $0x2800  }
0xd4: {  	s8 =	sld [smem:$0x7FA]  }
0xd5: {  	[sflag:s19] =	ssyncset.done $0x0  }
0xd6: {  	[sflag:s19] =	ssyncadd.s32 $0xFFFFD800  }
0xd7: {  	[spmem:s2] =	stream.indirect.scatter.add.f32 [tilespmem:s16], [sflag:$0x6], $0x80, s8, s12, $0xb8;
	[tilespmem:$0x1D080] =	vst v63  }
0xd8: {  	_ =	swait.ge [sflag:s20], $0x2800  }
0xd9: {  	s9 =	sld [smem:$0x7FB]  }
0xda: {  	[sflag:s20] =	ssyncset.done $0x0  }
0xdb: {  	[sflag:s20] =	ssyncadd.s32 $0xFFFFD800  }
0xdc: {  	[tilespmem:s14], [sflag:$0x2] =	stream.indirect.gather [hbm4b:s4+s12], $0x80, s9, s12, $0xb8;
	[tilespmem:$0x1D080] =	vst v63  }
0xdd: {  	_ =	swait.ge [sflag:s15], $0x2800  }
0xde: {  	[sflag:s15] =	ssyncset.done $0x0  }
0xdf: {  	[sflag:s15] =	ssyncadd.s32 $0xFFFFD800  }
0xe0: {  	[spmem:s2] =	stream.indirect.scatter.add.f32 [tilespmem:s13], [sflag:$0x4], $0x80, s22, s12, $0xb8;
	[tilespmem:$0x1D080] =	vst v63  }
0xe1: {  	_ =	swait.ge [sflag:s21], $0x2800  }
0xe2: {  	[sflag:s21] =	ssyncset.done $0x0  }
0xe3: {  	[sflag:s21] =	ssyncadd.s32 $0xFFFFD800  }
0xe4: {  	[tilespmem:s16], [sflag:$0x3] =	stream.indirect.gather [hbm4b:s4+s12], $0x80, s23, s12, $0xb8;
	[tilespmem:$0x1D080] =	vst v63  }
0xe5: {  	_ =	swait.ge [sflag:s17], $0x2800  }
0xe6: {  	[sflag:s17] =	ssyncset.done $0x0  }
0xe7: {  	[sflag:s17] =	ssyncadd.s32 $0xFFFFD800  }
0xe8: {  	[spmem:s2] =	stream.indirect.scatter.add.f32 [tilespmem:s14], [sflag:$0x5], $0x80, s24, s12, $0xb8;
	[tilespmem:$0x1D080] =	vst v63  }
0xe9: {  	_ =	swait.ge [sflag:s18], $0x2800  }
0xea: {  	[sflag:s18] =	ssyncset.done $0x0  }
0xeb: {  	[sflag:s18] =	ssyncadd.s32 $0xFFFFD800  }
0xec: {  	[tilespmem:s13], [sflag:$0x1] =	stream.indirect.gather [hbm4b:s4+s12], $0x80, s25, s12, $0xb8;
	[tilespmem:$0x1D080] =	vst v63  }
0xed: {  	_ =	swait.ge [sflag:s19], $0x2800  }
0xee: {  	[sflag:s19] =	ssyncset.done $0x0  }
0xef: {  	[sflag:s19] =	ssyncadd.s32 $0xFFFFD800  }
0xf0: {  	[spmem:s2] =	stream.indirect.scatter.add.f32 [tilespmem:s16], [sflag:$0x6], $0x80, s26, s12, $0xb8;
	[tilespmem:$0x1D080] =	vst v63  }
0xf1: {  	_ =	swait.ge [sflag:s20], $0x2800  }
0xf2: {  	[sflag:s20] =	ssyncset.done $0x0  }
0xf3: {  	[sflag:s20] =	ssyncadd.s32 $0xFFFFD800  }
0xf4: {  	[tilespmem:s14], [sflag:$0x2] =	stream.indirect.gather [hbm4b:s4+s12], $0x80, s28, s12, $0xb8;
	[tilespmem:$0x1D080] =	vst v63  }
0xf5: {  	_ =	swait.ge [sflag:s15], $0x2800  }
0xf6: {  	[sflag:s15] =	ssyncset.done $0x0  }
0xf7: {  	[sflag:s15] =	ssyncadd.s32 $0xFFFFD800  }
0xf8: {  	[spmem:s2] =	stream.indirect.scatter.add.f32 [tilespmem:s13], [sflag:$0x4], $0x80, s29, s12, $0xb8;
	[tilespmem:$0x1D080] =	vst v63  }
0xf9: {  	_ =	swait.ge [sflag:s21], $0x2800  }
0xfa: {  	[sflag:s21] =	ssyncset.done $0x0  }
0xfb: {  	[sflag:s21] =	ssyncadd.s32 $0xFFFFD800  }
0xfc: {  	[tilespmem:s16], [sflag:$0x3] =	stream.indirect.gather [hbm4b:s4+s12], $0x80, s30, s12, $0xb8;
	[tilespmem:$0x1D080] =	vst v63  }
0xfd: {  	_ =	swait.ge [sflag:s17], $0x2800  }
0xfe: {  	[sflag:s17] =	ssyncset.done $0x0  }
0xff: {  	[sflag:s17] =	ssyncadd.s32 $0xFFFFD800  }
0x100: {  	[spmem:s2] =	stream.indirect.scatter.add.f32 [tilespmem:s14], [sflag:$0x5], $0x80, s31, s12, $0xb8;
	[tilespmem:$0x1D080] =	vst v63  }
0x101: {  	_ =	swait.ge [sflag:s18], $0x2800  }
0x102: {  	[sflag:s18] =	ssyncset.done $0x0  }
0x103: {  	[sflag:s18] =	ssyncadd.s32 $0xFFFFD800  }
0x104: {  	[tilespmem:s13], [sflag:$0x1] =	stream.indirect.gather [hbm4b:s4+s12], $0x80, s1, s12, $0xb8;
	[tilespmem:$0x1D080] =	vst v63  }
0x105: {  	_ =	swait.ge [sflag:s19], $0x2800  }
0x106: {  	[sflag:s19] =	ssyncset.done $0x0  }
0x107: {  	[sflag:s19] =	ssyncadd.s32 $0xFFFFD800  }
0x108: {  	[spmem:s2] =	stream.indirect.scatter.add.f32 [tilespmem:s16], [sflag:$0x6], $0x80, s0, s12, $0xb8;
	[tilespmem:$0x1D080] =	vst v63  }
0x109: {  	_ =	swait.ge [sflag:s20], $0x2800  }
0x10a: {  	[sflag:s20] =	ssyncset.done $0x0  }
0x10b: {  	[sflag:s20] =	ssyncadd.s32 $0xFFFFD800  }
0x10c: {  	_ =	swait.ge [sflag:s15], $0x2800  }
0x10d: {  	[sflag:s15] =	ssyncset.done $0x0  }
0x10e: {  	[sflag:s15] =	ssyncadd.s32 $0xFFFFD800  }
0x10f: {  	[spmem:s2] =	stream.indirect.scatter.add.f32 [tilespmem:s13], [sflag:$0x4], $0x80, s5, s12, $0xb8;
	[tilespmem:$0x1D080] =	vst v63  }
0x110: {  	_ =	swait.ge [sflag:s21], $0x2800  }
0x111: {  	[sflag:s21] =	ssyncset.done $0x0  }
0x112: {  	[sflag:s21] =	ssyncadd.s32 $0xFFFFD800  }
0x113: {  	s6 =	simm.s32 $0x400;
	_ =	swait.ge [sflag:s18], $0x2800  }
0x114: {  	s8 =	simm.s32 $0x200;
	s9 =	rddreg [dreg:$0x5];
	[sflag:s18] =	ssyncset.done $0x0  }
.LBB2_2:
0x115: {  	[sflag:s18] =	ssyncadd.s32 $0xFFFFD800;
	s9 =	sadd.s32 s8, s9  }
0x116: {  	[tilespmem:s3], [sflag:$0x7] =	stream.linear.gather [hbm4b:s9+s3], $0xC80, $0x38;
	[tilespmem:$0x1D080] =	vst v63  }
0x117: {  	_ =	swait.ge [sflag:s10], $0xC80  }
0x118: {  	s9 =	rddreg [dreg:$0x4];
	[sflag:s10] =	ssyncset.done $0x0  }
0x119: {  	[sflag:s10] =	ssyncadd.s32 $0xFFFFF380;
	s9 =	sadd.s32 s8, s9  }
0x11a: {  	[tilespmem:s11], [sflag:$0x7] =	stream.linear.gather [hbm4b:s9+s3], $0xC80, $0x38;
	[tilespmem:$0x1D080] =	vst v63  }
0x11b: {  	_ =	swait.ge [sflag:s10], $0xC80  }
0x11c: {  	[sflag:s10] =	ssyncset.done $0x0  }
0x11d: {  	[sflag:s10] =	ssyncadd.s32 $0xFFFFF380  }
0x11e: {  	[tilespmem:s13], [sflag:$0x1] =	stream.indirect.gather [hbm4b:s4+s12], $0x80, s3, s12, $0xb8;
	[tilespmem:$0x1D080] =	vst v63  }
0x11f: {  	s9 =	rddreg [dreg:$0x6]  }
0x120: {  	[tilespmem:s14], [sflag:$0x2] =	stream.indirect.gather [hbm4b:s4+s12], $0x80, s9, s12, $0xb8;
	[tilespmem:$0x1D080] =	vst v63  }
0x121: {  	_ =	swait.ge [sflag:s15], $0x2800  }
0x122: {  	[sflag:s15] =	ssyncset.done $0x0  }
0x123: {  	[sflag:s15] =	ssyncadd.s32 $0xFFFFD800  }
0x124: {  	[spmem:s2] =	stream.indirect.scatter.add.f32 [tilespmem:s13], [sflag:$0x4], $0x80, s11, s12, $0xb8;
	[tilespmem:$0x1D080] =	vst v63  }
0x125: {  	s9 =	rddreg [dreg:$0x7]  }
0x126: {  	[tilespmem:s16], [sflag:$0x3] =	stream.indirect.gather [hbm4b:s4+s12], $0x80, s9, s12, $0xb8;
	[tilespmem:$0x1D080] =	vst v63  }
0x127: {  	_ =	swait.ge [sflag:s17], $0x2800  }
0x128: {  	[sflag:s17] =	ssyncset.done $0x0  }
0x129: {  	s9 =	rddreg [dreg:$0x8];
	[sflag:s17] =	ssyncadd.s32 $0xFFFFD800  }
0x12a: {  	[spmem:s2] =	stream.indirect.scatter.add.f32 [tilespmem:s14], [sflag:$0x5], $0x80, s9, s12, $0xb8;
	[tilespmem:$0x1D080] =	vst v63  }
0x12b: {  	_ =	swait.ge [sflag:s18], $0x2800  }
0x12c: {  	[sflag:s18] =	ssyncset.done $0x0  }
0x12d: {  	s9 =	rddreg [dreg:$0x9];
	[sflag:s18] =	ssyncadd.s32 $0xFFFFD800  }
0x12e: {  	[tilespmem:s13], [sflag:$0x1] =	stream.indirect.gather [hbm4b:s4+s12], $0x80, s9, s12, $0xb8;
	[tilespmem:$0x1D080] =	vst v63  }
0x12f: {  	_ =	swait.ge [sflag:s19], $0x2800  }
0x130: {  	[sflag:s19] =	ssyncset.done $0x0  }
0x131: {  	s9 =	rddreg [dreg:$0xa];
	[sflag:s19] =	ssyncadd.s32 $0xFFFFD800  }
0x132: {  	[spmem:s2] =	stream.indirect.scatter.add.f32 [tilespmem:s16], [sflag:$0x6], $0x80, s9, s12, $0xb8;
	[tilespmem:$0x1D080] =	vst v63  }
0x133: {  	_ =	swait.ge [sflag:s20], $0x2800  }
0x134: {  	[sflag:s20] =	ssyncset.done $0x0  }
0x135: {  	s9 =	rddreg [dreg:$0xb];
	[sflag:s20] =	ssyncadd.s32 $0xFFFFD800  }
0x136: {  	[tilespmem:s14], [sflag:$0x2] =	stream.indirect.gather [hbm4b:s4+s12], $0x80, s9, s12, $0xb8;
	[tilespmem:$0x1D080] =	vst v63  }
0x137: {  	_ =	swait.ge [sflag:s15], $0x2800  }
0x138: {  	[sflag:s15] =	ssyncset.done $0x0  }
0x139: {  	s9 =	rddreg [dreg:$0xc];
	[sflag:s15] =	ssyncadd.s32 $0xFFFFD800  }
0x13a: {  	[spmem:s2] =	stream.indirect.scatter.add.f32 [tilespmem:s13], [sflag:$0x4], $0x80, s9, s12, $0xb8;
	[tilespmem:$0x1D080] =	vst v63  }
0x13b: {  	_ =	swait.ge [sflag:s21], $0x2800  }
0x13c: {  	[sflag:s21] =	ssyncset.done $0x0  }
0x13d: {  	s9 =	rddreg [dreg:$0xd];
	[sflag:s21] =	ssyncadd.s32 $0xFFFFD800  }
0x13e: {  	[tilespmem:s16], [sflag:$0x3] =	stream.indirect.gather [hbm4b:s4+s12], $0x80, s9, s12, $0xb8;
	[tilespmem:$0x1D080] =	vst v63  }
0x13f: {  	_ =	swait.ge [sflag:s17], $0x2800  }
0x140: {  	[sflag:s17] =	ssyncset.done $0x0  }
0x141: {  	s9 =	rddreg [dreg:$0xe];
	[sflag:s17] =	ssyncadd.s32 $0xFFFFD800  }
0x142: {  	[spmem:s2] =	stream.indirect.scatter.add.f32 [tilespmem:s14], [sflag:$0x5], $0x80, s9, s12, $0xb8;
	[tilespmem:$0x1D080] =	vst v63  }
0x143: {  	_ =	swait.ge [sflag:s18], $0x2800  }
0x144: {  	[sflag:s18] =	ssyncset.done $0x0  }
0x145: {  	s9 =	rddreg [dreg:$0xf];
	[sflag:s18] =	ssyncadd.s32 $0xFFFFD800  }
0x146: {  	[tilespmem:s13], [sflag:$0x1] =	stream.indirect.gather [hbm4b:s4+s12], $0x80, s9, s12, $0xb8;
	[tilespmem:$0x1D080] =	vst v63  }
0x147: {  	_ =	swait.ge [sflag:s19], $0x2800  }
0x148: {  	[sflag:s19] =	ssyncset.done $0x0  }
0x149: {  	s9 =	rddreg [dreg:$0x10];
	[sflag:s19] =	ssyncadd.s32 $0xFFFFD800  }
0x14a: {  	[spmem:s2] =	stream.indirect.scatter.add.f32 [tilespmem:s16], [sflag:$0x6], $0x80, s9, s12, $0xb8;
	[tilespmem:$0x1D080] =	vst v63  }
0x14b: {  	_ =	swait.ge [sflag:s20], $0x2800  }
0x14c: {  	[sflag:s20] =	ssyncset.done $0x0  }
0x14d: {  	s9 =	rddreg [dreg:$0x11];
	[sflag:s20] =	ssyncadd.s32 $0xFFFFD800  }
0x14e: {  	[tilespmem:s14], [sflag:$0x2] =	stream.indirect.gather [hbm4b:s4+s12], $0x80, s9, s12, $0xb8;
	[tilespmem:$0x1D080] =	vst v63  }
0x14f: {  	_ =	swait.ge [sflag:s15], $0x2800  }
0x150: {  	[sflag:s15] =	ssyncset.done $0x0  }
0x151: {  	s9 =	rddreg [dreg:$0x12];
	[sflag:s15] =	ssyncadd.s32 $0xFFFFD800  }
0x152: {  	[spmem:s2] =	stream.indirect.scatter.add.f32 [tilespmem:s13], [sflag:$0x4], $0x80, s9, s12, $0xb8;
	[tilespmem:$0x1D080] =	vst v63  }
0x153: {  	_ =	swait.ge [sflag:s21], $0x2800  }
0x154: {  	[sflag:s21] =	ssyncset.done $0x0  }
0x155: {  	s9 =	rddreg [dreg:$0x13];
	[sflag:s21] =	ssyncadd.s32 $0xFFFFD800  }
0x156: {  	[tilespmem:s16], [sflag:$0x3] =	stream.indirect.gather [hbm4b:s4+s12], $0x80, s9, s12, $0xb8;
	[tilespmem:$0x1D080] =	vst v63  }
0x157: {  	_ =	swait.ge [sflag:s17], $0x2800  }
0x158: {  	[sflag:s17] =	ssyncset.done $0x0  }
0x159: {  	s9 =	rddreg [dreg:$0x14];
	[sflag:s17] =	ssyncadd.s32 $0xFFFFD800  }
0x15a: {  	[spmem:s2] =	stream.indirect.scatter.add.f32 [tilespmem:s14], [sflag:$0x5], $0x80, s9, s12, $0xb8;
	[tilespmem:$0x1D080] =	vst v63  }
0x15b: {  	_ =	swait.ge [sflag:s18], $0x2800  }
0x15c: {  	[sflag:s18] =	ssyncset.done $0x0  }
0x15d: {  	s9 =	rddreg [dreg:$0x15];
	[sflag:s18] =	ssyncadd.s32 $0xFFFFD800  }
0x15e: {  	[tilespmem:s13], [sflag:$0x1] =	stream.indirect.gather [hbm4b:s4+s12], $0x80, s9, s12, $0xb8;
	[tilespmem:$0x1D080] =	vst v63  }
0x15f: {  	_ =	swait.ge [sflag:s19], $0x2800  }
0x160: {  	[sflag:s19] =	ssyncset.done $0x0  }
0x161: {  	s9 =	rddreg [dreg:$0x16];
	[sflag:s19] =	ssyncadd.s32 $0xFFFFD800  }
0x162: {  	[spmem:s2] =	stream.indirect.scatter.add.f32 [tilespmem:s16], [sflag:$0x6], $0x80, s9, s12, $0xb8;
	[tilespmem:$0x1D080] =	vst v63  }
0x163: {  	_ =	swait.ge [sflag:s20], $0x2800  }
0x164: {  	[sflag:s20] =	ssyncset.done $0x0  }
0x165: {  	s9 =	rddreg [dreg:$0x17];
	[sflag:s20] =	ssyncadd.s32 $0xFFFFD800  }
0x166: {  	[tilespmem:s14], [sflag:$0x2] =	stream.indirect.gather [hbm4b:s4+s12], $0x80, s9, s12, $0xb8;
	[tilespmem:$0x1D080] =	vst v63  }
0x167: {  	_ =	swait.ge [sflag:s15], $0x2800  }
0x168: {  	[sflag:s15] =	ssyncset.done $0x0  }
0x169: {  	s9 =	rddreg [dreg:$0x18];
	[sflag:s15] =	ssyncadd.s32 $0xFFFFD800  }
0x16a: {  	[spmem:s2] =	stream.indirect.scatter.add.f32 [tilespmem:s13], [sflag:$0x4], $0x80, s9, s12, $0xb8;
	[tilespmem:$0x1D080] =	vst v63  }
0x16b: {  	_ =	swait.ge [sflag:s21], $0x2800  }
0x16c: {  	[sflag:s21] =	ssyncset.done $0x0  }
0x16d: {  	s9 =	rddreg [dreg:$0x19];
	[sflag:s21] =	ssyncadd.s32 $0xFFFFD800  }
0x16e: {  	[tilespmem:s16], [sflag:$0x3] =	stream.indirect.gather [hbm4b:s4+s12], $0x80, s9, s12, $0xb8;
	[tilespmem:$0x1D080] =	vst v63  }
0x16f: {  	_ =	swait.ge [sflag:s17], $0x2800  }
0x170: {  	[sflag:s17] =	ssyncset.done $0x0  }
0x171: {  	s9 =	rddreg [dreg:$0x1a];
	[sflag:s17] =	ssyncadd.s32 $0xFFFFD800  }
0x172: {  	[spmem:s2] =	stream.indirect.scatter.add.f32 [tilespmem:s14], [sflag:$0x5], $0x80, s9, s12, $0xb8;
	[tilespmem:$0x1D080] =	vst v63  }
0x173: {  	_ =	swait.ge [sflag:s18], $0x2800  }
0x174: {  	[sflag:s18] =	ssyncset.done $0x0  }
0x175: {  	s9 =	rddreg [dreg:$0x1b];
	[sflag:s18] =	ssyncadd.s32 $0xFFFFD800  }
0x176: {  	[tilespmem:s13], [sflag:$0x1] =	stream.indirect.gather [hbm4b:s4+s12], $0x80, s9, s12, $0xb8;
	[tilespmem:$0x1D080] =	vst v63  }
0x177: {  	_ =	swait.ge [sflag:s19], $0x2800  }
0x178: {  	[sflag:s19] =	ssyncset.done $0x0  }
0x179: {  	s9 =	rddreg [dreg:$0x1c];
	[sflag:s19] =	ssyncadd.s32 $0xFFFFD800  }
0x17a: {  	[spmem:s2] =	stream.indirect.scatter.add.f32 [tilespmem:s16], [sflag:$0x6], $0x80, s9, s12, $0xb8;
	[tilespmem:$0x1D080] =	vst v63  }
0x17b: {  	_ =	swait.ge [sflag:s20], $0x2800  }
0x17c: {  	[sflag:s20] =	ssyncset.done $0x0  }
0x17d: {  	s9 =	rddreg [dreg:$0x1d];
	[sflag:s20] =	ssyncadd.s32 $0xFFFFD800  }
0x17e: {  	[tilespmem:s14], [sflag:$0x2] =	stream.indirect.gather [hbm4b:s4+s12], $0x80, s9, s12, $0xb8;
	[tilespmem:$0x1D080] =	vst v63  }
0x17f: {  	_ =	swait.ge [sflag:s15], $0x2800  }
0x180: {  	[sflag:s15] =	ssyncset.done $0x0  }
0x181: {  	s9 =	rddreg [dreg:$0x1e];
	[sflag:s15] =	ssyncadd.s32 $0xFFFFD800  }
0x182: {  	[spmem:s2] =	stream.indirect.scatter.add.f32 [tilespmem:s13], [sflag:$0x4], $0x80, s9, s12, $0xb8;
	[tilespmem:$0x1D080] =	vst v63  }
0x183: {  	_ =	swait.ge [sflag:s21], $0x2800  }
0x184: {  	[sflag:s21] =	ssyncset.done $0x0  }
0x185: {  	s9 =	rddreg [dreg:$0x1f];
	[sflag:s21] =	ssyncadd.s32 $0xFFFFD800  }
0x186: {  	[tilespmem:s16], [sflag:$0x3] =	stream.indirect.gather [hbm4b:s4+s12], $0x80, s9, s12, $0xb8;
	[tilespmem:$0x1D080] =	vst v63  }
0x187: {  	_ =	swait.ge [sflag:s17], $0x2800  }
0x188: {  	s9 =	sld [smem:$0x7F2]  }
0x189: {  	[sflag:s17] =	ssyncset.done $0x0  }
0x18a: {  	[sflag:s17] =	ssyncadd.s32 $0xFFFFD800  }
0x18b: {  	[spmem:s2] =	stream.indirect.scatter.add.f32 [tilespmem:s14], [sflag:$0x5], $0x80, s9, s12, $0xb8;
	[tilespmem:$0x1D080] =	vst v63  }
0x18c: {  	_ =	swait.ge [sflag:s18], $0x2800  }
0x18d: {  	s9 =	sld [smem:$0x7F3]  }
0x18e: {  	[sflag:s18] =	ssyncset.done $0x0  }
0x18f: {  	[sflag:s18] =	ssyncadd.s32 $0xFFFFD800  }
0x190: {  	[tilespmem:s13], [sflag:$0x1] =	stream.indirect.gather [hbm4b:s4+s12], $0x80, s9, s12, $0xb8;
	[tilespmem:$0x1D080] =	vst v63  }
0x191: {  	_ =	swait.ge [sflag:s19], $0x2800  }
0x192: {  	s9 =	sld [smem:$0x7F4]  }
0x193: {  	[sflag:s19] =	ssyncset.done $0x0  }
0x194: {  	[sflag:s19] =	ssyncadd.s32 $0xFFFFD800  }
0x195: {  	[spmem:s2] =	stream.indirect.scatter.add.f32 [tilespmem:s16], [sflag:$0x6], $0x80, s9, s12, $0xb8;
	[tilespmem:$0x1D080] =	vst v63  }
0x196: {  	_ =	swait.ge [sflag:s20], $0x2800  }
0x197: {  	s9 =	sld [smem:$0x7F5]  }
0x198: {  	[sflag:s20] =	ssyncset.done $0x0  }
0x199: {  	[sflag:s20] =	ssyncadd.s32 $0xFFFFD800  }
0x19a: {  	[tilespmem:s14], [sflag:$0x2] =	stream.indirect.gather [hbm4b:s4+s12], $0x80, s9, s12, $0xb8;
	[tilespmem:$0x1D080] =	vst v63  }
0x19b: {  	_ =	swait.ge [sflag:s15], $0x2800  }
0x19c: {  	s9 =	sld [smem:$0x7F6]  }
0x19d: {  	[sflag:s15] =	ssyncset.done $0x0  }
0x19e: {  	[sflag:s15] =	ssyncadd.s32 $0xFFFFD800  }
0x19f: {  	[spmem:s2] =	stream.indirect.scatter.add.f32 [tilespmem:s13], [sflag:$0x4], $0x80, s9, s12, $0xb8;
	[tilespmem:$0x1D080] =	vst v63  }
0x1a0: {  	_ =	swait.ge [sflag:s21], $0x2800  }
0x1a1: {  	s9 =	sld [smem:$0x7F7]  }
0x1a2: {  	[sflag:s21] =	ssyncset.done $0x0  }
0x1a3: {  	[sflag:s21] =	ssyncadd.s32 $0xFFFFD800  }
0x1a4: {  	[tilespmem:s16], [sflag:$0x3] =	stream.indirect.gather [hbm4b:s4+s12], $0x80, s9, s12, $0xb8;
	[tilespmem:$0x1D080] =	vst v63  }
0x1a5: {  	_ =	swait.ge [sflag:s17], $0x2800  }
0x1a6: {  	s9 =	sld [smem:$0x7F8]  }
0x1a7: {  	[sflag:s17] =	ssyncset.done $0x0  }
0x1a8: {  	[sflag:s17] =	ssyncadd.s32 $0xFFFFD800  }
0x1a9: {  	[spmem:s2] =	stream.indirect.scatter.add.f32 [tilespmem:s14], [sflag:$0x5], $0x80, s9, s12, $0xb8;
	[tilespmem:$0x1D080] =	vst v63  }
0x1aa: {  	_ =	swait.ge [sflag:s18], $0x2800  }
0x1ab: {  	s9 =	sld [smem:$0x7F9]  }
0x1ac: {  	[sflag:s18] =	ssyncset.done $0x0  }
0x1ad: {  	[sflag:s18] =	ssyncadd.s32 $0xFFFFD800  }
0x1ae: {  	[tilespmem:s13], [sflag:$0x1] =	stream.indirect.gather [hbm4b:s4+s12], $0x80, s9, s12, $0xb8;
	[tilespmem:$0x1D080] =	vst v63  }
0x1af: {  	_ =	swait.ge [sflag:s19], $0x2800  }
0x1b0: {  	s9 =	sld [smem:$0x7FA]  }
0x1b1: {  	[sflag:s19] =	ssyncset.done $0x0  }
0x1b2: {  	[sflag:s19] =	ssyncadd.s32 $0xFFFFD800  }
0x1b3: {  	[spmem:s2] =	stream.indirect.scatter.add.f32 [tilespmem:s16], [sflag:$0x6], $0x80, s9, s12, $0xb8;
	[tilespmem:$0x1D080] =	vst v63  }
0x1b4: {  	_ =	swait.ge [sflag:s20], $0x2800  }
0x1b5: {  	s9 =	sld [smem:$0x7FB]  }
0x1b6: {  	[sflag:s20] =	ssyncset.done $0x0  }
0x1b7: {  	[sflag:s20] =	ssyncadd.s32 $0xFFFFD800  }
0x1b8: {  	[tilespmem:s14], [sflag:$0x2] =	stream.indirect.gather [hbm4b:s4+s12], $0x80, s9, s12, $0xb8;
	[tilespmem:$0x1D080] =	vst v63  }
0x1b9: {  	_ =	swait.ge [sflag:s15], $0x2800  }
0x1ba: {  	[sflag:s15] =	ssyncset.done $0x0  }
0x1bb: {  	[sflag:s15] =	ssyncadd.s32 $0xFFFFD800  }
0x1bc: {  	[spmem:s2] =	stream.indirect.scatter.add.f32 [tilespmem:s13], [sflag:$0x4], $0x80, s22, s12, $0xb8;
	[tilespmem:$0x1D080] =	vst v63  }
0x1bd: {  	_ =	swait.ge [sflag:s21], $0x2800  }
0x1be: {  	[sflag:s21] =	ssyncset.done $0x0  }
0x1bf: {  	[sflag:s21] =	ssyncadd.s32 $0xFFFFD800  }
0x1c0: {  	[tilespmem:s16], [sflag:$0x3] =	stream.indirect.gather [hbm4b:s4+s12], $0x80, s23, s12, $0xb8;
	[tilespmem:$0x1D080] =	vst v63  }
0x1c1: {  	_ =	swait.ge [sflag:s17], $0x2800  }
0x1c2: {  	[sflag:s17] =	ssyncset.done $0x0  }
0x1c3: {  	[sflag:s17] =	ssyncadd.s32 $0xFFFFD800  }
0x1c4: {  	[spmem:s2] =	stream.indirect.scatter.add.f32 [tilespmem:s14], [sflag:$0x5], $0x80, s24, s12, $0xb8;
	[tilespmem:$0x1D080] =	vst v63  }
0x1c5: {  	_ =	swait.ge [sflag:s18], $0x2800  }
0x1c6: {  	[sflag:s18] =	ssyncset.done $0x0  }
0x1c7: {  	[sflag:s18] =	ssyncadd.s32 $0xFFFFD800  }
0x1c8: {  	[tilespmem:s13], [sflag:$0x1] =	stream.indirect.gather [hbm4b:s4+s12], $0x80, s25, s12, $0xb8;
	[tilespmem:$0x1D080] =	vst v63  }
0x1c9: {  	_ =	swait.ge [sflag:s19], $0x2800  }
0x1ca: {  	[sflag:s19] =	ssyncset.done $0x0  }
0x1cb: {  	[sflag:s19] =	ssyncadd.s32 $0xFFFFD800  }
0x1cc: {  	[spmem:s2] =	stream.indirect.scatter.add.f32 [tilespmem:s16], [sflag:$0x6], $0x80, s26, s12, $0xb8;
	[tilespmem:$0x1D080] =	vst v63  }
0x1cd: {  	_ =	swait.ge [sflag:s20], $0x2800  }
0x1ce: {  	[sflag:s20] =	ssyncset.done $0x0  }
0x1cf: {  	[sflag:s20] =	ssyncadd.s32 $0xFFFFD800  }
0x1d0: {  	[tilespmem:s14], [sflag:$0x2] =	stream.indirect.gather [hbm4b:s4+s12], $0x80, s28, s12, $0xb8;
	[tilespmem:$0x1D080] =	vst v63  }
0x1d1: {  	_ =	swait.ge [sflag:s15], $0x2800  }
0x1d2: {  	[sflag:s15] =	ssyncset.done $0x0  }
0x1d3: {  	[sflag:s15] =	ssyncadd.s32 $0xFFFFD800  }
0x1d4: {  	[spmem:s2] =	stream.indirect.scatter.add.f32 [tilespmem:s13], [sflag:$0x4], $0x80, s29, s12, $0xb8;
	[tilespmem:$0x1D080] =	vst v63  }
0x1d5: {  	_ =	swait.ge [sflag:s21], $0x2800  }
0x1d6: {  	[sflag:s21] =	ssyncset.done $0x0  }
0x1d7: {  	[sflag:s21] =	ssyncadd.s32 $0xFFFFD800  }
0x1d8: {  	[tilespmem:s16], [sflag:$0x3] =	stream.indirect.gather [hbm4b:s4+s12], $0x80, s30, s12, $0xb8;
	[tilespmem:$0x1D080] =	vst v63  }
0x1d9: {  	_ =	swait.ge [sflag:s17], $0x2800  }
0x1da: {  	[sflag:s17] =	ssyncset.done $0x0  }
0x1db: {  	[sflag:s17] =	ssyncadd.s32 $0xFFFFD800  }
0x1dc: {  	[spmem:s2] =	stream.indirect.scatter.add.f32 [tilespmem:s14], [sflag:$0x5], $0x80, s31, s12, $0xb8;
	[tilespmem:$0x1D080] =	vst v63  }
0x1dd: {  	_ =	swait.ge [sflag:s18], $0x2800  }
0x1de: {  	[sflag:s18] =	ssyncset.done $0x0  }
0x1df: {  	[sflag:s18] =	ssyncadd.s32 $0xFFFFD800  }
0x1e0: {  	[tilespmem:s13], [sflag:$0x1] =	stream.indirect.gather [hbm4b:s4+s12], $0x80, s1, s12, $0xb8;
	[tilespmem:$0x1D080] =	vst v63  }
0x1e1: {  	_ =	swait.ge [sflag:s19], $0x2800  }
0x1e2: {  	[sflag:s19] =	ssyncset.done $0x0  }
0x1e3: {  	[sflag:s19] =	ssyncadd.s32 $0xFFFFD800  }
0x1e4: {  	[spmem:s2] =	stream.indirect.scatter.add.f32 [tilespmem:s16], [sflag:$0x6], $0x80, s0, s12, $0xb8;
	[tilespmem:$0x1D080] =	vst v63  }
0x1e5: {  	_ =	swait.ge [sflag:s20], $0x2800  }
0x1e6: {  	[sflag:s20] =	ssyncset.done $0x0  }
0x1e7: {  	[sflag:s20] =	ssyncadd.s32 $0xFFFFD800  }
0x1e8: {  	_ =	swait.ge [sflag:s15], $0x2800  }
0x1e9: {  	[sflag:s15] =	ssyncset.done $0x0  }
0x1ea: {  	p0 =	sne.s32 s6, $0x800;
	[sflag:s15] =	ssyncadd.s32 $0xFFFFD800  }
0x1eb: {  	[spmem:s2] =	stream.indirect.scatter.add.f32 [tilespmem:s13], [sflag:$0x4], $0x80, s5, s12, $0xb8;
	[tilespmem:$0x1D080] =	vst v63  }
.Ltmp0:
0x1ec: {  	_ =	swait.ge [sflag:s21], $0x2800;
	(pc) =	sbr.rel @p0 .LBB2_2-.Ltmp0, $4  }
0x1ed: {  	[sflag:s21] =	ssyncset.done $0x0  }
0x1ee: {  	[sflag:s21] =	ssyncadd.s32 $0xFFFFD800  }
0x1ef: {  	s7 =	smov.u32 s6;
	s6 =	sadd.s32 $0x200, s6;
	_ =	swait.ge [sflag:s18], $0x2800  }
0x1f0: {  	s8 =	smov.u32 s7;
	s9 =	rddreg [dreg:$0x5];
	[sflag:s18] =	ssyncset.done $0x0  }
0x1f1: {  	[sflag:s18] =	ssyncadd.s32 $0xFFFFD800;
	s6 =	sadd.s32 s8, s9  }
0x1f2: {  	[tilespmem:s3], [sflag:$0x7] =	stream.linear.gather [hbm4b:s6+s3], $0xC80, $0x38;
	[tilespmem:$0x1D080] =	vst v63  }
0x1f3: {  	_ =	swait.ge [sflag:s10], $0xC80  }
0x1f4: {  	s7 =	rddreg [dreg:$0x4];
	[sflag:s10] =	ssyncset.done $0x0  }
0x1f5: {  	s6 =	sadd.s32 s8, s7;
	[sflag:s10] =	ssyncadd.s32 $0xFFFFF380  }
0x1f6: {  	[tilespmem:s11], [sflag:$0x7] =	stream.linear.gather [hbm4b:s6+s3], $0xC80, $0x38;
	[tilespmem:$0x1D080] =	vst v63  }
0x1f7: {  	_ =	swait.ge [sflag:s10], $0xC80  }
0x1f8: {  	[sflag:s10] =	ssyncset.done $0x0  }
0x1f9: {  	[sflag:s10] =	ssyncadd.s32 $0xFFFFF380  }
0x1fa: {  	[tilespmem:s13], [sflag:$0x1] =	stream.indirect.gather [hbm4b:s4+s12], $0x80, s3, s12, $0xb8;
	[tilespmem:$0x1D080] =	vst v63  }
0x1fb: {  	s9 =	rddreg [dreg:$0x6]  }
0x1fc: {  	[tilespmem:s14], [sflag:$0x2] =	stream.indirect.gather [hbm4b:s4+s12], $0x80, s9, s12, $0xb8;
	[tilespmem:$0x1D080] =	vst v63  }
0x1fd: {  	_ =	swait.ge [sflag:s15], $0x2800  }
0x1fe: {  	[sflag:s15] =	ssyncset.done $0x0  }
0x1ff: {  	[sflag:s15] =	ssyncadd.s32 $0xFFFFD800  }
0x200: {  	[spmem:s2] =	stream.indirect.scatter.add.f32 [tilespmem:s13], [sflag:$0x4], $0x80, s11, s12, $0xb8;
	[tilespmem:$0x1D080] =	vst v63  }
0x201: {  	s7 =	rddreg [dreg:$0x7]  }
0x202: {  	[tilespmem:s16], [sflag:$0x3] =	stream.indirect.gather [hbm4b:s4+s12], $0x80, s7, s12, $0xb8;
	[tilespmem:$0x1D080] =	vst v63  }
0x203: {  	_ =	swait.ge [sflag:s17], $0x2800  }
0x204: {  	[sflag:s17] =	ssyncset.done $0x0  }
0x205: {  	s8 =	rddreg [dreg:$0x8];
	[sflag:s17] =	ssyncadd.s32 $0xFFFFD800  }
0x206: {  	[spmem:s2] =	stream.indirect.scatter.add.f32 [tilespmem:s14], [sflag:$0x5], $0x80, s8, s12, $0xb8;
	[tilespmem:$0x1D080] =	vst v63  }
0x207: {  	_ =	swait.ge [sflag:s18], $0x2800  }
0x208: {  	[sflag:s18] =	ssyncset.done $0x0  }
0x209: {  	s9 =	rddreg [dreg:$0x9];
	[sflag:s18] =	ssyncadd.s32 $0xFFFFD800  }
0x20a: {  	[tilespmem:s13], [sflag:$0x1] =	stream.indirect.gather [hbm4b:s4+s12], $0x80, s9, s12, $0xb8;
	[tilespmem:$0x1D080] =	vst v63  }
0x20b: {  	_ =	swait.ge [sflag:s19], $0x2800  }
0x20c: {  	[sflag:s19] =	ssyncset.done $0x0  }
0x20d: {  	s7 =	rddreg [dreg:$0xa];
	[sflag:s19] =	ssyncadd.s32 $0xFFFFD800  }
0x20e: {  	[spmem:s2] =	stream.indirect.scatter.add.f32 [tilespmem:s16], [sflag:$0x6], $0x80, s7, s12, $0xb8;
	[tilespmem:$0x1D080] =	vst v63  }
0x20f: {  	_ =	swait.ge [sflag:s20], $0x2800  }
0x210: {  	[sflag:s20] =	ssyncset.done $0x0  }
0x211: {  	s8 =	rddreg [dreg:$0xb];
	[sflag:s20] =	ssyncadd.s32 $0xFFFFD800  }
0x212: {  	[tilespmem:s14], [sflag:$0x2] =	stream.indirect.gather [hbm4b:s4+s12], $0x80, s8, s12, $0xb8;
	[tilespmem:$0x1D080] =	vst v63  }
0x213: {  	_ =	swait.ge [sflag:s15], $0x2800  }
0x214: {  	[sflag:s15] =	ssyncset.done $0x0  }
0x215: {  	s9 =	rddreg [dreg:$0xc];
	[sflag:s15] =	ssyncadd.s32 $0xFFFFD800  }
0x216: {  	[spmem:s2] =	stream.indirect.scatter.add.f32 [tilespmem:s13], [sflag:$0x4], $0x80, s9, s12, $0xb8;
	[tilespmem:$0x1D080] =	vst v63  }
0x217: {  	_ =	swait.ge [sflag:s21], $0x2800  }
0x218: {  	[sflag:s21] =	ssyncset.done $0x0  }
0x219: {  	s7 =	rddreg [dreg:$0xd];
	[sflag:s21] =	ssyncadd.s32 $0xFFFFD800  }
0x21a: {  	[tilespmem:s16], [sflag:$0x3] =	stream.indirect.gather [hbm4b:s4+s12], $0x80, s7, s12, $0xb8;
	[tilespmem:$0x1D080] =	vst v63  }
0x21b: {  	_ =	swait.ge [sflag:s17], $0x2800  }
0x21c: {  	[sflag:s17] =	ssyncset.done $0x0  }
0x21d: {  	s8 =	rddreg [dreg:$0xe];
	[sflag:s17] =	ssyncadd.s32 $0xFFFFD800  }
0x21e: {  	[spmem:s2] =	stream.indirect.scatter.add.f32 [tilespmem:s14], [sflag:$0x5], $0x80, s8, s12, $0xb8;
	[tilespmem:$0x1D080] =	vst v63  }
0x21f: {  	_ =	swait.ge [sflag:s18], $0x2800  }
0x220: {  	[sflag:s18] =	ssyncset.done $0x0  }
0x221: {  	s9 =	rddreg [dreg:$0xf];
	[sflag:s18] =	ssyncadd.s32 $0xFFFFD800  }
0x222: {  	[tilespmem:s13], [sflag:$0x1] =	stream.indirect.gather [hbm4b:s4+s12], $0x80, s9, s12, $0xb8;
	[tilespmem:$0x1D080] =	vst v63  }
0x223: {  	_ =	swait.ge [sflag:s19], $0x2800  }
0x224: {  	[sflag:s19] =	ssyncset.done $0x0  }
0x225: {  	s7 =	rddreg [dreg:$0x10];
	[sflag:s19] =	ssyncadd.s32 $0xFFFFD800  }
0x226: {  	[spmem:s2] =	stream.indirect.scatter.add.f32 [tilespmem:s16], [sflag:$0x6], $0x80, s7, s12, $0xb8;
	[tilespmem:$0x1D080] =	vst v63  }
0x227: {  	_ =	swait.ge [sflag:s20], $0x2800  }
0x228: {  	[sflag:s20] =	ssyncset.done $0x0  }
0x229: {  	s8 =	rddreg [dreg:$0x11];
	[sflag:s20] =	ssyncadd.s32 $0xFFFFD800  }
0x22a: {  	[tilespmem:s14], [sflag:$0x2] =	stream.indirect.gather [hbm4b:s4+s12], $0x80, s8, s12, $0xb8;
	[tilespmem:$0x1D080] =	vst v63  }
0x22b: {  	_ =	swait.ge [sflag:s15], $0x2800  }
0x22c: {  	[sflag:s15] =	ssyncset.done $0x0  }
0x22d: {  	s9 =	rddreg [dreg:$0x12];
	[sflag:s15] =	ssyncadd.s32 $0xFFFFD800  }
0x22e: {  	[spmem:s2] =	stream.indirect.scatter.add.f32 [tilespmem:s13], [sflag:$0x4], $0x80, s9, s12, $0xb8;
	[tilespmem:$0x1D080] =	vst v63  }
0x22f: {  	_ =	swait.ge [sflag:s21], $0x2800  }
0x230: {  	[sflag:s21] =	ssyncset.done $0x0  }
0x231: {  	s7 =	rddreg [dreg:$0x13];
	[sflag:s21] =	ssyncadd.s32 $0xFFFFD800  }
0x232: {  	[tilespmem:s16], [sflag:$0x3] =	stream.indirect.gather [hbm4b:s4+s12], $0x80, s7, s12, $0xb8;
	[tilespmem:$0x1D080] =	vst v63  }
0x233: {  	_ =	swait.ge [sflag:s17], $0x2800  }
0x234: {  	[sflag:s17] =	ssyncset.done $0x0  }
0x235: {  	s8 =	rddreg [dreg:$0x14];
	[sflag:s17] =	ssyncadd.s32 $0xFFFFD800  }
0x236: {  	[spmem:s2] =	stream.indirect.scatter.add.f32 [tilespmem:s14], [sflag:$0x5], $0x80, s8, s12, $0xb8;
	[tilespmem:$0x1D080] =	vst v63  }
0x237: {  	_ =	swait.ge [sflag:s18], $0x2800  }
0x238: {  	[sflag:s18] =	ssyncset.done $0x0  }
0x239: {  	s9 =	rddreg [dreg:$0x15];
	[sflag:s18] =	ssyncadd.s32 $0xFFFFD800  }
0x23a: {  	[tilespmem:s13], [sflag:$0x1] =	stream.indirect.gather [hbm4b:s4+s12], $0x80, s9, s12, $0xb8;
	[tilespmem:$0x1D080] =	vst v63  }
0x23b: {  	_ =	swait.ge [sflag:s19], $0x2800  }
0x23c: {  	[sflag:s19] =	ssyncset.done $0x0  }
0x23d: {  	s7 =	rddreg [dreg:$0x16];
	[sflag:s19] =	ssyncadd.s32 $0xFFFFD800  }
0x23e: {  	[spmem:s2] =	stream.indirect.scatter.add.f32 [tilespmem:s16], [sflag:$0x6], $0x80, s7, s12, $0xb8;
	[tilespmem:$0x1D080] =	vst v63  }
0x23f: {  	_ =	swait.ge [sflag:s20], $0x2800  }
0x240: {  	[sflag:s20] =	ssyncset.done $0x0  }
0x241: {  	s8 =	rddreg [dreg:$0x17];
	[sflag:s20] =	ssyncadd.s32 $0xFFFFD800  }
0x242: {  	[tilespmem:s14], [sflag:$0x2] =	stream.indirect.gather [hbm4b:s4+s12], $0x80, s8, s12, $0xb8;
	[tilespmem:$0x1D080] =	vst v63  }
0x243: {  	_ =	swait.ge [sflag:s15], $0x2800  }
0x244: {  	[sflag:s15] =	ssyncset.done $0x0  }
0x245: {  	s9 =	rddreg [dreg:$0x18];
	[sflag:s15] =	ssyncadd.s32 $0xFFFFD800  }
0x246: {  	[spmem:s2] =	stream.indirect.scatter.add.f32 [tilespmem:s13], [sflag:$0x4], $0x80, s9, s12, $0xb8;
	[tilespmem:$0x1D080] =	vst v63  }
0x247: {  	_ =	swait.ge [sflag:s21], $0x2800  }
0x248: {  	[sflag:s21] =	ssyncset.done $0x0  }
0x249: {  	s7 =	rddreg [dreg:$0x19];
	[sflag:s21] =	ssyncadd.s32 $0xFFFFD800  }
0x24a: {  	[tilespmem:s16], [sflag:$0x3] =	stream.indirect.gather [hbm4b:s4+s12], $0x80, s7, s12, $0xb8;
	[tilespmem:$0x1D080] =	vst v63  }
0x24b: {  	_ =	swait.ge [sflag:s17], $0x2800  }
0x24c: {  	[sflag:s17] =	ssyncset.done $0x0  }
0x24d: {  	s8 =	rddreg [dreg:$0x1a];
	[sflag:s17] =	ssyncadd.s32 $0xFFFFD800  }
0x24e: {  	[spmem:s2] =	stream.indirect.scatter.add.f32 [tilespmem:s14], [sflag:$0x5], $0x80, s8, s12, $0xb8;
	[tilespmem:$0x1D080] =	vst v63  }
0x24f: {  	_ =	swait.ge [sflag:s18], $0x2800  }
0x250: {  	[sflag:s18] =	ssyncset.done $0x0  }
0x251: {  	s9 =	rddreg [dreg:$0x1b];
	[sflag:s18] =	ssyncadd.s32 $0xFFFFD800  }
0x252: {  	[tilespmem:s13], [sflag:$0x1] =	stream.indirect.gather [hbm4b:s4+s12], $0x80, s9, s12, $0xb8;
	[tilespmem:$0x1D080] =	vst v63  }
0x253: {  	_ =	swait.ge [sflag:s19], $0x2800  }
0x254: {  	[sflag:s19] =	ssyncset.done $0x0  }
0x255: {  	s7 =	rddreg [dreg:$0x1c];
	[sflag:s19] =	ssyncadd.s32 $0xFFFFD800  }
0x256: {  	[spmem:s2] =	stream.indirect.scatter.add.f32 [tilespmem:s16], [sflag:$0x6], $0x80, s7, s12, $0xb8;
	[tilespmem:$0x1D080] =	vst v63  }
0x257: {  	_ =	swait.ge [sflag:s20], $0x2800  }
0x258: {  	[sflag:s20] =	ssyncset.done $0x0  }
0x259: {  	s8 =	rddreg [dreg:$0x1d];
	[sflag:s20] =	ssyncadd.s32 $0xFFFFD800  }
0x25a: {  	[tilespmem:s14], [sflag:$0x2] =	stream.indirect.gather [hbm4b:s4+s12], $0x80, s8, s12, $0xb8;
	[tilespmem:$0x1D080] =	vst v63  }
0x25b: {  	_ =	swait.ge [sflag:s15], $0x2800  }
0x25c: {  	[sflag:s15] =	ssyncset.done $0x0  }
0x25d: {  	s9 =	rddreg [dreg:$0x1e];
	[sflag:s15] =	ssyncadd.s32 $0xFFFFD800  }
0x25e: {  	[spmem:s2] =	stream.indirect.scatter.add.f32 [tilespmem:s13], [sflag:$0x4], $0x80, s9, s12, $0xb8;
	[tilespmem:$0x1D080] =	vst v63  }
0x25f: {  	_ =	swait.ge [sflag:s21], $0x2800  }
0x260: {  	[sflag:s21] =	ssyncset.done $0x0  }
0x261: {  	s7 =	rddreg [dreg:$0x1f];
	[sflag:s21] =	ssyncadd.s32 $0xFFFFD800  }
0x262: {  	[tilespmem:s16], [sflag:$0x3] =	stream.indirect.gather [hbm4b:s4+s12], $0x80, s7, s12, $0xb8;
	[tilespmem:$0x1D080] =	vst v63  }
0x263: {  	_ =	swait.ge [sflag:s17], $0x2800  }
0x264: {  	s8 =	sld [smem:$0x7F2]  }
0x265: {  	[sflag:s17] =	ssyncset.done $0x0  }
0x266: {  	[sflag:s17] =	ssyncadd.s32 $0xFFFFD800  }
0x267: {  	[spmem:s2] =	stream.indirect.scatter.add.f32 [tilespmem:s14], [sflag:$0x5], $0x80, s8, s12, $0xb8;
	[tilespmem:$0x1D080] =	vst v63  }
0x268: {  	_ =	swait.ge [sflag:s18], $0x2800  }
0x269: {  	s9 =	sld [smem:$0x7F3]  }
0x26a: {  	[sflag:s18] =	ssyncset.done $0x0  }
0x26b: {  	[sflag:s18] =	ssyncadd.s32 $0xFFFFD800  }
0x26c: {  	[tilespmem:s13], [sflag:$0x1] =	stream.indirect.gather [hbm4b:s4+s12], $0x80, s9, s12, $0xb8;
	[tilespmem:$0x1D080] =	vst v63  }
0x26d: {  	_ =	swait.ge [sflag:s19], $0x2800  }
0x26e: {  	s7 =	sld [smem:$0x7F4]  }
0x26f: {  	[sflag:s19] =	ssyncset.done $0x0  }
0x270: {  	[sflag:s19] =	ssyncadd.s32 $0xFFFFD800  }
0x271: {  	[spmem:s2] =	stream.indirect.scatter.add.f32 [tilespmem:s16], [sflag:$0x6], $0x80, s7, s12, $0xb8;
	[tilespmem:$0x1D080] =	vst v63  }
0x272: {  	_ =	swait.ge [sflag:s20], $0x2800  }
0x273: {  	s8 =	sld [smem:$0x7F5]  }
0x274: {  	[sflag:s20] =	ssyncset.done $0x0  }
0x275: {  	[sflag:s20] =	ssyncadd.s32 $0xFFFFD800  }
0x276: {  	[tilespmem:s14], [sflag:$0x2] =	stream.indirect.gather [hbm4b:s4+s12], $0x80, s8, s12, $0xb8;
	[tilespmem:$0x1D080] =	vst v63  }
0x277: {  	_ =	swait.ge [sflag:s15], $0x2800  }
0x278: {  	s9 =	sld [smem:$0x7F6]  }
0x279: {  	[sflag:s15] =	ssyncset.done $0x0  }
0x27a: {  	[sflag:s15] =	ssyncadd.s32 $0xFFFFD800  }
0x27b: {  	[spmem:s2] =	stream.indirect.scatter.add.f32 [tilespmem:s13], [sflag:$0x4], $0x80, s9, s12, $0xb8;
	[tilespmem:$0x1D080] =	vst v63  }
0x27c: {  	_ =	swait.ge [sflag:s21], $0x2800  }
0x27d: {  	s7 =	sld [smem:$0x7F7]  }
0x27e: {  	[sflag:s21] =	ssyncset.done $0x0  }
0x27f: {  	[sflag:s21] =	ssyncadd.s32 $0xFFFFD800  }
0x280: {  	[tilespmem:s16], [sflag:$0x3] =	stream.indirect.gather [hbm4b:s4+s12], $0x80, s7, s12, $0xb8;
	[tilespmem:$0x1D080] =	vst v63  }
0x281: {  	_ =	swait.ge [sflag:s17], $0x2800  }
0x282: {  	s8 =	sld [smem:$0x7F8]  }
0x283: {  	[sflag:s17] =	ssyncset.done $0x0  }
0x284: {  	[sflag:s17] =	ssyncadd.s32 $0xFFFFD800  }
0x285: {  	[spmem:s2] =	stream.indirect.scatter.add.f32 [tilespmem:s14], [sflag:$0x5], $0x80, s8, s12, $0xb8;
	[tilespmem:$0x1D080] =	vst v63  }
0x286: {  	_ =	swait.ge [sflag:s18], $0x2800  }
0x287: {  	s9 =	sld [smem:$0x7F9]  }
0x288: {  	[sflag:s18] =	ssyncset.done $0x0  }
0x289: {  	[sflag:s18] =	ssyncadd.s32 $0xFFFFD800  }
0x28a: {  	[tilespmem:s13], [sflag:$0x1] =	stream.indirect.gather [hbm4b:s4+s12], $0x80, s9, s12, $0xb8;
	[tilespmem:$0x1D080] =	vst v63  }
0x28b: {  	_ =	swait.ge [sflag:s19], $0x2800  }
0x28c: {  	s7 =	sld [smem:$0x7FA]  }
0x28d: {  	[sflag:s19] =	ssyncset.done $0x0  }
0x28e: {  	[sflag:s19] =	ssyncadd.s32 $0xFFFFD800  }
0x28f: {  	[spmem:s2] =	stream.indirect.scatter.add.f32 [tilespmem:s16], [sflag:$0x6], $0x80, s7, s12, $0xb8;
	[tilespmem:$0x1D080] =	vst v63  }
0x290: {  	_ =	swait.ge [sflag:s20], $0x2800  }
0x291: {  	s8 =	sld [smem:$0x7FB]  }
0x292: {  	[sflag:s20] =	ssyncset.done $0x0  }
0x293: {  	[sflag:s20] =	ssyncadd.s32 $0xFFFFD800  }
0x294: {  	[tilespmem:s14], [sflag:$0x2] =	stream.indirect.gather [hbm4b:s4+s12], $0x80, s8, s12, $0xb8;
	[tilespmem:$0x1D080] =	vst v63  }
0x295: {  	_ =	swait.ge [sflag:s15], $0x2800  }
0x296: {  	[sflag:s15] =	ssyncset.done $0x0  }
0x297: {  	[sflag:s15] =	ssyncadd.s32 $0xFFFFD800  }
0x298: {  	[spmem:s2] =	stream.indirect.scatter.add.f32 [tilespmem:s13], [sflag:$0x4], $0x80, s22, s12, $0xb8;
	[tilespmem:$0x1D080] =	vst v63  }
0x299: {  	_ =	swait.ge [sflag:s21], $0x2800  }
0x29a: {  	[sflag:s21] =	ssyncset.done $0x0  }
0x29b: {  	[sflag:s21] =	ssyncadd.s32 $0xFFFFD800  }
0x29c: {  	[tilespmem:s16], [sflag:$0x3] =	stream.indirect.gather [hbm4b:s4+s12], $0x80, s23, s12, $0xb8;
	[tilespmem:$0x1D080] =	vst v63  }
0x29d: {  	_ =	swait.ge [sflag:s17], $0x2800  }
0x29e: {  	[sflag:s17] =	ssyncset.done $0x0  }
0x29f: {  	[sflag:s17] =	ssyncadd.s32 $0xFFFFD800  }
0x2a0: {  	[spmem:s2] =	stream.indirect.scatter.add.f32 [tilespmem:s14], [sflag:$0x5], $0x80, s24, s12, $0xb8;
	[tilespmem:$0x1D080] =	vst v63  }
0x2a1: {  	_ =	swait.ge [sflag:s18], $0x2800  }
0x2a2: {  	[sflag:s18] =	ssyncset.done $0x0  }
0x2a3: {  	[sflag:s18] =	ssyncadd.s32 $0xFFFFD800  }
0x2a4: {  	[tilespmem:s13], [sflag:$0x1] =	stream.indirect.gather [hbm4b:s4+s12], $0x80, s25, s12, $0xb8;
	[tilespmem:$0x1D080] =	vst v63  }
0x2a5: {  	_ =	swait.ge [sflag:s19], $0x2800  }
0x2a6: {  	[sflag:s19] =	ssyncset.done $0x0  }
0x2a7: {  	[sflag:s19] =	ssyncadd.s32 $0xFFFFD800  }
0x2a8: {  	[spmem:s2] =	stream.indirect.scatter.add.f32 [tilespmem:s16], [sflag:$0x6], $0x80, s26, s12, $0xb8;
	[tilespmem:$0x1D080] =	vst v63  }
0x2a9: {  	_ =	swait.ge [sflag:s20], $0x2800  }
0x2aa: {  	[sflag:s20] =	ssyncset.done $0x0  }
0x2ab: {  	[sflag:s20] =	ssyncadd.s32 $0xFFFFD800  }
0x2ac: {  	[tilespmem:s14], [sflag:$0x2] =	stream.indirect.gather [hbm4b:s4+s12], $0x80, s28, s12, $0xb8;
	[tilespmem:$0x1D080] =	vst v63  }
0x2ad: {  	_ =	swait.ge [sflag:s15], $0x2800  }
0x2ae: {  	[sflag:s15] =	ssyncset.done $0x0  }
0x2af: {  	[sflag:s15] =	ssyncadd.s32 $0xFFFFD800  }
0x2b0: {  	[spmem:s2] =	stream.indirect.scatter.add.f32 [tilespmem:s13], [sflag:$0x4], $0x80, s29, s12, $0xb8;
	[tilespmem:$0x1D080] =	vst v63  }
0x2b1: {  	_ =	swait.ge [sflag:s21], $0x2800  }
0x2b2: {  	[sflag:s21] =	ssyncset.done $0x0  }
0x2b3: {  	[sflag:s21] =	ssyncadd.s32 $0xFFFFD800  }
0x2b4: {  	[tilespmem:s16], [sflag:$0x3] =	stream.indirect.gather [hbm4b:s4+s12], $0x80, s30, s12, $0xb8;
	[tilespmem:$0x1D080] =	vst v63  }
0x2b5: {  	_ =	swait.ge [sflag:s17], $0x2800  }
0x2b6: {  	[sflag:s17] =	ssyncset.done $0x0  }
0x2b7: {  	[sflag:s17] =	ssyncadd.s32 $0xFFFFD800  }
0x2b8: {  	[spmem:s2] =	stream.indirect.scatter.add.f32 [tilespmem:s14], [sflag:$0x5], $0x80, s31, s12, $0xb8;
	[tilespmem:$0x1D080] =	vst v63  }
0x2b9: {  	_ =	swait.ge [sflag:s18], $0x2800  }
0x2ba: {  	[sflag:s18] =	ssyncset.done $0x0  }
0x2bb: {  	[sflag:s18] =	ssyncadd.s32 $0xFFFFD800  }
0x2bc: {  	[tilespmem:s13], [sflag:$0x1] =	stream.indirect.gather [hbm4b:s4+s12], $0x80, s1, s12, $0xb8;
	[tilespmem:$0x1D080] =	vst v63  }
0x2bd: {  	_ =	swait.ge [sflag:s19], $0x2800  }
0x2be: {  	[sflag:s19] =	ssyncset.done $0x0  }
0x2bf: {  	[sflag:s19] =	ssyncadd.s32 $0xFFFFD800  }
0x2c0: {  	[spmem:s2] =	stream.indirect.scatter.add.f32 [tilespmem:s16], [sflag:$0x6], $0x80, s0, s12, $0xb8;
	[tilespmem:$0x1D080] =	vst v63  }
0x2c1: {  	_ =	swait.ge [sflag:s20], $0x2800  }
0x2c2: {  	[sflag:s20] =	ssyncset.done $0x0  }
0x2c3: {  	[sflag:s20] =	ssyncadd.s32 $0xFFFFD800  }
0x2c4: {  	_ =	swait.ge [sflag:s15], $0x2800  }
0x2c5: {  	[sflag:s15] =	ssyncset.done $0x0  }
0x2c6: {  	[sflag:s15] =	ssyncadd.s32 $0xFFFFD800  }
0x2c7: {  	[spmem:s2] =	stream.indirect.scatter.add.f32 [tilespmem:s13], [sflag:$0x4], $0x80, s5, s12, $0xb8;
	[tilespmem:$0x1D080] =	vst v63  }
0x2c8: {  	_ =	swait.ge [sflag:s21], $0x2800  }
0x2c9: {  	[sflag:s21] =	ssyncset.done $0x0  }
0x2ca: {  	[sflag:s21] =	ssyncadd.s32 $0xFFFFD800  }
0x2cb: {  	_ =	swait.ge [sflag:s18], $0x2800  }
0x2cc: {  	[sflag:s18] =	ssyncset.done $0x0  }
0x2cd: {  	[sflag:s18] =	ssyncadd.s32 $0xFFFFD800  }
0x2ce: {  	[bflag:$0x0] =	sbarrier.arrive $0xFFFF  }
0x2cf: {  	s7 =	sld [smem:$0x7FC]  }
0x2d0: {  	s9 =	sld [smem:$0x7F0]  }
0x2d1: {  	s8 =	sld [smem:$0x7FD];
	_ =	sdelay $0x2  }
0x2d2: {  	[hbm:s9], [sflag:s7] =	dma.local [spmem:s8], $0x2800  }
0x2d3: {  	_ =	swait.ge [sflag:s10], $0x2800  }
0x2d4: {  	s6 =	sld [smem:$0x7EE];
	_ =	sdelay $0x2  }
0x2d5: {  	s9 =	sadd.s32 $0x1, s6;
	s6 =	sld [smem:$0x7F1];
	_ =	sdelay $0x2  }
0x2d6: {  	p0 =	sne.s32 s9, s6  }
.Ltmp1:
0x2d7: {  	_ = 	snop;
	(pc) =	sbr.rel @p0 .LBB2_1-.Ltmp1, $3  }
0x2d8: {  	_ =	sdelay $0x1  }
0x2d9: {  	[sflag:s10] =	ssyncset.done $0x0  }
0x2da: {  	[sflag:s10] =	ssyncadd.s32 $0xFFFFD800  }
0x2db: {  	_ =	sfence.sel $0x180000  }
0x2dc: {  	[bflag:$0x0] =	sbarrier.arrive $0xFFFF  }
0x2dd: {  	_ =	strace $0x9000004D  }
0x2de: {  	s0 =	stileid.u32;
	[bflag:$0x2] =	sbarrier.arrive $0xFFFF  }
0x2df: {  	p0 =	sne.s32 s0, $0x0;
	s0 =	rddreg [dreg:$0x3]  }
0x2e0: {  	s0 =	sadd.s32 @!p0 $0x100000, s0  }
0x2e1: {  	[sflag:s0] =	ssyncadd.tile.s32 @!p0 $0x1;
	_ =	shalt  }
.Lfunc_end2:
_tile_overlayer_lowered:
.L_overlay_start_2:
0x2e2: {  	(tag) =	ssettag $0x2  }
0x2e3: {  	s0 =	rddreg [dreg:$0x0];
	s2 =	stileid.u32  }
0x2e4: {  	s1 =	rddreg [dreg:$0x1];
	p0 =	sne.s32 s2, $0x0  }
0x2e5: {  	s3 =	rddreg [dreg:$0x2];
	[bflag:$0x3] =	sbarrier.arrive $0xFFFF;
	s2 =	simm.s32 @!p0 $0x1C07  }
0x2e6: {  	[timem:s3], [sflag:s2] =	dma.local @!p0 [hbm:s0], s1  }
0x2e7: {  	s0 =	simm.s32 @!p0 $0x7  }
0x2e8: {  	_ =	swait.ge @!p0 [sflag:s0], s1  }
0x2e9: {  	s1 =	ssub.s32 @!p0 $0x0, s1;
	[sflag:s0] =	ssyncset.done @!p0 $0x0  }
0x2ea: {  	[sflag:s0] =	ssyncadd.s32 @!p0 s1  }
0x2eb: {  	[bflag:$0x3] =	sbarrier.arrive $0xFFFF  }
0x2ec: {  	_ =	shalt  }

// kernel: kernel.7.cloned.1.call-start
scs
__scs_entry_jumppad:
0x0: {  	(pc) =	sbr.rel $0x88, $3  }
0x1: {  	(tag) =	ssettag $0x0;
	lr =	simm.s32 $0x1  }
0x2: {  	[smem:$0x3F95] =	sst lr;
	_ =	strace $0xD0000000  }
0x3: {  	_ = 	snop  }
0x4: {  	_ = 	snop  }
0x5: {  	_ = 	snop  }
0x6: {  	_ = 	snop  }
0x7: {  	_ = 	snop  }
__scs_overlays_trampoline_lowered:
0x8: {  	[smem:$0x3FA4] =	sst s0  }
0x9: {  	[smem:$0x3FA5] =	sst s1  }
0xa: {  	[smem:$0x3FA6] =	sst s2  }
0xb: {  	[smem:$0x3FA7] =	sst s3  }
0xc: {  	[smem:$0x3FA8] =	sst s4  }
0xd: {  	[smem:$0x3FA9] =	sst s5  }
0xe: {  	[smem:$0x3FAA] =	sst s6  }
0xf: {  	[smem:$0x3FAB] =	sst s7  }
0x10: {  	[smem:$0x3FAC] =	sst s8  }
0x11: {  	[smem:$0x3FAD] =	sst s9;
	s0 =	simm.s32 @!p0 $0x0  }
0x12: {  	s1 =	sld [smem:$0x3F93];
	s0 =	simm.s32 @p0 $0x1  }
0x13: {  	[smem:$0x3FAE] =	sst s0;
	s0 =	simm.s32 @!p1 $0x0  }
0x14: {  	s2 =	sld [smem:$0x3F92];
	s0 =	simm.s32 @p1 $0x1  }
0x15: {  	[smem:$0x3FAF] =	sst s0;
	s0 =	simm.s32 @!p2 $0x0  }
0x16: {  	s3 =	sld [smem:$0x3FDB];
	s0 =	simm.s32 @p2 $0x1  }
0x17: {  	s4 =	simm.s32 $0x1BF5;
	[smem:$0x3FB1] =	sst s0  }
0x18: {  	s0 =	sld [smem:$0x3F94];
	_ =	swait.ge [sflag:s4], $0x0  }
0x19: {  	s7 =	sld [smem:$0x3F95]  }
0x1a: {  	s8 =	sadd.s32 $0xFFFFE003, lr  }
0x1b: {  	s9 =	sadd.s32 $0xFFFFFEF7, lr;
	s5 =	simm.s32 $0xFFFFFFFF;
	p2 =	slt.u32 s8, $0xFFFFF086  }
0x1c: {  	p1 =	slt.u32 s9, $0xF7A;
	s5 =	simm.s32 @!p2 $0x0  }
0x1d: {  	s5 =	simm.s32 @p1 $0x1;
	p0 =	seq.s32 s7, s2  }
0x1e: {  	s7 =	smul.u32 @!p0 $0xF7A, s2;
	p2 =	seq.s32 @!p0 s5, $0x0  }
0x1f: {  	s9 =	smul.u32 $0xF7A, s1;
	s8 =	simm.s32 @!p0 $0x1BF5;
	p2 =	por !p2, p0  }
0x20: {  	[sflag:s8] =	ssyncset.s32 @!p0 $0xFFFFF086;
	s6 =	sadd.s32 @!p0 s3, s7;
	s7 =	simm.s32 @!p0 $0x108  }
0x21: {  	s3 =	sadd.s32 s3, s9;
	s6 =	sadd.s32 @!p0 $0x88, s6;
	s7 =	simm.s32 @p2 $0x1082  }
0x22: {  	[simem:s7], [sflag:s8] =	dma.local @!p0 [hbm:s6], $0xF7A  }
0x23: {  	s9 =	sor.u32 $0xD0000000, s2;
	s6 =	simm.s32 $0x108;
	_ =	swait.ge @!p0 [sflag:s8], $0x0  }
0x24: {  	s3 =	sadd.s32 $0x88, s3;
	s6 =	simm.s32 @!p1 $0x1082;
	[sflag:s4] =	ssyncset.s32 $0xFFFFF086  }
0x25: {  	[simem:s6], [sflag:s4] =	dma.local [hbm:s3], $0xF7A  }
0x26: {  	[smem:$0x3F95] =	sst s1;
	(tag) =	ssettag s2;
	_ =	strace s9  }
0x27: {  	s1 =	sld [smem:$0x3FA5]  }
0x28: {  	s2 =	sld [smem:$0x3FA6]  }
0x29: {  	s4 =	sld [smem:$0x3FA8]  }
0x2a: {  	p0 =	seq.s32 s5, $0x0;
	s5 =	sld [smem:$0x3FA9]  }
0x2b: {  	s6 =	sld [smem:$0x3FAA]  }
0x2c: {  	s7 =	sld [smem:$0x3FAB]  }
0x2d: {  	s3 =	simm.s32 $0x108;
	s8 =	sld [smem:$0x3FAC]  }
0x2e: {  	s3 =	simm.s32 @!p0 $0x1082;
	s9 =	sld [smem:$0x3FAD]  }
0x2f: {  	lr =	sadd.s32 s0, s3;
	s0 =	sld [smem:$0x3FA4]  }
0x30: {  	s3 =	sld [smem:$0x3FA7]  }
0x31: {  	[smem:$0x3FB0] =	sst s10  }
0x32: {  	s10 =	sld [smem:$0x3FAE];
	_ =	sdelay $0x3  }
0x33: {  	p0 =	seq.s32 s10, $0x1;
	s10 =	sld [smem:$0x3FB0];
	_ =	sdelay $0x3  }
0x34: {  	[smem:$0x3FB0] =	sst s10  }
0x35: {  	s10 =	sld [smem:$0x3FAF];
	_ =	sdelay $0x3  }
0x36: {  	p1 =	seq.s32 s10, $0x1;
	s10 =	sld [smem:$0x3FB0];
	_ =	sdelay $0x3  }
0x37: {  	[smem:$0x3FB0] =	sst s10  }
0x38: {  	s10 =	sld [smem:$0x3FB1]  }
0x39: {  	_ = 	snop;
	(pc) =	sbr.ind lr, $3  }
0x3a: {  	_ = 	snop  }
0x3b: {  	_ = 	snop  }
0x3c: {  	p2 =	seq.s32 s10, $0x1;
	s10 =	sld [smem:$0x3FB0]  }
0x3d: {  	_ =	shalt  }
0x3e: {  	_ =	shalt  }
0x3f: {  	_ =	shalt  }
0x40: {  	_ =	shalt  }
0x41: {  	_ =	shalt  }
0x42: {  	_ =	shalt  }
0x43: {  	_ =	shalt  }
0x44: {  	_ =	shalt  }
0x45: {  	_ =	shalt  }
0x46: {  	_ =	shalt  }
0x47: {  	_ =	shalt  }
0x48: {  	_ =	shalt  }
0x49: {  	_ =	shalt  }
0x4a: {  	_ =	shalt  }
0x4b: {  	_ =	shalt  }
0x4c: {  	_ =	shalt  }
0x4d: {  	_ =	shalt  }
0x4e: {  	_ =	shalt  }
0x4f: {  	_ =	shalt  }
0x50: {  	_ =	shalt  }
0x51: {  	_ =	shalt  }
0x52: {  	_ =	shalt  }
0x53: {  	_ =	shalt  }
0x54: {  	_ =	shalt  }
0x55: {  	_ =	shalt  }
0x56: {  	_ =	shalt  }
0x57: {  	_ =	shalt  }
0x58: {  	_ =	shalt  }
0x59: {  	_ =	shalt  }
0x5a: {  	_ =	shalt  }
0x5b: {  	_ =	shalt  }
0x5c: {  	_ =	shalt  }
0x5d: {  	_ =	shalt  }
0x5e: {  	_ =	shalt  }
0x5f: {  	_ =	shalt  }
0x60: {  	_ =	shalt  }
0x61: {  	_ =	shalt  }
0x62: {  	_ =	shalt  }
0x63: {  	_ =	shalt  }
0x64: {  	_ =	shalt  }
0x65: {  	_ =	shalt  }
0x66: {  	_ =	shalt  }
0x67: {  	_ =	shalt  }
0x68: {  	_ =	shalt  }
0x69: {  	_ =	shalt  }
0x6a: {  	_ =	shalt  }
0x6b: {  	_ =	shalt  }
0x6c: {  	_ =	shalt  }
0x6d: {  	_ =	shalt  }
0x6e: {  	_ =	shalt  }
0x6f: {  	_ =	shalt  }
0x70: {  	_ =	shalt  }
0x71: {  	_ =	shalt  }
0x72: {  	_ =	shalt  }
0x73: {  	_ =	shalt  }
0x74: {  	_ =	shalt  }
0x75: {  	_ =	shalt  }
0x76: {  	_ =	shalt  }
0x77: {  	_ =	shalt  }
0x78: {  	_ =	shalt  }
0x79: {  	_ =	shalt  }
0x7a: {  	_ =	shalt  }
0x7b: {  	_ =	shalt  }
0x7c: {  	_ =	shalt  }
0x7d: {  	_ =	shalt  }
0x7e: {  	_ =	shalt  }
0x7f: {  	_ =	shalt  }
0x80: {  	_ =	shalt  }
0x81: {  	_ =	shalt  }
0x82: {  	_ =	shalt  }
0x83: {  	_ =	shalt  }
0x84: {  	_ =	shalt  }
0x85: {  	_ =	shalt  }
0x86: {  	_ =	shalt  }
0x87: {  	_ =	shalt  }
.Lfunc_end0:
.L_simem_size_0:
called_computation_lowered:
.L_overlay_start_0:
0x88: {  	s2 =	sld [smem:$0x3FD9]  }
0x89: {  	s3 =	sld [smem:$0x3FFE];
	_ =	sdelay $0x1  }
0x8a: {  	s1 =	srdreg.scid  }
0x8b: {  	s0 =	sand.u32 $0x1, s1  }
0x8c: {  	s14 =	sshll.u32 s0, $0xA;
	s2 =	sadd.s32 s3, s2  }
0x8d: {  	s2 =	sadd.s32 s2, s14  }
0x8e: {  	[smem:$0x3FBC] =	sst s2  }
0x8f: {  	_ = 	snop  }
0x90: {  	s2 =	sld [smem:$0x3FD0];
	_ =	sdelay $0x2  }
0x91: {  	s15 =	simm.s32 $0xB;
	s4 =	simm.s32 $0x10  }
0x92: {  	[smem:s4], [sflag:s15] =	dma.local [hbm:s2], $0x1  }
0x93: {  	_ =	swait.eq [sflag:s15], $0x1  }
0x94: {  	[sflag:s15] =	ssyncset.done $0x0  }
0x95: {  	[sflag:s15] =	ssyncadd.s32 $0xFFFFFFFF  }
0x96: {  	s16 =	sld [smem:$0x10];
	(tm) =	ssettm $0x1  }
0x97: {  	s17 =	sld [smem:$0x3FFB];
	_ =	sdelay $0x3  }
0x98: {  	_ =	strace s17  }
0x99: {  	s3 =	sld [smem:$0x3FFC];
	_ =	sdelay $0x3  }
0x9a: {  	_ =	strace s3  }
0x9b: {  	s3 =	sld [smem:$0x3FFD];
	_ =	sdelay $0x3  }
0x9c: {  	_ =	strace s3  }
0x9d: {  	_ =	strace $0x8FFFFFFF  }
0x9e: {  	s18 =	sld [smem:$0x3FDB];
	_ =	sdelay $0x1  }
0x9f: {  	s19 =	simm.s32 $_scs_section_size  }
0xa0: {  	s5 =	simm.s32 $_size__tile_overlayer_lowered;
	s6 =	simm.s32 $_tile_overlayer_lowered  }
0xa1: {  	s22 =	simm.s32 $0x1BFF;
	s21 =	sshll.u32 s6, $0x1;
	s3 =	sadd.s32 s19, s18  }
0xa2: {  	s7 =	simm.s32 $0x0;
	s20 =	sshll.u32 s5, $0x1;
	s5 =	sadd.s32 s21, s3  }
0xa3: {  	[timem:s7], [sflag:s22] =	dma.local [hbm:s5], s20  }
0xa4: {  	_ =	swait.ge [sflag:s22], s20  }
0xa5: {  	s4 =	ssub.s32 $0x0, s20;
	[sflag:s22] =	ssyncset.done $0x0  }
0xa6: {  	[sflag:s22] =	ssyncadd.s32 s4;
	_ =	sdelay $0x1  }
0xa7: {  	s23 =	simm.s32 $0x1B8B  }
0xa8: {  	_ =	swait.ge [sflag:s23], $0x1  }
0xa9: {  	[sflag:s23] =	ssyncset.done $0x0  }
0xaa: {  	s25 =	simm.s32 $0x1B8E;
	s24 =	sld [smem:$0x3FFE];
	[sflag:s23] =	ssyncadd.s32 $0xFFFFFFFF  }
0xab: {  	s26 =	simm.s32 $execute0_lowered;
	[smem:$0x3FD2] =	sst s25  }
0xac: {  	s5 =	sshll.u32 s26, $0x1;
	_ =	strace $0x80000046;
	[dreg:$0x1] =	wrdreg $0xFFFFFFFF  }
0xad: {  	s28 =	simm.s32 $_size_execute0_lowered;
	s3 =	sadd.s32 s3, s5;
	[dreg:$0x0] =	wrdreg $0x0  }
0xae: {  	s5 =	sshll.u32 s28, $0x1;
	[dreg:$0x2] =	wrdreg s3  }
0xaf: {  	[dreg:$0x3] =	wrdreg s5  }
0xb0: {  	[dreg:$0x4] =	wrdreg $0xC0  }
0xb1: {  	_ =	task [dreg:s7], $0x5FFFF  }
0xb2: {  	[dreg:$0x1] =	wrdreg $0xFFFFFFFF  }
0xb3: {  	[dreg:$0x0] =	wrdreg $0x60  }
0xb4: {  	[dreg:$0x2] =	wrdreg s24  }
0xb5: {  	[dreg:$0x3] =	wrdreg s16  }
0xb6: {  	[dreg:$0x4] =	wrdreg $0x98000  }
0xb7: {  	[dreg:$0x5] =	wrdreg $0x9  }
0xb8: {  	_ =	task.clear_ibuf [dreg:s7], $0x6FFFF;
	_ =	strace $0x90000046  }
0xb9: {  	s29 =	simm.s32 $0x9;
	_ =	strace $0x80000048  }
0xba: {  	_ =	swait.ge [sflag:s29], $0x1  }
0xbb: {  	[sflag:s29] =	ssyncadd.s32 $0xFFFFFFFF  }
0xbc: {  	_ =	strace $0x90000048  }
0xbd: {  	_ =	sfence  }
0xbe: {  	s30 =	sld [smem:$0x0];
	_ =	sdelay $0x2  }
0xbf: {  	s31 =	sshll.u32 s1, $0xD;
	s1 =	sshrl.u32 s1, $0x2  }
0xc0: {  	s3 =	sand.u32 $0x4000, s31;
	s1 =	sadd.s32 s1, s30  }
0xc1: {  	s0 =	sor.u32 s3, s0;
	s1 =	sshll.u32 s1, $0x11  }
0xc2: {  	s0 =	sor.u32 s1, s0  }
0xc3: {  	s0 =	sadd.s32 $0x8F2B, s0  }
0xc4: {  	[sflag:s0] =	ssyncadd.remote.s32 $0x1  }
0xc5: {  	_ =	sfence.sel $0xFFFF  }
0xc6: {  	[dreg:$0x0] =	wrdreg $0xFFFFFFFF;
	(pc) =	sbr.abs _section_cstart, $3  }
0xc7: {  	[dreg:$0x1] =	wrdreg $0xFFFFFFFF  }
0xc8: {  	_ =	task.clear_ibuf [dreg:s7], $0x2FFFF;
	_ =	strace $0x9FFFFFFF  }
0xc9: {  	(tm) =	ssettm $0x7FFFFFFF  }
tec
execute0_lowered:
.L_overlay_start_1:
0x0: {  	(tag) =	ssettag $0x1  }
0x1: {  	s1 =	rddreg [dreg:$0x0]  }
0x2: {  	s0 =	rddreg [dreg:$0x1];
	s3 =	srdreg.scid  }
0x3: {  	s2 =	rddreg [dreg:$0x2];
	s5 =	sand.u32 $0x1, s3;
	s3 =	simm.s32 $0x0  }
0x4: {  	s25 =	simm.s32 $0x80;
	[smem:$0x7FF] =	sst s3  }
0x5: {  	s26 =	simm.s32 $0x100;
	_ =	strace $0x80000047;
	[dreg:$0x6] =	wrdreg s25  }
0x6: {  	s8 =	simm.s32 $0x1100;
	[dreg:$0x7] =	wrdreg s26  }
0x7: {  	s9 =	simm.s32 $0x200;
	[dreg:$0xa] =	wrdreg s8  }
0x8: {  	s11 =	simm.s32 $0x1180;
	[dreg:$0xb] =	wrdreg s9  }
0x9: {  	s12 =	simm.s32 $0x280;
	[dreg:$0xc] =	wrdreg s11  }
0xa: {  	s10 =	stileid.u32;
	s14 =	simm.s32 $0x1200;
	[dreg:$0xd] =	wrdreg s12  }
0xb: {  	s16 =	simm.s32 $0x1280;
	s17 =	simm.s32 $0x380;
	[dreg:$0xe] =	wrdreg s14  }
0xc: {  	s18 =	simm.s32 $0x1300;
	s19 =	simm.s32 $0x400;
	[dreg:$0x10] =	wrdreg s16  }
0xd: {  	s21 =	simm.s32 $0x1380;
	s22 =	simm.s32 $0x480;
	[dreg:$0x11] =	wrdreg s17  }
0xe: {  	s23 =	simm.s32 $0x1400;
	s28 =	simm.s32 $0xB00;
	[dreg:$0x12] =	wrdreg s18  }
0xf: {  	s29 =	simm.s32 $0x1A80;
	s4 =	smul.u32 $0xA00, s10;
	[dreg:$0x13] =	wrdreg s19  }
0x10: {  	s30 =	simm.s32 $0xB80;
	s13 =	smul.u32 $0x2700, s10;
	[dreg:$0x14] =	wrdreg s21  }
0x11: {  	s31 =	simm.s32 $0x1B00;
	s6 =	smul.u32 $0xA000, s5;
	[dreg:$0x15] =	wrdreg s22  }
0x12: {  	s15 =	smul.u32 $0x27100, s5;
	s8 =	simm.s32 $0x300;
	[dreg:$0x16] =	wrdreg s23  }
0x13: {  	s5 =	ssub.s32 $0x2, s5;
	s25 =	simm.s32 $0x500;
	[dreg:$0xf] =	wrdreg s8  }
0x14: {  	s4 =	sadd.s32 s4, s1;
	s0 =	sadd.s32 s0, s13;
	[dreg:$0x17] =	wrdreg s25  }
0x15: {  	s20 =	sshrl.u32 s5, $0x1;
	s26 =	simm.s32 $0x1480;
	[smem:$0x7EF] =	sst s0  }
0x16: {  	s9 =	smul.u32 $0x4E000, s10;
	s11 =	simm.s32 $0x600;
	[dreg:$0x18] =	wrdreg s26  }
0x17: {  	s12 =	simm.s32 $0x1580;
	s14 =	simm.s32 $0x680;
	[dreg:$0x1b] =	wrdreg s11  }
0x18: {  	s16 =	simm.s32 $0x700;
	s17 =	simm.s32 $0x1680;
	[dreg:$0x1c] =	wrdreg s12  }
0x19: {  	s18 =	simm.s32 $0x780;
	s19 =	simm.s32 $0x1700;
	[dreg:$0x1d] =	wrdreg s14  }
0x1a: {  	s21 =	simm.s32 $0x1780;
	s22 =	simm.s32 $0x880;
	[dreg:$0x1f] =	wrdreg s16  }
0x1b: {  	s23 =	simm.s32 $0x1800;
	s7 =	sadd.s32 $0x2600, s4;
	[smem:$0x7F2] =	sst s17  }
0x1c: {  	s4 =	sadd.s32 s6, s4;
	s6 =	simm.s32 $0x1080;
	[smem:$0x7F3] =	sst s18  }
0x1d: {  	s5 =	ssub.s32 s5, s20;
	s11 =	simm.s32 $0x1000;
	[smem:$0x7F4] =	sst s19  }
0x1e: {  	s12 =	simm.s32 $0x50;
	s14 =	simm.s32 $0x4800;
	[smem:$0x7F6] =	sst s21  }
0x1f: {  	s20 =	simm.s32 $0x800;
	s16 =	simm.s32 $0x7000;
	[smem:$0x7F7] =	sst s22  }
0x20: {  	s17 =	simm.s32 $0x2;
	s18 =	simm.s32 $0x4;
	[smem:$0x7F8] =	sst s23  }
0x21: {  	s19 =	simm.s32 $0x3;
	s25 =	simm.s32 $0x1880;
	s26 =	simm.s32 $0x980  }
0x22: {  	s21 =	simm.s32 $0x6;
	s22 =	simm.s32 $0x1900;
	[dreg:$0x4] =	wrdreg s7  }
0x23: {  	s23 =	simm.s32 $0xA00;
	s0 =	simm.s32 $0x1B80;
	[dreg:$0x8] =	wrdreg s6  }
0x24: {  	s4 =	sadd.s32 $0xC600, s4;
	s7 =	simm.s32 $0x180;
	[smem:$0x7F5] =	sst s20  }
0x25: {  	s24 =	sshrl.u32 s9, $0x2;
	s9 =	sshll.u32 s10, $0x6;
	[smem:$0x7FA] =	sst s25  }
0x26: {  	s10 =	simm.s32 $0x1500;
	s20 =	simm.s32 $0x5;
	[smem:$0x7FB] =	sst s26  }
0x27: {  	s25 =	simm.s32 $0xA80;
	s26 =	simm.s32 $0x1A00;
	[dreg:$0x5] =	wrdreg s4  }
0x28: {  	[dreg:$0x9] =	wrdreg s7;
	s4 =	sadd.s32 $0x20600, s1;
	s7 =	sadd.s32 s13, s15  }
0x29: {  	s8 =	sadd.s32 s24, s2;
	[dreg:$0x1a] =	wrdreg s10;
	s13 =	smax.u32 s5, $0x1  }
0x2a: {  	s15 =	simm.s32 $0x1600;
	s10 =	simm.s32 $0x7;
	[smem:$0x7F1] =	sst s13  }
0x2b: {  	s24 =	simm.s32 $0x900;
	s5 =	simm.s32 $0x1C00;
	[dreg:$0x1e] =	wrdreg s15  }
0x2c: {  	s1 =	sadd.s32 s7, s1;
	s7 =	simm.s32 $0x580;
	[smem:$0x7F9] =	sst s24  }
0x2d: {  	s8 =	sshrl.u32 s8, $0x3;
	s13 =	simm.s32 $0x2000;
	[dreg:$0x19] =	wrdreg s7  }
0x2e: {  	s15 =	simm.s32 $0x1;
	s1 =	sadd.s32 $0x6E800, s1;
	[smem:$0x7FD] =	sst s8  }
0x2f: {  	s24 =	simm.s32 $0x1980;
	s7 =	sor.u32 $0x1C07, s9;
	[smem:$0x7F0] =	sst s1  }
0x30: {  	s9 =	simm.s32 $0x0;
	s1 =	simm.s32 $0xC00;
	[smem:$0x7FC] =	sst s7  }
.LBB2_1:
0x31: {  	s6 =	sld [smem:$0x7EF];
	_ =	sdelay $0x1  }
0x32: {  	[smem:$0x7EE] =	sst s9  }
0x33: {  	[spmem:s8], [sflag:s7] =	dma.local [hbm:s6], $0x2800  }
0x34: {  	_ =	swait.ge [sflag:s10], $0x2800  }
0x35: {  	[sflag:s10] =	ssyncset.done $0x0  }
0x36: {  	[sflag:s10] =	ssyncadd.s32 $0xFFFFD800  }
0x37: {  	[bflag:$0x0] =	sbarrier.arrive $0xFFFF  }
0x38: {  	s8 =	rddreg [dreg:$0x5]  }
0x39: {  	s6 =	sadd.s32 $0x0, s8  }
0x3a: {  	[tilespmem:s3], [sflag:$0x7] =	stream.linear.gather [hbm4b:s6+s3], $0xC80, $0x38;
	[tilespmem:$0x1D080] =	vst v63  }
0x3b: {  	_ =	swait.ge [sflag:s10], $0xC80  }
0x3c: {  	s9 =	rddreg [dreg:$0x4];
	[sflag:s10] =	ssyncset.done $0x0  }
0x3d: {  	[sflag:s10] =	ssyncadd.s32 $0xFFFFF380;
	s6 =	sadd.s32 $0x0, s9  }
0x3e: {  	[tilespmem:s11], [sflag:$0x7] =	stream.linear.gather [hbm4b:s6+s3], $0xC80, $0x38;
	[tilespmem:$0x1D080] =	vst v63  }
0x3f: {  	_ =	swait.ge [sflag:s10], $0xC80  }
0x40: {  	[sflag:s10] =	ssyncset.done $0x0  }
0x41: {  	[sflag:s10] =	ssyncadd.s32 $0xFFFFF380  }
0x42: {  	[tilespmem:s13], [sflag:$0x1] =	stream.indirect.gather [hbm4b:s4+s12], $0x80, s3, s12, $0xb8;
	[tilespmem:$0x1D080] =	vst v63  }
0x43: {  	s7 =	rddreg [dreg:$0x6]  }
0x44: {  	[tilespmem:s14], [sflag:$0x2] =	stream.indirect.gather [hbm4b:s4+s12], $0x80, s7, s12, $0xb8;
	[tilespmem:$0x1D080] =	vst v63  }
0x45: {  	_ =	swait.ge [sflag:s15], $0x2800  }
0x46: {  	[sflag:s15] =	ssyncset.done $0x0  }
0x47: {  	[sflag:s15] =	ssyncadd.s32 $0xFFFFD800  }
0x48: {  	[spmem:s2] =	stream.indirect.scatter.add.f32 [tilespmem:s13], [sflag:$0x4], $0x80, s11, s12, $0xb8;
	[tilespmem:$0x1D080] =	vst v63  }
0x49: {  	s8 =	rddreg [dreg:$0x7]  }
0x4a: {  	[tilespmem:s16], [sflag:$0x3] =	stream.indirect.gather [hbm4b:s4+s12], $0x80, s8, s12, $0xb8;
	[tilespmem:$0x1D080] =	vst v63  }
0x4b: {  	_ =	swait.ge [sflag:s17], $0x2800  }
0x4c: {  	[sflag:s17] =	ssyncset.done $0x0  }
0x4d: {  	s9 =	rddreg [dreg:$0x8];
	[sflag:s17] =	ssyncadd.s32 $0xFFFFD800  }
0x4e: {  	[spmem:s2] =	stream.indirect.scatter.add.f32 [tilespmem:s14], [sflag:$0x5], $0x80, s9, s12, $0xb8;
	[tilespmem:$0x1D080] =	vst v63  }
0x4f: {  	_ =	swait.ge [sflag:s18], $0x2800  }
0x50: {  	[sflag:s18] =	ssyncset.done $0x0  }
0x51: {  	s7 =	rddreg [dreg:$0x9];
	[sflag:s18] =	ssyncadd.s32 $0xFFFFD800  }
0x52: {  	[tilespmem:s13], [sflag:$0x1] =	stream.indirect.gather [hbm4b:s4+s12], $0x80, s7, s12, $0xb8;
	[tilespmem:$0x1D080] =	vst v63  }
0x53: {  	_ =	swait.ge [sflag:s19], $0x2800  }
0x54: {  	[sflag:s19] =	ssyncset.done $0x0  }
0x55: {  	s8 =	rddreg [dreg:$0xa];
	[sflag:s19] =	ssyncadd.s32 $0xFFFFD800  }
0x56: {  	[spmem:s2] =	stream.indirect.scatter.add.f32 [tilespmem:s16], [sflag:$0x6], $0x80, s8, s12, $0xb8;
	[tilespmem:$0x1D080] =	vst v63  }
0x57: {  	_ =	swait.ge [sflag:s20], $0x2800  }
0x58: {  	[sflag:s20] =	ssyncset.done $0x0  }
0x59: {  	s9 =	rddreg [dreg:$0xb];
	[sflag:s20] =	ssyncadd.s32 $0xFFFFD800  }
0x5a: {  	[tilespmem:s14], [sflag:$0x2] =	stream.indirect.gather [hbm4b:s4+s12], $0x80, s9, s12, $0xb8;
	[tilespmem:$0x1D080] =	vst v63  }
0x5b: {  	_ =	swait.ge [sflag:s15], $0x2800  }
0x5c: {  	[sflag:s15] =	ssyncset.done $0x0  }
0x5d: {  	s7 =	rddreg [dreg:$0xc];
	[sflag:s15] =	ssyncadd.s32 $0xFFFFD800  }
0x5e: {  	[spmem:s2] =	stream.indirect.scatter.add.f32 [tilespmem:s13], [sflag:$0x4], $0x80, s7, s12, $0xb8;
	[tilespmem:$0x1D080] =	vst v63  }
0x5f: {  	_ =	swait.ge [sflag:s21], $0x2800  }
0x60: {  	[sflag:s21] =	ssyncset.done $0x0  }
0x61: {  	s8 =	rddreg [dreg:$0xd];
	[sflag:s21] =	ssyncadd.s32 $0xFFFFD800  }
0x62: {  	[tilespmem:s16], [sflag:$0x3] =	stream.indirect.gather [hbm4b:s4+s12], $0x80, s8, s12, $0xb8;
	[tilespmem:$0x1D080] =	vst v63  }
0x63: {  	_ =	swait.ge [sflag:s17], $0x2800  }
0x64: {  	[sflag:s17] =	ssyncset.done $0x0  }
0x65: {  	s9 =	rddreg [dreg:$0xe];
	[sflag:s17] =	ssyncadd.s32 $0xFFFFD800  }
0x66: {  	[spmem:s2] =	stream.indirect.scatter.add.f32 [tilespmem:s14], [sflag:$0x5], $0x80, s9, s12, $0xb8;
	[tilespmem:$0x1D080] =	vst v63  }
0x67: {  	_ =	swait.ge [sflag:s18], $0x2800  }
0x68: {  	[sflag:s18] =	ssyncset.done $0x0  }
0x69: {  	s7 =	rddreg [dreg:$0xf];
	[sflag:s18] =	ssyncadd.s32 $0xFFFFD800  }
0x6a: {  	[tilespmem:s13], [sflag:$0x1] =	stream.indirect.gather [hbm4b:s4+s12], $0x80, s7, s12, $0xb8;
	[tilespmem:$0x1D080] =	vst v63  }
0x6b: {  	_ =	swait.ge [sflag:s19], $0x2800  }
0x6c: {  	[sflag:s19] =	ssyncset.done $0x0  }
0x6d: {  	s8 =	rddreg [dreg:$0x10];
	[sflag:s19] =	ssyncadd.s32 $0xFFFFD800  }
0x6e: {  	[spmem:s2] =	stream.indirect.scatter.add.f32 [tilespmem:s16], [sflag:$0x6], $0x80, s8, s12, $0xb8;
	[tilespmem:$0x1D080] =	vst v63  }
0x6f: {  	_ =	swait.ge [sflag:s20], $0x2800  }
0x70: {  	[sflag:s20] =	ssyncset.done $0x0  }
0x71: {  	s9 =	rddreg [dreg:$0x11];
	[sflag:s20] =	ssyncadd.s32 $0xFFFFD800  }
0x72: {  	[tilespmem:s14], [sflag:$0x2] =	stream.indirect.gather [hbm4b:s4+s12], $0x80, s9, s12, $0xb8;
	[tilespmem:$0x1D080] =	vst v63  }
0x73: {  	_ =	swait.ge [sflag:s15], $0x2800  }
0x74: {  	[sflag:s15] =	ssyncset.done $0x0  }
0x75: {  	s7 =	rddreg [dreg:$0x12];
	[sflag:s15] =	ssyncadd.s32 $0xFFFFD800  }
0x76: {  	[spmem:s2] =	stream.indirect.scatter.add.f32 [tilespmem:s13], [sflag:$0x4], $0x80, s7, s12, $0xb8;
	[tilespmem:$0x1D080] =	vst v63  }
0x77: {  	_ =	swait.ge [sflag:s21], $0x2800  }
0x78: {  	[sflag:s21] =	ssyncset.done $0x0  }
0x79: {  	s8 =	rddreg [dreg:$0x13];
	[sflag:s21] =	ssyncadd.s32 $0xFFFFD800  }
0x7a: {  	[tilespmem:s16], [sflag:$0x3] =	stream.indirect.gather [hbm4b:s4+s12], $0x80, s8, s12, $0xb8;
	[tilespmem:$0x1D080] =	vst v63  }
0x7b: {  	_ =	swait.ge [sflag:s17], $0x2800  }
0x7c: {  	[sflag:s17] =	ssyncset.done $0x0  }
0x7d: {  	s9 =	rddreg [dreg:$0x14];
	[sflag:s17] =	ssyncadd.s32 $0xFFFFD800  }
0x7e: {  	[spmem:s2] =	stream.indirect.scatter.add.f32 [tilespmem:s14], [sflag:$0x5], $0x80, s9, s12, $0xb8;
	[tilespmem:$0x1D080] =	vst v63  }
0x7f: {  	_ =	swait.ge [sflag:s18], $0x2800  }
0x80: {  	[sflag:s18] =	ssyncset.done $0x0  }
0x81: {  	s7 =	rddreg [dreg:$0x15];
	[sflag:s18] =	ssyncadd.s32 $0xFFFFD800  }
0x82: {  	[tilespmem:s13], [sflag:$0x1] =	stream.indirect.gather [hbm4b:s4+s12], $0x80, s7, s12, $0xb8;
	[tilespmem:$0x1D080] =	vst v63  }
0x83: {  	_ =	swait.ge [sflag:s19], $0x2800  }
0x84: {  	[sflag:s19] =	ssyncset.done $0x0  }
0x85: {  	s8 =	rddreg [dreg:$0x16];
	[sflag:s19] =	ssyncadd.s32 $0xFFFFD800  }
0x86: {  	[spmem:s2] =	stream.indirect.scatter.add.f32 [tilespmem:s16], [sflag:$0x6], $0x80, s8, s12, $0xb8;
	[tilespmem:$0x1D080] =	vst v63  }
0x87: {  	_ =	swait.ge [sflag:s20], $0x2800  }
0x88: {  	[sflag:s20] =	ssyncset.done $0x0  }
0x89: {  	s9 =	rddreg [dreg:$0x17];
	[sflag:s20] =	ssyncadd.s32 $0xFFFFD800  }
0x8a: {  	[tilespmem:s14], [sflag:$0x2] =	stream.indirect.gather [hbm4b:s4+s12], $0x80, s9, s12, $0xb8;
	[tilespmem:$0x1D080] =	vst v63  }
0x8b: {  	_ =	swait.ge [sflag:s15], $0x2800  }
0x8c: {  	[sflag:s15] =	ssyncset.done $0x0  }
0x8d: {  	s7 =	rddreg [dreg:$0x18];
	[sflag:s15] =	ssyncadd.s32 $0xFFFFD800  }
0x8e: {  	[spmem:s2] =	stream.indirect.scatter.add.f32 [tilespmem:s13], [sflag:$0x4], $0x80, s7, s12, $0xb8;
	[tilespmem:$0x1D080] =	vst v63  }
0x8f: {  	_ =	swait.ge [sflag:s21], $0x2800  }
0x90: {  	[sflag:s21] =	ssyncset.done $0x0  }
0x91: {  	s8 =	rddreg [dreg:$0x19];
	[sflag:s21] =	ssyncadd.s32 $0xFFFFD800  }
0x92: {  	[tilespmem:s16], [sflag:$0x3] =	stream.indirect.gather [hbm4b:s4+s12], $0x80, s8, s12, $0xb8;
	[tilespmem:$0x1D080] =	vst v63  }
0x93: {  	_ =	swait.ge [sflag:s17], $0x2800  }
0x94: {  	[sflag:s17] =	ssyncset.done $0x0  }
0x95: {  	s9 =	rddreg [dreg:$0x1a];
	[sflag:s17] =	ssyncadd.s32 $0xFFFFD800  }
0x96: {  	[spmem:s2] =	stream.indirect.scatter.add.f32 [tilespmem:s14], [sflag:$0x5], $0x80, s9, s12, $0xb8;
	[tilespmem:$0x1D080] =	vst v63  }
0x97: {  	_ =	swait.ge [sflag:s18], $0x2800  }
0x98: {  	[sflag:s18] =	ssyncset.done $0x0  }
0x99: {  	s7 =	rddreg [dreg:$0x1b];
	[sflag:s18] =	ssyncadd.s32 $0xFFFFD800  }
0x9a: {  	[tilespmem:s13], [sflag:$0x1] =	stream.indirect.gather [hbm4b:s4+s12], $0x80, s7, s12, $0xb8;
	[tilespmem:$0x1D080] =	vst v63  }
0x9b: {  	_ =	swait.ge [sflag:s19], $0x2800  }
0x9c: {  	[sflag:s19] =	ssyncset.done $0x0  }
0x9d: {  	s8 =	rddreg [dreg:$0x1c];
	[sflag:s19] =	ssyncadd.s32 $0xFFFFD800  }
0x9e: {  	[spmem:s2] =	stream.indirect.scatter.add.f32 [tilespmem:s16], [sflag:$0x6], $0x80, s8, s12, $0xb8;
	[tilespmem:$0x1D080] =	vst v63  }
0x9f: {  	_ =	swait.ge [sflag:s20], $0x2800  }
0xa0: {  	[sflag:s20] =	ssyncset.done $0x0  }
0xa1: {  	s9 =	rddreg [dreg:$0x1d];
	[sflag:s20] =	ssyncadd.s32 $0xFFFFD800  }
0xa2: {  	[tilespmem:s14], [sflag:$0x2] =	stream.indirect.gather [hbm4b:s4+s12], $0x80, s9, s12, $0xb8;
	[tilespmem:$0x1D080] =	vst v63  }
0xa3: {  	_ =	swait.ge [sflag:s15], $0x2800  }
0xa4: {  	[sflag:s15] =	ssyncset.done $0x0  }
0xa5: {  	s7 =	rddreg [dreg:$0x1e];
	[sflag:s15] =	ssyncadd.s32 $0xFFFFD800  }
0xa6: {  	[spmem:s2] =	stream.indirect.scatter.add.f32 [tilespmem:s13], [sflag:$0x4], $0x80, s7, s12, $0xb8;
	[tilespmem:$0x1D080] =	vst v63  }
0xa7: {  	_ =	swait.ge [sflag:s21], $0x2800  }
0xa8: {  	[sflag:s21] =	ssyncset.done $0x0  }
0xa9: {  	s8 =	rddreg [dreg:$0x1f];
	[sflag:s21] =	ssyncadd.s32 $0xFFFFD800  }
0xaa: {  	[tilespmem:s16], [sflag:$0x3] =	stream.indirect.gather [hbm4b:s4+s12], $0x80, s8, s12, $0xb8;
	[tilespmem:$0x1D080] =	vst v63  }
0xab: {  	_ =	swait.ge [sflag:s17], $0x2800  }
0xac: {  	s9 =	sld [smem:$0x7F2]  }
0xad: {  	[sflag:s17] =	ssyncset.done $0x0  }
0xae: {  	[sflag:s17] =	ssyncadd.s32 $0xFFFFD800  }
0xaf: {  	[spmem:s2] =	stream.indirect.scatter.add.f32 [tilespmem:s14], [sflag:$0x5], $0x80, s9, s12, $0xb8;
	[tilespmem:$0x1D080] =	vst v63  }
0xb0: {  	_ =	swait.ge [sflag:s18], $0x2800  }
0xb1: {  	s7 =	sld [smem:$0x7F3]  }
0xb2: {  	[sflag:s18] =	ssyncset.done $0x0  }
0xb3: {  	[sflag:s18] =	ssyncadd.s32 $0xFFFFD800  }
0xb4: {  	[tilespmem:s13], [sflag:$0x1] =	stream.indirect.gather [hbm4b:s4+s12], $0x80, s7, s12, $0xb8;
	[tilespmem:$0x1D080] =	vst v63  }
0xb5: {  	_ =	swait.ge [sflag:s19], $0x2800  }
0xb6: {  	s8 =	sld [smem:$0x7F4]  }
0xb7: {  	[sflag:s19] =	ssyncset.done $0x0  }
0xb8: {  	[sflag:s19] =	ssyncadd.s32 $0xFFFFD800  }
0xb9: {  	[spmem:s2] =	stream.indirect.scatter.add.f32 [tilespmem:s16], [sflag:$0x6], $0x80, s8, s12, $0xb8;
	[tilespmem:$0x1D080] =	vst v63  }
0xba: {  	_ =	swait.ge [sflag:s20], $0x2800  }
0xbb: {  	s9 =	sld [smem:$0x7F5]  }
0xbc: {  	[sflag:s20] =	ssyncset.done $0x0  }
0xbd: {  	[sflag:s20] =	ssyncadd.s32 $0xFFFFD800  }
0xbe: {  	[tilespmem:s14], [sflag:$0x2] =	stream.indirect.gather [hbm4b:s4+s12], $0x80, s9, s12, $0xb8;
	[tilespmem:$0x1D080] =	vst v63  }
0xbf: {  	_ =	swait.ge [sflag:s15], $0x2800  }
0xc0: {  	s7 =	sld [smem:$0x7F6]  }
0xc1: {  	[sflag:s15] =	ssyncset.done $0x0  }
0xc2: {  	[sflag:s15] =	ssyncadd.s32 $0xFFFFD800  }
0xc3: {  	[spmem:s2] =	stream.indirect.scatter.add.f32 [tilespmem:s13], [sflag:$0x4], $0x80, s7, s12, $0xb8;
	[tilespmem:$0x1D080] =	vst v63  }
0xc4: {  	_ =	swait.ge [sflag:s21], $0x2800  }
0xc5: {  	s8 =	sld [smem:$0x7F7]  }
0xc6: {  	[sflag:s21] =	ssyncset.done $0x0  }
0xc7: {  	[sflag:s21] =	ssyncadd.s32 $0xFFFFD800  }
0xc8: {  	[tilespmem:s16], [sflag:$0x3] =	stream.indirect.gather [hbm4b:s4+s12], $0x80, s8, s12, $0xb8;
	[tilespmem:$0x1D080] =	vst v63  }
0xc9: {  	_ =	swait.ge [sflag:s17], $0x2800  }
0xca: {  	s9 =	sld [smem:$0x7F8]  }
0xcb: {  	[sflag:s17] =	ssyncset.done $0x0  }
0xcc: {  	[sflag:s17] =	ssyncadd.s32 $0xFFFFD800  }
0xcd: {  	[spmem:s2] =	stream.indirect.scatter.add.f32 [tilespmem:s14], [sflag:$0x5], $0x80, s9, s12, $0xb8;
	[tilespmem:$0x1D080] =	vst v63  }
0xce: {  	_ =	swait.ge [sflag:s18], $0x2800  }
0xcf: {  	s7 =	sld [smem:$0x7F9]  }
0xd0: {  	[sflag:s18] =	ssyncset.done $0x0  }
0xd1: {  	[sflag:s18] =	ssyncadd.s32 $0xFFFFD800  }
0xd2: {  	[tilespmem:s13], [sflag:$0x1] =	stream.indirect.gather [hbm4b:s4+s12], $0x80, s7, s12, $0xb8;
	[tilespmem:$0x1D080] =	vst v63  }
0xd3: {  	_ =	swait.ge [sflag:s19], $0x2800  }
0xd4: {  	s8 =	sld [smem:$0x7FA]  }
0xd5: {  	[sflag:s19] =	ssyncset.done $0x0  }
0xd6: {  	[sflag:s19] =	ssyncadd.s32 $0xFFFFD800  }
0xd7: {  	[spmem:s2] =	stream.indirect.scatter.add.f32 [tilespmem:s16], [sflag:$0x6], $0x80, s8, s12, $0xb8;
	[tilespmem:$0x1D080] =	vst v63  }
0xd8: {  	_ =	swait.ge [sflag:s20], $0x2800  }
0xd9: {  	s9 =	sld [smem:$0x7FB]  }
0xda: {  	[sflag:s20] =	ssyncset.done $0x0  }
0xdb: {  	[sflag:s20] =	ssyncadd.s32 $0xFFFFD800  }
0xdc: {  	[tilespmem:s14], [sflag:$0x2] =	stream.indirect.gather [hbm4b:s4+s12], $0x80, s9, s12, $0xb8;
	[tilespmem:$0x1D080] =	vst v63  }
0xdd: {  	_ =	swait.ge [sflag:s15], $0x2800  }
0xde: {  	[sflag:s15] =	ssyncset.done $0x0  }
0xdf: {  	[sflag:s15] =	ssyncadd.s32 $0xFFFFD800  }
0xe0: {  	[spmem:s2] =	stream.indirect.scatter.add.f32 [tilespmem:s13], [sflag:$0x4], $0x80, s22, s12, $0xb8;
	[tilespmem:$0x1D080] =	vst v63  }
0xe1: {  	_ =	swait.ge [sflag:s21], $0x2800  }
0xe2: {  	[sflag:s21] =	ssyncset.done $0x0  }
0xe3: {  	[sflag:s21] =	ssyncadd.s32 $0xFFFFD800  }
0xe4: {  	[tilespmem:s16], [sflag:$0x3] =	stream.indirect.gather [hbm4b:s4+s12], $0x80, s23, s12, $0xb8;
	[tilespmem:$0x1D080] =	vst v63  }
0xe5: {  	_ =	swait.ge [sflag:s17], $0x2800  }
0xe6: {  	[sflag:s17] =	ssyncset.done $0x0  }
0xe7: {  	[sflag:s17] =	ssyncadd.s32 $0xFFFFD800  }
0xe8: {  	[spmem:s2] =	stream.indirect.scatter.add.f32 [tilespmem:s14], [sflag:$0x5], $0x80, s24, s12, $0xb8;
	[tilespmem:$0x1D080] =	vst v63  }
0xe9: {  	_ =	swait.ge [sflag:s18], $0x2800  }
0xea: {  	[sflag:s18] =	ssyncset.done $0x0  }
0xeb: {  	[sflag:s18] =	ssyncadd.s32 $0xFFFFD800  }
0xec: {  	[tilespmem:s13], [sflag:$0x1] =	stream.indirect.gather [hbm4b:s4+s12], $0x80, s25, s12, $0xb8;
	[tilespmem:$0x1D080] =	vst v63  }
0xed: {  	_ =	swait.ge [sflag:s19], $0x2800  }
0xee: {  	[sflag:s19] =	ssyncset.done $0x0  }
0xef: {  	[sflag:s19] =	ssyncadd.s32 $0xFFFFD800  }
0xf0: {  	[spmem:s2] =	stream.indirect.scatter.add.f32 [tilespmem:s16], [sflag:$0x6], $0x80, s26, s12, $0xb8;
	[tilespmem:$0x1D080] =	vst v63  }
0xf1: {  	_ =	swait.ge [sflag:s20], $0x2800  }
0xf2: {  	[sflag:s20] =	ssyncset.done $0x0  }
0xf3: {  	[sflag:s20] =	ssyncadd.s32 $0xFFFFD800  }
0xf4: {  	[tilespmem:s14], [sflag:$0x2] =	stream.indirect.gather [hbm4b:s4+s12], $0x80, s28, s12, $0xb8;
	[tilespmem:$0x1D080] =	vst v63  }
0xf5: {  	_ =	swait.ge [sflag:s15], $0x2800  }
0xf6: {  	[sflag:s15] =	ssyncset.done $0x0  }
0xf7: {  	[sflag:s15] =	ssyncadd.s32 $0xFFFFD800  }
0xf8: {  	[spmem:s2] =	stream.indirect.scatter.add.f32 [tilespmem:s13], [sflag:$0x4], $0x80, s29, s12, $0xb8;
	[tilespmem:$0x1D080] =	vst v63  }
0xf9: {  	_ =	swait.ge [sflag:s21], $0x2800  }
0xfa: {  	[sflag:s21] =	ssyncset.done $0x0  }
0xfb: {  	[sflag:s21] =	ssyncadd.s32 $0xFFFFD800  }
0xfc: {  	[tilespmem:s16], [sflag:$0x3] =	stream.indirect.gather [hbm4b:s4+s12], $0x80, s30, s12, $0xb8;
	[tilespmem:$0x1D080] =	vst v63  }
0xfd: {  	_ =	swait.ge [sflag:s17], $0x2800  }
0xfe: {  	[sflag:s17] =	ssyncset.done $0x0  }
0xff: {  	[sflag:s17] =	ssyncadd.s32 $0xFFFFD800  }
0x100: {  	[spmem:s2] =	stream.indirect.scatter.add.f32 [tilespmem:s14], [sflag:$0x5], $0x80, s31, s12, $0xb8;
	[tilespmem:$0x1D080] =	vst v63  }
0x101: {  	_ =	swait.ge [sflag:s18], $0x2800  }
0x102: {  	[sflag:s18] =	ssyncset.done $0x0  }
0x103: {  	[sflag:s18] =	ssyncadd.s32 $0xFFFFD800  }
0x104: {  	[tilespmem:s13], [sflag:$0x1] =	stream.indirect.gather [hbm4b:s4+s12], $0x80, s1, s12, $0xb8;
	[tilespmem:$0x1D080] =	vst v63  }
0x105: {  	_ =	swait.ge [sflag:s19], $0x2800  }
0x106: {  	[sflag:s19] =	ssyncset.done $0x0  }
0x107: {  	[sflag:s19] =	ssyncadd.s32 $0xFFFFD800  }
0x108: {  	[spmem:s2] =	stream.indirect.scatter.add.f32 [tilespmem:s16], [sflag:$0x6], $0x80, s0, s12, $0xb8;
	[tilespmem:$0x1D080] =	vst v63  }
0x109: {  	_ =	swait.ge [sflag:s20], $0x2800  }
0x10a: {  	[sflag:s20] =	ssyncset.done $0x0  }
0x10b: {  	[sflag:s20] =	ssyncadd.s32 $0xFFFFD800  }
0x10c: {  	_ =	swait.ge [sflag:s15], $0x2800  }
0x10d: {  	[sflag:s15] =	ssyncset.done $0x0  }
0x10e: {  	[sflag:s15] =	ssyncadd.s32 $0xFFFFD800  }
0x10f: {  	[spmem:s2] =	stream.indirect.scatter.add.f32 [tilespmem:s13], [sflag:$0x4], $0x80, s5, s12, $0xb8;
	[tilespmem:$0x1D080] =	vst v63  }
0x110: {  	_ =	swait.ge [sflag:s21], $0x2800  }
0x111: {  	[sflag:s21] =	ssyncset.done $0x0  }
0x112: {  	[sflag:s21] =	ssyncadd.s32 $0xFFFFD800  }
0x113: {  	s6 =	simm.s32 $0x400;
	_ =	swait.ge [sflag:s18], $0x2800  }
0x114: {  	s8 =	simm.s32 $0x200;
	s9 =	rddreg [dreg:$0x5];
	[sflag:s18] =	ssyncset.done $0x0  }
.LBB2_2:
0x115: {  	[sflag:s18] =	ssyncadd.s32 $0xFFFFD800;
	s9 =	sadd.s32 s8, s9  }
0x116: {  	[tilespmem:s3], [sflag:$0x7] =	stream.linear.gather [hbm4b:s9+s3], $0xC80, $0x38;
	[tilespmem:$0x1D080] =	vst v63  }
0x117: {  	_ =	swait.ge [sflag:s10], $0xC80  }
0x118: {  	s9 =	rddreg [dreg:$0x4];
	[sflag:s10] =	ssyncset.done $0x0  }
0x119: {  	[sflag:s10] =	ssyncadd.s32 $0xFFFFF380;
	s9 =	sadd.s32 s8, s9  }
0x11a: {  	[tilespmem:s11], [sflag:$0x7] =	stream.linear.gather [hbm4b:s9+s3], $0xC80, $0x38;
	[tilespmem:$0x1D080] =	vst v63  }
0x11b: {  	_ =	swait.ge [sflag:s10], $0xC80  }
0x11c: {  	[sflag:s10] =	ssyncset.done $0x0  }
0x11d: {  	[sflag:s10] =	ssyncadd.s32 $0xFFFFF380  }
0x11e: {  	[tilespmem:s13], [sflag:$0x1] =	stream.indirect.gather [hbm4b:s4+s12], $0x80, s3, s12, $0xb8;
	[tilespmem:$0x1D080] =	vst v63  }
0x11f: {  	s9 =	rddreg [dreg:$0x6]  }
0x120: {  	[tilespmem:s14], [sflag:$0x2] =	stream.indirect.gather [hbm4b:s4+s12], $0x80, s9, s12, $0xb8;
	[tilespmem:$0x1D080] =	vst v63  }
0x121: {  	_ =	swait.ge [sflag:s15], $0x2800  }
0x122: {  	[sflag:s15] =	ssyncset.done $0x0  }
0x123: {  	[sflag:s15] =	ssyncadd.s32 $0xFFFFD800  }
0x124: {  	[spmem:s2] =	stream.indirect.scatter.add.f32 [tilespmem:s13], [sflag:$0x4], $0x80, s11, s12, $0xb8;
	[tilespmem:$0x1D080] =	vst v63  }
0x125: {  	s9 =	rddreg [dreg:$0x7]  }
0x126: {  	[tilespmem:s16], [sflag:$0x3] =	stream.indirect.gather [hbm4b:s4+s12], $0x80, s9, s12, $0xb8;
	[tilespmem:$0x1D080] =	vst v63  }
0x127: {  	_ =	swait.ge [sflag:s17], $0x2800  }
0x128: {  	[sflag:s17] =	ssyncset.done $0x0  }
0x129: {  	s9 =	rddreg [dreg:$0x8];
	[sflag:s17] =	ssyncadd.s32 $0xFFFFD800  }
0x12a: {  	[spmem:s2] =	stream.indirect.scatter.add.f32 [tilespmem:s14], [sflag:$0x5], $0x80, s9, s12, $0xb8;
	[tilespmem:$0x1D080] =	vst v63  }
0x12b: {  	_ =	swait.ge [sflag:s18], $0x2800  }
0x12c: {  	[sflag:s18] =	ssyncset.done $0x0  }
0x12d: {  	s9 =	rddreg [dreg:$0x9];
	[sflag:s18] =	ssyncadd.s32 $0xFFFFD800  }
0x12e: {  	[tilespmem:s13], [sflag:$0x1] =	stream.indirect.gather [hbm4b:s4+s12], $0x80, s9, s12, $0xb8;
	[tilespmem:$0x1D080] =	vst v63  }
0x12f: {  	_ =	swait.ge [sflag:s19], $0x2800  }
0x130: {  	[sflag:s19] =	ssyncset.done $0x0  }
0x131: {  	s9 =	rddreg [dreg:$0xa];
	[sflag:s19] =	ssyncadd.s32 $0xFFFFD800  }
0x132: {  	[spmem:s2] =	stream.indirect.scatter.add.f32 [tilespmem:s16], [sflag:$0x6], $0x80, s9, s12, $0xb8;
	[tilespmem:$0x1D080] =	vst v63  }
0x133: {  	_ =	swait.ge [sflag:s20], $0x2800  }
0x134: {  	[sflag:s20] =	ssyncset.done $0x0  }
0x135: {  	s9 =	rddreg [dreg:$0xb];
	[sflag:s20] =	ssyncadd.s32 $0xFFFFD800  }
0x136: {  	[tilespmem:s14], [sflag:$0x2] =	stream.indirect.gather [hbm4b:s4+s12], $0x80, s9, s12, $0xb8;
	[tilespmem:$0x1D080] =	vst v63  }
0x137: {  	_ =	swait.ge [sflag:s15], $0x2800  }
0x138: {  	[sflag:s15] =	ssyncset.done $0x0  }
0x139: {  	s9 =	rddreg [dreg:$0xc];
	[sflag:s15] =	ssyncadd.s32 $0xFFFFD800  }
0x13a: {  	[spmem:s2] =	stream.indirect.scatter.add.f32 [tilespmem:s13], [sflag:$0x4], $0x80, s9, s12, $0xb8;
	[tilespmem:$0x1D080] =	vst v63  }
0x13b: {  	_ =	swait.ge [sflag:s21], $0x2800  }
0x13c: {  	[sflag:s21] =	ssyncset.done $0x0  }
0x13d: {  	s9 =	rddreg [dreg:$0xd];
	[sflag:s21] =	ssyncadd.s32 $0xFFFFD800  }
0x13e: {  	[tilespmem:s16], [sflag:$0x3] =	stream.indirect.gather [hbm4b:s4+s12], $0x80, s9, s12, $0xb8;
	[tilespmem:$0x1D080] =	vst v63  }
0x13f: {  	_ =	swait.ge [sflag:s17], $0x2800  }
0x140: {  	[sflag:s17] =	ssyncset.done $0x0  }
0x141: {  	s9 =	rddreg [dreg:$0xe];
	[sflag:s17] =	ssyncadd.s32 $0xFFFFD800  }
0x142: {  	[spmem:s2] =	stream.indirect.scatter.add.f32 [tilespmem:s14], [sflag:$0x5], $0x80, s9, s12, $0xb8;
	[tilespmem:$0x1D080] =	vst v63  }
0x143: {  	_ =	swait.ge [sflag:s18], $0x2800  }
0x144: {  	[sflag:s18] =	ssyncset.done $0x0  }
0x145: {  	s9 =	rddreg [dreg:$0xf];
	[sflag:s18] =	ssyncadd.s32 $0xFFFFD800  }
0x146: {  	[tilespmem:s13], [sflag:$0x1] =	stream.indirect.gather [hbm4b:s4+s12], $0x80, s9, s12, $0xb8;
	[tilespmem:$0x1D080] =	vst v63  }
0x147: {  	_ =	swait.ge [sflag:s19], $0x2800  }
0x148: {  	[sflag:s19] =	ssyncset.done $0x0  }
0x149: {  	s9 =	rddreg [dreg:$0x10];
	[sflag:s19] =	ssyncadd.s32 $0xFFFFD800  }
0x14a: {  	[spmem:s2] =	stream.indirect.scatter.add.f32 [tilespmem:s16], [sflag:$0x6], $0x80, s9, s12, $0xb8;
	[tilespmem:$0x1D080] =	vst v63  }
0x14b: {  	_ =	swait.ge [sflag:s20], $0x2800  }
0x14c: {  	[sflag:s20] =	ssyncset.done $0x0  }
0x14d: {  	s9 =	rddreg [dreg:$0x11];
	[sflag:s20] =	ssyncadd.s32 $0xFFFFD800  }
0x14e: {  	[tilespmem:s14], [sflag:$0x2] =	stream.indirect.gather [hbm4b:s4+s12], $0x80, s9, s12, $0xb8;
	[tilespmem:$0x1D080] =	vst v63  }
0x14f: {  	_ =	swait.ge [sflag:s15], $0x2800  }
0x150: {  	[sflag:s15] =	ssyncset.done $0x0  }
0x151: {  	s9 =	rddreg [dreg:$0x12];
	[sflag:s15] =	ssyncadd.s32 $0xFFFFD800  }
0x152: {  	[spmem:s2] =	stream.indirect.scatter.add.f32 [tilespmem:s13], [sflag:$0x4], $0x80, s9, s12, $0xb8;
	[tilespmem:$0x1D080] =	vst v63  }
0x153: {  	_ =	swait.ge [sflag:s21], $0x2800  }
0x154: {  	[sflag:s21] =	ssyncset.done $0x0  }
0x155: {  	s9 =	rddreg [dreg:$0x13];
	[sflag:s21] =	ssyncadd.s32 $0xFFFFD800  }
0x156: {  	[tilespmem:s16], [sflag:$0x3] =	stream.indirect.gather [hbm4b:s4+s12], $0x80, s9, s12, $0xb8;
	[tilespmem:$0x1D080] =	vst v63  }
0x157: {  	_ =	swait.ge [sflag:s17], $0x2800  }
0x158: {  	[sflag:s17] =	ssyncset.done $0x0  }
0x159: {  	s9 =	rddreg [dreg:$0x14];
	[sflag:s17] =	ssyncadd.s32 $0xFFFFD800  }
0x15a: {  	[spmem:s2] =	stream.indirect.scatter.add.f32 [tilespmem:s14], [sflag:$0x5], $0x80, s9, s12, $0xb8;
	[tilespmem:$0x1D080] =	vst v63  }
0x15b: {  	_ =	swait.ge [sflag:s18], $0x2800  }
0x15c: {  	[sflag:s18] =	ssyncset.done $0x0  }
0x15d: {  	s9 =	rddreg [dreg:$0x15];
	[sflag:s18] =	ssyncadd.s32 $0xFFFFD800  }
0x15e: {  	[tilespmem:s13], [sflag:$0x1] =	stream.indirect.gather [hbm4b:s4+s12], $0x80, s9, s12, $0xb8;
	[tilespmem:$0x1D080] =	vst v63  }
0x15f: {  	_ =	swait.ge [sflag:s19], $0x2800  }
0x160: {  	[sflag:s19] =	ssyncset.done $0x0  }
0x161: {  	s9 =	rddreg [dreg:$0x16];
	[sflag:s19] =	ssyncadd.s32 $0xFFFFD800  }
0x162: {  	[spmem:s2] =	stream.indirect.scatter.add.f32 [tilespmem:s16], [sflag:$0x6], $0x80, s9, s12, $0xb8;
	[tilespmem:$0x1D080] =	vst v63  }
0x163: {  	_ =	swait.ge [sflag:s20], $0x2800  }
0x164: {  	[sflag:s20] =	ssyncset.done $0x0  }
0x165: {  	s9 =	rddreg [dreg:$0x17];
	[sflag:s20] =	ssyncadd.s32 $0xFFFFD800  }
0x166: {  	[tilespmem:s14], [sflag:$0x2] =	stream.indirect.gather [hbm4b:s4+s12], $0x80, s9, s12, $0xb8;
	[tilespmem:$0x1D080] =	vst v63  }
0x167: {  	_ =	swait.ge [sflag:s15], $0x2800  }
0x168: {  	[sflag:s15] =	ssyncset.done $0x0  }
0x169: {  	s9 =	rddreg [dreg:$0x18];
	[sflag:s15] =	ssyncadd.s32 $0xFFFFD800  }
0x16a: {  	[spmem:s2] =	stream.indirect.scatter.add.f32 [tilespmem:s13], [sflag:$0x4], $0x80, s9, s12, $0xb8;
	[tilespmem:$0x1D080] =	vst v63  }
0x16b: {  	_ =	swait.ge [sflag:s21], $0x2800  }
0x16c: {  	[sflag:s21] =	ssyncset.done $0x0  }
0x16d: {  	s9 =	rddreg [dreg:$0x19];
	[sflag:s21] =	ssyncadd.s32 $0xFFFFD800  }
0x16e: {  	[tilespmem:s16], [sflag:$0x3] =	stream.indirect.gather [hbm4b:s4+s12], $0x80, s9, s12, $0xb8;
	[tilespmem:$0x1D080] =	vst v63  }
0x16f: {  	_ =	swait.ge [sflag:s17], $0x2800  }
0x170: {  	[sflag:s17] =	ssyncset.done $0x0  }
0x171: {  	s9 =	rddreg [dreg:$0x1a];
	[sflag:s17] =	ssyncadd.s32 $0xFFFFD800  }
0x172: {  	[spmem:s2] =	stream.indirect.scatter.add.f32 [tilespmem:s14], [sflag:$0x5], $0x80, s9, s12, $0xb8;
	[tilespmem:$0x1D080] =	vst v63  }
0x173: {  	_ =	swait.ge [sflag:s18], $0x2800  }
0x174: {  	[sflag:s18] =	ssyncset.done $0x0  }
0x175: {  	s9 =	rddreg [dreg:$0x1b];
	[sflag:s18] =	ssyncadd.s32 $0xFFFFD800  }
0x176: {  	[tilespmem:s13], [sflag:$0x1] =	stream.indirect.gather [hbm4b:s4+s12], $0x80, s9, s12, $0xb8;
	[tilespmem:$0x1D080] =	vst v63  }
0x177: {  	_ =	swait.ge [sflag:s19], $0x2800  }
0x178: {  	[sflag:s19] =	ssyncset.done $0x0  }
0x179: {  	s9 =	rddreg [dreg:$0x1c];
	[sflag:s19] =	ssyncadd.s32 $0xFFFFD800  }
0x17a: {  	[spmem:s2] =	stream.indirect.scatter.add.f32 [tilespmem:s16], [sflag:$0x6], $0x80, s9, s12, $0xb8;
	[tilespmem:$0x1D080] =	vst v63  }
0x17b: {  	_ =	swait.ge [sflag:s20], $0x2800  }
0x17c: {  	[sflag:s20] =	ssyncset.done $0x0  }
0x17d: {  	s9 =	rddreg [dreg:$0x1d];
	[sflag:s20] =	ssyncadd.s32 $0xFFFFD800  }
0x17e: {  	[tilespmem:s14], [sflag:$0x2] =	stream.indirect.gather [hbm4b:s4+s12], $0x80, s9, s12, $0xb8;
	[tilespmem:$0x1D080] =	vst v63  }
0x17f: {  	_ =	swait.ge [sflag:s15], $0x2800  }
0x180: {  	[sflag:s15] =	ssyncset.done $0x0  }
0x181: {  	s9 =	rddreg [dreg:$0x1e];
	[sflag:s15] =	ssyncadd.s32 $0xFFFFD800  }
0x182: {  	[spmem:s2] =	stream.indirect.scatter.add.f32 [tilespmem:s13], [sflag:$0x4], $0x80, s9, s12, $0xb8;
	[tilespmem:$0x1D080] =	vst v63  }
0x183: {  	_ =	swait.ge [sflag:s21], $0x2800  }
0x184: {  	[sflag:s21] =	ssyncset.done $0x0  }
0x185: {  	s9 =	rddreg [dreg:$0x1f];
	[sflag:s21] =	ssyncadd.s32 $0xFFFFD800  }
0x186: {  	[tilespmem:s16], [sflag:$0x3] =	stream.indirect.gather [hbm4b:s4+s12], $0x80, s9, s12, $0xb8;
	[tilespmem:$0x1D080] =	vst v63  }
0x187: {  	_ =	swait.ge [sflag:s17], $0x2800  }
0x188: {  	s9 =	sld [smem:$0x7F2]  }
0x189: {  	[sflag:s17] =	ssyncset.done $0x0  }
0x18a: {  	[sflag:s17] =	ssyncadd.s32 $0xFFFFD800  }
0x18b: {  	[spmem:s2] =	stream.indirect.scatter.add.f32 [tilespmem:s14], [sflag:$0x5], $0x80, s9, s12, $0xb8;
	[tilespmem:$0x1D080] =	vst v63  }
0x18c: {  	_ =	swait.ge [sflag:s18], $0x2800  }
0x18d: {  	s9 =	sld [smem:$0x7F3]  }
0x18e: {  	[sflag:s18] =	ssyncset.done $0x0  }
0x18f: {  	[sflag:s18] =	ssyncadd.s32 $0xFFFFD800  }
0x190: {  	[tilespmem:s13], [sflag:$0x1] =	stream.indirect.gather [hbm4b:s4+s12], $0x80, s9, s12, $0xb8;
	[tilespmem:$0x1D080] =	vst v63  }
0x191: {  	_ =	swait.ge [sflag:s19], $0x2800  }
0x192: {  	s9 =	sld [smem:$0x7F4]  }
0x193: {  	[sflag:s19] =	ssyncset.done $0x0  }
0x194: {  	[sflag:s19] =	ssyncadd.s32 $0xFFFFD800  }
0x195: {  	[spmem:s2] =	stream.indirect.scatter.add.f32 [tilespmem:s16], [sflag:$0x6], $0x80, s9, s12, $0xb8;
	[tilespmem:$0x1D080] =	vst v63  }
0x196: {  	_ =	swait.ge [sflag:s20], $0x2800  }
0x197: {  	s9 =	sld [smem:$0x7F5]  }
0x198: {  	[sflag:s20] =	ssyncset.done $0x0  }
0x199: {  	[sflag:s20] =	ssyncadd.s32 $0xFFFFD800  }
0x19a: {  	[tilespmem:s14], [sflag:$0x2] =	stream.indirect.gather [hbm4b:s4+s12], $0x80, s9, s12, $0xb8;
	[tilespmem:$0x1D080] =	vst v63  }
0x19b: {  	_ =	swait.ge [sflag:s15], $0x2800  }
0x19c: {  	s9 =	sld [smem:$0x7F6]  }
0x19d: {  	[sflag:s15] =	ssyncset.done $0x0  }
0x19e: {  	[sflag:s15] =	ssyncadd.s32 $0xFFFFD800  }
0x19f: {  	[spmem:s2] =	stream.indirect.scatter.add.f32 [tilespmem:s13], [sflag:$0x4], $0x80, s9, s12, $0xb8;
	[tilespmem:$0x1D080] =	vst v63  }
0x1a0: {  	_ =	swait.ge [sflag:s21], $0x2800  }
0x1a1: {  	s9 =	sld [smem:$0x7F7]  }
0x1a2: {  	[sflag:s21] =	ssyncset.done $0x0  }
0x1a3: {  	[sflag:s21] =	ssyncadd.s32 $0xFFFFD800  }
0x1a4: {  	[tilespmem:s16], [sflag:$0x3] =	stream.indirect.gather [hbm4b:s4+s12], $0x80, s9, s12, $0xb8;
	[tilespmem:$0x1D080] =	vst v63  }
0x1a5: {  	_ =	swait.ge [sflag:s17], $0x2800  }
0x1a6: {  	s9 =	sld [smem:$0x7F8]  }
0x1a7: {  	[sflag:s17] =	ssyncset.done $0x0  }
0x1a8: {  	[sflag:s17] =	ssyncadd.s32 $0xFFFFD800  }
0x1a9: {  	[spmem:s2] =	stream.indirect.scatter.add.f32 [tilespmem:s14], [sflag:$0x5], $0x80, s9, s12, $0xb8;
	[tilespmem:$0x1D080] =	vst v63  }
0x1aa: {  	_ =	swait.ge [sflag:s18], $0x2800  }
0x1ab: {  	s9 =	sld [smem:$0x7F9]  }
0x1ac: {  	[sflag:s18] =	ssyncset.done $0x0  }
0x1ad: {  	[sflag:s18] =	ssyncadd.s32 $0xFFFFD800  }
0x1ae: {  	[tilespmem:s13], [sflag:$0x1] =	stream.indirect.gather [hbm4b:s4+s12], $0x80, s9, s12, $0xb8;
	[tilespmem:$0x1D080] =	vst v63  }
0x1af: {  	_ =	swait.ge [sflag:s19], $0x2800  }
0x1b0: {  	s9 =	sld [smem:$0x7FA]  }
0x1b1: {  	[sflag:s19] =	ssyncset.done $0x0  }
0x1b2: {  	[sflag:s19] =	ssyncadd.s32 $0xFFFFD800  }
0x1b3: {  	[spmem:s2] =	stream.indirect.scatter.add.f32 [tilespmem:s16], [sflag:$0x6], $0x80, s9, s12, $0xb8;
	[tilespmem:$0x1D080] =	vst v63  }
0x1b4: {  	_ =	swait.ge [sflag:s20], $0x2800  }
0x1b5: {  	s9 =	sld [smem:$0x7FB]  }
0x1b6: {  	[sflag:s20] =	ssyncset.done $0x0  }
0x1b7: {  	[sflag:s20] =	ssyncadd.s32 $0xFFFFD800  }
0x1b8: {  	[tilespmem:s14], [sflag:$0x2] =	stream.indirect.gather [hbm4b:s4+s12], $0x80, s9, s12, $0xb8;
	[tilespmem:$0x1D080] =	vst v63  }
0x1b9: {  	_ =	swait.ge [sflag:s15], $0x2800  }
0x1ba: {  	[sflag:s15] =	ssyncset.done $0x0  }
0x1bb: {  	[sflag:s15] =	ssyncadd.s32 $0xFFFFD800  }
0x1bc: {  	[spmem:s2] =	stream.indirect.scatter.add.f32 [tilespmem:s13], [sflag:$0x4], $0x80, s22, s12, $0xb8;
	[tilespmem:$0x1D080] =	vst v63  }
0x1bd: {  	_ =	swait.ge [sflag:s21], $0x2800  }
0x1be: {  	[sflag:s21] =	ssyncset.done $0x0  }
0x1bf: {  	[sflag:s21] =	ssyncadd.s32 $0xFFFFD800  }
0x1c0: {  	[tilespmem:s16], [sflag:$0x3] =	stream.indirect.gather [hbm4b:s4+s12], $0x80, s23, s12, $0xb8;
	[tilespmem:$0x1D080] =	vst v63  }
0x1c1: {  	_ =	swait.ge [sflag:s17], $0x2800  }
0x1c2: {  	[sflag:s17] =	ssyncset.done $0x0  }
0x1c3: {  	[sflag:s17] =	ssyncadd.s32 $0xFFFFD800  }
0x1c4: {  	[spmem:s2] =	stream.indirect.scatter.add.f32 [tilespmem:s14], [sflag:$0x5], $0x80, s24, s12, $0xb8;
	[tilespmem:$0x1D080] =	vst v63  }
0x1c5: {  	_ =	swait.ge [sflag:s18], $0x2800  }
0x1c6: {  	[sflag:s18] =	ssyncset.done $0x0  }
0x1c7: {  	[sflag:s18] =	ssyncadd.s32 $0xFFFFD800  }
0x1c8: {  	[tilespmem:s13], [sflag:$0x1] =	stream.indirect.gather [hbm4b:s4+s12], $0x80, s25, s12, $0xb8;
	[tilespmem:$0x1D080] =	vst v63  }
0x1c9: {  	_ =	swait.ge [sflag:s19], $0x2800  }
0x1ca: {  	[sflag:s19] =	ssyncset.done $0x0  }
0x1cb: {  	[sflag:s19] =	ssyncadd.s32 $0xFFFFD800  }
0x1cc: {  	[spmem:s2] =	stream.indirect.scatter.add.f32 [tilespmem:s16], [sflag:$0x6], $0x80, s26, s12, $0xb8;
	[tilespmem:$0x1D080] =	vst v63  }
0x1cd: {  	_ =	swait.ge [sflag:s20], $0x2800  }
0x1ce: {  	[sflag:s20] =	ssyncset.done $0x0  }
0x1cf: {  	[sflag:s20] =	ssyncadd.s32 $0xFFFFD800  }
0x1d0: {  	[tilespmem:s14], [sflag:$0x2] =	stream.indirect.gather [hbm4b:s4+s12], $0x80, s28, s12, $0xb8;
	[tilespmem:$0x1D080] =	vst v63  }
0x1d1: {  	_ =	swait.ge [sflag:s15], $0x2800  }
0x1d2: {  	[sflag:s15] =	ssyncset.done $0x0  }
0x1d3: {  	[sflag:s15] =	ssyncadd.s32 $0xFFFFD800  }
0x1d4: {  	[spmem:s2] =	stream.indirect.scatter.add.f32 [tilespmem:s13], [sflag:$0x4], $0x80, s29, s12, $0xb8;
	[tilespmem:$0x1D080] =	vst v63  }
0x1d5: {  	_ =	swait.ge [sflag:s21], $0x2800  }
0x1d6: {  	[sflag:s21] =	ssyncset.done $0x0  }
0x1d7: {  	[sflag:s21] =	ssyncadd.s32 $0xFFFFD800  }
0x1d8: {  	[tilespmem:s16], [sflag:$0x3] =	stream.indirect.gather [hbm4b:s4+s12], $0x80, s30, s12, $0xb8;
	[tilespmem:$0x1D080] =	vst v63  }
0x1d9: {  	_ =	swait.ge [sflag:s17], $0x2800  }
0x1da: {  	[sflag:s17] =	ssyncset.done $0x0  }
0x1db: {  	[sflag:s17] =	ssyncadd.s32 $0xFFFFD800  }
0x1dc: {  	[spmem:s2] =	stream.indirect.scatter.add.f32 [tilespmem:s14], [sflag:$0x5], $0x80, s31, s12, $0xb8;
	[tilespmem:$0x1D080] =	vst v63  }
0x1dd: {  	_ =	swait.ge [sflag:s18], $0x2800  }
0x1de: {  	[sflag:s18] =	ssyncset.done $0x0  }
0x1df: {  	[sflag:s18] =	ssyncadd.s32 $0xFFFFD800  }
0x1e0: {  	[tilespmem:s13], [sflag:$0x1] =	stream.indirect.gather [hbm4b:s4+s12], $0x80, s1, s12, $0xb8;
	[tilespmem:$0x1D080] =	vst v63  }
0x1e1: {  	_ =	swait.ge [sflag:s19], $0x2800  }
0x1e2: {  	[sflag:s19] =	ssyncset.done $0x0  }
0x1e3: {  	[sflag:s19] =	ssyncadd.s32 $0xFFFFD800  }
0x1e4: {  	[spmem:s2] =	stream.indirect.scatter.add.f32 [tilespmem:s16], [sflag:$0x6], $0x80, s0, s12, $0xb8;
	[tilespmem:$0x1D080] =	vst v63  }
0x1e5: {  	_ =	swait.ge [sflag:s20], $0x2800  }
0x1e6: {  	[sflag:s20] =	ssyncset.done $0x0  }
0x1e7: {  	[sflag:s20] =	ssyncadd.s32 $0xFFFFD800  }
0x1e8: {  	_ =	swait.ge [sflag:s15], $0x2800  }
0x1e9: {  	[sflag:s15] =	ssyncset.done $0x0  }
0x1ea: {  	p0 =	sne.s32 s6, $0x800;
	[sflag:s15] =	ssyncadd.s32 $0xFFFFD800  }
0x1eb: {  	[spmem:s2] =	stream.indirect.scatter.add.f32 [tilespmem:s13], [sflag:$0x4], $0x80, s5, s12, $0xb8;
	[tilespmem:$0x1D080] =	vst v63  }
.Ltmp0:
0x1ec: {  	_ =	swait.ge [sflag:s21], $0x2800;
	(pc) =	sbr.rel @p0 .LBB2_2-.Ltmp0, $4  }
0x1ed: {  	[sflag:s21] =	ssyncset.done $0x0  }
0x1ee: {  	[sflag:s21] =	ssyncadd.s32 $0xFFFFD800  }
0x1ef: {  	s7 =	smov.u32 s6;
	s6 =	sadd.s32 $0x200, s6;
	_ =	swait.ge [sflag:s18], $0x2800  }
0x1f0: {  	s8 =	smov.u32 s7;
	s9 =	rddreg [dreg:$0x5];
	[sflag:s18] =	ssyncset.done $0x0  }
0x1f1: {  	[sflag:s18] =	ssyncadd.s32 $0xFFFFD800;
	s6 =	sadd.s32 s8, s9  }
0x1f2: {  	[tilespmem:s3], [sflag:$0x7] =	stream.linear.gather [hbm4b:s6+s3], $0xC80, $0x38;
	[tilespmem:$0x1D080] =	vst v63  }
0x1f3: {  	_ =	swait.ge [sflag:s10], $0xC80  }
0x1f4: {  	s7 =	rddreg [dreg:$0x4];
	[sflag:s10] =	ssyncset.done $0x0  }
0x1f5: {  	s6 =	sadd.s32 s8, s7;
	[sflag:s10] =	ssyncadd.s32 $0xFFFFF380  }
0x1f6: {  	[tilespmem:s11], [sflag:$0x7] =	stream.linear.gather [hbm4b:s6+s3], $0xC80, $0x38;
	[tilespmem:$0x1D080] =	vst v63  }
0x1f7: {  	_ =	swait.ge [sflag:s10], $0xC80  }
0x1f8: {  	[sflag:s10] =	ssyncset.done $0x0  }
0x1f9: {  	[sflag:s10] =	ssyncadd.s32 $0xFFFFF380  }
0x1fa: {  	[tilespmem:s13], [sflag:$0x1] =	stream.indirect.gather [hbm4b:s4+s12], $0x80, s3, s12, $0xb8;
	[tilespmem:$0x1D080] =	vst v63  }
0x1fb: {  	s9 =	rddreg [dreg:$0x6]  }
0x1fc: {  	[tilespmem:s14], [sflag:$0x2] =	stream.indirect.gather [hbm4b:s4+s12], $0x80, s9, s12, $0xb8;
	[tilespmem:$0x1D080] =	vst v63  }
0x1fd: {  	_ =	swait.ge [sflag:s15], $0x2800  }
0x1fe: {  	[sflag:s15] =	ssyncset.done $0x0  }
0x1ff: {  	[sflag:s15] =	ssyncadd.s32 $0xFFFFD800  }
0x200: {  	[spmem:s2] =	stream.indirect.scatter.add.f32 [tilespmem:s13], [sflag:$0x4], $0x80, s11, s12, $0xb8;
	[tilespmem:$0x1D080] =	vst v63  }
0x201: {  	s7 =	rddreg [dreg:$0x7]  }
0x202: {  	[tilespmem:s16], [sflag:$0x3] =	stream.indirect.gather [hbm4b:s4+s12], $0x80, s7, s12, $0xb8;
	[tilespmem:$0x1D080] =	vst v63  }
0x203: {  	_ =	swait.ge [sflag:s17], $0x2800  }
0x204: {  	[sflag:s17] =	ssyncset.done $0x0  }
0x205: {  	s8 =	rddreg [dreg:$0x8];
	[sflag:s17] =	ssyncadd.s32 $0xFFFFD800  }
0x206: {  	[spmem:s2] =	stream.indirect.scatter.add.f32 [tilespmem:s14], [sflag:$0x5], $0x80, s8, s12, $0xb8;
	[tilespmem:$0x1D080] =	vst v63  }
0x207: {  	_ =	swait.ge [sflag:s18], $0x2800  }
0x208: {  	[sflag:s18] =	ssyncset.done $0x0  }
0x209: {  	s9 =	rddreg [dreg:$0x9];
	[sflag:s18] =	ssyncadd.s32 $0xFFFFD800  }
0x20a: {  	[tilespmem:s13], [sflag:$0x1] =	stream.indirect.gather [hbm4b:s4+s12], $0x80, s9, s12, $0xb8;
	[tilespmem:$0x1D080] =	vst v63  }
0x20b: {  	_ =	swait.ge [sflag:s19], $0x2800  }
0x20c: {  	[sflag:s19] =	ssyncset.done $0x0  }
0x20d: {  	s7 =	rddreg [dreg:$0xa];
	[sflag:s19] =	ssyncadd.s32 $0xFFFFD800  }
0x20e: {  	[spmem:s2] =	stream.indirect.scatter.add.f32 [tilespmem:s16], [sflag:$0x6], $0x80, s7, s12, $0xb8;
	[tilespmem:$0x1D080] =	vst v63  }
0x20f: {  	_ =	swait.ge [sflag:s20], $0x2800  }
0x210: {  	[sflag:s20] =	ssyncset.done $0x0  }
0x211: {  	s8 =	rddreg [dreg:$0xb];
	[sflag:s20] =	ssyncadd.s32 $0xFFFFD800  }
0x212: {  	[tilespmem:s14], [sflag:$0x2] =	stream.indirect.gather [hbm4b:s4+s12], $0x80, s8, s12, $0xb8;
	[tilespmem:$0x1D080] =	vst v63  }
0x213: {  	_ =	swait.ge [sflag:s15], $0x2800  }
0x214: {  	[sflag:s15] =	ssyncset.done $0x0  }
0x215: {  	s9 =	rddreg [dreg:$0xc];
	[sflag:s15] =	ssyncadd.s32 $0xFFFFD800  }
0x216: {  	[spmem:s2] =	stream.indirect.scatter.add.f32 [tilespmem:s13], [sflag:$0x4], $0x80, s9, s12, $0xb8;
	[tilespmem:$0x1D080] =	vst v63  }
0x217: {  	_ =	swait.ge [sflag:s21], $0x2800  }
0x218: {  	[sflag:s21] =	ssyncset.done $0x0  }
0x219: {  	s7 =	rddreg [dreg:$0xd];
	[sflag:s21] =	ssyncadd.s32 $0xFFFFD800  }
0x21a: {  	[tilespmem:s16], [sflag:$0x3] =	stream.indirect.gather [hbm4b:s4+s12], $0x80, s7, s12, $0xb8;
	[tilespmem:$0x1D080] =	vst v63  }
0x21b: {  	_ =	swait.ge [sflag:s17], $0x2800  }
0x21c: {  	[sflag:s17] =	ssyncset.done $0x0  }
0x21d: {  	s8 =	rddreg [dreg:$0xe];
	[sflag:s17] =	ssyncadd.s32 $0xFFFFD800  }
0x21e: {  	[spmem:s2] =	stream.indirect.scatter.add.f32 [tilespmem:s14], [sflag:$0x5], $0x80, s8, s12, $0xb8;
	[tilespmem:$0x1D080] =	vst v63  }
0x21f: {  	_ =	swait.ge [sflag:s18], $0x2800  }
0x220: {  	[sflag:s18] =	ssyncset.done $0x0  }
0x221: {  	s9 =	rddreg [dreg:$0xf];
	[sflag:s18] =	ssyncadd.s32 $0xFFFFD800  }
0x222: {  	[tilespmem:s13], [sflag:$0x1] =	stream.indirect.gather [hbm4b:s4+s12], $0x80, s9, s12, $0xb8;
	[tilespmem:$0x1D080] =	vst v63  }
0x223: {  	_ =	swait.ge [sflag:s19], $0x2800  }
0x224: {  	[sflag:s19] =	ssyncset.done $0x0  }
0x225: {  	s7 =	rddreg [dreg:$0x10];
	[sflag:s19] =	ssyncadd.s32 $0xFFFFD800  }
0x226: {  	[spmem:s2] =	stream.indirect.scatter.add.f32 [tilespmem:s16], [sflag:$0x6], $0x80, s7, s12, $0xb8;
	[tilespmem:$0x1D080] =	vst v63  }
0x227: {  	_ =	swait.ge [sflag:s20], $0x2800  }
0x228: {  	[sflag:s20] =	ssyncset.done $0x0  }
0x229: {  	s8 =	rddreg [dreg:$0x11];
	[sflag:s20] =	ssyncadd.s32 $0xFFFFD800  }
0x22a: {  	[tilespmem:s14], [sflag:$0x2] =	stream.indirect.gather [hbm4b:s4+s12], $0x80, s8, s12, $0xb8;
	[tilespmem:$0x1D080] =	vst v63  }
0x22b: {  	_ =	swait.ge [sflag:s15], $0x2800  }
0x22c: {  	[sflag:s15] =	ssyncset.done $0x0  }
0x22d: {  	s9 =	rddreg [dreg:$0x12];
	[sflag:s15] =	ssyncadd.s32 $0xFFFFD800  }
0x22e: {  	[spmem:s2] =	stream.indirect.scatter.add.f32 [tilespmem:s13], [sflag:$0x4], $0x80, s9, s12, $0xb8;
	[tilespmem:$0x1D080] =	vst v63  }
0x22f: {  	_ =	swait.ge [sflag:s21], $0x2800  }
0x230: {  	[sflag:s21] =	ssyncset.done $0x0  }
0x231: {  	s7 =	rddreg [dreg:$0x13];
	[sflag:s21] =	ssyncadd.s32 $0xFFFFD800  }
0x232: {  	[tilespmem:s16], [sflag:$0x3] =	stream.indirect.gather [hbm4b:s4+s12], $0x80, s7, s12, $0xb8;
	[tilespmem:$0x1D080] =	vst v63  }
0x233: {  	_ =	swait.ge [sflag:s17], $0x2800  }
0x234: {  	[sflag:s17] =	ssyncset.done $0x0  }
0x235: {  	s8 =	rddreg [dreg:$0x14];
	[sflag:s17] =	ssyncadd.s32 $0xFFFFD800  }
0x236: {  	[spmem:s2] =	stream.indirect.scatter.add.f32 [tilespmem:s14], [sflag:$0x5], $0x80, s8, s12, $0xb8;
	[tilespmem:$0x1D080] =	vst v63  }
0x237: {  	_ =	swait.ge [sflag:s18], $0x2800  }
0x238: {  	[sflag:s18] =	ssyncset.done $0x0  }
0x239: {  	s9 =	rddreg [dreg:$0x15];
	[sflag:s18] =	ssyncadd.s32 $0xFFFFD800  }
0x23a: {  	[tilespmem:s13], [sflag:$0x1] =	stream.indirect.gather [hbm4b:s4+s12], $0x80, s9, s12, $0xb8;
	[tilespmem:$0x1D080] =	vst v63  }
0x23b: {  	_ =	swait.ge [sflag:s19], $0x2800  }
0x23c: {  	[sflag:s19] =	ssyncset.done $0x0  }
0x23d: {  	s7 =	rddreg [dreg:$0x16];
	[sflag:s19] =	ssyncadd.s32 $0xFFFFD800  }
0x23e: {  	[spmem:s2] =	stream.indirect.scatter.add.f32 [tilespmem:s16], [sflag:$0x6], $0x80, s7, s12, $0xb8;
	[tilespmem:$0x1D080] =	vst v63  }
0x23f: {  	_ =	swait.ge [sflag:s20], $0x2800  }
0x240: {  	[sflag:s20] =	ssyncset.done $0x0  }
0x241: {  	s8 =	rddreg [dreg:$0x17];
	[sflag:s20] =	ssyncadd.s32 $0xFFFFD800  }
0x242: {  	[tilespmem:s14], [sflag:$0x2] =	stream.indirect.gather [hbm4b:s4+s12], $0x80, s8, s12, $0xb8;
	[tilespmem:$0x1D080] =	vst v63  }
0x243: {  	_ =	swait.ge [sflag:s15], $0x2800  }
0x244: {  	[sflag:s15] =	ssyncset.done $0x0  }
0x245: {  	s9 =	rddreg [dreg:$0x18];
	[sflag:s15] =	ssyncadd.s32 $0xFFFFD800  }
0x246: {  	[spmem:s2] =	stream.indirect.scatter.add.f32 [tilespmem:s13], [sflag:$0x4], $0x80, s9, s12, $0xb8;
	[tilespmem:$0x1D080] =	vst v63  }
0x247: {  	_ =	swait.ge [sflag:s21], $0x2800  }
0x248: {  	[sflag:s21] =	ssyncset.done $0x0  }
0x249: {  	s7 =	rddreg [dreg:$0x19];
	[sflag:s21] =	ssyncadd.s32 $0xFFFFD800  }
0x24a: {  	[tilespmem:s16], [sflag:$0x3] =	stream.indirect.gather [hbm4b:s4+s12], $0x80, s7, s12, $0xb8;
	[tilespmem:$0x1D080] =	vst v63  }
0x24b: {  	_ =	swait.ge [sflag:s17], $0x2800  }
0x24c: {  	[sflag:s17] =	ssyncset.done $0x0  }
0x24d: {  	s8 =	rddreg [dreg:$0x1a];
	[sflag:s17] =	ssyncadd.s32 $0xFFFFD800  }
0x24e: {  	[spmem:s2] =	stream.indirect.scatter.add.f32 [tilespmem:s14], [sflag:$0x5], $0x80, s8, s12, $0xb8;
	[tilespmem:$0x1D080] =	vst v63  }
0x24f: {  	_ =	swait.ge [sflag:s18], $0x2800  }
0x250: {  	[sflag:s18] =	ssyncset.done $0x0  }
0x251: {  	s9 =	rddreg [dreg:$0x1b];
	[sflag:s18] =	ssyncadd.s32 $0xFFFFD800  }
0x252: {  	[tilespmem:s13], [sflag:$0x1] =	stream.indirect.gather [hbm4b:s4+s12], $0x80, s9, s12, $0xb8;
	[tilespmem:$0x1D080] =	vst v63  }
0x253: {  	_ =	swait.ge [sflag:s19], $0x2800  }
0x254: {  	[sflag:s19] =	ssyncset.done $0x0  }
0x255: {  	s7 =	rddreg [dreg:$0x1c];
	[sflag:s19] =	ssyncadd.s32 $0xFFFFD800  }
0x256: {  	[spmem:s2] =	stream.indirect.scatter.add.f32 [tilespmem:s16], [sflag:$0x6], $0x80, s7, s12, $0xb8;
	[tilespmem:$0x1D080] =	vst v63  }
0x257: {  	_ =	swait.ge [sflag:s20], $0x2800  }
0x258: {  	[sflag:s20] =	ssyncset.done $0x0  }
0x259: {  	s8 =	rddreg [dreg:$0x1d];
	[sflag:s20] =	ssyncadd.s32 $0xFFFFD800  }
0x25a: {  	[tilespmem:s14], [sflag:$0x2] =	stream.indirect.gather [hbm4b:s4+s12], $0x80, s8, s12, $0xb8;
	[tilespmem:$0x1D080] =	vst v63  }
0x25b: {  	_ =	swait.ge [sflag:s15], $0x2800  }
0x25c: {  	[sflag:s15] =	ssyncset.done $0x0  }
0x25d: {  	s9 =	rddreg [dreg:$0x1e];
	[sflag:s15] =	ssyncadd.s32 $0xFFFFD800  }
0x25e: {  	[spmem:s2] =	stream.indirect.scatter.add.f32 [tilespmem:s13], [sflag:$0x4], $0x80, s9, s12, $0xb8;
	[tilespmem:$0x1D080] =	vst v63  }
0x25f: {  	_ =	swait.ge [sflag:s21], $0x2800  }
0x260: {  	[sflag:s21] =	ssyncset.done $0x0  }
0x261: {  	s7 =	rddreg [dreg:$0x1f];
	[sflag:s21] =	ssyncadd.s32 $0xFFFFD800  }
0x262: {  	[tilespmem:s16], [sflag:$0x3] =	stream.indirect.gather [hbm4b:s4+s12], $0x80, s7, s12, $0xb8;
	[tilespmem:$0x1D080] =	vst v63  }
0x263: {  	_ =	swait.ge [sflag:s17], $0x2800  }
0x264: {  	s8 =	sld [smem:$0x7F2]  }
0x265: {  	[sflag:s17] =	ssyncset.done $0x0  }
0x266: {  	[sflag:s17] =	ssyncadd.s32 $0xFFFFD800  }
0x267: {  	[spmem:s2] =	stream.indirect.scatter.add.f32 [tilespmem:s14], [sflag:$0x5], $0x80, s8, s12, $0xb8;
	[tilespmem:$0x1D080] =	vst v63  }
0x268: {  	_ =	swait.ge [sflag:s18], $0x2800  }
0x269: {  	s9 =	sld [smem:$0x7F3]  }
0x26a: {  	[sflag:s18] =	ssyncset.done $0x0  }
0x26b: {  	[sflag:s18] =	ssyncadd.s32 $0xFFFFD800  }
0x26c: {  	[tilespmem:s13], [sflag:$0x1] =	stream.indirect.gather [hbm4b:s4+s12], $0x80, s9, s12, $0xb8;
	[tilespmem:$0x1D080] =	vst v63  }
0x26d: {  	_ =	swait.ge [sflag:s19], $0x2800  }
0x26e: {  	s7 =	sld [smem:$0x7F4]  }
0x26f: {  	[sflag:s19] =	ssyncset.done $0x0  }
0x270: {  	[sflag:s19] =	ssyncadd.s32 $0xFFFFD800  }
0x271: {  	[spmem:s2] =	stream.indirect.scatter.add.f32 [tilespmem:s16], [sflag:$0x6], $0x80, s7, s12, $0xb8;
	[tilespmem:$0x1D080] =	vst v63  }
0x272: {  	_ =	swait.ge [sflag:s20], $0x2800  }
0x273: {  	s8 =	sld [smem:$0x7F5]  }
0x274: {  	[sflag:s20] =	ssyncset.done $0x0  }
0x275: {  	[sflag:s20] =	ssyncadd.s32 $0xFFFFD800  }
0x276: {  	[tilespmem:s14], [sflag:$0x2] =	stream.indirect.gather [hbm4b:s4+s12], $0x80, s8, s12, $0xb8;
	[tilespmem:$0x1D080] =	vst v63  }
0x277: {  	_ =	swait.ge [sflag:s15], $0x2800  }
0x278: {  	s9 =	sld [smem:$0x7F6]  }
0x279: {  	[sflag:s15] =	ssyncset.done $0x0  }
0x27a: {  	[sflag:s15] =	ssyncadd.s32 $0xFFFFD800  }
0x27b: {  	[spmem:s2] =	stream.indirect.scatter.add.f32 [tilespmem:s13], [sflag:$0x4], $0x80, s9, s12, $0xb8;
	[tilespmem:$0x1D080] =	vst v63  }
0x27c: {  	_ =	swait.ge [sflag:s21], $0x2800  }
0x27d: {  	s7 =	sld [smem:$0x7F7]  }
0x27e: {  	[sflag:s21] =	ssyncset.done $0x0  }
0x27f: {  	[sflag:s21] =	ssyncadd.s32 $0xFFFFD800  }
0x280: {  	[tilespmem:s16], [sflag:$0x3] =	stream.indirect.gather [hbm4b:s4+s12], $0x80, s7, s12, $0xb8;
	[tilespmem:$0x1D080] =	vst v63  }
0x281: {  	_ =	swait.ge [sflag:s17], $0x2800  }
0x282: {  	s8 =	sld [smem:$0x7F8]  }
0x283: {  	[sflag:s17] =	ssyncset.done $0x0  }
0x284: {  	[sflag:s17] =	ssyncadd.s32 $0xFFFFD800  }
0x285: {  	[spmem:s2] =	stream.indirect.scatter.add.f32 [tilespmem:s14], [sflag:$0x5], $0x80, s8, s12, $0xb8;
	[tilespmem:$0x1D080] =	vst v63  }
0x286: {  	_ =	swait.ge [sflag:s18], $0x2800  }
0x287: {  	s9 =	sld [smem:$0x7F9]  }
0x288: {  	[sflag:s18] =	ssyncset.done $0x0  }
0x289: {  	[sflag:s18] =	ssyncadd.s32 $0xFFFFD800  }
0x28a: {  	[tilespmem:s13], [sflag:$0x1] =	stream.indirect.gather [hbm4b:s4+s12], $0x80, s9, s12, $0xb8;
	[tilespmem:$0x1D080] =	vst v63  }
0x28b: {  	_ =	swait.ge [sflag:s19], $0x2800  }
0x28c: {  	s7 =	sld [smem:$0x7FA]  }
0x28d: {  	[sflag:s19] =	ssyncset.done $0x0  }
0x28e: {  	[sflag:s19] =	ssyncadd.s32 $0xFFFFD800  }
0x28f: {  	[spmem:s2] =	stream.indirect.scatter.add.f32 [tilespmem:s16], [sflag:$0x6], $0x80, s7, s12, $0xb8;
	[tilespmem:$0x1D080] =	vst v63  }
0x290: {  	_ =	swait.ge [sflag:s20], $0x2800  }
0x291: {  	s8 =	sld [smem:$0x7FB]  }
0x292: {  	[sflag:s20] =	ssyncset.done $0x0  }
0x293: {  	[sflag:s20] =	ssyncadd.s32 $0xFFFFD800  }
0x294: {  	[tilespmem:s14], [sflag:$0x2] =	stream.indirect.gather [hbm4b:s4+s12], $0x80, s8, s12, $0xb8;
	[tilespmem:$0x1D080] =	vst v63  }
0x295: {  	_ =	swait.ge [sflag:s15], $0x2800  }
0x296: {  	[sflag:s15] =	ssyncset.done $0x0  }
0x297: {  	[sflag:s15] =	ssyncadd.s32 $0xFFFFD800  }
0x298: {  	[spmem:s2] =	stream.indirect.scatter.add.f32 [tilespmem:s13], [sflag:$0x4], $0x80, s22, s12, $0xb8;
	[tilespmem:$0x1D080] =	vst v63  }
0x299: {  	_ =	swait.ge [sflag:s21], $0x2800  }
0x29a: {  	[sflag:s21] =	ssyncset.done $0x0  }
0x29b: {  	[sflag:s21] =	ssyncadd.s32 $0xFFFFD800  }
0x29c: {  	[tilespmem:s16], [sflag:$0x3] =	stream.indirect.gather [hbm4b:s4+s12], $0x80, s23, s12, $0xb8;
	[tilespmem:$0x1D080] =	vst v63  }
0x29d: {  	_ =	swait.ge [sflag:s17], $0x2800  }
0x29e: {  	[sflag:s17] =	ssyncset.done $0x0  }
0x29f: {  	[sflag:s17] =	ssyncadd.s32 $0xFFFFD800  }
0x2a0: {  	[spmem:s2] =	stream.indirect.scatter.add.f32 [tilespmem:s14], [sflag:$0x5], $0x80, s24, s12, $0xb8;
	[tilespmem:$0x1D080] =	vst v63  }
0x2a1: {  	_ =	swait.ge [sflag:s18], $0x2800  }
0x2a2: {  	[sflag:s18] =	ssyncset.done $0x0  }
0x2a3: {  	[sflag:s18] =	ssyncadd.s32 $0xFFFFD800  }
0x2a4: {  	[tilespmem:s13], [sflag:$0x1] =	stream.indirect.gather [hbm4b:s4+s12], $0x80, s25, s12, $0xb8;
	[tilespmem:$0x1D080] =	vst v63  }
0x2a5: {  	_ =	swait.ge [sflag:s19], $0x2800  }
0x2a6: {  	[sflag:s19] =	ssyncset.done $0x0  }
0x2a7: {  	[sflag:s19] =	ssyncadd.s32 $0xFFFFD800  }
0x2a8: {  	[spmem:s2] =	stream.indirect.scatter.add.f32 [tilespmem:s16], [sflag:$0x6], $0x80, s26, s12, $0xb8;
	[tilespmem:$0x1D080] =	vst v63  }
0x2a9: {  	_ =	swait.ge [sflag:s20], $0x2800  }
0x2aa: {  	[sflag:s20] =	ssyncset.done $0x0  }
0x2ab: {  	[sflag:s20] =	ssyncadd.s32 $0xFFFFD800  }
0x2ac: {  	[tilespmem:s14], [sflag:$0x2] =	stream.indirect.gather [hbm4b:s4+s12], $0x80, s28, s12, $0xb8;
	[tilespmem:$0x1D080] =	vst v63  }
0x2ad: {  	_ =	swait.ge [sflag:s15], $0x2800  }
0x2ae: {  	[sflag:s15] =	ssyncset.done $0x0  }
0x2af: {  	[sflag:s15] =	ssyncadd.s32 $0xFFFFD800  }
0x2b0: {  	[spmem:s2] =	stream.indirect.scatter.add.f32 [tilespmem:s13], [sflag:$0x4], $0x80, s29, s12, $0xb8;
	[tilespmem:$0x1D080] =	vst v63  }
0x2b1: {  	_ =	swait.ge [sflag:s21], $0x2800  }
0x2b2: {  	[sflag:s21] =	ssyncset.done $0x0  }
0x2b3: {  	[sflag:s21] =	ssyncadd.s32 $0xFFFFD800  }
0x2b4: {  	[tilespmem:s16], [sflag:$0x3] =	stream.indirect.gather [hbm4b:s4+s12], $0x80, s30, s12, $0xb8;
	[tilespmem:$0x1D080] =	vst v63  }
0x2b5: {  	_ =	swait.ge [sflag:s17], $0x2800  }
0x2b6: {  	[sflag:s17] =	ssyncset.done $0x0  }
0x2b7: {  	[sflag:s17] =	ssyncadd.s32 $0xFFFFD800  }
0x2b8: {  	[spmem:s2] =	stream.indirect.scatter.add.f32 [tilespmem:s14], [sflag:$0x5], $0x80, s31, s12, $0xb8;
	[tilespmem:$0x1D080] =	vst v63  }
0x2b9: {  	_ =	swait.ge [sflag:s18], $0x2800  }
0x2ba: {  	[sflag:s18] =	ssyncset.done $0x0  }
0x2bb: {  	[sflag:s18] =	ssyncadd.s32 $0xFFFFD800  }
0x2bc: {  	[tilespmem:s13], [sflag:$0x1] =	stream.indirect.gather [hbm4b:s4+s12], $0x80, s1, s12, $0xb8;
	[tilespmem:$0x1D080] =	vst v63  }
0x2bd: {  	_ =	swait.ge [sflag:s19], $0x2800  }
0x2be: {  	[sflag:s19] =	ssyncset.done $0x0  }
0x2bf: {  	[sflag:s19] =	ssyncadd.s32 $0xFFFFD800  }
0x2c0: {  	[spmem:s2] =	stream.indirect.scatter.add.f32 [tilespmem:s16], [sflag:$0x6], $0x80, s0, s12, $0xb8;
	[tilespmem:$0x1D080] =	vst v63  }
0x2c1: {  	_ =	swait.ge [sflag:s20], $0x2800  }
0x2c2: {  	[sflag:s20] =	ssyncset.done $0x0  }
0x2c3: {  	[sflag:s20] =	ssyncadd.s32 $0xFFFFD800  }
0x2c4: {  	_ =	swait.ge [sflag:s15], $0x2800  }
0x2c5: {  	[sflag:s15] =	ssyncset.done $0x0  }
0x2c6: {  	[sflag:s15] =	ssyncadd.s32 $0xFFFFD800  }
0x2c7: {  	[spmem:s2] =	stream.indirect.scatter.add.f32 [tilespmem:s13], [sflag:$0x4], $0x80, s5, s12, $0xb8;
	[tilespmem:$0x1D080] =	vst v63  }
0x2c8: {  	_ =	swait.ge [sflag:s21], $0x2800  }
0x2c9: {  	[sflag:s21] =	ssyncset.done $0x0  }
0x2ca: {  	[sflag:s21] =	ssyncadd.s32 $0xFFFFD800  }
0x2cb: {  	_ =	swait.ge [sflag:s18], $0x2800  }
0x2cc: {  	[sflag:s18] =	ssyncset.done $0x0  }
0x2cd: {  	[sflag:s18] =	ssyncadd.s32 $0xFFFFD800  }
0x2ce: {  	[bflag:$0x0] =	sbarrier.arrive $0xFFFF  }
0x2cf: {  	s7 =	sld [smem:$0x7FC]  }
0x2d0: {  	s9 =	sld [smem:$0x7F0]  }
0x2d1: {  	s8 =	sld [smem:$0x7FD];
	_ =	sdelay $0x2  }
0x2d2: {  	[hbm:s9], [sflag:s7] =	dma.local [spmem:s8], $0x2800  }
0x2d3: {  	_ =	swait.ge [sflag:s10], $0x2800  }
0x2d4: {  	s6 =	sld [smem:$0x7EE];
	_ =	sdelay $0x2  }
0x2d5: {  	s9 =	sadd.s32 $0x1, s6;
	s6 =	sld [smem:$0x7F1];
	_ =	sdelay $0x2  }
0x2d6: {  	p0 =	sne.s32 s9, s6  }
.Ltmp1:
0x2d7: {  	_ = 	snop;
	(pc) =	sbr.rel @p0 .LBB2_1-.Ltmp1, $3  }
0x2d8: {  	_ =	sdelay $0x1  }
0x2d9: {  	[sflag:s10] =	ssyncset.done $0x0  }
0x2da: {  	[sflag:s10] =	ssyncadd.s32 $0xFFFFD800  }
0x2db: {  	_ =	sfence.sel $0x180000  }
0x2dc: {  	[bflag:$0x0] =	sbarrier.arrive $0xFFFF  }
0x2dd: {  	_ =	strace $0x90000047  }
0x2de: {  	s0 =	stileid.u32;
	[bflag:$0x2] =	sbarrier.arrive $0xFFFF  }
0x2df: {  	p0 =	sne.s32 s0, $0x0;
	s0 =	rddreg [dreg:$0x3]  }
0x2e0: {  	s0 =	sadd.s32 @!p0 $0x100000, s0  }
0x2e1: {  	[sflag:s0] =	ssyncadd.tile.s32 @!p0 $0x1;
	_ =	shalt  }
.Lfunc_end2:
_tile_overlayer_lowered:
.L_overlay_start_2:
0x2e2: {  	(tag) =	ssettag $0x2  }
0x2e3: {  	s0 =	rddreg [dreg:$0x0];
	s2 =	stileid.u32  }
0x2e4: {  	s1 =	rddreg [dreg:$0x1];
	p0 =	sne.s32 s2, $0x0  }
0x2e5: {  	s3 =	rddreg [dreg:$0x2];
	[bflag:$0x3] =	sbarrier.arrive $0xFFFF;
	s2 =	simm.s32 @!p0 $0x1C07  }
0x2e6: {  	[timem:s3], [sflag:s2] =	dma.local @!p0 [hbm:s0], s1  }
0x2e7: {  	s0 =	simm.s32 @!p0 $0x7  }
0x2e8: {  	_ =	swait.ge @!p0 [sflag:s0], s1  }
0x2e9: {  	s1 =	ssub.s32 @!p0 $0x0, s1;
	[sflag:s0] =	ssyncset.done @!p0 $0x0  }
0x2ea: {  	[sflag:s0] =	ssyncadd.s32 @!p0 s1  }
0x2eb: {  	[bflag:$0x3] =	sbarrier.arrive $0xFFFF  }
0x2ec: {  	_ =	shalt  }

</sc_bundles>
